<compile_context>
chip_gen: v7x
topology: tpu7x:2x2x1
jax: 0.10.2.dev20260603
libtpu: 0.0.44.dev20260713+nightly
codegen_flags: <defaults>
</compile_context>

<pallas_src>
import functools
import jax
import jax.numpy as jnp
from jax import lax
from jax.experimental import pallas as pl
from jax.experimental.pallas import tpu as pltpu
from jax.experimental.pallas import tpu_sc as plsc

N = 10000
HID = 64
NUM_GRAPHS = 64
E = 320000

NC = 2
NS = 16
NW = NC * NS
G = 128
NG = 79
EPW = NG * G
EPAD = NW * EPW
NPAD = 10240
ROWS_PER_TILE = NPAD // NS


def _ka_body(x_ref, as_ref, ad_ref, w_ref, h_ref, asrc_ref, adst_ref,
             num0_ref, den0_ref):
    h = jnp.dot(x_ref[...], w_ref[...], preferred_element_type=jnp.float32)
    h_ref[...] = h
    asrc = jnp.sum(h * as_ref[...], axis=1, keepdims=True)
    adst = jnp.sum(h * ad_ref[...], axis=1, keepdims=True)
    asrc_ref[...] = asrc
    adst_ref[...] = adst
    e = asrc + adst
    e = jnp.where(e >= 0, e, 0.2 * e)
    exs = jnp.exp(e)
    num0_ref[...] = h * exs
    den0_ref[...] = exs


def _layer_prologue(x, W, a_s, a_d):
    return pl.pallas_call(
        _ka_body,
        out_shape=(
            jax.ShapeDtypeStruct((N, HID), jnp.float32),
            jax.ShapeDtypeStruct((N, 1), jnp.float32),
            jax.ShapeDtypeStruct((N, 1), jnp.float32),
            jax.ShapeDtypeStruct((N, HID), jnp.float32),
            jax.ShapeDtypeStruct((N, 1), jnp.float32),
        ),
    )(x, a_s.reshape(1, HID), a_d.reshape(1, HID), W)


def _sc_edge_body(h_hbm, asrc_hbm, adst_hbm, src_hbm, dst_hbm, znum_hbm,
                  zden_hbm, num_out, den_out,
                  src_v, dst_v, ex_v, asrc_v, adst_v, rows_v, num_sh, den_sh,
                  sem, sem_sn, sem_sd):
    c = lax.axis_index("c")
    s = lax.axis_index("s")
    wid = s * NC + c

    pltpu.sync_copy(asrc_hbm, asrc_v)
    pltpu.sync_copy(adst_hbm, adst_v)
    pltpu.sync_copy(src_hbm.at[wid], src_v)
    pltpu.sync_copy(dst_hbm.at[wid], dst_v)

    row0 = s * ROWS_PER_TILE
    pltpu.sync_copy(znum_hbm.at[pl.ds(row0, ROWS_PER_TILE)],
                    num_sh.at[pl.ds(row0, ROWS_PER_TILE)])
    pltpu.sync_copy(zden_hbm.at[pl.ds(row0, ROWS_PER_TILE)],
                    den_sh.at[pl.ds(row0, ROWS_PER_TILE)])
    plsc.subcore_barrier()

    def vec_body(k, carry):
        g, b = carry
        base = k * 16
        sidx = src_v[g, pl.ds(base, 16)]
        didx = dst_v[g, pl.ds(base, 16)]
        a = plsc.load_gather(asrc_v, [sidx])
        bb = plsc.load_gather(adst_v, [didx])
        e = a + bb
        e = jnp.where(e >= 0.0, e, 0.2 * e)
        ex16 = jnp.exp(e)
        ex_v[g, pl.ds(base, 16)] = ex16
        for j in range(16):
            exj = ex16[j]
            i = base + j
            for q in range(4):
                sl = pl.ds(q * 16, 16)
                rows_v[b, i, sl] = rows_v[b, i, sl] * exj
        return carry

    pltpu.async_copy(h_hbm.at[src_v.at[0]], rows_v.at[0], sem)

    def group_body(g, _):
        b = lax.rem(g, 4)
        p = lax.rem(g, 2)
        pltpu.make_async_copy(h_hbm.at[src_v.at[g]], rows_v.at[b], sem).wait()

        @pl.when(g >= 2)
        def _():
            ob = lax.rem(g + 2, 4)
            pltpu.make_async_copy(rows_v.at[ob], num_sh.at[dst_v.at[g]],
                                  sem_sn.at[p]).wait()
            pltpu.make_async_copy(ex_v.at[g], den_sh.at[dst_v.at[g]],
                                  sem_sd.at[p]).wait()

        @pl.when(g + 1 < NG)
        def _():
            nb = lax.rem(g + 1, 4)
            pltpu.async_copy(h_hbm.at[src_v.at[g + 1]], rows_v.at[nb], sem)

        plsc.parallel_loop(0, G // 16, carry=(g, b))(vec_body)
        pltpu.async_copy(rows_v.at[b], num_sh.at[dst_v.at[g]], sem_sn.at[p],
                         add=True)
        pltpu.async_copy(ex_v.at[g], den_sh.at[dst_v.at[g]], sem_sd.at[p],
                         add=True)
        return 0

    lax.fori_loop(0, NG, group_body, 0)
    for gg in (NG - 2, NG - 1):
        pltpu.make_async_copy(rows_v.at[gg % 4], num_sh.at[dst_v.at[gg]],
                              sem_sn.at[gg % 2]).wait()
        pltpu.make_async_copy(ex_v.at[gg], den_sh.at[dst_v.at[gg]],
                              sem_sd.at[gg % 2]).wait()
    plsc.subcore_barrier()

    pltpu.sync_copy(num_sh.at[pl.ds(row0, ROWS_PER_TILE)],
                    num_out.at[c, pl.ds(row0, ROWS_PER_TILE)])
    pltpu.sync_copy(den_sh.at[pl.ds(row0, ROWS_PER_TILE)],
                    den_out.at[pl.ds(c * NPAD + row0, ROWS_PER_TILE)])


_sc_edge_pass = pl.kernel(
    _sc_edge_body,
    out_type=(
        jax.ShapeDtypeStruct((NC, NPAD, HID), jnp.float32),
        jax.ShapeDtypeStruct((NC * NPAD,), jnp.float32),
    ),
    mesh=plsc.VectorSubcoreMesh(core_axis_name="c", subcore_axis_name="s"),
    compiler_params=pltpu.CompilerParams(needs_layout_passes=False,
                                         use_tc_tiling_on_sc=False),
    scratch_types=[
        pltpu.VMEM((NG, G), jnp.int32),
        pltpu.VMEM((NG, G), jnp.int32),
        pltpu.VMEM((NG, G), jnp.float32),
        pltpu.VMEM((N,), jnp.float32),
        pltpu.VMEM((N,), jnp.float32),
        pltpu.VMEM((4, G, HID), jnp.float32),
        pltpu.VMEM_SHARED((NPAD, HID), jnp.float32),
        pltpu.VMEM_SHARED((NPAD,), jnp.float32),
        pltpu.SemaphoreType.DMA,
        pltpu.SemaphoreType.DMA((2,)),
        pltpu.SemaphoreType.DMA((2,)),
    ],
)


def _edge_pass(h, asrc, adst, src_r, dst_r, znum, zden):
    num_p, den_p = _sc_edge_pass(
        h, asrc.reshape(N), adst.reshape(N), src_r, dst_r, znum, zden)
    return num_p, den_p


def _kb_body(num0_ref, den0_ref, nump_ref, denp_ref, b_ref, g_ref, be_ref,
             o_ref):
    num = num0_ref[...] + nump_ref[0, :N, :] + nump_ref[1, :N, :]
    den = den0_ref[...] + (denp_ref[pl.ds(0, N)]
                           + denp_ref[pl.ds(NPAD, N)]).reshape(N, 1)
    v = num / (den + 1e-16) + b_ref[...]
    v = jnp.maximum(v, 0.0)
    mu = jnp.mean(v, axis=0, keepdims=True)
    var = jnp.mean((v - mu) ** 2, axis=0, keepdims=True)
    o_ref[...] = g_ref[...] * (v - mu) / jnp.sqrt(var + 1e-5) + be_ref[...]


def _layer_epilogue(num0, den0, num_p, den_p, b, g, be):
    return pl.pallas_call(
        _kb_body,
        out_shape=jax.ShapeDtypeStruct((N, HID), jnp.float32),
    )(num0, den0, num_p, den_p, b.reshape(1, HID),
      g.reshape(1, HID), be.reshape(1, HID))


def _kc_body(h_ref, batch_ref, w1_ref, b1_ref, w2_ref, b2_ref, w3_ref, b3_ref,
             w4_ref, b4_ref, o_ref):
    gids = jax.lax.broadcasted_iota(jnp.int32, (N, NUM_GRAPHS), 1)
    onehot = (batch_ref[...] == gids).astype(jnp.float32)
    pooled = jax.lax.dot_general(
        onehot, h_ref[...], (((0,), (0,)), ((), ())),
        preferred_element_type=jnp.float32,
        precision=jax.lax.Precision.HIGHEST)
    o = jnp.dot(pooled, w1_ref[...], preferred_element_type=jnp.float32) + b1_ref[...]
    o = jnp.dot(o, w2_ref[...], preferred_element_type=jnp.float32) + b2_ref[...]
    o = jnp.dot(o, w3_ref[...], preferred_element_type=jnp.float32) + b3_ref[...]
    o = jnp.dot(o, w4_ref[...], preferred_element_type=jnp.float32) + b4_ref[...]
    o_ref[...] = o


def _head(h, batch, Wm1, bm1, Wm2, bm2, Wm3, bm3, Wm4, bm4):
    return pl.pallas_call(
        _kc_body,
        out_shape=jax.ShapeDtypeStruct((NUM_GRAPHS, 1), jnp.float32),
    )(h, batch.reshape(N, 1), Wm1, bm1.reshape(1, HID), Wm2, bm2.reshape(1, HID),
      Wm3, bm3.reshape(1, HID), Wm4, bm4.reshape(1, 1))


@jax.jit
def kernel(x, edge_index, batch, W1, a_src1, a_dst1, b1, g1, be1,
           W2, a_src2, a_dst2, b2, g2, be2,
           Wm1, bm1, Wm2, bm2, Wm3, bm3, Wm4, bm4):
    npad_e = EPAD - E
    src_r = jnp.concatenate(
        [edge_index[0], jnp.zeros((npad_e,), jnp.int32)]).reshape(NW, NG, G)
    dst_r = jnp.concatenate(
        [edge_index[1], jnp.full((npad_e,), N, jnp.int32)]).reshape(NW, NG, G)
    znum = jnp.zeros((NPAD, HID), jnp.float32)
    zden = jnp.zeros((NPAD,), jnp.float32)

    h1, asrc1, adst1, num01, den01 = _layer_prologue(x, W1, a_src1, a_dst1)
    num_p1, den_p1 = _edge_pass(h1, asrc1, adst1, src_r, dst_r, znum, zden)
    z1 = _layer_epilogue(num01, den01, num_p1, den_p1, b1, g1, be1)

    h2, asrc2, adst2, num02, den02 = _layer_prologue(z1, W2, a_src2, a_dst2)
    num_p2, den_p2 = _edge_pass(h2, asrc2, adst2, src_r, dst_r, znum, zden)
    z2 = _layer_epilogue(num02, den02, num_p2, den_p2, b2, g2, be2)

    return _head(z2, batch, Wm1, bm1, Wm2, bm2, Wm3, bm3, Wm4, bm4)

# --- scband reference (transcript-rebuilt; emitter-appended) ---
"""Pipeline reference for scband-regression-model-51135880626627 (READ-ONLY COPY).

The authoritative reference and input builder live on the scoring server;
editing this copy changes nothing except your own understanding.
"""

import jax, jax.numpy as jnp
import numpy as np

N = 10000
E = 320000
D_IN = 128
HID = 64
HEADS = 1
NUM_GRAPHS = 64


def setup_inputs(seed: int = 0) -> dict:
    key = jax.random.key(seed)
    ks = jax.random.split(key, 24)
    x = jax.random.normal(ks[0], (N, D_IN), dtype=jnp.float32)
    edge_index = jax.random.randint(ks[1], (2, E), 0, N, dtype=jnp.int32)
    batch = jnp.sort(jax.random.randint(ks[2], (N,), 0, NUM_GRAPHS, dtype=jnp.int32))
    def w(k, shape, fan_in):
        return jax.random.normal(k, shape, dtype=jnp.float32) / np.sqrt(fan_in)
    inp = {
        'x': x, 'edge_index': edge_index, 'batch': batch,
        'W1': w(ks[3], (D_IN, HEADS * HID), D_IN),
        'a_src1': w(ks[4], (1, HEADS, HID), HID),
        'a_dst1': w(ks[5], (1, HEADS, HID), HID),
        'b1': jnp.zeros((HEADS * HID,), jnp.float32),
        'g1': jnp.ones((HID,), jnp.float32),
        'be1': jnp.zeros((HID,), jnp.float32),
        'W2': w(ks[6], (HEADS * HID, HEADS * HID), HEADS * HID),
        'a_src2': w(ks[7], (1, HEADS, HID), HID),
        'a_dst2': w(ks[8], (1, HEADS, HID), HID),
        'b2': jnp.zeros((HEADS * HID,), jnp.float32),
        'g2': jnp.ones((HID,), jnp.float32),
        'be2': jnp.zeros((HID,), jnp.float32),
        'Wm1': w(ks[9], (HID, HID), HID), 'bm1': jnp.zeros((HID,), jnp.float32),
        'Wm2': w(ks[10], (HID, HID), HID), 'bm2': jnp.zeros((HID,), jnp.float32),
        'Wm3': w(ks[11], (HID, HID), HID), 'bm3': jnp.zeros((HID,), jnp.float32),
        'Wm4': w(ks[12], (HID, 1), HID), 'bm4': jnp.zeros((1,), jnp.float32),
    }
    return inp


def _gat(x, ei, W, a_s, a_d, b):
    loop = jnp.arange(N, dtype=ei.dtype)
    src = jnp.concatenate([ei[0], loop])
    dst = jnp.concatenate([ei[1], loop])
    h = (x @ W).reshape(N, HEADS, HID)
    alpha_s = (h * a_s).sum(-1)
    alpha_d = (h * a_d).sum(-1)
    e = jax.nn.leaky_relu(alpha_s[src] + alpha_d[dst], 0.2)
    m = jax.ops.segment_max(e, dst, num_segments=N)
    ex = jnp.exp(e - m[dst])
    den = jax.ops.segment_sum(ex, dst, num_segments=N)
    alpha = ex / (den[dst] + 1e-16)
    out = jax.ops.segment_sum(h[src] * alpha[:, :, None], dst, num_segments=N)
    return out.reshape(N, HEADS * HID) + b


def _bn(x, g, beta):
    mu = x.mean(0)
    var = x.var(0)
    return g * (x - mu) / jnp.sqrt(var + 1e-5) + beta


def reference(x, edge_index, batch, W1, a_src1, a_dst1, b1, g1, be1, W2, a_src2, a_dst2, b2, g2, be2, Wm1, bm1, Wm2, bm2, Wm3, bm3, Wm4, bm4):
    h = _gat(x, edge_index, W1, a_src1, a_dst1, b1)
    h = jax.nn.relu(h)
    h = _bn(h, g1, be1)
    # dropout is identity in eval mode
    h = _gat(h, edge_index, W2, a_src2, a_dst2, b2)
    h = jax.nn.relu(h)
    h = _bn(h, g2, be2)
    pooled = jax.ops.segment_sum(h, batch, num_segments=NUM_GRAPHS)
    o = pooled @ Wm1 + bm1
    o = o @ Wm2 + bm2
    o = o @ Wm3 + bm3
    o = o @ Wm4 + bm4
    return o

if __name__ == "__main__":
    import jax
    _d = setup_inputs()
    print(jax.jit(kernel)(*tuple(_d.values())))

</pallas_src>

<mosaic_0001>
#map = affine_map<(d0, d1) -> (0, 0)>
#map1 = affine_map<(d0, d1) -> (0)>
#map2 = affine_map<(d0, d1) -> (0, 0, 0)>
module attributes {stable_mosaic.version = 14 : i64} {
  func.func @_sc_edge_body(%arg0: i32, %arg1: i32, %arg2: memref<10000x64xf32, #tpu.memory_space<hbm>>, %arg3: memref<10000xf32, #tpu.memory_space<hbm>>, %arg4: memref<10000xf32, #tpu.memory_space<hbm>>, %arg5: memref<32x79x128xi32, #tpu.memory_space<hbm>>, %arg6: memref<32x79x128xi32, #tpu.memory_space<hbm>>, %arg7: memref<10240x64xf32, #tpu.memory_space<hbm>>, %arg8: memref<10240xf32, #tpu.memory_space<hbm>>, %arg9: memref<2x10240x64xf32, #tpu.memory_space<hbm>>, %arg10: memref<20480xf32, #tpu.memory_space<hbm>>, %arg11: memref<79x128xi32, #tpu.memory_space<vmem>>, %arg12: memref<79x128xi32, #tpu.memory_space<vmem>>, %arg13: memref<79x128xf32, #tpu.memory_space<vmem>>, %arg14: memref<10000xf32, #tpu.memory_space<vmem>>, %arg15: memref<10000xf32, #tpu.memory_space<vmem>>, %arg16: memref<4x128x64xf32, #tpu.memory_space<vmem>>, %arg17: memref<10240x64xf32, #tpu.memory_space<vmem_shared>>, %arg18: memref<10240xf32, #tpu.memory_space<vmem_shared>>, %arg19: memref<!tpu.dma_semaphore, #tpu.memory_space<semaphore_mem>>, %arg20: memref<2x!tpu.dma_semaphore, #tpu.memory_space<semaphore_mem>>, %arg21: memref<2x!tpu.dma_semaphore, #tpu.memory_space<semaphore_mem>>) attributes {dimension_semantics = [#tpu.dimension_semantics<core_parallel>, #tpu.dimension_semantics<subcore_parallel>], iteration_bounds = array<i64: 2, 16>, scalar_prefetch = 0 : i64, scratch_operands = 11 : i64, tpu.core_type = #tpu.core_type<sc_vector_subcore>, window_params = [{transform_indices = #map}, {transform_indices = #map1}, {transform_indices = #map1}, {transform_indices = #map2}, {transform_indices = #map2}, {transform_indices = #map}, {transform_indices = #map1}, {transform_indices = #map2}, {transform_indices = #map1}]} {
    %mul3A = arith.constant 2 : i32
    %mul3A_0 = arith.muli %arg1, %mul3A : i32
    %add3A = arith.addi %mul3A_0, %arg0 : i32
    "tpu.region"() ({
      %run_scoped3A = tpu.sem_alloc : memref<!tpu.dma_semaphore, #tpu.memory_space<semaphore_mem>>
      tpu.enqueue_dma source(%arg3 : memref<10000xf32, #tpu.memory_space<hbm>>) target(%arg14 : memref<10000xf32, #tpu.memory_space<vmem>>) target_semaphore(%run_scoped3A : memref<!tpu.dma_semaphore, #tpu.memory_space<semaphore_mem>>)
      tpu.wait_dma2 semaphore(%run_scoped3A : memref<!tpu.dma_semaphore, #tpu.memory_space<semaphore_mem>>) src(%arg3 : memref<10000xf32, #tpu.memory_space<hbm>>) dst(%arg14 : memref<10000xf32, #tpu.memory_space<vmem>>)
      tpu.yield
    }) : () -> ()
    "tpu.region"() ({
      %run_scoped3A = tpu.sem_alloc : memref<!tpu.dma_semaphore, #tpu.memory_space<semaphore_mem>>
      tpu.enqueue_dma source(%arg4 : memref<10000xf32, #tpu.memory_space<hbm>>) target(%arg15 : memref<10000xf32, #tpu.memory_space<vmem>>) target_semaphore(%run_scoped3A : memref<!tpu.dma_semaphore, #tpu.memory_space<semaphore_mem>>)
      tpu.wait_dma2 semaphore(%run_scoped3A : memref<!tpu.dma_semaphore, #tpu.memory_space<semaphore_mem>>) src(%arg4 : memref<10000xf32, #tpu.memory_space<hbm>>) dst(%arg15 : memref<10000xf32, #tpu.memory_space<vmem>>)
      tpu.yield
    }) : () -> ()
    "tpu.region"() ({
      %run_scoped3A = tpu.sem_alloc : memref<!tpu.dma_semaphore, #tpu.memory_space<semaphore_mem>>
      %dma_start3A_79 = arith.constant 0 : i32
      %dma_start3A_80 = arith.constant 0 : i32
      %dma_start3A_81 = tpu.memref_slice %arg5[%add3A, %dma_start3A_79, %dma_start3A_80] : memref<32x79x128xi32, #tpu.memory_space<hbm>> -> memref<1x79x128xi32, #tpu.memory_space<hbm>>
      %dma_start3A_82 = tpu.memref_squeeze %dma_start3A_81 : memref<1x79x128xi32, #tpu.memory_space<hbm>> -> memref<79x128xi32, #tpu.memory_space<hbm>>
      %dma_start3A_83 = arith.constant 0 : i32
      %dma_start3A_84 = arith.constant 0 : i32
      %dma_start3A_85 = tpu.memref_slice %arg5[%add3A, %dma_start3A_83, %dma_start3A_84] : memref<32x79x128xi32, #tpu.memory_space<hbm>> -> memref<1x79x128xi32, #tpu.memory_space<hbm>>
      %dma_start3A_86 = tpu.memref_squeeze %dma_start3A_85 : memref<1x79x128xi32, #tpu.memory_space<hbm>> -> memref<79x128xi32, #tpu.memory_space<hbm>>
      tpu.enqueue_dma source(%dma_start3A_86 : memref<79x128xi32, #tpu.memory_space<hbm>>) target(%arg11 : memref<79x128xi32, #tpu.memory_space<vmem>>) target_semaphore(%run_scoped3A : memref<!tpu.dma_semaphore, #tpu.memory_space<semaphore_mem>>)
      %dma_wait3A_87 = arith.constant 0 : i32
      %dma_wait3A_88 = arith.constant 0 : i32
      %dma_wait3A_89 = tpu.memref_slice %arg5[%add3A, %dma_wait3A_87, %dma_wait3A_88] : memref<32x79x128xi32, #tpu.memory_space<hbm>> -> memref<1x79x128xi32, #tpu.memory_space<hbm>>
      %dma_wait3A_90 = tpu.memref_squeeze %dma_wait3A_89 : memref<1x79x128xi32, #tpu.memory_space<hbm>> -> memref<79x128xi32, #tpu.memory_space<hbm>>
      %dma_wait3A_91 = arith.constant 0 : i32
      %dma_wait3A_92 = arith.constant 0 : i32
      %dma_wait3A_93 = tpu.memref_slice %arg5[%add3A, %dma_wait3A_91, %dma_wait3A_92] : memref<32x79x128xi32, #tpu.memory_space<hbm>> -> memref<1x79x128xi32, #tpu.memory_space<hbm>>
      %dma_wait3A_94 = tpu.memref_squeeze %dma_wait3A_93 : memref<1x79x128xi32, #tpu.memory_space<hbm>> -> memref<79x128xi32, #tpu.memory_space<hbm>>
      tpu.wait_dma2 semaphore(%run_scoped3A : memref<!tpu.dma_semaphore, #tpu.memory_space<semaphore_mem>>) src(%dma_wait3A_94 : memref<79x128xi32, #tpu.memory_space<hbm>>) dst(%arg11 : memref<79x128xi32, #tpu.memory_space<vmem>>)
      tpu.yield
    }) : () -> ()
    "tpu.region"() ({
      %run_scoped3A = tpu.sem_alloc : memref<!tpu.dma_semaphore, #tpu.memory_space<semaphore_mem>>
      %dma_start3A_79 = arith.constant 0 : i32
      %dma_start3A_80 = arith.constant 0 : i32
      %dma_start3A_81 = tpu.memref_slice %arg6[%add3A, %dma_start3A_79, %dma_start3A_80] : memref<32x79x128xi32, #tpu.memory_space<hbm>> -> memref<1x79x128xi32, #tpu.memory_space<hbm>>
      %dma_start3A_82 = tpu.memref_squeeze %dma_start3A_81 : memref<1x79x128xi32, #tpu.memory_space<hbm>> -> memref<79x128xi32, #tpu.memory_space<hbm>>
      %dma_start3A_83 = arith.constant 0 : i32
      %dma_start3A_84 = arith.constant 0 : i32
      %dma_start3A_85 = tpu.memref_slice %arg6[%add3A, %dma_start3A_83, %dma_start3A_84] : memref<32x79x128xi32, #tpu.memory_space<hbm>> -> memref<1x79x128xi32, #tpu.memory_space<hbm>>
      %dma_start3A_86 = tpu.memref_squeeze %dma_start3A_85 : memref<1x79x128xi32, #tpu.memory_space<hbm>> -> memref<79x128xi32, #tpu.memory_space<hbm>>
      tpu.enqueue_dma source(%dma_start3A_86 : memref<79x128xi32, #tpu.memory_space<hbm>>) target(%arg12 : memref<79x128xi32, #tpu.memory_space<vmem>>) target_semaphore(%run_scoped3A : memref<!tpu.dma_semaphore, #tpu.memory_space<semaphore_mem>>)
      %dma_wait3A_87 = arith.constant 0 : i32
      %dma_wait3A_88 = arith.constant 0 : i32
      %dma_wait3A_89 = tpu.memref_slice %arg6[%add3A, %dma_wait3A_87, %dma_wait3A_88] : memref<32x79x128xi32, #tpu.memory_space<hbm>> -> memref<1x79x128xi32, #tpu.memory_space<hbm>>
      %dma_wait3A_90 = tpu.memref_squeeze %dma_wait3A_89 : memref<1x79x128xi32, #tpu.memory_space<hbm>> -> memref<79x128xi32, #tpu.memory_space<hbm>>
      %dma_wait3A_91 = arith.constant 0 : i32
      %dma_wait3A_92 = arith.constant 0 : i32
      %dma_wait3A_93 = tpu.memref_slice %arg6[%add3A, %dma_wait3A_91, %dma_wait3A_92] : memref<32x79x128xi32, #tpu.memory_space<hbm>> -> memref<1x79x128xi32, #tpu.memory_space<hbm>>
      %dma_wait3A_94 = tpu.memref_squeeze %dma_wait3A_93 : memref<1x79x128xi32, #tpu.memory_space<hbm>> -> memref<79x128xi32, #tpu.memory_space<hbm>>
      tpu.wait_dma2 semaphore(%run_scoped3A : memref<!tpu.dma_semaphore, #tpu.memory_space<semaphore_mem>>) src(%dma_wait3A_94 : memref<79x128xi32, #tpu.memory_space<hbm>>) dst(%arg12 : memref<79x128xi32, #tpu.memory_space<vmem>>)
      tpu.yield
    }) : () -> ()
    %mul3A_1 = arith.constant 640 : i32
    %mul3A_2 = arith.muli %arg1, %mul3A_1 : i32
    "tpu.region"() ({
      %run_scoped3A = tpu.sem_alloc : memref<!tpu.dma_semaphore, #tpu.memory_space<semaphore_mem>>
      %dma_start3A_79 = arith.constant 0 : i32
      %dma_start3A_80 = tpu.memref_slice %arg17[%mul3A_2, %dma_start3A_79] : memref<10240x64xf32, #tpu.memory_space<vmem_shared>> -> memref<640x64xf32, #tpu.memory_space<vmem_shared>>
      %dma_start3A_81 = arith.constant 0 : i32
      %dma_start3A_82 = tpu.memref_slice %arg7[%mul3A_2, %dma_start3A_81] : memref<10240x64xf32, #tpu.memory_space<hbm>> -> memref<640x64xf32, #tpu.memory_space<hbm>>
      tpu.enqueue_dma source(%dma_start3A_82 : memref<640x64xf32, #tpu.memory_space<hbm>>) target(%dma_start3A_80 : memref<640x64xf32, #tpu.memory_space<vmem_shared>>) target_semaphore(%run_scoped3A : memref<!tpu.dma_semaphore, #tpu.memory_space<semaphore_mem>>)
      %dma_wait3A_83 = arith.constant 0 : i32
      %dma_wait3A_84 = tpu.memref_slice %arg17[%mul3A_2, %dma_wait3A_83] : memref<10240x64xf32, #tpu.memory_space<vmem_shared>> -> memref<640x64xf32, #tpu.memory_space<vmem_shared>>
      %dma_wait3A_85 = arith.constant 0 : i32
      %dma_wait3A_86 = tpu.memref_slice %arg7[%mul3A_2, %dma_wait3A_85] : memref<10240x64xf32, #tpu.memory_space<hbm>> -> memref<640x64xf32, #tpu.memory_space<hbm>>
      tpu.wait_dma2 semaphore(%run_scoped3A : memref<!tpu.dma_semaphore, #tpu.memory_space<semaphore_mem>>) src(%dma_wait3A_86 : memref<640x64xf32, #tpu.memory_space<hbm>>) dst(%dma_wait3A_84 : memref<640x64xf32, #tpu.memory_space<vmem_shared>>)
      tpu.yield
    }) : () -> ()
    "tpu.region"() ({
      %run_scoped3A = tpu.sem_alloc : memref<!tpu.dma_semaphore, #tpu.memory_space<semaphore_mem>>
      %dma_start3A_79 = tpu.memref_slice %arg18[%mul3A_2] : memref<10240xf32, #tpu.memory_space<vmem_shared>> -> memref<640xf32, #tpu.memory_space<vmem_shared>>
      %dma_start3A_80 = tpu.memref_slice %arg8[%mul3A_2] : memref<10240xf32, #tpu.memory_space<hbm>> -> memref<640xf32, #tpu.memory_space<hbm>>
      tpu.enqueue_dma source(%dma_start3A_80 : memref<640xf32, #tpu.memory_space<hbm>>) target(%dma_start3A_79 : memref<640xf32, #tpu.memory_space<vmem_shared>>) target_semaphore(%run_scoped3A : memref<!tpu.dma_semaphore, #tpu.memory_space<semaphore_mem>>)
      %dma_wait3A_81 = tpu.memref_slice %arg18[%mul3A_2] : memref<10240xf32, #tpu.memory_space<vmem_shared>> -> memref<640xf32, #tpu.memory_space<vmem_shared>>
      %dma_wait3A_82 = tpu.memref_slice %arg8[%mul3A_2] : memref<10240xf32, #tpu.memory_space<hbm>> -> memref<640xf32, #tpu.memory_space<hbm>>
      tpu.wait_dma2 semaphore(%run_scoped3A : memref<!tpu.dma_semaphore, #tpu.memory_space<semaphore_mem>>) src(%dma_wait3A_82 : memref<640xf32, #tpu.memory_space<hbm>>) dst(%dma_wait3A_81 : memref<640xf32, #tpu.memory_space<vmem_shared>>)
      tpu.yield
    }) : () -> ()
    %barrier3A = arith.constant 0 : index
    tpu.barrier barrier_id(%barrier3A)
    %dma_start3A = arith.constant 0 : i32
    %dma_start3A_3 = arith.constant 0 : i32
    %dma_start3A_4 = arith.constant 0 : i32
    %dma_start3A_5 = arith.constant 0 : i32
    %dma_start3A_6 = tpu.memref_slice %arg16[%dma_start3A_3, %dma_start3A_4, %dma_start3A_5] : memref<4x128x64xf32, #tpu.memory_space<vmem>> -> memref<1x128x64xf32, #tpu.memory_space<vmem>>
    %dma_start3A_7 = tpu.memref_squeeze %dma_start3A_6 : memref<1x128x64xf32, #tpu.memory_space<vmem>> -> memref<128x64xf32, #tpu.memory_space<vmem>>
    %dma_start3A_8 = arith.constant 0 : i32
    %dma_start3A_9 = tpu.memref_slice %arg11[%dma_start3A, %dma_start3A_8] : memref<79x128xi32, #tpu.memory_space<vmem>> -> memref<1x128xi32, #tpu.memory_space<vmem>>
    %dma_start3A_10 = tpu.memref_squeeze %dma_start3A_9 : memref<1x128xi32, #tpu.memory_space<vmem>> -> memref<128xi32, #tpu.memory_space<vmem>>
    %dma_start3A_11 = arith.constant 0 : i32
    %dma_start3A_12 = arith.constant 0 : i32
    %dma_start3A_13 = tpu.memref_slice %arg2[%dma_start3A_11, %dma_start3A_12] : memref<10000x64xf32, #tpu.memory_space<hbm>> -> memref<10000x64xf32, #tpu.memory_space<hbm>>
    tpu.enqueue_indirect_dma source(%dma_start3A_13 : memref<10000x64xf32, #tpu.memory_space<hbm>>) target(%dma_start3A_7 : memref<128x64xf32, #tpu.memory_space<vmem>>) offsets(%dma_start3A_10 : memref<128xi32, #tpu.memory_space<vmem>>) semaphore(%arg19 : memref<!tpu.dma_semaphore, #tpu.memory_space<semaphore_mem>>)
    %scan3A = arith.constant 0 : i32
    %scan3A_14 = arith.constant 0 : i32
    %scan3A_15 = arith.constant 79 : i32
    %scan3A_16 = arith.addi %scan3A_14, %scan3A_15 : i32
    %scan3A_17 = arith.constant 1 : i32
    %scan3A_18 = scf.for %scan3A_79 = %scan3A_14 to %scan3A_16 step %scan3A_17 iter_args(%scan3A_80 = %scan3A) -> (i32)  : i32 {
      %rem3A = arith.constant 4 : i32
      %rem3A_81 = arith.remsi %scan3A_79, %rem3A : i32
      %rem3A_82 = arith.constant 2 : i32
      %rem3A_83 = arith.remsi %scan3A_79, %rem3A_82 : i32
      %dma_wait3A_84 = arith.constant 0 : i32
      %dma_wait3A_85 = arith.constant 0 : i32
      %dma_wait3A_86 = tpu.memref_slice %arg16[%rem3A_81, %dma_wait3A_84, %dma_wait3A_85] : memref<4x128x64xf32, #tpu.memory_space<vmem>> -> memref<1x128x64xf32, #tpu.memory_space<vmem>>
      %dma_wait3A_87 = tpu.memref_squeeze %dma_wait3A_86 : memref<1x128x64xf32, #tpu.memory_space<vmem>> -> memref<128x64xf32, #tpu.memory_space<vmem>>
      %dma_wait3A_88 = arith.constant 0 : i32
      %dma_wait3A_89 = tpu.memref_slice %arg11[%scan3A_79, %dma_wait3A_88] : memref<79x128xi32, #tpu.memory_space<vmem>> -> memref<1x128xi32, #tpu.memory_space<vmem>>
      %dma_wait3A_90 = tpu.memref_squeeze %dma_wait3A_89 : memref<1x128xi32, #tpu.memory_space<vmem>> -> memref<128xi32, #tpu.memory_space<vmem>>
      %dma_wait3A_91 = arith.constant 0 : i32
      %dma_wait3A_92 = arith.constant 0 : i32
      %dma_wait3A_93 = tpu.memref_slice %arg2[%dma_wait3A_91, %dma_wait3A_92] : memref<10000x64xf32, #tpu.memory_space<hbm>> -> memref<10000x64xf32, #tpu.memory_space<hbm>>
      tpu.wait_indirect_dma semaphore(%arg19 : memref<!tpu.dma_semaphore, #tpu.memory_space<semaphore_mem>>) src(%dma_wait3A_93 : memref<10000x64xf32, #tpu.memory_space<hbm>>) dst(%dma_wait3A_87 : memref<128x64xf32, #tpu.memory_space<vmem>>)
      %ge3A = arith.constant 2 : i32
      %ge3A_94 = arith.cmpi sge, %scan3A_79, %ge3A : i32
      %convert_element_type3A = arith.extui %ge3A_94 : i1 to i32
      %cond3A = arith.constant 0 : i32
      %cond3A_95 = arith.cmpi ne, %convert_element_type3A, %cond3A : i32
      scf.if %cond3A_95 {
        %add3A_128 = arith.constant 2 : i32
        %add3A_129 = arith.addi %scan3A_79, %add3A_128 : i32
        %rem3A_130 = arith.constant 4 : i32
        %rem3A_131 = arith.remsi %add3A_129, %rem3A_130 : i32
        %dma_wait3A_132 = arith.constant 0 : i32
        %dma_wait3A_133 = arith.constant 0 : i32
        %dma_wait3A_134 = tpu.memref_slice %arg16[%rem3A_131, %dma_wait3A_132, %dma_wait3A_133] : memref<4x128x64xf32, #tpu.memory_space<vmem>> -> memref<1x128x64xf32, #tpu.memory_space<vmem>>
        %dma_wait3A_135 = tpu.memref_squeeze %dma_wait3A_134 : memref<1x128x64xf32, #tpu.memory_space<vmem>> -> memref<128x64xf32, #tpu.memory_space<vmem>>
        %dma_wait3A_136 = arith.constant 0 : i32
        %dma_wait3A_137 = tpu.memref_slice %arg12[%scan3A_79, %dma_wait3A_136] : memref<79x128xi32, #tpu.memory_space<vmem>> -> memref<1x128xi32, #tpu.memory_space<vmem>>
        %dma_wait3A_138 = tpu.memref_squeeze %dma_wait3A_137 : memref<1x128xi32, #tpu.memory_space<vmem>> -> memref<128xi32, #tpu.memory_space<vmem>>
        %dma_wait3A_139 = arith.constant 0 : i32
        %dma_wait3A_140 = arith.constant 0 : i32
        %dma_wait3A_141 = tpu.memref_slice %arg17[%dma_wait3A_139, %dma_wait3A_140] : memref<10240x64xf32, #tpu.memory_space<vmem_shared>> -> memref<10240x64xf32, #tpu.memory_space<vmem_shared>>
        %dma_wait3A_142 = tpu.memref_slice %arg20[%rem3A_83] : memref<2x!tpu.dma_semaphore, #tpu.memory_space<semaphore_mem>> -> memref<1x!tpu.dma_semaphore, #tpu.memory_space<semaphore_mem>>
        %dma_wait3A_143 = tpu.memref_squeeze %dma_wait3A_142 : memref<1x!tpu.dma_semaphore, #tpu.memory_space<semaphore_mem>> -> memref<!tpu.dma_semaphore, #tpu.memory_space<semaphore_mem>>
        tpu.wait_indirect_dma semaphore(%dma_wait3A_143 : memref<!tpu.dma_semaphore, #tpu.memory_space<semaphore_mem>>) src(%dma_wait3A_135 : memref<128x64xf32, #tpu.memory_space<vmem>>) dst(%dma_wait3A_141 : memref<10240x64xf32, #tpu.memory_space<vmem_shared>>)
        %dma_wait3A_144 = arith.constant 0 : i32
        %dma_wait3A_145 = tpu.memref_slice %arg13[%scan3A_79, %dma_wait3A_144] : memref<79x128xf32, #tpu.memory_space<vmem>> -> memref<1x128xf32, #tpu.memory_space<vmem>>
        %dma_wait3A_146 = tpu.memref_squeeze %dma_wait3A_145 : memref<1x128xf32, #tpu.memory_space<vmem>> -> memref<128xf32, #tpu.memory_space<vmem>>
        %dma_wait3A_147 = arith.constant 0 : i32
        %dma_wait3A_148 = tpu.memref_slice %arg12[%scan3A_79, %dma_wait3A_147] : memref<79x128xi32, #tpu.memory_space<vmem>> -> memref<1x128xi32, #tpu.memory_space<vmem>>
        %dma_wait3A_149 = tpu.memref_squeeze %dma_wait3A_148 : memref<1x128xi32, #tpu.memory_space<vmem>> -> memref<128xi32, #tpu.memory_space<vmem>>
        %dma_wait3A_150 = arith.constant 0 : i32
        %dma_wait3A_151 = tpu.memref_slice %arg18[%dma_wait3A_150] : memref<10240xf32, #tpu.memory_space<vmem_shared>> -> memref<10240xf32, #tpu.memory_space<vmem_shared>>
        %dma_wait3A_152 = tpu.memref_slice %arg21[%rem3A_83] : memref<2x!tpu.dma_semaphore, #tpu.memory_space<semaphore_mem>> -> memref<1x!tpu.dma_semaphore, #tpu.memory_space<semaphore_mem>>
        %dma_wait3A_153 = tpu.memref_squeeze %dma_wait3A_152 : memref<1x!tpu.dma_semaphore, #tpu.memory_space<semaphore_mem>> -> memref<!tpu.dma_semaphore, #tpu.memory_space<semaphore_mem>>
        tpu.wait_indirect_dma semaphore(%dma_wait3A_153 : memref<!tpu.dma_semaphore, #tpu.memory_space<semaphore_mem>>) src(%dma_wait3A_146 : memref<128xf32, #tpu.memory_space<vmem>>) dst(%dma_wait3A_151 : memref<10240xf32, #tpu.memory_space<vmem_shared>>)
      } else {
      }
      %add3A_96 = arith.constant 1 : i32
      %add3A_97 = arith.addi %scan3A_79, %add3A_96 : i32
      %lt3A = arith.constant 79 : i32
      %lt3A_98 = arith.cmpi slt, %add3A_97, %lt3A : i32
      %convert_element_type3A_99 = arith.extui %lt3A_98 : i1 to i32
      %cond3A_100 = arith.constant 0 : i32
      %cond3A_101 = arith.cmpi ne, %convert_element_type3A_99, %cond3A_100 : i32
      scf.if %cond3A_101 {
        %add3A_128 = arith.constant 1 : i32
        %add3A_129 = arith.addi %scan3A_79, %add3A_128 : i32
        %rem3A_130 = arith.constant 4 : i32
        %rem3A_131 = arith.remsi %add3A_129, %rem3A_130 : i32
        %add3A_132 = arith.constant 1 : i32
        %add3A_133 = arith.addi %scan3A_79, %add3A_132 : i32
        %dma_start3A_134 = arith.constant 0 : i32
        %dma_start3A_135 = arith.constant 0 : i32
        %dma_start3A_136 = tpu.memref_slice %arg16[%rem3A_131, %dma_start3A_134, %dma_start3A_135] : memref<4x128x64xf32, #tpu.memory_space<vmem>> -> memref<1x128x64xf32, #tpu.memory_space<vmem>>
        %dma_start3A_137 = tpu.memref_squeeze %dma_start3A_136 : memref<1x128x64xf32, #tpu.memory_space<vmem>> -> memref<128x64xf32, #tpu.memory_space<vmem>>
        %dma_start3A_138 = arith.constant 0 : i32
        %dma_start3A_139 = tpu.memref_slice %arg11[%add3A_133, %dma_start3A_138] : memref<79x128xi32, #tpu.memory_space<vmem>> -> memref<1x128xi32, #tpu.memory_space<vmem>>
        %dma_start3A_140 = tpu.memref_squeeze %dma_start3A_139 : memref<1x128xi32, #tpu.memory_space<vmem>> -> memref<128xi32, #tpu.memory_space<vmem>>
        %dma_start3A_141 = arith.constant 0 : i32
        %dma_start3A_142 = arith.constant 0 : i32
        %dma_start3A_143 = tpu.memref_slice %arg2[%dma_start3A_141, %dma_start3A_142] : memref<10000x64xf32, #tpu.memory_space<hbm>> -> memref<10000x64xf32, #tpu.memory_space<hbm>>
        tpu.enqueue_indirect_dma source(%dma_start3A_143 : memref<10000x64xf32, #tpu.memory_space<hbm>>) target(%dma_start3A_137 : memref<128x64xf32, #tpu.memory_space<vmem>>) offsets(%dma_start3A_140 : memref<128xi32, #tpu.memory_space<vmem>>) semaphore(%arg19 : memref<!tpu.dma_semaphore, #tpu.memory_space<semaphore_mem>>)
      } else {
      }
      %parallel_loop3A = arith.constant 0 : i32
      %parallel_loop3A_102 = arith.constant 8 : i32
      %parallel_loop3A_103 = arith.constant 1 : i32
      %parallel_loop3A_104:2 = scf.for %parallel_loop3A_128 = %parallel_loop3A to %parallel_loop3A_102 step %parallel_loop3A_103 iter_args(%parallel_loop3A_129 = %scan3A_79, %parallel_loop3A_130 = %rem3A_81) -> (i32, i32)  : i32 {
        %parallel_loop3A_131 = arith.constant 16 : i32
        %parallel_loop3A_132 = arith.muli %parallel_loop3A_128, %parallel_loop3A_131 : i32
        %parallel_loop3A_133 = arith.index_cast %parallel_loop3A_129 : i32 to index
        %parallel_loop3A_134 = arith.index_cast %parallel_loop3A_132 : i32 to index
        %parallel_loop3A_135 = tpu.vector_load %arg11[%parallel_loop3A_133, %parallel_loop3A_134] {strides = array<i32>} : memref<79x128xi32, #tpu.memory_space<vmem>>, vector<16xi32>,
        %parallel_loop3A_136 = arith.index_cast %parallel_loop3A_129 : i32 to index
        %parallel_loop3A_137 = arith.index_cast %parallel_loop3A_132 : i32 to index
        %parallel_loop3A_138 = tpu.vector_load %arg12[%parallel_loop3A_136, %parallel_loop3A_137] {strides = array<i32>} : memref<79x128xi32, #tpu.memory_space<vmem>>, vector<16xi32>,
        %parallel_loop3A_139 = tpu.vector_load_idx %arg14[%parallel_loop3A_135] : memref<10000xf32, #tpu.memory_space<vmem>>[vector<16xi32>], vector<16xf32>,
        %parallel_loop3A_140 = tpu.vector_load_idx %arg15[%parallel_loop3A_138] : memref<10000xf32, #tpu.memory_space<vmem>>[vector<16xi32>], vector<16xf32>,
        %parallel_loop3A_141 = arith.addf %parallel_loop3A_139, %parallel_loop3A_140 : vector<16xf32>
        %parallel_loop3A_142 = arith.constant 0.000000e+00 : f32
        %parallel_loop3A_143 = vector.broadcast %parallel_loop3A_142 : f32 to vector<16xf32>
        %parallel_loop3A_144 = arith.cmpf oge, %parallel_loop3A_141, %parallel_loop3A_143 : vector<16xf32>
        %parallel_loop3A_145 = arith.constant 2.000000e-01 : f32
        %parallel_loop3A_146 = vector.broadcast %parallel_loop3A_145 : f32 to vector<16xf32>
        %parallel_loop3A_147 = arith.mulf %parallel_loop3A_146, %parallel_loop3A_141 : vector<16xf32>
        %parallel_loop3A_148 = arith.select %parallel_loop3A_144, %parallel_loop3A_141, %parallel_loop3A_147 : vector<16xi1>, vector<16xf32>
        %parallel_loop3A_149 = math.exp %parallel_loop3A_148 : vector<16xf32>
        %parallel_loop3A_150 = arith.index_cast %parallel_loop3A_129 : i32 to index
        %parallel_loop3A_151 = arith.index_cast %parallel_loop3A_132 : i32 to index
        %parallel_loop3A_152 = tpu.vector_load %arg13[%parallel_loop3A_150, %parallel_loop3A_151] {strides = array<i32>} : memref<79x128xf32, #tpu.memory_space<vmem>>, vector<16xf32>,
        tpu.vector_store %arg13[%parallel_loop3A_150, %parallel_loop3A_151], %parallel_loop3A_149 {strides = array<i32>} : memref<79x128xf32, #tpu.memory_space<vmem>>, vector<16xf32>,
        %parallel_loop3A_153 = vector.extract_strided_slice %parallel_loop3A_149 {offsets = [0], sizes = [1], strides = [1]} : vector<16xf32> to vector<1xf32>
        %parallel_loop3A_154 = vector.extract %parallel_loop3A_153[0] : f32 from vector<1xf32>
        %parallel_loop3A_155 = arith.constant 0 : i32
        %parallel_loop3A_156 = arith.addi %parallel_loop3A_132, %parallel_loop3A_155 : i32
        %parallel_loop3A_157 = arith.index_cast %parallel_loop3A_130 : i32 to index
        %parallel_loop3A_158 = arith.index_cast %parallel_loop3A_156 : i32 to index
        %parallel_loop3A_159 = arith.constant 0 : index
        %parallel_loop3A_160 = tpu.vector_load %arg16[%parallel_loop3A_157, %parallel_loop3A_158, %parallel_loop3A_159] {strides = array<i32>} : memref<4x128x64xf32, #tpu.memory_space<vmem>>, vector<16xf32>,
        %parallel_loop3A_161 = vector.broadcast %parallel_loop3A_154 : f32 to vector<16xf32>
        %parallel_loop3A_162 = arith.mulf %parallel_loop3A_160, %parallel_loop3A_161 : vector<16xf32>
        %parallel_loop3A_163 = arith.index_cast %parallel_loop3A_130 : i32 to index
        %parallel_loop3A_164 = arith.index_cast %parallel_loop3A_156 : i32 to index
        %parallel_loop3A_165 = arith.constant 0 : index
        %parallel_loop3A_166 = tpu.vector_load %arg16[%parallel_loop3A_163, %parallel_loop3A_164, %parallel_loop3A_165] {strides = array<i32>} : memref<4x128x64xf32, #tpu.memory_space<vmem>>, vector<16xf32>,
        tpu.vector_store %arg16[%parallel_loop3A_163, %parallel_loop3A_164, %parallel_loop3A_165], %parallel_loop3A_162 {strides = array<i32>} : memref<4x128x64xf32, #tpu.memory_space<vmem>>, vector<16xf32>,
        %parallel_loop3A_167 = arith.index_cast %parallel_loop3A_130 : i32 to index
        %parallel_loop3A_168 = arith.index_cast %parallel_loop3A_156 : i32 to index
        %parallel_loop3A_169 = arith.constant 16 : index
        %parallel_loop3A_170 = tpu.vector_load %arg16[%parallel_loop3A_167, %parallel_loop3A_168, %parallel_loop3A_169] {strides = array<i32>} : memref<4x128x64xf32, #tpu.memory_space<vmem>>, vector<16xf32>,
        %parallel_loop3A_171 = vector.broadcast %parallel_loop3A_154 : f32 to vector<16xf32>
        %parallel_loop3A_172 = arith.mulf %parallel_loop3A_170, %parallel_loop3A_171 : vector<16xf32>
        %parallel_loop3A_173 = arith.index_cast %parallel_loop3A_130 : i32 to index
        %parallel_loop3A_174 = arith.index_cast %parallel_loop3A_156 : i32 to index
        %parallel_loop3A_175 = arith.constant 16 : index
        %parallel_loop3A_176 = tpu.vector_load %arg16[%parallel_loop3A_173, %parallel_loop3A_174, %parallel_loop3A_175] {strides = array<i32>} : memref<4x128x64xf32, #tpu.memory_space<vmem>>, vector<16xf32>,
        tpu.vector_store %arg16[%parallel_loop3A_173, %parallel_loop3A_174, %parallel_loop3A_175], %parallel_loop3A_172 {strides = array<i32>} : memref<4x128x64xf32, #tpu.memory_space<vmem>>, vector<16xf32>,
        %parallel_loop3A_177 = arith.index_cast %parallel_loop3A_130 : i32 to index
        %parallel_loop3A_178 = arith.index_cast %parallel_loop3A_156 : i32 to index
        %parallel_loop3A_179 = arith.constant 32 : index
        %parallel_loop3A_180 = tpu.vector_load %arg16[%parallel_loop3A_177, %parallel_loop3A_178, %parallel_loop3A_179] {strides = array<i32>} : memref<4x128x64xf32, #tpu.memory_space<vmem>>, vector<16xf32>,
        %parallel_loop3A_181 = vector.broadcast %parallel_loop3A_154 : f32 to vector<16xf32>
        %parallel_loop3A_182 = arith.mulf %parallel_loop3A_180, %parallel_loop3A_181 : vector<16xf32>
        %parallel_loop3A_183 = arith.index_cast %parallel_loop3A_130 : i32 to index
        %parallel_loop3A_184 = arith.index_cast %parallel_loop3A_156 : i32 to index
        %parallel_loop3A_185 = arith.constant 32 : index
        %parallel_loop3A_186 = tpu.vector_load %arg16[%parallel_loop3A_183, %parallel_loop3A_184, %parallel_loop3A_185] {strides = array<i32>} : memref<4x128x64xf32, #tpu.memory_space<vmem>>, vector<16xf32>,
        tpu.vector_store %arg16[%parallel_loop3A_183, %parallel_loop3A_184, %parallel_loop3A_185], %parallel_loop3A_182 {strides = array<i32>} : memref<4x128x64xf32, #tpu.memory_space<vmem>>, vector<16xf32>,
        %parallel_loop3A_187 = arith.index_cast %parallel_loop3A_130 : i32 to index
        %parallel_loop3A_188 = arith.index_cast %parallel_loop3A_156 : i32 to index
        %parallel_loop3A_189 = arith.constant 48 : index
        %parallel_loop3A_190 = tpu.vector_load %arg16[%parallel_loop3A_187, %parallel_loop3A_188, %parallel_loop3A_189] {strides = array<i32>} : memref<4x128x64xf32, #tpu.memory_space<vmem>>, vector<16xf32>,
        %parallel_loop3A_191 = vector.broadcast %parallel_loop3A_154 : f32 to vector<16xf32>
        %parallel_loop3A_192 = arith.mulf %parallel_loop3A_190, %parallel_loop3A_191 : vector<16xf32>
        %parallel_loop3A_193 = arith.index_cast %parallel_loop3A_130 : i32 to index
        %parallel_loop3A_194 = arith.index_cast %parallel_loop3A_156 : i32 to index
        %parallel_loop3A_195 = arith.constant 48 : index
        %parallel_loop3A_196 = tpu.vector_load %arg16[%parallel_loop3A_193, %parallel_loop3A_194, %parallel_loop3A_195] {strides = array<i32>} : memref<4x128x64xf32, #tpu.memory_space<vmem>>, vector<16xf32>,
        tpu.vector_store %arg16[%parallel_loop3A_193, %parallel_loop3A_194, %parallel_loop3A_195], %parallel_loop3A_192 {strides = array<i32>} : memref<4x128x64xf32, #tpu.memory_space<vmem>>, vector<16xf32>,
        %parallel_loop3A_197 = vector.extract_strided_slice %parallel_loop3A_149 {offsets = [1], sizes = [1], strides = [1]} : vector<16xf32> to vector<1xf32>
        %parallel_loop3A_198 = vector.extract %parallel_loop3A_197[0] : f32 from vector<1xf32>
        %parallel_loop3A_199 = arith.constant 1 : i32
        %parallel_loop3A_200 = arith.addi %parallel_loop3A_132, %parallel_loop3A_199 : i32
        %parallel_loop3A_201 = arith.index_cast %parallel_loop3A_130 : i32 to index
        %parallel_loop3A_202 = arith.index_cast %parallel_loop3A_200 : i32 to index
        %parallel_loop3A_203 = arith.constant 0 : index
        %parallel_loop3A_204 = tpu.vector_load %arg16[%parallel_loop3A_201, %parallel_loop3A_202, %parallel_loop3A_203] {strides = array<i32>} : memref<4x128x64xf32, #tpu.memory_space<vmem>>, vector<16xf32>,
        %parallel_loop3A_205 = vector.broadcast %parallel_loop3A_198 : f32 to vector<16xf32>
        %parallel_loop3A_206 = arith.mulf %parallel_loop3A_204, %parallel_loop3A_205 : vector<16xf32>
        %parallel_loop3A_207 = arith.index_cast %parallel_loop3A_130 : i32 to index
        %parallel_loop3A_208 = arith.index_cast %parallel_loop3A_200 : i32 to index
        %parallel_loop3A_209 = arith.constant 0 : index
        %parallel_loop3A_210 = tpu.vector_load %arg16[%parallel_loop3A_207, %parallel_loop3A_208, %parallel_loop3A_209] {strides = array<i32>} : memref<4x128x64xf32, #tpu.memory_space<vmem>>, vector<16xf32>,
        tpu.vector_store %arg16[%parallel_loop3A_207, %parallel_loop3A_208, %parallel_loop3A_209], %parallel_loop3A_206 {strides = array<i32>} : memref<4x128x64xf32, #tpu.memory_space<vmem>>, vector<16xf32>,
        %parallel_loop3A_211 = arith.index_cast %parallel_loop3A_130 : i32 to index
        %parallel_loop3A_212 = arith.index_cast %parallel_loop3A_200 : i32 to index
        %parallel_loop3A_213 = arith.constant 16 : index
        %parallel_loop3A_214 = tpu.vector_load %arg16[%parallel_loop3A_211, %parallel_loop3A_212, %parallel_loop3A_213] {strides = array<i32>} : memref<4x128x64xf32, #tpu.memory_space<vmem>>, vector<16xf32>,
        %parallel_loop3A_215 = vector.broadcast %parallel_loop3A_198 : f32 to vector<16xf32>
        %parallel_loop3A_216 = arith.mulf %parallel_loop3A_214, %parallel_loop3A_215 : vector<16xf32>
        %parallel_loop3A_217 = arith.index_cast %parallel_loop3A_130 : i32 to index
        %parallel_loop3A_218 = arith.index_cast %parallel_loop3A_200 : i32 to index
        %parallel_loop3A_219 = arith.constant 16 : index
        %parallel_loop3A_220 = tpu.vector_load %arg16[%parallel_loop3A_217, %parallel_loop3A_218, %parallel_loop3A_219] {strides = array<i32>} : memref<4x128x64xf32, #tpu.memory_space<vmem>>, vector<16xf32>,
        tpu.vector_store %arg16[%parallel_loop3A_217, %parallel_loop3A_218, %parallel_loop3A_219], %parallel_loop3A_216 {strides = array<i32>} : memref<4x128x64xf32, #tpu.memory_space<vmem>>, vector<16xf32>,
        %parallel_loop3A_221 = arith.index_cast %parallel_loop3A_130 : i32 to index
        %parallel_loop3A_222 = arith.index_cast %parallel_loop3A_200 : i32 to index
        %parallel_loop3A_223 = arith.constant 32 : index
        %parallel_loop3A_224 = tpu.vector_load %arg16[%parallel_loop3A_221, %parallel_loop3A_222, %parallel_loop3A_223] {strides = array<i32>} : memref<4x128x64xf32, #tpu.memory_space<vmem>>, vector<16xf32>,
        %parallel_loop3A_225 = vector.broadcast %parallel_loop3A_198 : f32 to vector<16xf32>
        %parallel_loop3A_226 = arith.mulf %parallel_loop3A_224, %parallel_loop3A_225 : vector<16xf32>
        %parallel_loop3A_227 = arith.index_cast %parallel_loop3A_130 : i32 to index
        %parallel_loop3A_228 = arith.index_cast %parallel_loop3A_200 : i32 to index
        %parallel_loop3A_229 = arith.constant 32 : index
        %parallel_loop3A_230 = tpu.vector_load %arg16[%parallel_loop3A_227, %parallel_loop3A_228, %parallel_loop3A_229] {strides = array<i32>} : memref<4x128x64xf32, #tpu.memory_space<vmem>>, vector<16xf32>,
        tpu.vector_store %arg16[%parallel_loop3A_227, %parallel_loop3A_228, %parallel_loop3A_229], %parallel_loop3A_226 {strides = array<i32>} : memref<4x128x64xf32, #tpu.memory_space<vmem>>, vector<16xf32>,
        %parallel_loop3A_231 = arith.index_cast %parallel_loop3A_130 : i32 to index
        %parallel_loop3A_232 = arith.index_cast %parallel_loop3A_200 : i32 to index
        %parallel_loop3A_233 = arith.constant 48 : index
        %parallel_loop3A_234 = tpu.vector_load %arg16[%parallel_loop3A_231, %parallel_loop3A_232, %parallel_loop3A_233] {strides = array<i32>} : memref<4x128x64xf32, #tpu.memory_space<vmem>>, vector<16xf32>,
        %parallel_loop3A_235 = vector.broadcast %parallel_loop3A_198 : f32 to vector<16xf32>
        %parallel_loop3A_236 = arith.mulf %parallel_loop3A_234, %parallel_loop3A_235 : vector<16xf32>
        %parallel_loop3A_237 = arith.index_cast %parallel_loop3A_130 : i32 to index
        %parallel_loop3A_238 = arith.index_cast %parallel_loop3A_200 : i32 to index
        %parallel_loop3A_239 = arith.constant 48 : index
        %parallel_loop3A_240 = tpu.vector_load %arg16[%parallel_loop3A_237, %parallel_loop3A_238, %parallel_loop3A_239] {strides = array<i32>} : memref<4x128x64xf32, #tpu.memory_space<vmem>>, vector<16xf32>,
        tpu.vector_store %arg16[%parallel_loop3A_237, %parallel_loop3A_238, %parallel_loop3A_239], %parallel_loop3A_236 {strides = array<i32>} : memref<4x128x64xf32, #tpu.memory_space<vmem>>, vector<16xf32>,
        %parallel_loop3A_241 = vector.extract_strided_slice %parallel_loop3A_149 {offsets = [2], sizes = [1], strides = [1]} : vector<16xf32> to vector<1xf32>
        %parallel_loop3A_242 = vector.extract %parallel_loop3A_241[0] : f32 from vector<1xf32>
        %parallel_loop3A_243 = arith.constant 2 : i32
        %parallel_loop3A_244 = arith.addi %parallel_loop3A_132, %parallel_loop3A_243 : i32
        %parallel_loop3A_245 = arith.index_cast %parallel_loop3A_130 : i32 to index
        %parallel_loop3A_246 = arith.index_cast %parallel_loop3A_244 : i32 to index
        %parallel_loop3A_247 = arith.constant 0 : index
        %parallel_loop3A_248 = tpu.vector_load %arg16[%parallel_loop3A_245, %parallel_loop3A_246, %parallel_loop3A_247] {strides = array<i32>} : memref<4x128x64xf32, #tpu.memory_space<vmem>>, vector<16xf32>,
        %parallel_loop3A_249 = vector.broadcast %parallel_loop3A_242 : f32 to vector<16xf32>
        %parallel_loop3A_250 = arith.mulf %parallel_loop3A_248, %parallel_loop3A_249 : vector<16xf32>
        %parallel_loop3A_251 = arith.index_cast %parallel_loop3A_130 : i32 to index
        %parallel_loop3A_252 = arith.index_cast %parallel_loop3A_244 : i32 to index
        %parallel_loop3A_253 = arith.constant 0 : index
        %parallel_loop3A_254 = tpu.vector_load %arg16[%parallel_loop3A_251, %parallel_loop3A_252, %parallel_loop3A_253] {strides = array<i32>} : memref<4x128x64xf32, #tpu.memory_space<vmem>>, vector<16xf32>,
        tpu.vector_store %arg16[%parallel_loop3A_251, %parallel_loop3A_252, %parallel_loop3A_253], %parallel_loop3A_250 {strides = array<i32>} : memref<4x128x64xf32, #tpu.memory_space<vmem>>, vector<16xf32>,
        %parallel_loop3A_255 = arith.index_cast %parallel_loop3A_130 : i32 to index
        %parallel_loop3A_256 = arith.index_cast %parallel_loop3A_244 : i32 to index
        %parallel_loop3A_257 = arith.constant 16 : index
        %parallel_loop3A_258 = tpu.vector_load %arg16[%parallel_loop3A_255, %parallel_loop3A_256, %parallel_loop3A_257] {strides = array<i32>} : memref<4x128x64xf32, #tpu.memory_space<vmem>>, vector<16xf32>,
        %parallel_loop3A_259 = vector.broadcast %parallel_loop3A_242 : f32 to vector<16xf32>
        %parallel_loop3A_260 = arith.mulf %parallel_loop3A_258, %parallel_loop3A_259 : vector<16xf32>
        %parallel_loop3A_261 = arith.index_cast %parallel_loop3A_130 : i32 to index
        %parallel_loop3A_262 = arith.index_cast %parallel_loop3A_244 : i32 to index
        %parallel_loop3A_263 = arith.constant 16 : index
        %parallel_loop3A_264 = tpu.vector_load %arg16[%parallel_loop3A_261, %parallel_loop3A_262, %parallel_loop3A_263] {strides = array<i32>} : memref<4x128x64xf32, #tpu.memory_space<vmem>>, vector<16xf32>,
        tpu.vector_store %arg16[%parallel_loop3A_261, %parallel_loop3A_262, %parallel_loop3A_263], %parallel_loop3A_260 {strides = array<i32>} : memref<4x128x64xf32, #tpu.memory_space<vmem>>, vector<16xf32>,
        %parallel_loop3A_265 = arith.index_cast %parallel_loop3A_130 : i32 to index
        %parallel_loop3A_266 = arith.index_cast %parallel_loop3A_244 : i32 to index
        %parallel_loop3A_267 = arith.constant 32 : index
        %parallel_loop3A_268 = tpu.vector_load %arg16[%parallel_loop3A_265, %parallel_loop3A_266, %parallel_loop3A_267] {strides = array<i32>} : memref<4x128x64xf32, #tpu.memory_space<vmem>>, vector<16xf32>,
        %parallel_loop3A_269 = vector.broadcast %parallel_loop3A_242 : f32 to vector<16xf32>
        %parallel_loop3A_270 = arith.mulf %parallel_loop3A_268, %parallel_loop3A_269 : vector<16xf32>
        %parallel_loop3A_271 = arith.index_cast %parallel_loop3A_130 : i32 to index
        %parallel_loop3A_272 = arith.index_cast %parallel_loop3A_244 : i32 to index
        %parallel_loop3A_273 = arith.constant 32 : index
        %parallel_loop3A_274 = tpu.vector_load %arg16[%parallel_loop3A_271, %parallel_loop3A_272, %parallel_loop3A_273] {strides = array<i32>} : memref<4x128x64xf32, #tpu.memory_space<vmem>>, vector<16xf32>,
        tpu.vector_store %arg16[%parallel_loop3A_271, %parallel_loop3A_272, %parallel_loop3A_273], %parallel_loop3A_270 {strides = array<i32>} : memref<4x128x64xf32, #tpu.memory_space<vmem>>, vector<16xf32>,
        %parallel_loop3A_275 = arith.index_cast %parallel_loop3A_130 : i32 to index
        %parallel_loop3A_276 = arith.index_cast %parallel_loop3A_244 : i32 to index
        %parallel_loop3A_277 = arith.constant 48 : index
        %parallel_loop3A_278 = tpu.vector_load %arg16[%parallel_loop3A_275, %parallel_loop3A_276, %parallel_loop3A_277] {strides = array<i32>} : memref<4x128x64xf32, #tpu.memory_space<vmem>>, vector<16xf32>,
        %parallel_loop3A_279 = vector.broadcast %parallel_loop3A_242 : f32 to vector<16xf32>
        %parallel_loop3A_280 = arith.mulf %parallel_loop3A_278, %parallel_loop3A_279 : vector<16xf32>
        %parallel_loop3A_281 = arith.index_cast %parallel_loop3A_130 : i32 to index
        %parallel_loop3A_282 = arith.index_cast %parallel_loop3A_244 : i32 to index
        %parallel_loop3A_283 = arith.constant 48 : index
        %parallel_loop3A_284 = tpu.vector_load %arg16[%parallel_loop3A_281, %parallel_loop3A_282, %parallel_loop3A_283] {strides = array<i32>} : memref<4x128x64xf32, #tpu.memory_space<vmem>>, vector<16xf32>,
        tpu.vector_store %arg16[%parallel_loop3A_281, %parallel_loop3A_282, %parallel_loop3A_283], %parallel_loop3A_280 {strides = array<i32>} : memref<4x128x64xf32, #tpu.memory_space<vmem>>, vector<16xf32>,
        %parallel_loop3A_285 = vector.extract_strided_slice %parallel_loop3A_149 {offsets = [3], sizes = [1], strides = [1]} : vector<16xf32> to vector<1xf32>
        %parallel_loop3A_286 = vector.extract %parallel_loop3A_285[0] : f32 from vector<1xf32>
        %parallel_loop3A_287 = arith.constant 3 : i32
        %parallel_loop3A_288 = arith.addi %parallel_loop3A_132, %parallel_loop3A_287 : i32
        %parallel_loop3A_289 = arith.index_cast %parallel_loop3A_130 : i32 to index
        %parallel_loop3A_290 = arith.index_cast %parallel_loop3A_288 : i32 to index
        %parallel_loop3A_291 = arith.constant 0 : index
        %parallel_loop3A_292 = tpu.vector_load %arg16[%parallel_loop3A_289, %parallel_loop3A_290, %parallel_loop3A_291] {strides = array<i32>} : memref<4x128x64xf32, #tpu.memory_space<vmem>>, vector<16xf32>,
        %parallel_loop3A_293 = vector.broadcast %parallel_loop3A_286 : f32 to vector<16xf32>
        %parallel_loop3A_294 = arith.mulf %parallel_loop3A_292, %parallel_loop3A_293 : vector<16xf32>
        %parallel_loop3A_295 = arith.index_cast %parallel_loop3A_130 : i32 to index
        %parallel_loop3A_296 = arith.index_cast %parallel_loop3A_288 : i32 to index
        %parallel_loop3A_297 = arith.constant 0 : index
        %parallel_loop3A_298 = tpu.vector_load %arg16[%parallel_loop3A_295, %parallel_loop3A_296, %parallel_loop3A_297] {strides = array<i32>} : memref<4x128x64xf32, #tpu.memory_space<vmem>>, vector<16xf32>,
        tpu.vector_store %arg16[%parallel_loop3A_295, %parallel_loop3A_296, %parallel_loop3A_297], %parallel_loop3A_294 {strides = array<i32>} : memref<4x128x64xf32, #tpu.memory_space<vmem>>, vector<16xf32>,
        %parallel_loop3A_299 = arith.index_cast %parallel_loop3A_130 : i32 to index
        %parallel_loop3A_300 = arith.index_cast %parallel_loop3A_288 : i32 to index
        %parallel_loop3A_301 = arith.constant 16 : index
        %parallel_loop3A_302 = tpu.vector_load %arg16[%parallel_loop3A_299, %parallel_loop3A_300, %parallel_loop3A_301] {strides = array<i32>} : memref<4x128x64xf32, #tpu.memory_space<vmem>>, vector<16xf32>,
        %parallel_loop3A_303 = vector.broadcast %parallel_loop3A_286 : f32 to vector<16xf32>
        %parallel_loop3A_304 = arith.mulf %parallel_loop3A_302, %parallel_loop3A_303 : vector<16xf32>
        %parallel_loop3A_305 = arith.index_cast %parallel_loop3A_130 : i32 to index
        %parallel_loop3A_306 = arith.index_cast %parallel_loop3A_288 : i32 to index
        %parallel_loop3A_307 = arith.constant 16 : index
        %parallel_loop3A_308 = tpu.vector_load %arg16[%parallel_loop3A_305, %parallel_loop3A_306, %parallel_loop3A_307] {strides = array<i32>} : memref<4x128x64xf32, #tpu.memory_space<vmem>>, vector<16xf32>,
        tpu.vector_store %arg16[%parallel_loop3A_305, %parallel_loop3A_306, %parallel_loop3A_307], %parallel_loop3A_304 {strides = array<i32>} : memref<4x128x64xf32, #tpu.memory_space<vmem>>, vector<16xf32>,
        %parallel_loop3A_309 = arith.index_cast %parallel_loop3A_130 : i32 to index
        %parallel_loop3A_310 = arith.index_cast %parallel_loop3A_288 : i32 to index
        %parallel_loop3A_311 = arith.constant 32 : index
        %parallel_loop3A_312 = tpu.vector_load %arg16[%parallel_loop3A_309, %parallel_loop3A_310, %parallel_loop3A_311] {strides = array<i32>} : memref<4x128x64xf32, #tpu.memory_space<vmem>>, vector<16xf32>,
        %parallel_loop3A_313 = vector.broadcast %parallel_loop3A_286 : f32 to vector<16xf32>
        %parallel_loop3A_314 = arith.mulf %parallel_loop3A_312, %parallel_loop3A_313 : vector<16xf32>
        %parallel_loop3A_315 = arith.index_cast %parallel_loop3A_130 : i32 to index
        %parallel_loop3A_316 = arith.index_cast %parallel_loop3A_288 : i32 to index
        %parallel_loop3A_317 = arith.constant 32 : index
        %parallel_loop3A_318 = tpu.vector_load %arg16[%parallel_loop3A_315, %parallel_loop3A_316, %parallel_loop3A_317] {strides = array<i32>} : memref<4x128x64xf32, #tpu.memory_space<vmem>>, vector<16xf32>,
        tpu.vector_store %arg16[%parallel_loop3A_315, %parallel_loop3A_316, %parallel_loop3A_317], %parallel_loop3A_314 {strides = array<i32>} : memref<4x128x64xf32, #tpu.memory_space<vmem>>, vector<16xf32>,
        %parallel_loop3A_319 = arith.index_cast %parallel_loop3A_130 : i32 to index
        %parallel_loop3A_320 = arith.index_cast %parallel_loop3A_288 : i32 to index
        %parallel_loop3A_321 = arith.constant 48 : index
        %parallel_loop3A_322 = tpu.vector_load %arg16[%parallel_loop3A_319, %parallel_loop3A_320, %parallel_loop3A_321] {strides = array<i32>} : memref<4x128x64xf32, #tpu.memory_space<vmem>>, vector<16xf32>,
        %parallel_loop3A_323 = vector.broadcast %parallel_loop3A_286 : f32 to vector<16xf32>
        %parallel_loop3A_324 = arith.mulf %parallel_loop3A_322, %parallel_loop3A_323 : vector<16xf32>
        %parallel_loop3A_325 = arith.index_cast %parallel_loop3A_130 : i32 to index
        %parallel_loop3A_326 = arith.index_cast %parallel_loop3A_288 : i32 to index
        %parallel_loop3A_327 = arith.constant 48 : index
        %parallel_loop3A_328 = tpu.vector_load %arg16[%parallel_loop3A_325, %parallel_loop3A_326, %parallel_loop3A_327] {strides = array<i32>} : memref<4x128x64xf32, #tpu.memory_space<vmem>>, vector<16xf32>,
        tpu.vector_store %arg16[%parallel_loop3A_325, %parallel_loop3A_326, %parallel_loop3A_327], %parallel_loop3A_324 {strides = array<i32>} : memref<4x128x64xf32, #tpu.memory_space<vmem>>, vector<16xf32>,
        %parallel_loop3A_329 = vector.extract_strided_slice %parallel_loop3A_149 {offsets = [4], sizes = [1], strides = [1]} : vector<16xf32> to vector<1xf32>
        %parallel_loop3A_330 = vector.extract %parallel_loop3A_329[0] : f32 from vector<1xf32>
        %parallel_loop3A_331 = arith.constant 4 : i32
        %parallel_loop3A_332 = arith.addi %parallel_loop3A_132, %parallel_loop3A_331 : i32
        %parallel_loop3A_333 = arith.index_cast %parallel_loop3A_130 : i32 to index
        %parallel_loop3A_334 = arith.index_cast %parallel_loop3A_332 : i32 to index
        %parallel_loop3A_335 = arith.constant 0 : index
        %parallel_loop3A_336 = tpu.vector_load %arg16[%parallel_loop3A_333, %parallel_loop3A_334, %parallel_loop3A_335] {strides = array<i32>} : memref<4x128x64xf32, #tpu.memory_space<vmem>>, vector<16xf32>,
        %parallel_loop3A_337 = vector.broadcast %parallel_loop3A_330 : f32 to vector<16xf32>
        %parallel_loop3A_338 = arith.mulf %parallel_loop3A_336, %parallel_loop3A_337 : vector<16xf32>
        %parallel_loop3A_339 = arith.index_cast %parallel_loop3A_130 : i32 to index
        %parallel_loop3A_340 = arith.index_cast %parallel_loop3A_332 : i32 to index
        %parallel_loop3A_341 = arith.constant 0 : index
        %parallel_loop3A_342 = tpu.vector_load %arg16[%parallel_loop3A_339, %parallel_loop3A_340, %parallel_loop3A_341] {strides = array<i32>} : memref<4x128x64xf32, #tpu.memory_space<vmem>>, vector<16xf32>,
        tpu.vector_store %arg16[%parallel_loop3A_339, %parallel_loop3A_340, %parallel_loop3A_341], %parallel_loop3A_338 {strides = array<i32>} : memref<4x128x64xf32, #tpu.memory_space<vmem>>, vector<16xf32>,
        %parallel_loop3A_343 = arith.index_cast %parallel_loop3A_130 : i32 to index
        %parallel_loop3A_344 = arith.index_cast %parallel_loop3A_332 : i32 to index
        %parallel_loop3A_345 = arith.constant 16 : index
        %parallel_loop3A_346 = tpu.vector_load %arg16[%parallel_loop3A_343, %parallel_loop3A_344, %parallel_loop3A_345] {strides = array<i32>} : memref<4x128x64xf32, #tpu.memory_space<vmem>>, vector<16xf32>,
        %parallel_loop3A_347 = vector.broadcast %parallel_loop3A_330 : f32 to vector<16xf32>
        %parallel_loop3A_348 = arith.mulf %parallel_loop3A_346, %parallel_loop3A_347 : vector<16xf32>
        %parallel_loop3A_349 = arith.index_cast %parallel_loop3A_130 : i32 to index
        %parallel_loop3A_350 = arith.index_cast %parallel_loop3A_332 : i32 to index
        %parallel_loop3A_351 = arith.constant 16 : index
        %parallel_loop3A_352 = tpu.vector_load %arg16[%parallel_loop3A_349, %parallel_loop3A_350, %parallel_loop3A_351] {strides = array<i32>} : memref<4x128x64xf32, #tpu.memory_space<vmem>>, vector<16xf32>,
        tpu.vector_store %arg16[%parallel_loop3A_349, %parallel_loop3A_350, %parallel_loop3A_351], %parallel_loop3A_348 {strides = array<i32>} : memref<4x128x64xf32, #tpu.memory_space<vmem>>, vector<16xf32>,
        %parallel_loop3A_353 = arith.index_cast %parallel_loop3A_130 : i32 to index
        %parallel_loop3A_354 = arith.index_cast %parallel_loop3A_332 : i32 to index
        %parallel_loop3A_355 = arith.constant 32 : index
        %parallel_loop3A_356 = tpu.vector_load %arg16[%parallel_loop3A_353, %parallel_loop3A_354, %parallel_loop3A_355] {strides = array<i32>} : memref<4x128x64xf32, #tpu.memory_space<vmem>>, vector<16xf32>,
        %parallel_loop3A_357 = vector.broadcast %parallel_loop3A_330 : f32 to vector<16xf32>
        %parallel_loop3A_358 = arith.mulf %parallel_loop3A_356, %parallel_loop3A_357 : vector<16xf32>
        %parallel_loop3A_359 = arith.index_cast %parallel_loop3A_130 : i32 to index
        %parallel_loop3A_360 = arith.index_cast %parallel_loop3A_332 : i32 to index
        %parallel_loop3A_361 = arith.constant 32 : index
        %parallel_loop3A_362 = tpu.vector_load %arg16[%parallel_loop3A_359, %parallel_loop3A_360, %parallel_loop3A_361] {strides = array<i32>} : memref<4x128x64xf32, #tpu.memory_space<vmem>>, vector<16xf32>,
        tpu.vector_store %arg16[%parallel_loop3A_359, %parallel_loop3A_360, %parallel_loop3A_361], %parallel_loop3A_358 {strides = array<i32>} : memref<4x128x64xf32, #tpu.memory_space<vmem>>, vector<16xf32>,
        %parallel_loop3A_363 = arith.index_cast %parallel_loop3A_130 : i32 to index
        %parallel_loop3A_364 = arith.index_cast %parallel_loop3A_332 : i32 to index
        %parallel_loop3A_365 = arith.constant 48 : index
        %parallel_loop3A_366 = tpu.vector_load %arg16[%parallel_loop3A_363, %parallel_loop3A_364, %parallel_loop3A_365] {strides = array<i32>} : memref<4x128x64xf32, #tpu.memory_space<vmem>>, vector<16xf32>,
        %parallel_loop3A_367 = vector.broadcast %parallel_loop3A_330 : f32 to vector<16xf32>
        %parallel_loop3A_368 = arith.mulf %parallel_loop3A_366, %parallel_loop3A_367 : vector<16xf32>
        %parallel_loop3A_369 = arith.index_cast %parallel_loop3A_130 : i32 to index
        %parallel_loop3A_370 = arith.index_cast %parallel_loop3A_332 : i32 to index
        %parallel_loop3A_371 = arith.constant 48 : index
        %parallel_loop3A_372 = tpu.vector_load %arg16[%parallel_loop3A_369, %parallel_loop3A_370, %parallel_loop3A_371] {strides = array<i32>} : memref<4x128x64xf32, #tpu.memory_space<vmem>>, vector<16xf32>,
        tpu.vector_store %arg16[%parallel_loop3A_369, %parallel_loop3A_370, %parallel_loop3A_371], %parallel_loop3A_368 {strides = array<i32>} : memref<4x128x64xf32, #tpu.memory_space<vmem>>, vector<16xf32>,
        %parallel_loop3A_373 = vector.extract_strided_slice %parallel_loop3A_149 {offsets = [5], sizes = [1], strides = [1]} : vector<16xf32> to vector<1xf32>
        %parallel_loop3A_374 = vector.extract %parallel_loop3A_373[0] : f32 from vector<1xf32>
        %parallel_loop3A_375 = arith.constant 5 : i32
        %parallel_loop3A_376 = arith.addi %parallel_loop3A_132, %parallel_loop3A_375 : i32
        %parallel_loop3A_377 = arith.index_cast %parallel_loop3A_130 : i32 to index
        %parallel_loop3A_378 = arith.index_cast %parallel_loop3A_376 : i32 to index
        %parallel_loop3A_379 = arith.constant 0 : index
        %parallel_loop3A_380 = tpu.vector_load %arg16[%parallel_loop3A_377, %parallel_loop3A_378, %parallel_loop3A_379] {strides = array<i32>} : memref<4x128x64xf32, #tpu.memory_space<vmem>>, vector<16xf32>,
        %parallel_loop3A_381 = vector.broadcast %parallel_loop3A_374 : f32 to vector<16xf32>
        %parallel_loop3A_382 = arith.mulf %parallel_loop3A_380, %parallel_loop3A_381 : vector<16xf32>
        %parallel_loop3A_383 = arith.index_cast %parallel_loop3A_130 : i32 to index
        %parallel_loop3A_384 = arith.index_cast %parallel_loop3A_376 : i32 to index
        %parallel_loop3A_385 = arith.constant 0 : index
        %parallel_loop3A_386 = tpu.vector_load %arg16[%parallel_loop3A_383, %parallel_loop3A_384, %parallel_loop3A_385] {strides = array<i32>} : memref<4x128x64xf32, #tpu.memory_space<vmem>>, vector<16xf32>,
        tpu.vector_store %arg16[%parallel_loop3A_383, %parallel_loop3A_384, %parallel_loop3A_385], %parallel_loop3A_382 {strides = array<i32>} : memref<4x128x64xf32, #tpu.memory_space<vmem>>, vector<16xf32>,
        %parallel_loop3A_387 = arith.index_cast %parallel_loop3A_130 : i32 to index
        %parallel_loop3A_388 = arith.index_cast %parallel_loop3A_376 : i32 to index
        %parallel_loop3A_389 = arith.constant 16 : index
        %parallel_loop3A_390 = tpu.vector_load %arg16[%parallel_loop3A_387, %parallel_loop3A_388, %parallel_loop3A_389] {strides = array<i32>} : memref<4x128x64xf32, #tpu.memory_space<vmem>>, vector<16xf32>,
        %parallel_loop3A_391 = vector.broadcast %parallel_loop3A_374 : f32 to vector<16xf32>
        %parallel_loop3A_392 = arith.mulf %parallel_loop3A_390, %parallel_loop3A_391 : vector<16xf32>
        %parallel_loop3A_393 = arith.index_cast %parallel_loop3A_130 : i32 to index
        %parallel_loop3A_394 = arith.index_cast %parallel_loop3A_376 : i32 to index
        %parallel_loop3A_395 = arith.constant 16 : index
        %parallel_loop3A_396 = tpu.vector_load %arg16[%parallel_loop3A_393, %parallel_loop3A_394, %parallel_loop3A_395] {strides = array<i32>} : memref<4x128x64xf32, #tpu.memory_space<vmem>>, vector<16xf32>,
        tpu.vector_store %arg16[%parallel_loop3A_393, %parallel_loop3A_394, %parallel_loop3A_395], %parallel_loop3A_392 {strides = array<i32>} : memref<4x128x64xf32, #tpu.memory_space<vmem>>, vector<16xf32>,
        %parallel_loop3A_397 = arith.index_cast %parallel_loop3A_130 : i32 to index
        %parallel_loop3A_398 = arith.index_cast %parallel_loop3A_376 : i32 to index
        %parallel_loop3A_399 = arith.constant 32 : index
        %parallel_loop3A_400 = tpu.vector_load %arg16[%parallel_loop3A_397, %parallel_loop3A_398, %parallel_loop3A_399] {strides = array<i32>} : memref<4x128x64xf32, #tpu.memory_space<vmem>>, vector<16xf32>,
        %parallel_loop3A_401 = vector.broadcast %parallel_loop3A_374 : f32 to vector<16xf32>
        %parallel_loop3A_402 = arith.mulf %parallel_loop3A_400, %parallel_loop3A_401 : vector<16xf32>
        %parallel_loop3A_403 = arith.index_cast %parallel_loop3A_130 : i32 to index
        %parallel_loop3A_404 = arith.index_cast %parallel_loop3A_376 : i32 to index
        %parallel_loop3A_405 = arith.constant 32 : index
        %parallel_loop3A_406 = tpu.vector_load %arg16[%parallel_loop3A_403, %parallel_loop3A_404, %parallel_loop3A_405] {strides = array<i32>} : memref<4x128x64xf32, #tpu.memory_space<vmem>>, vector<16xf32>,
        tpu.vector_store %arg16[%parallel_loop3A_403, %parallel_loop3A_404, %parallel_loop3A_405], %parallel_loop3A_402 {strides = array<i32>} : memref<4x128x64xf32, #tpu.memory_space<vmem>>, vector<16xf32>,
        %parallel_loop3A_407 = arith.index_cast %parallel_loop3A_130 : i32 to index
        %parallel_loop3A_408 = arith.index_cast %parallel_loop3A_376 : i32 to index
        %parallel_loop3A_409 = arith.constant 48 : index
        %parallel_loop3A_410 = tpu.vector_load %arg16[%parallel_loop3A_407, %parallel_loop3A_408, %parallel_loop3A_409] {strides = array<i32>} : memref<4x128x64xf32, #tpu.memory_space<vmem>>, vector<16xf32>,
        %parallel_loop3A_411 = vector.broadcast %parallel_loop3A_374 : f32 to vector<16xf32>
        %parallel_loop3A_412 = arith.mulf %parallel_loop3A_410, %parallel_loop3A_411 : vector<16xf32>
        %parallel_loop3A_413 = arith.index_cast %parallel_loop3A_130 : i32 to index
        %parallel_loop3A_414 = arith.index_cast %parallel_loop3A_376 : i32 to index
        %parallel_loop3A_415 = arith.constant 48 : index
        %parallel_loop3A_416 = tpu.vector_load %arg16[%parallel_loop3A_413, %parallel_loop3A_414, %parallel_loop3A_415] {strides = array<i32>} : memref<4x128x64xf32, #tpu.memory_space<vmem>>, vector<16xf32>,
        tpu.vector_store %arg16[%parallel_loop3A_413, %parallel_loop3A_414, %parallel_loop3A_415], %parallel_loop3A_412 {strides = array<i32>} : memref<4x128x64xf32, #tpu.memory_space<vmem>>, vector<16xf32>,
        %parallel_loop3A_417 = vector.extract_strided_slice %parallel_loop3A_149 {offsets = [6], sizes = [1], strides = [1]} : vector<16xf32> to vector<1xf32>
        %parallel_loop3A_418 = vector.extract %parallel_loop3A_417[0] : f32 from vector<1xf32>
        %parallel_loop3A_419 = arith.constant 6 : i32
        %parallel_loop3A_420 = arith.addi %parallel_loop3A_132, %parallel_loop3A_419 : i32
        %parallel_loop3A_421 = arith.index_cast %parallel_loop3A_130 : i32 to index
        %parallel_loop3A_422 = arith.index_cast %parallel_loop3A_420 : i32 to index
        %parallel_loop3A_423 = arith.constant 0 : index
        %parallel_loop3A_424 = tpu.vector_load %arg16[%parallel_loop3A_421, %parallel_loop3A_422, %parallel_loop3A_423] {strides = array<i32>} : memref<4x128x64xf32, #tpu.memory_space<vmem>>, vector<16xf32>,
        %parallel_loop3A_425 = vector.broadcast %parallel_loop3A_418 : f32 to vector<16xf32>
        %parallel_loop3A_426 = arith.mulf %parallel_loop3A_424, %parallel_loop3A_425 : vector<16xf32>
        %parallel_loop3A_427 = arith.index_cast %parallel_loop3A_130 : i32 to index
        %parallel_loop3A_428 = arith.index_cast %parallel_loop3A_420 : i32 to index
        %parallel_loop3A_429 = arith.constant 0 : index
        %parallel_loop3A_430 = tpu.vector_load %arg16[%parallel_loop3A_427, %parallel_loop3A_428, %parallel_loop3A_429] {strides = array<i32>} : memref<4x128x64xf32, #tpu.memory_space<vmem>>, vector<16xf32>,
        tpu.vector_store %arg16[%parallel_loop3A_427, %parallel_loop3A_428, %parallel_loop3A_429], %parallel_loop3A_426 {strides = array<i32>} : memref<4x128x64xf32, #tpu.memory_space<vmem>>, vector<16xf32>,
        %parallel_loop3A_431 = arith.index_cast %parallel_loop3A_130 : i32 to index
        %parallel_loop3A_432 = arith.index_cast %parallel_loop3A_420 : i32 to index
        %parallel_loop3A_433 = arith.constant 16 : index
        %parallel_loop3A_434 = tpu.vector_load %arg16[%parallel_loop3A_431, %parallel_loop3A_432, %parallel_loop3A_433] {strides = array<i32>} : memref<4x128x64xf32, #tpu.memory_space<vmem>>, vector<16xf32>,
        %parallel_loop3A_435 = vector.broadcast %parallel_loop3A_418 : f32 to vector<16xf32>
        %parallel_loop3A_436 = arith.mulf %parallel_loop3A_434, %parallel_loop3A_435 : vector<16xf32>
        %parallel_loop3A_437 = arith.index_cast %parallel_loop3A_130 : i32 to index
        %parallel_loop3A_438 = arith.index_cast %parallel_loop3A_420 : i32 to index
        %parallel_loop3A_439 = arith.constant 16 : index
        %parallel_loop3A_440 = tpu.vector_load %arg16[%parallel_loop3A_437, %parallel_loop3A_438, %parallel_loop3A_439] {strides = array<i32>} : memref<4x128x64xf32, #tpu.memory_space<vmem>>, vector<16xf32>,
        tpu.vector_store %arg16[%parallel_loop3A_437, %parallel_loop3A_438, %parallel_loop3A_439], %parallel_loop3A_436 {strides = array<i32>} : memref<4x128x64xf32, #tpu.memory_space<vmem>>, vector<16xf32>,
        %parallel_loop3A_441 = arith.index_cast %parallel_loop3A_130 : i32 to index
        %parallel_loop3A_442 = arith.index_cast %parallel_loop3A_420 : i32 to index
        %parallel_loop3A_443 = arith.constant 32 : index
        %parallel_loop3A_444 = tpu.vector_load %arg16[%parallel_loop3A_441, %parallel_loop3A_442, %parallel_loop3A_443] {strides = array<i32>} : memref<4x128x64xf32, #tpu.memory_space<vmem>>, vector<16xf32>,
        %parallel_loop3A_445 = vector.broadcast %parallel_loop3A_418 : f32 to vector<16xf32>
        %parallel_loop3A_446 = arith.mulf %parallel_loop3A_444, %parallel_loop3A_445 : vector<16xf32>
        %parallel_loop3A_447 = arith.index_cast %parallel_loop3A_130 : i32 to index
        %parallel_loop3A_448 = arith.index_cast %parallel_loop3A_420 : i32 to index
        %parallel_loop3A_449 = arith.constant 32 : index
        %parallel_loop3A_450 = tpu.vector_load %arg16[%parallel_loop3A_447, %parallel_loop3A_448, %parallel_loop3A_449] {strides = array<i32>} : memref<4x128x64xf32, #tpu.memory_space<vmem>>, vector<16xf32>,
        tpu.vector_store %arg16[%parallel_loop3A_447, %parallel_loop3A_448, %parallel_loop3A_449], %parallel_loop3A_446 {strides = array<i32>} : memref<4x128x64xf32, #tpu.memory_space<vmem>>, vector<16xf32>,
        %parallel_loop3A_451 = arith.index_cast %parallel_loop3A_130 : i32 to index
        %parallel_loop3A_452 = arith.index_cast %parallel_loop3A_420 : i32 to index
        %parallel_loop3A_453 = arith.constant 48 : index
        %parallel_loop3A_454 = tpu.vector_load %arg16[%parallel_loop3A_451, %parallel_loop3A_452, %parallel_loop3A_453] {strides = array<i32>} : memref<4x128x64xf32, #tpu.memory_space<vmem>>, vector<16xf32>,
        %parallel_loop3A_455 = vector.broadcast %parallel_loop3A_418 : f32 to vector<16xf32>
        %parallel_loop3A_456 = arith.mulf %parallel_loop3A_454, %parallel_loop3A_455 : vector<16xf32>
        %parallel_loop3A_457 = arith.index_cast %parallel_loop3A_130 : i32 to index
        %parallel_loop3A_458 = arith.index_cast %parallel_loop3A_420 : i32 to index
        %parallel_loop3A_459 = arith.constant 48 : index
        %parallel_loop3A_460 = tpu.vector_load %arg16[%parallel_loop3A_457, %parallel_loop3A_458, %parallel_loop3A_459] {strides = array<i32>} : memref<4x128x64xf32, #tpu.memory_space<vmem>>, vector<16xf32>,
        tpu.vector_store %arg16[%parallel_loop3A_457, %parallel_loop3A_458, %parallel_loop3A_459], %parallel_loop3A_456 {strides = array<i32>} : memref<4x128x64xf32, #tpu.memory_space<vmem>>, vector<16xf32>,
        %parallel_loop3A_461 = vector.extract_strided_slice %parallel_loop3A_149 {offsets = [7], sizes = [1], strides = [1]} : vector<16xf32> to vector<1xf32>
        %parallel_loop3A_462 = vector.extract %parallel_loop3A_461[0] : f32 from vector<1xf32>
        %parallel_loop3A_463 = arith.constant 7 : i32
        %parallel_loop3A_464 = arith.addi %parallel_loop3A_132, %parallel_loop3A_463 : i32
        %parallel_loop3A_465 = arith.index_cast %parallel_loop3A_130 : i32 to index
        %parallel_loop3A_466 = arith.index_cast %parallel_loop3A_464 : i32 to index
        %parallel_loop3A_467 = arith.constant 0 : index
        %parallel_loop3A_468 = tpu.vector_load %arg16[%parallel_loop3A_465, %parallel_loop3A_466, %parallel_loop3A_467] {strides = array<i32>} : memref<4x128x64xf32, #tpu.memory_space<vmem>>, vector<16xf32>,
        %parallel_loop3A_469 = vector.broadcast %parallel_loop3A_462 : f32 to vector<16xf32>
        %parallel_loop3A_470 = arith.mulf %parallel_loop3A_468, %parallel_loop3A_469 : vector<16xf32>
        %parallel_loop3A_471 = arith.index_cast %parallel_loop3A_130 : i32 to index
        %parallel_loop3A_472 = arith.index_cast %parallel_loop3A_464 : i32 to index
        %parallel_loop3A_473 = arith.constant 0 : index
        %parallel_loop3A_474 = tpu.vector_load %arg16[%parallel_loop3A_471, %parallel_loop3A_472, %parallel_loop3A_473] {strides = array<i32>} : memref<4x128x64xf32, #tpu.memory_space<vmem>>, vector<16xf32>,
        tpu.vector_store %arg16[%parallel_loop3A_471, %parallel_loop3A_472, %parallel_loop3A_473], %parallel_loop3A_470 {strides = array<i32>} : memref<4x128x64xf32, #tpu.memory_space<vmem>>, vector<16xf32>,
        %parallel_loop3A_475 = arith.index_cast %parallel_loop3A_130 : i32 to index
        %parallel_loop3A_476 = arith.index_cast %parallel_loop3A_464 : i32 to index
        %parallel_loop3A_477 = arith.constant 16 : index
        %parallel_loop3A_478 = tpu.vector_load %arg16[%parallel_loop3A_475, %parallel_loop3A_476, %parallel_loop3A_477] {strides = array<i32>} : memref<4x128x64xf32, #tpu.memory_space<vmem>>, vector<16xf32>,
        %parallel_loop3A_479 = vector.broadcast %parallel_loop3A_462 : f32 to vector<16xf32>
        %parallel_loop3A_480 = arith.mulf %parallel_loop3A_478, %parallel_loop3A_479 : vector<16xf32>
        %parallel_loop3A_481 = arith.index_cast %parallel_loop3A_130 : i32 to index
        %parallel_loop3A_482 = arith.index_cast %parallel_loop3A_464 : i32 to index
        %parallel_loop3A_483 = arith.constant 16 : index
        %parallel_loop3A_484 = tpu.vector_load %arg16[%parallel_loop3A_481, %parallel_loop3A_482, %parallel_loop3A_483] {strides = array<i32>} : memref<4x128x64xf32, #tpu.memory_space<vmem>>, vector<16xf32>,
        tpu.vector_store %arg16[%parallel_loop3A_481, %parallel_loop3A_482, %parallel_loop3A_483], %parallel_loop3A_480 {strides = array<i32>} : memref<4x128x64xf32, #tpu.memory_space<vmem>>, vector<16xf32>,
        %parallel_loop3A_485 = arith.index_cast %parallel_loop3A_130 : i32 to index
        %parallel_loop3A_486 = arith.index_cast %parallel_loop3A_464 : i32 to index
        %parallel_loop3A_487 = arith.constant 32 : index
        %parallel_loop3A_488 = tpu.vector_load %arg16[%parallel_loop3A_485, %parallel_loop3A_486, %parallel_loop3A_487] {strides = array<i32>} : memref<4x128x64xf32, #tpu.memory_space<vmem>>, vector<16xf32>,
        %parallel_loop3A_489 = vector.broadcast %parallel_loop3A_462 : f32 to vector<16xf32>
        %parallel_loop3A_490 = arith.mulf %parallel_loop3A_488, %parallel_loop3A_489 : vector<16xf32>
        %parallel_loop3A_491 = arith.index_cast %parallel_loop3A_130 : i32 to index
        %parallel_loop3A_492 = arith.index_cast %parallel_loop3A_464 : i32 to index
        %parallel_loop3A_493 = arith.constant 32 : index
        %parallel_loop3A_494 = tpu.vector_load %arg16[%parallel_loop3A_491, %parallel_loop3A_492, %parallel_loop3A_493] {strides = array<i32>} : memref<4x128x64xf32, #tpu.memory_space<vmem>>, vector<16xf32>,
        tpu.vector_store %arg16[%parallel_loop3A_491, %parallel_loop3A_492, %parallel_loop3A_493], %parallel_loop3A_490 {strides = array<i32>} : memref<4x128x64xf32, #tpu.memory_space<vmem>>, vector<16xf32>,
        %parallel_loop3A_495 = arith.index_cast %parallel_loop3A_130 : i32 to index
        %parallel_loop3A_496 = arith.index_cast %parallel_loop3A_464 : i32 to index
        %parallel_loop3A_497 = arith.constant 48 : index
        %parallel_loop3A_498 = tpu.vector_load %arg16[%parallel_loop3A_495, %parallel_loop3A_496, %parallel_loop3A_497] {strides = array<i32>} : memref<4x128x64xf32, #tpu.memory_space<vmem>>, vector<16xf32>,
        %parallel_loop3A_499 = vector.broadcast %parallel_loop3A_462 : f32 to vector<16xf32>
        %parallel_loop3A_500 = arith.mulf %parallel_loop3A_498, %parallel_loop3A_499 : vector<16xf32>
        %parallel_loop3A_501 = arith.index_cast %parallel_loop3A_130 : i32 to index
        %parallel_loop3A_502 = arith.index_cast %parallel_loop3A_464 : i32 to index
        %parallel_loop3A_503 = arith.constant 48 : index
        %parallel_loop3A_504 = tpu.vector_load %arg16[%parallel_loop3A_501, %parallel_loop3A_502, %parallel_loop3A_503] {strides = array<i32>} : memref<4x128x64xf32, #tpu.memory_space<vmem>>, vector<16xf32>,
        tpu.vector_store %arg16[%parallel_loop3A_501, %parallel_loop3A_502, %parallel_loop3A_503], %parallel_loop3A_500 {strides = array<i32>} : memref<4x128x64xf32, #tpu.memory_space<vmem>>, vector<16xf32>,
        %parallel_loop3A_505 = vector.extract_strided_slice %parallel_loop3A_149 {offsets = [8], sizes = [1], strides = [1]} : vector<16xf32> to vector<1xf32>
        %parallel_loop3A_506 = vector.extract %parallel_loop3A_505[0] : f32 from vector<1xf32>
        %parallel_loop3A_507 = arith.constant 8 : i32
        %parallel_loop3A_508 = arith.addi %parallel_loop3A_132, %parallel_loop3A_507 : i32
        %parallel_loop3A_509 = arith.index_cast %parallel_loop3A_130 : i32 to index
        %parallel_loop3A_510 = arith.index_cast %parallel_loop3A_508 : i32 to index
        %parallel_loop3A_511 = arith.constant 0 : index
        %parallel_loop3A_512 = tpu.vector_load %arg16[%parallel_loop3A_509, %parallel_loop3A_510, %parallel_loop3A_511] {strides = array<i32>} : memref<4x128x64xf32, #tpu.memory_space<vmem>>, vector<16xf32>,
        %parallel_loop3A_513 = vector.broadcast %parallel_loop3A_506 : f32 to vector<16xf32>
        %parallel_loop3A_514 = arith.mulf %parallel_loop3A_512, %parallel_loop3A_513 : vector<16xf32>
        %parallel_loop3A_515 = arith.index_cast %parallel_loop3A_130 : i32 to index
        %parallel_loop3A_516 = arith.index_cast %parallel_loop3A_508 : i32 to index
        %parallel_loop3A_517 = arith.constant 0 : index
        %parallel_loop3A_518 = tpu.vector_load %arg16[%parallel_loop3A_515, %parallel_loop3A_516, %parallel_loop3A_517] {strides = array<i32>} : memref<4x128x64xf32, #tpu.memory_space<vmem>>, vector<16xf32>,
        tpu.vector_store %arg16[%parallel_loop3A_515, %parallel_loop3A_516, %parallel_loop3A_517], %parallel_loop3A_514 {strides = array<i32>} : memref<4x128x64xf32, #tpu.memory_space<vmem>>, vector<16xf32>,
        %parallel_loop3A_519 = arith.index_cast %parallel_loop3A_130 : i32 to index
        %parallel_loop3A_520 = arith.index_cast %parallel_loop3A_508 : i32 to index
        %parallel_loop3A_521 = arith.constant 16 : index
        %parallel_loop3A_522 = tpu.vector_load %arg16[%parallel_loop3A_519, %parallel_loop3A_520, %parallel_loop3A_521] {strides = array<i32>} : memref<4x128x64xf32, #tpu.memory_space<vmem>>, vector<16xf32>,
        %parallel_loop3A_523 = vector.broadcast %parallel_loop3A_506 : f32 to vector<16xf32>
        %parallel_loop3A_524 = arith.mulf %parallel_loop3A_522, %parallel_loop3A_523 : vector<16xf32>
        %parallel_loop3A_525 = arith.index_cast %parallel_loop3A_130 : i32 to index
        %parallel_loop3A_526 = arith.index_cast %parallel_loop3A_508 : i32 to index
        %parallel_loop3A_527 = arith.constant 16 : index
        %parallel_loop3A_528 = tpu.vector_load %arg16[%parallel_loop3A_525, %parallel_loop3A_526, %parallel_loop3A_527] {strides = array<i32>} : memref<4x128x64xf32, #tpu.memory_space<vmem>>, vector<16xf32>,
        tpu.vector_store %arg16[%parallel_loop3A_525, %parallel_loop3A_526, %parallel_loop3A_527], %parallel_loop3A_524 {strides = array<i32>} : memref<4x128x64xf32, #tpu.memory_space<vmem>>, vector<16xf32>,
        %parallel_loop3A_529 = arith.index_cast %parallel_loop3A_130 : i32 to index
        %parallel_loop3A_530 = arith.index_cast %parallel_loop3A_508 : i32 to index
        %parallel_loop3A_531 = arith.constant 32 : index
        %parallel_loop3A_532 = tpu.vector_load %arg16[%parallel_loop3A_529, %parallel_loop3A_530, %parallel_loop3A_531] {strides = array<i32>} : memref<4x128x64xf32, #tpu.memory_space<vmem>>, vector<16xf32>,
        %parallel_loop3A_533 = vector.broadcast %parallel_loop3A_506 : f32 to vector<16xf32>
        %parallel_loop3A_534 = arith.mulf %parallel_loop3A_532, %parallel_loop3A_533 : vector<16xf32>
        %parallel_loop3A_535 = arith.index_cast %parallel_loop3A_130 : i32 to index
        %parallel_loop3A_536 = arith.index_cast %parallel_loop3A_508 : i32 to index
        %parallel_loop3A_537 = arith.constant 32 : index
        %parallel_loop3A_538 = tpu.vector_load %arg16[%parallel_loop3A_535, %parallel_loop3A_536, %parallel_loop3A_537] {strides = array<i32>} : memref<4x128x64xf32, #tpu.memory_space<vmem>>, vector<16xf32>,
        tpu.vector_store %arg16[%parallel_loop3A_535, %parallel_loop3A_536, %parallel_loop3A_537], %parallel_loop3A_534 {strides = array<i32>} : memref<4x128x64xf32, #tpu.memory_space<vmem>>, vector<16xf32>,
        %parallel_loop3A_539 = arith.index_cast %parallel_loop3A_130 : i32 to index
        %parallel_loop3A_540 = arith.index_cast %parallel_loop3A_508 : i32 to index
        %parallel_loop3A_541 = arith.constant 48 : index
        %parallel_loop3A_542 = tpu.vector_load %arg16[%parallel_loop3A_539, %parallel_loop3A_540, %parallel_loop3A_541] {strides = array<i32>} : memref<4x128x64xf32, #tpu.memory_space<vmem>>, vector<16xf32>,
        %parallel_loop3A_543 = vector.broadcast %parallel_loop3A_506 : f32 to vector<16xf32>
        %parallel_loop3A_544 = arith.mulf %parallel_loop3A_542, %parallel_loop3A_543 : vector<16xf32>
        %parallel_loop3A_545 = arith.index_cast %parallel_loop3A_130 : i32 to index
        %parallel_loop3A_546 = arith.index_cast %parallel_loop3A_508 : i32 to index
        %parallel_loop3A_547 = arith.constant 48 : index
        %parallel_loop3A_548 = tpu.vector_load %arg16[%parallel_loop3A_545, %parallel_loop3A_546, %parallel_loop3A_547] {strides = array<i32>} : memref<4x128x64xf32, #tpu.memory_space<vmem>>, vector<16xf32>,
        tpu.vector_store %arg16[%parallel_loop3A_545, %parallel_loop3A_546, %parallel_loop3A_547], %parallel_loop3A_544 {strides = array<i32>} : memref<4x128x64xf32, #tpu.memory_space<vmem>>, vector<16xf32>,
        %parallel_loop3A_549 = vector.extract_strided_slice %parallel_loop3A_149 {offsets = [9], sizes = [1], strides = [1]} : vector<16xf32> to vector<1xf32>
        %parallel_loop3A_550 = vector.extract %parallel_loop3A_549[0] : f32 from vector<1xf32>
        %parallel_loop3A_551 = arith.constant 9 : i32
        %parallel_loop3A_552 = arith.addi %parallel_loop3A_132, %parallel_loop3A_551 : i32
        %parallel_loop3A_553 = arith.index_cast %parallel_loop3A_130 : i32 to index
        %parallel_loop3A_554 = arith.index_cast %parallel_loop3A_552 : i32 to index
        %parallel_loop3A_555 = arith.constant 0 : index
        %parallel_loop3A_556 = tpu.vector_load %arg16[%parallel_loop3A_553, %parallel_loop3A_554, %parallel_loop3A_555] {strides = array<i32>} : memref<4x128x64xf32, #tpu.memory_space<vmem>>, vector<16xf32>,
        %parallel_loop3A_557 = vector.broadcast %parallel_loop3A_550 : f32 to vector<16xf32>
        %parallel_loop3A_558 = arith.mulf %parallel_loop3A_556, %parallel_loop3A_557 : vector<16xf32>
        %parallel_loop3A_559 = arith.index_cast %parallel_loop3A_130 : i32 to index
        %parallel_loop3A_560 = arith.index_cast %parallel_loop3A_552 : i32 to index
        %parallel_loop3A_561 = arith.constant 0 : index
        %parallel_loop3A_562 = tpu.vector_load %arg16[%parallel_loop3A_559, %parallel_loop3A_560, %parallel_loop3A_561] {strides = array<i32>} : memref<4x128x64xf32, #tpu.memory_space<vmem>>, vector<16xf32>,
        tpu.vector_store %arg16[%parallel_loop3A_559, %parallel_loop3A_560, %parallel_loop3A_561], %parallel_loop3A_558 {strides = array<i32>} : memref<4x128x64xf32, #tpu.memory_space<vmem>>, vector<16xf32>,
        %parallel_loop3A_563 = arith.index_cast %parallel_loop3A_130 : i32 to index
        %parallel_loop3A_564 = arith.index_cast %parallel_loop3A_552 : i32 to index
        %parallel_loop3A_565 = arith.constant 16 : index
        %parallel_loop3A_566 = tpu.vector_load %arg16[%parallel_loop3A_563, %parallel_loop3A_564, %parallel_loop3A_565] {strides = array<i32>} : memref<4x128x64xf32, #tpu.memory_space<vmem>>, vector<16xf32>,
        %parallel_loop3A_567 = vector.broadcast %parallel_loop3A_550 : f32 to vector<16xf32>
        %parallel_loop3A_568 = arith.mulf %parallel_loop3A_566, %parallel_loop3A_567 : vector<16xf32>
        %parallel_loop3A_569 = arith.index_cast %parallel_loop3A_130 : i32 to index
        %parallel_loop3A_570 = arith.index_cast %parallel_loop3A_552 : i32 to index
        %parallel_loop3A_571 = arith.constant 16 : index
        %parallel_loop3A_572 = tpu.vector_load %arg16[%parallel_loop3A_569, %parallel_loop3A_570, %parallel_loop3A_571] {strides = array<i32>} : memref<4x128x64xf32, #tpu.memory_space<vmem>>, vector<16xf32>,
        tpu.vector_store %arg16[%parallel_loop3A_569, %parallel_loop3A_570, %parallel_loop3A_571], %parallel_loop3A_568 {strides = array<i32>} : memref<4x128x64xf32, #tpu.memory_space<vmem>>, vector<16xf32>,
        %parallel_loop3A_573 = arith.index_cast %parallel_loop3A_130 : i32 to index
        %parallel_loop3A_574 = arith.index_cast %parallel_loop3A_552 : i32 to index
        %parallel_loop3A_575 = arith.constant 32 : index
        %parallel_loop3A_576 = tpu.vector_load %arg16[%parallel_loop3A_573, %parallel_loop3A_574, %parallel_loop3A_575] {strides = array<i32>} : memref<4x128x64xf32, #tpu.memory_space<vmem>>, vector<16xf32>,
        %parallel_loop3A_577 = vector.broadcast %parallel_loop3A_550 : f32 to vector<16xf32>
        %parallel_loop3A_578 = arith.mulf %parallel_loop3A_576, %parallel_loop3A_577 : vector<16xf32>
        %parallel_loop3A_579 = arith.index_cast %parallel_loop3A_130 : i32 to index
        %parallel_loop3A_580 = arith.index_cast %parallel_loop3A_552 : i32 to index
        %parallel_loop3A_581 = arith.constant 32 : index
        %parallel_loop3A_582 = tpu.vector_load %arg16[%parallel_loop3A_579, %parallel_loop3A_580, %parallel_loop3A_581] {strides = array<i32>} : memref<4x128x64xf32, #tpu.memory_space<vmem>>, vector<16xf32>,
        tpu.vector_store %arg16[%parallel_loop3A_579, %parallel_loop3A_580, %parallel_loop3A_581], %parallel_loop3A_578 {strides = array<i32>} : memref<4x128x64xf32, #tpu.memory_space<vmem>>, vector<16xf32>,
        %parallel_loop3A_583 = arith.index_cast %parallel_loop3A_130 : i32 to index
        %parallel_loop3A_584 = arith.index_cast %parallel_loop3A_552 : i32 to index
        %parallel_loop3A_585 = arith.constant 48 : index
        %parallel_loop3A_586 = tpu.vector_load %arg16[%parallel_loop3A_583, %parallel_loop3A_584, %parallel_loop3A_585] {strides = array<i32>} : memref<4x128x64xf32, #tpu.memory_space<vmem>>, vector<16xf32>,
        %parallel_loop3A_587 = vector.broadcast %parallel_loop3A_550 : f32 to vector<16xf32>
        %parallel_loop3A_588 = arith.mulf %parallel_loop3A_586, %parallel_loop3A_587 : vector<16xf32>
        %parallel_loop3A_589 = arith.index_cast %parallel_loop3A_130 : i32 to index
        %parallel_loop3A_590 = arith.index_cast %parallel_loop3A_552 : i32 to index
        %parallel_loop3A_591 = arith.constant 48 : index
        %parallel_loop3A_592 = tpu.vector_load %arg16[%parallel_loop3A_589, %parallel_loop3A_590, %parallel_loop3A_591] {strides = array<i32>} : memref<4x128x64xf32, #tpu.memory_space<vmem>>, vector<16xf32>,
        tpu.vector_store %arg16[%parallel_loop3A_589, %parallel_loop3A_590, %parallel_loop3A_591], %parallel_loop3A_588 {strides = array<i32>} : memref<4x128x64xf32, #tpu.memory_space<vmem>>, vector<16xf32>,
        %parallel_loop3A_593 = vector.extract_strided_slice %parallel_loop3A_149 {offsets = [10], sizes = [1], strides = [1]} : vector<16xf32> to vector<1xf32>
        %parallel_loop3A_594 = vector.extract %parallel_loop3A_593[0] : f32 from vector<1xf32>
        %parallel_loop3A_595 = arith.constant 10 : i32
        %parallel_loop3A_596 = arith.addi %parallel_loop3A_132, %parallel_loop3A_595 : i32
        %parallel_loop3A_597 = arith.index_cast %parallel_loop3A_130 : i32 to index
        %parallel_loop3A_598 = arith.index_cast %parallel_loop3A_596 : i32 to index
        %parallel_loop3A_599 = arith.constant 0 : index
        %parallel_loop3A_600 = tpu.vector_load %arg16[%parallel_loop3A_597, %parallel_loop3A_598, %parallel_loop3A_599] {strides = array<i32>} : memref<4x128x64xf32, #tpu.memory_space<vmem>>, vector<16xf32>,
        %parallel_loop3A_601 = vector.broadcast %parallel_loop3A_594 : f32 to vector<16xf32>
        %parallel_loop3A_602 = arith.mulf %parallel_loop3A_600, %parallel_loop3A_601 : vector<16xf32>
        %parallel_loop3A_603 = arith.index_cast %parallel_loop3A_130 : i32 to index
        %parallel_loop3A_604 = arith.index_cast %parallel_loop3A_596 : i32 to index
        %parallel_loop3A_605 = arith.constant 0 : index
        %parallel_loop3A_606 = tpu.vector_load %arg16[%parallel_loop3A_603, %parallel_loop3A_604, %parallel_loop3A_605] {strides = array<i32>} : memref<4x128x64xf32, #tpu.memory_space<vmem>>, vector<16xf32>,
        tpu.vector_store %arg16[%parallel_loop3A_603, %parallel_loop3A_604, %parallel_loop3A_605], %parallel_loop3A_602 {strides = array<i32>} : memref<4x128x64xf32, #tpu.memory_space<vmem>>, vector<16xf32>,
        %parallel_loop3A_607 = arith.index_cast %parallel_loop3A_130 : i32 to index
        %parallel_loop3A_608 = arith.index_cast %parallel_loop3A_596 : i32 to index
        %parallel_loop3A_609 = arith.constant 16 : index
        %parallel_loop3A_610 = tpu.vector_load %arg16[%parallel_loop3A_607, %parallel_loop3A_608, %parallel_loop3A_609] {strides = array<i32>} : memref<4x128x64xf32, #tpu.memory_space<vmem>>, vector<16xf32>,
        %parallel_loop3A_611 = vector.broadcast %parallel_loop3A_594 : f32 to vector<16xf32>
        %parallel_loop3A_612 = arith.mulf %parallel_loop3A_610, %parallel_loop3A_611 : vector<16xf32>
        %parallel_loop3A_613 = arith.index_cast %parallel_loop3A_130 : i32 to index
        %parallel_loop3A_614 = arith.index_cast %parallel_loop3A_596 : i32 to index
        %parallel_loop3A_615 = arith.constant 16 : index
        %parallel_loop3A_616 = tpu.vector_load %arg16[%parallel_loop3A_613, %parallel_loop3A_614, %parallel_loop3A_615] {strides = array<i32>} : memref<4x128x64xf32, #tpu.memory_space<vmem>>, vector<16xf32>,
        tpu.vector_store %arg16[%parallel_loop3A_613, %parallel_loop3A_614, %parallel_loop3A_615], %parallel_loop3A_612 {strides = array<i32>} : memref<4x128x64xf32, #tpu.memory_space<vmem>>, vector<16xf32>,
        %parallel_loop3A_617 = arith.index_cast %parallel_loop3A_130 : i32 to index
        %parallel_loop3A_618 = arith.index_cast %parallel_loop3A_596 : i32 to index
        %parallel_loop3A_619 = arith.constant 32 : index
        %parallel_loop3A_620 = tpu.vector_load %arg16[%parallel_loop3A_617, %parallel_loop3A_618, %parallel_loop3A_619] {strides = array<i32>} : memref<4x128x64xf32, #tpu.memory_space<vmem>>, vector<16xf32>,
        %parallel_loop3A_621 = vector.broadcast %parallel_loop3A_594 : f32 to vector<16xf32>
        %parallel_loop3A_622 = arith.mulf %parallel_loop3A_620, %parallel_loop3A_621 : vector<16xf32>
        %parallel_loop3A_623 = arith.index_cast %parallel_loop3A_130 : i32 to index
        %parallel_loop3A_624 = arith.index_cast %parallel_loop3A_596 : i32 to index
        %parallel_loop3A_625 = arith.constant 32 : index
        %parallel_loop3A_626 = tpu.vector_load %arg16[%parallel_loop3A_623, %parallel_loop3A_624, %parallel_loop3A_625] {strides = array<i32>} : memref<4x128x64xf32, #tpu.memory_space<vmem>>, vector<16xf32>,
        tpu.vector_store %arg16[%parallel_loop3A_623, %parallel_loop3A_624, %parallel_loop3A_625], %parallel_loop3A_622 {strides = array<i32>} : memref<4x128x64xf32, #tpu.memory_space<vmem>>, vector<16xf32>,
        %parallel_loop3A_627 = arith.index_cast %parallel_loop3A_130 : i32 to index
        %parallel_loop3A_628 = arith.index_cast %parallel_loop3A_596 : i32 to index
        %parallel_loop3A_629 = arith.constant 48 : index
        %parallel_loop3A_630 = tpu.vector_load %arg16[%parallel_loop3A_627, %parallel_loop3A_628, %parallel_loop3A_629] {strides = array<i32>} : memref<4x128x64xf32, #tpu.memory_space<vmem>>, vector<16xf32>,
        %parallel_loop3A_631 = vector.broadcast %parallel_loop3A_594 : f32 to vector<16xf32>
        %parallel_loop3A_632 = arith.mulf %parallel_loop3A_630, %parallel_loop3A_631 : vector<16xf32>
        %parallel_loop3A_633 = arith.index_cast %parallel_loop3A_130 : i32 to index
        %parallel_loop3A_634 = arith.index_cast %parallel_loop3A_596 : i32 to index
        %parallel_loop3A_635 = arith.constant 48 : index
        %parallel_loop3A_636 = tpu.vector_load %arg16[%parallel_loop3A_633, %parallel_loop3A_634, %parallel_loop3A_635] {strides = array<i32>} : memref<4x128x64xf32, #tpu.memory_space<vmem>>, vector<16xf32>,
        tpu.vector_store %arg16[%parallel_loop3A_633, %parallel_loop3A_634, %parallel_loop3A_635], %parallel_loop3A_632 {strides = array<i32>} : memref<4x128x64xf32, #tpu.memory_space<vmem>>, vector<16xf32>,
        %parallel_loop3A_637 = vector.extract_strided_slice %parallel_loop3A_149 {offsets = [11], sizes = [1], strides = [1]} : vector<16xf32> to vector<1xf32>
        %parallel_loop3A_638 = vector.extract %parallel_loop3A_637[0] : f32 from vector<1xf32>
        %parallel_loop3A_639 = arith.constant 11 : i32
        %parallel_loop3A_640 = arith.addi %parallel_loop3A_132, %parallel_loop3A_639 : i32
        %parallel_loop3A_641 = arith.index_cast %parallel_loop3A_130 : i32 to index
        %parallel_loop3A_642 = arith.index_cast %parallel_loop3A_640 : i32 to index
        %parallel_loop3A_643 = arith.constant 0 : index
        %parallel_loop3A_644 = tpu.vector_load %arg16[%parallel_loop3A_641, %parallel_loop3A_642, %parallel_loop3A_643] {strides = array<i32>} : memref<4x128x64xf32, #tpu.memory_space<vmem>>, vector<16xf32>,
        %parallel_loop3A_645 = vector.broadcast %parallel_loop3A_638 : f32 to vector<16xf32>
        %parallel_loop3A_646 = arith.mulf %parallel_loop3A_644, %parallel_loop3A_645 : vector<16xf32>
        %parallel_loop3A_647 = arith.index_cast %parallel_loop3A_130 : i32 to index
        %parallel_loop3A_648 = arith.index_cast %parallel_loop3A_640 : i32 to index
        %parallel_loop3A_649 = arith.constant 0 : index
        %parallel_loop3A_650 = tpu.vector_load %arg16[%parallel_loop3A_647, %parallel_loop3A_648, %parallel_loop3A_649] {strides = array<i32>} : memref<4x128x64xf32, #tpu.memory_space<vmem>>, vector<16xf32>,
        tpu.vector_store %arg16[%parallel_loop3A_647, %parallel_loop3A_648, %parallel_loop3A_649], %parallel_loop3A_646 {strides = array<i32>} : memref<4x128x64xf32, #tpu.memory_space<vmem>>, vector<16xf32>,
        %parallel_loop3A_651 = arith.index_cast %parallel_loop3A_130 : i32 to index
        %parallel_loop3A_652 = arith.index_cast %parallel_loop3A_640 : i32 to index
        %parallel_loop3A_653 = arith.constant 16 : index
        %parallel_loop3A_654 = tpu.vector_load %arg16[%parallel_loop3A_651, %parallel_loop3A_652, %parallel_loop3A_653] {strides = array<i32>} : memref<4x128x64xf32, #tpu.memory_space<vmem>>, vector<16xf32>,
        %parallel_loop3A_655 = vector.broadcast %parallel_loop3A_638 : f32 to vector<16xf32>
        %parallel_loop3A_656 = arith.mulf %parallel_loop3A_654, %parallel_loop3A_655 : vector<16xf32>
        %parallel_loop3A_657 = arith.index_cast %parallel_loop3A_130 : i32 to index
        %parallel_loop3A_658 = arith.index_cast %parallel_loop3A_640 : i32 to index
        %parallel_loop3A_659 = arith.constant 16 : index
        %parallel_loop3A_660 = tpu.vector_load %arg16[%parallel_loop3A_657, %parallel_loop3A_658, %parallel_loop3A_659] {strides = array<i32>} : memref<4x128x64xf32, #tpu.memory_space<vmem>>, vector<16xf32>,
        tpu.vector_store %arg16[%parallel_loop3A_657, %parallel_loop3A_658, %parallel_loop3A_659], %parallel_loop3A_656 {strides = array<i32>} : memref<4x128x64xf32, #tpu.memory_space<vmem>>, vector<16xf32>,
        %parallel_loop3A_661 = arith.index_cast %parallel_loop3A_130 : i32 to index
        %parallel_loop3A_662 = arith.index_cast %parallel_loop3A_640 : i32 to index
        %parallel_loop3A_663 = arith.constant 32 : index
        %parallel_loop3A_664 = tpu.vector_load %arg16[%parallel_loop3A_661, %parallel_loop3A_662, %parallel_loop3A_663] {strides = array<i32>} : memref<4x128x64xf32, #tpu.memory_space<vmem>>, vector<16xf32>,
        %parallel_loop3A_665 = vector.broadcast %parallel_loop3A_638 : f32 to vector<16xf32>
        %parallel_loop3A_666 = arith.mulf %parallel_loop3A_664, %parallel_loop3A_665 : vector<16xf32>
        %parallel_loop3A_667 = arith.index_cast %parallel_loop3A_130 : i32 to index
        %parallel_loop3A_668 = arith.index_cast %parallel_loop3A_640 : i32 to index
        %parallel_loop3A_669 = arith.constant 32 : index
        %parallel_loop3A_670 = tpu.vector_load %arg16[%parallel_loop3A_667, %parallel_loop3A_668, %parallel_loop3A_669] {strides = array<i32>} : memref<4x128x64xf32, #tpu.memory_space<vmem>>, vector<16xf32>,
        tpu.vector_store %arg16[%parallel_loop3A_667, %parallel_loop3A_668, %parallel_loop3A_669], %parallel_loop3A_666 {strides = array<i32>} : memref<4x128x64xf32, #tpu.memory_space<vmem>>, vector<16xf32>,
        %parallel_loop3A_671 = arith.index_cast %parallel_loop3A_130 : i32 to index
        %parallel_loop3A_672 = arith.index_cast %parallel_loop3A_640 : i32 to index
        %parallel_loop3A_673 = arith.constant 48 : index
        %parallel_loop3A_674 = tpu.vector_load %arg16[%parallel_loop3A_671, %parallel_loop3A_672, %parallel_loop3A_673] {strides = array<i32>} : memref<4x128x64xf32, #tpu.memory_space<vmem>>, vector<16xf32>,
        %parallel_loop3A_675 = vector.broadcast %parallel_loop3A_638 : f32 to vector<16xf32>
        %parallel_loop3A_676 = arith.mulf %parallel_loop3A_674, %parallel_loop3A_675 : vector<16xf32>
        %parallel_loop3A_677 = arith.index_cast %parallel_loop3A_130 : i32 to index
        %parallel_loop3A_678 = arith.index_cast %parallel_loop3A_640 : i32 to index
        %parallel_loop3A_679 = arith.constant 48 : index
        %parallel_loop3A_680 = tpu.vector_load %arg16[%parallel_loop3A_677, %parallel_loop3A_678, %parallel_loop3A_679] {strides = array<i32>} : memref<4x128x64xf32, #tpu.memory_space<vmem>>, vector<16xf32>,
        tpu.vector_store %arg16[%parallel_loop3A_677, %parallel_loop3A_678, %parallel_loop3A_679], %parallel_loop3A_676 {strides = array<i32>} : memref<4x128x64xf32, #tpu.memory_space<vmem>>, vector<16xf32>,
        %parallel_loop3A_681 = vector.extract_strided_slice %parallel_loop3A_149 {offsets = [12], sizes = [1], strides = [1]} : vector<16xf32> to vector<1xf32>
        %parallel_loop3A_682 = vector.extract %parallel_loop3A_681[0] : f32 from vector<1xf32>
        %parallel_loop3A_683 = arith.constant 12 : i32
        %parallel_loop3A_684 = arith.addi %parallel_loop3A_132, %parallel_loop3A_683 : i32
        %parallel_loop3A_685 = arith.index_cast %parallel_loop3A_130 : i32 to index
        %parallel_loop3A_686 = arith.index_cast %parallel_loop3A_684 : i32 to index
        %parallel_loop3A_687 = arith.constant 0 : index
        %parallel_loop3A_688 = tpu.vector_load %arg16[%parallel_loop3A_685, %parallel_loop3A_686, %parallel_loop3A_687] {strides = array<i32>} : memref<4x128x64xf32, #tpu.memory_space<vmem>>, vector<16xf32>,
        %parallel_loop3A_689 = vector.broadcast %parallel_loop3A_682 : f32 to vector<16xf32>
        %parallel_loop3A_690 = arith.mulf %parallel_loop3A_688, %parallel_loop3A_689 : vector<16xf32>
        %parallel_loop3A_691 = arith.index_cast %parallel_loop3A_130 : i32 to index
        %parallel_loop3A_692 = arith.index_cast %parallel_loop3A_684 : i32 to index
        %parallel_loop3A_693 = arith.constant 0 : index
        %parallel_loop3A_694 = tpu.vector_load %arg16[%parallel_loop3A_691, %parallel_loop3A_692, %parallel_loop3A_693] {strides = array<i32>} : memref<4x128x64xf32, #tpu.memory_space<vmem>>, vector<16xf32>,
        tpu.vector_store %arg16[%parallel_loop3A_691, %parallel_loop3A_692, %parallel_loop3A_693], %parallel_loop3A_690 {strides = array<i32>} : memref<4x128x64xf32, #tpu.memory_space<vmem>>, vector<16xf32>,
        %parallel_loop3A_695 = arith.index_cast %parallel_loop3A_130 : i32 to index
        %parallel_loop3A_696 = arith.index_cast %parallel_loop3A_684 : i32 to index
        %parallel_loop3A_697 = arith.constant 16 : index
        %parallel_loop3A_698 = tpu.vector_load %arg16[%parallel_loop3A_695, %parallel_loop3A_696, %parallel_loop3A_697] {strides = array<i32>} : memref<4x128x64xf32, #tpu.memory_space<vmem>>, vector<16xf32>,
        %parallel_loop3A_699 = vector.broadcast %parallel_loop3A_682 : f32 to vector<16xf32>
        %parallel_loop3A_700 = arith.mulf %parallel_loop3A_698, %parallel_loop3A_699 : vector<16xf32>
        %parallel_loop3A_701 = arith.index_cast %parallel_loop3A_130 : i32 to index
        %parallel_loop3A_702 = arith.index_cast %parallel_loop3A_684 : i32 to index
        %parallel_loop3A_703 = arith.constant 16 : index
        %parallel_loop3A_704 = tpu.vector_load %arg16[%parallel_loop3A_701, %parallel_loop3A_702, %parallel_loop3A_703] {strides = array<i32>} : memref<4x128x64xf32, #tpu.memory_space<vmem>>, vector<16xf32>,
        tpu.vector_store %arg16[%parallel_loop3A_701, %parallel_loop3A_702, %parallel_loop3A_703], %parallel_loop3A_700 {strides = array<i32>} : memref<4x128x64xf32, #tpu.memory_space<vmem>>, vector<16xf32>,
        %parallel_loop3A_705 = arith.index_cast %parallel_loop3A_130 : i32 to index
        %parallel_loop3A_706 = arith.index_cast %parallel_loop3A_684 : i32 to index
        %parallel_loop3A_707 = arith.constant 32 : index
        %parallel_loop3A_708 = tpu.vector_load %arg16[%parallel_loop3A_705, %parallel_loop3A_706, %parallel_loop3A_707] {strides = array<i32>} : memref<4x128x64xf32, #tpu.memory_space<vmem>>, vector<16xf32>,
        %parallel_loop3A_709 = vector.broadcast %parallel_loop3A_682 : f32 to vector<16xf32>
        %parallel_loop3A_710 = arith.mulf %parallel_loop3A_708, %parallel_loop3A_709 : vector<16xf32>
        %parallel_loop3A_711 = arith.index_cast %parallel_loop3A_130 : i32 to index
        %parallel_loop3A_712 = arith.index_cast %parallel_loop3A_684 : i32 to index
        %parallel_loop3A_713 = arith.constant 32 : index
        %parallel_loop3A_714 = tpu.vector_load %arg16[%parallel_loop3A_711, %parallel_loop3A_712, %parallel_loop3A_713] {strides = array<i32>} : memref<4x128x64xf32, #tpu.memory_space<vmem>>, vector<16xf32>,
        tpu.vector_store %arg16[%parallel_loop3A_711, %parallel_loop3A_712, %parallel_loop3A_713], %parallel_loop3A_710 {strides = array<i32>} : memref<4x128x64xf32, #tpu.memory_space<vmem>>, vector<16xf32>,
        %parallel_loop3A_715 = arith.index_cast %parallel_loop3A_130 : i32 to index
        %parallel_loop3A_716 = arith.index_cast %parallel_loop3A_684 : i32 to index
        %parallel_loop3A_717 = arith.constant 48 : index
        %parallel_loop3A_718 = tpu.vector_load %arg16[%parallel_loop3A_715, %parallel_loop3A_716, %parallel_loop3A_717] {strides = array<i32>} : memref<4x128x64xf32, #tpu.memory_space<vmem>>, vector<16xf32>,
        %parallel_loop3A_719 = vector.broadcast %parallel_loop3A_682 : f32 to vector<16xf32>
        %parallel_loop3A_720 = arith.mulf %parallel_loop3A_718, %parallel_loop3A_719 : vector<16xf32>
        %parallel_loop3A_721 = arith.index_cast %parallel_loop3A_130 : i32 to index
        %parallel_loop3A_722 = arith.index_cast %parallel_loop3A_684 : i32 to index
        %parallel_loop3A_723 = arith.constant 48 : index
        %parallel_loop3A_724 = tpu.vector_load %arg16[%parallel_loop3A_721, %parallel_loop3A_722, %parallel_loop3A_723] {strides = array<i32>} : memref<4x128x64xf32, #tpu.memory_space<vmem>>, vector<16xf32>,
        tpu.vector_store %arg16[%parallel_loop3A_721, %parallel_loop3A_722, %parallel_loop3A_723], %parallel_loop3A_720 {strides = array<i32>} : memref<4x128x64xf32, #tpu.memory_space<vmem>>, vector<16xf32>,
        %parallel_loop3A_725 = vector.extract_strided_slice %parallel_loop3A_149 {offsets = [13], sizes = [1], strides = [1]} : vector<16xf32> to vector<1xf32>
        %parallel_loop3A_726 = vector.extract %parallel_loop3A_725[0] : f32 from vector<1xf32>
        %parallel_loop3A_727 = arith.constant 13 : i32
        %parallel_loop3A_728 = arith.addi %parallel_loop3A_132, %parallel_loop3A_727 : i32
        %parallel_loop3A_729 = arith.index_cast %parallel_loop3A_130 : i32 to index
        %parallel_loop3A_730 = arith.index_cast %parallel_loop3A_728 : i32 to index
        %parallel_loop3A_731 = arith.constant 0 : index
        %parallel_loop3A_732 = tpu.vector_load %arg16[%parallel_loop3A_729, %parallel_loop3A_730, %parallel_loop3A_731] {strides = array<i32>} : memref<4x128x64xf32, #tpu.memory_space<vmem>>, vector<16xf32>,
        %parallel_loop3A_733 = vector.broadcast %parallel_loop3A_726 : f32 to vector<16xf32>
        %parallel_loop3A_734 = arith.mulf %parallel_loop3A_732, %parallel_loop3A_733 : vector<16xf32>
        %parallel_loop3A_735 = arith.index_cast %parallel_loop3A_130 : i32 to index
        %parallel_loop3A_736 = arith.index_cast %parallel_loop3A_728 : i32 to index
        %parallel_loop3A_737 = arith.constant 0 : index
        %parallel_loop3A_738 = tpu.vector_load %arg16[%parallel_loop3A_735, %parallel_loop3A_736, %parallel_loop3A_737] {strides = array<i32>} : memref<4x128x64xf32, #tpu.memory_space<vmem>>, vector<16xf32>,
        tpu.vector_store %arg16[%parallel_loop3A_735, %parallel_loop3A_736, %parallel_loop3A_737], %parallel_loop3A_734 {strides = array<i32>} : memref<4x128x64xf32, #tpu.memory_space<vmem>>, vector<16xf32>,
        %parallel_loop3A_739 = arith.index_cast %parallel_loop3A_130 : i32 to index
        %parallel_loop3A_740 = arith.index_cast %parallel_loop3A_728 : i32 to index
        %parallel_loop3A_741 = arith.constant 16 : index
        %parallel_loop3A_742 = tpu.vector_load %arg16[%parallel_loop3A_739, %parallel_loop3A_740, %parallel_loop3A_741] {strides = array<i32>} : memref<4x128x64xf32, #tpu.memory_space<vmem>>, vector<16xf32>,
        %parallel_loop3A_743 = vector.broadcast %parallel_loop3A_726 : f32 to vector<16xf32>
        %parallel_loop3A_744 = arith.mulf %parallel_loop3A_742, %parallel_loop3A_743 : vector<16xf32>
        %parallel_loop3A_745 = arith.index_cast %parallel_loop3A_130 : i32 to index
        %parallel_loop3A_746 = arith.index_cast %parallel_loop3A_728 : i32 to index
        %parallel_loop3A_747 = arith.constant 16 : index
        %parallel_loop3A_748 = tpu.vector_load %arg16[%parallel_loop3A_745, %parallel_loop3A_746, %parallel_loop3A_747] {strides = array<i32>} : memref<4x128x64xf32, #tpu.memory_space<vmem>>, vector<16xf32>,
        tpu.vector_store %arg16[%parallel_loop3A_745, %parallel_loop3A_746, %parallel_loop3A_747], %parallel_loop3A_744 {strides = array<i32>} : memref<4x128x64xf32, #tpu.memory_space<vmem>>, vector<16xf32>,
        %parallel_loop3A_749 = arith.index_cast %parallel_loop3A_130 : i32 to index
        %parallel_loop3A_750 = arith.index_cast %parallel_loop3A_728 : i32 to index
        %parallel_loop3A_751 = arith.constant 32 : index
        %parallel_loop3A_752 = tpu.vector_load %arg16[%parallel_loop3A_749, %parallel_loop3A_750, %parallel_loop3A_751] {strides = array<i32>} : memref<4x128x64xf32, #tpu.memory_space<vmem>>, vector<16xf32>,
        %parallel_loop3A_753 = vector.broadcast %parallel_loop3A_726 : f32 to vector<16xf32>
        %parallel_loop3A_754 = arith.mulf %parallel_loop3A_752, %parallel_loop3A_753 : vector<16xf32>
        %parallel_loop3A_755 = arith.index_cast %parallel_loop3A_130 : i32 to index
        %parallel_loop3A_756 = arith.index_cast %parallel_loop3A_728 : i32 to index
        %parallel_loop3A_757 = arith.constant 32 : index
        %parallel_loop3A_758 = tpu.vector_load %arg16[%parallel_loop3A_755, %parallel_loop3A_756, %parallel_loop3A_757] {strides = array<i32>} : memref<4x128x64xf32, #tpu.memory_space<vmem>>, vector<16xf32>,
        tpu.vector_store %arg16[%parallel_loop3A_755, %parallel_loop3A_756, %parallel_loop3A_757], %parallel_loop3A_754 {strides = array<i32>} : memref<4x128x64xf32, #tpu.memory_space<vmem>>, vector<16xf32>,
        %parallel_loop3A_759 = arith.index_cast %parallel_loop3A_130 : i32 to index
        %parallel_loop3A_760 = arith.index_cast %parallel_loop3A_728 : i32 to index
        %parallel_loop3A_761 = arith.constant 48 : index
        %parallel_loop3A_762 = tpu.vector_load %arg16[%parallel_loop3A_759, %parallel_loop3A_760, %parallel_loop3A_761] {strides = array<i32>} : memref<4x128x64xf32, #tpu.memory_space<vmem>>, vector<16xf32>,
        %parallel_loop3A_763 = vector.broadcast %parallel_loop3A_726 : f32 to vector<16xf32>
        %parallel_loop3A_764 = arith.mulf %parallel_loop3A_762, %parallel_loop3A_763 : vector<16xf32>
        %parallel_loop3A_765 = arith.index_cast %parallel_loop3A_130 : i32 to index
        %parallel_loop3A_766 = arith.index_cast %parallel_loop3A_728 : i32 to index
        %parallel_loop3A_767 = arith.constant 48 : index
        %parallel_loop3A_768 = tpu.vector_load %arg16[%parallel_loop3A_765, %parallel_loop3A_766, %parallel_loop3A_767] {strides = array<i32>} : memref<4x128x64xf32, #tpu.memory_space<vmem>>, vector<16xf32>,
        tpu.vector_store %arg16[%parallel_loop3A_765, %parallel_loop3A_766, %parallel_loop3A_767], %parallel_loop3A_764 {strides = array<i32>} : memref<4x128x64xf32, #tpu.memory_space<vmem>>, vector<16xf32>,
        %parallel_loop3A_769 = vector.extract_strided_slice %parallel_loop3A_149 {offsets = [14], sizes = [1], strides = [1]} : vector<16xf32> to vector<1xf32>
        %parallel_loop3A_770 = vector.extract %parallel_loop3A_769[0] : f32 from vector<1xf32>
        %parallel_loop3A_771 = arith.constant 14 : i32
        %parallel_loop3A_772 = arith.addi %parallel_loop3A_132, %parallel_loop3A_771 : i32
        %parallel_loop3A_773 = arith.index_cast %parallel_loop3A_130 : i32 to index
        %parallel_loop3A_774 = arith.index_cast %parallel_loop3A_772 : i32 to index
        %parallel_loop3A_775 = arith.constant 0 : index
        %parallel_loop3A_776 = tpu.vector_load %arg16[%parallel_loop3A_773, %parallel_loop3A_774, %parallel_loop3A_775] {strides = array<i32>} : memref<4x128x64xf32, #tpu.memory_space<vmem>>, vector<16xf32>,
        %parallel_loop3A_777 = vector.broadcast %parallel_loop3A_770 : f32 to vector<16xf32>
        %parallel_loop3A_778 = arith.mulf %parallel_loop3A_776, %parallel_loop3A_777 : vector<16xf32>
        %parallel_loop3A_779 = arith.index_cast %parallel_loop3A_130 : i32 to index
        %parallel_loop3A_780 = arith.index_cast %parallel_loop3A_772 : i32 to index
        %parallel_loop3A_781 = arith.constant 0 : index
        %parallel_loop3A_782 = tpu.vector_load %arg16[%parallel_loop3A_779, %parallel_loop3A_780, %parallel_loop3A_781] {strides = array<i32>} : memref<4x128x64xf32, #tpu.memory_space<vmem>>, vector<16xf32>,
        tpu.vector_store %arg16[%parallel_loop3A_779, %parallel_loop3A_780, %parallel_loop3A_781], %parallel_loop3A_778 {strides = array<i32>} : memref<4x128x64xf32, #tpu.memory_space<vmem>>, vector<16xf32>,
        %parallel_loop3A_783 = arith.index_cast %parallel_loop3A_130 : i32 to index
        %parallel_loop3A_784 = arith.index_cast %parallel_loop3A_772 : i32 to index
        %parallel_loop3A_785 = arith.constant 16 : index
        %parallel_loop3A_786 = tpu.vector_load %arg16[%parallel_loop3A_783, %parallel_loop3A_784, %parallel_loop3A_785] {strides = array<i32>} : memref<4x128x64xf32, #tpu.memory_space<vmem>>, vector<16xf32>,
        %parallel_loop3A_787 = vector.broadcast %parallel_loop3A_770 : f32 to vector<16xf32>
        %parallel_loop3A_788 = arith.mulf %parallel_loop3A_786, %parallel_loop3A_787 : vector<16xf32>
        %parallel_loop3A_789 = arith.index_cast %parallel_loop3A_130 : i32 to index
        %parallel_loop3A_790 = arith.index_cast %parallel_loop3A_772 : i32 to index
        %parallel_loop3A_791 = arith.constant 16 : index
        %parallel_loop3A_792 = tpu.vector_load %arg16[%parallel_loop3A_789, %parallel_loop3A_790, %parallel_loop3A_791] {strides = array<i32>} : memref<4x128x64xf32, #tpu.memory_space<vmem>>, vector<16xf32>,
        tpu.vector_store %arg16[%parallel_loop3A_789, %parallel_loop3A_790, %parallel_loop3A_791], %parallel_loop3A_788 {strides = array<i32>} : memref<4x128x64xf32, #tpu.memory_space<vmem>>, vector<16xf32>,
        %parallel_loop3A_793 = arith.index_cast %parallel_loop3A_130 : i32 to index
        %parallel_loop3A_794 = arith.index_cast %parallel_loop3A_772 : i32 to index
        %parallel_loop3A_795 = arith.constant 32 : index
        %parallel_loop3A_796 = tpu.vector_load %arg16[%parallel_loop3A_793, %parallel_loop3A_794, %parallel_loop3A_795] {strides = array<i32>} : memref<4x128x64xf32, #tpu.memory_space<vmem>>, vector<16xf32>,
        %parallel_loop3A_797 = vector.broadcast %parallel_loop3A_770 : f32 to vector<16xf32>
        %parallel_loop3A_798 = arith.mulf %parallel_loop3A_796, %parallel_loop3A_797 : vector<16xf32>
        %parallel_loop3A_799 = arith.index_cast %parallel_loop3A_130 : i32 to index
        %parallel_loop3A_800 = arith.index_cast %parallel_loop3A_772 : i32 to index
        %parallel_loop3A_801 = arith.constant 32 : index
        %parallel_loop3A_802 = tpu.vector_load %arg16[%parallel_loop3A_799, %parallel_loop3A_800, %parallel_loop3A_801] {strides = array<i32>} : memref<4x128x64xf32, #tpu.memory_space<vmem>>, vector<16xf32>,
        tpu.vector_store %arg16[%parallel_loop3A_799, %parallel_loop3A_800, %parallel_loop3A_801], %parallel_loop3A_798 {strides = array<i32>} : memref<4x128x64xf32, #tpu.memory_space<vmem>>, vector<16xf32>,
        %parallel_loop3A_803 = arith.index_cast %parallel_loop3A_130 : i32 to index
        %parallel_loop3A_804 = arith.index_cast %parallel_loop3A_772 : i32 to index
        %parallel_loop3A_805 = arith.constant 48 : index
        %parallel_loop3A_806 = tpu.vector_load %arg16[%parallel_loop3A_803, %parallel_loop3A_804, %parallel_loop3A_805] {strides = array<i32>} : memref<4x128x64xf32, #tpu.memory_space<vmem>>, vector<16xf32>,
        %parallel_loop3A_807 = vector.broadcast %parallel_loop3A_770 : f32 to vector<16xf32>
        %parallel_loop3A_808 = arith.mulf %parallel_loop3A_806, %parallel_loop3A_807 : vector<16xf32>
        %parallel_loop3A_809 = arith.index_cast %parallel_loop3A_130 : i32 to index
        %parallel_loop3A_810 = arith.index_cast %parallel_loop3A_772 : i32 to index
        %parallel_loop3A_811 = arith.constant 48 : index
        %parallel_loop3A_812 = tpu.vector_load %arg16[%parallel_loop3A_809, %parallel_loop3A_810, %parallel_loop3A_811] {strides = array<i32>} : memref<4x128x64xf32, #tpu.memory_space<vmem>>, vector<16xf32>,
        tpu.vector_store %arg16[%parallel_loop3A_809, %parallel_loop3A_810, %parallel_loop3A_811], %parallel_loop3A_808 {strides = array<i32>} : memref<4x128x64xf32, #tpu.memory_space<vmem>>, vector<16xf32>,
        %parallel_loop3A_813 = vector.extract_strided_slice %parallel_loop3A_149 {offsets = [15], sizes = [1], strides = [1]} : vector<16xf32> to vector<1xf32>
        %parallel_loop3A_814 = vector.extract %parallel_loop3A_813[0] : f32 from vector<1xf32>
        %parallel_loop3A_815 = arith.constant 15 : i32
        %parallel_loop3A_816 = arith.addi %parallel_loop3A_132, %parallel_loop3A_815 : i32
        %parallel_loop3A_817 = arith.index_cast %parallel_loop3A_130 : i32 to index
        %parallel_loop3A_818 = arith.index_cast %parallel_loop3A_816 : i32 to index
        %parallel_loop3A_819 = arith.constant 0 : index
        %parallel_loop3A_820 = tpu.vector_load %arg16[%parallel_loop3A_817, %parallel_loop3A_818, %parallel_loop3A_819] {strides = array<i32>} : memref<4x128x64xf32, #tpu.memory_space<vmem>>, vector<16xf32>,
        %parallel_loop3A_821 = vector.broadcast %parallel_loop3A_814 : f32 to vector<16xf32>
        %parallel_loop3A_822 = arith.mulf %parallel_loop3A_820, %parallel_loop3A_821 : vector<16xf32>
        %parallel_loop3A_823 = arith.index_cast %parallel_loop3A_130 : i32 to index
        %parallel_loop3A_824 = arith.index_cast %parallel_loop3A_816 : i32 to index
        %parallel_loop3A_825 = arith.constant 0 : index
        %parallel_loop3A_826 = tpu.vector_load %arg16[%parallel_loop3A_823, %parallel_loop3A_824, %parallel_loop3A_825] {strides = array<i32>} : memref<4x128x64xf32, #tpu.memory_space<vmem>>, vector<16xf32>,
        tpu.vector_store %arg16[%parallel_loop3A_823, %parallel_loop3A_824, %parallel_loop3A_825], %parallel_loop3A_822 {strides = array<i32>} : memref<4x128x64xf32, #tpu.memory_space<vmem>>, vector<16xf32>,
        %parallel_loop3A_827 = arith.index_cast %parallel_loop3A_130 : i32 to index
        %parallel_loop3A_828 = arith.index_cast %parallel_loop3A_816 : i32 to index
        %parallel_loop3A_829 = arith.constant 16 : index
        %parallel_loop3A_830 = tpu.vector_load %arg16[%parallel_loop3A_827, %parallel_loop3A_828, %parallel_loop3A_829] {strides = array<i32>} : memref<4x128x64xf32, #tpu.memory_space<vmem>>, vector<16xf32>,
        %parallel_loop3A_831 = vector.broadcast %parallel_loop3A_814 : f32 to vector<16xf32>
        %parallel_loop3A_832 = arith.mulf %parallel_loop3A_830, %parallel_loop3A_831 : vector<16xf32>
        %parallel_loop3A_833 = arith.index_cast %parallel_loop3A_130 : i32 to index
        %parallel_loop3A_834 = arith.index_cast %parallel_loop3A_816 : i32 to index
        %parallel_loop3A_835 = arith.constant 16 : index
        %parallel_loop3A_836 = tpu.vector_load %arg16[%parallel_loop3A_833, %parallel_loop3A_834, %parallel_loop3A_835] {strides = array<i32>} : memref<4x128x64xf32, #tpu.memory_space<vmem>>, vector<16xf32>,
        tpu.vector_store %arg16[%parallel_loop3A_833, %parallel_loop3A_834, %parallel_loop3A_835], %parallel_loop3A_832 {strides = array<i32>} : memref<4x128x64xf32, #tpu.memory_space<vmem>>, vector<16xf32>,
        %parallel_loop3A_837 = arith.index_cast %parallel_loop3A_130 : i32 to index
        %parallel_loop3A_838 = arith.index_cast %parallel_loop3A_816 : i32 to index
        %parallel_loop3A_839 = arith.constant 32 : index
        %parallel_loop3A_840 = tpu.vector_load %arg16[%parallel_loop3A_837, %parallel_loop3A_838, %parallel_loop3A_839] {strides = array<i32>} : memref<4x128x64xf32, #tpu.memory_space<vmem>>, vector<16xf32>,
        %parallel_loop3A_841 = vector.broadcast %parallel_loop3A_814 : f32 to vector<16xf32>
        %parallel_loop3A_842 = arith.mulf %parallel_loop3A_840, %parallel_loop3A_841 : vector<16xf32>
        %parallel_loop3A_843 = arith.index_cast %parallel_loop3A_130 : i32 to index
        %parallel_loop3A_844 = arith.index_cast %parallel_loop3A_816 : i32 to index
        %parallel_loop3A_845 = arith.constant 32 : index
        %parallel_loop3A_846 = tpu.vector_load %arg16[%parallel_loop3A_843, %parallel_loop3A_844, %parallel_loop3A_845] {strides = array<i32>} : memref<4x128x64xf32, #tpu.memory_space<vmem>>, vector<16xf32>,
        tpu.vector_store %arg16[%parallel_loop3A_843, %parallel_loop3A_844, %parallel_loop3A_845], %parallel_loop3A_842 {strides = array<i32>} : memref<4x128x64xf32, #tpu.memory_space<vmem>>, vector<16xf32>,
        %parallel_loop3A_847 = arith.index_cast %parallel_loop3A_130 : i32 to index
        %parallel_loop3A_848 = arith.index_cast %parallel_loop3A_816 : i32 to index
        %parallel_loop3A_849 = arith.constant 48 : index
        %parallel_loop3A_850 = tpu.vector_load %arg16[%parallel_loop3A_847, %parallel_loop3A_848, %parallel_loop3A_849] {strides = array<i32>} : memref<4x128x64xf32, #tpu.memory_space<vmem>>, vector<16xf32>,
        %parallel_loop3A_851 = vector.broadcast %parallel_loop3A_814 : f32 to vector<16xf32>
        %parallel_loop3A_852 = arith.mulf %parallel_loop3A_850, %parallel_loop3A_851 : vector<16xf32>
        %parallel_loop3A_853 = arith.index_cast %parallel_loop3A_130 : i32 to index
        %parallel_loop3A_854 = arith.index_cast %parallel_loop3A_816 : i32 to index
        %parallel_loop3A_855 = arith.constant 48 : index
        %parallel_loop3A_856 = tpu.vector_load %arg16[%parallel_loop3A_853, %parallel_loop3A_854, %parallel_loop3A_855] {strides = array<i32>} : memref<4x128x64xf32, #tpu.memory_space<vmem>>, vector<16xf32>,
        tpu.vector_store %arg16[%parallel_loop3A_853, %parallel_loop3A_854, %parallel_loop3A_855], %parallel_loop3A_852 {strides = array<i32>} : memref<4x128x64xf32, #tpu.memory_space<vmem>>, vector<16xf32>,
        scf.yield %parallel_loop3A_129, %parallel_loop3A_130 : i32, i32
      } {sc.loop_unroll_factor = 1 : i64, sc.parallel_access}
      %dma_start3A_105 = arith.constant 0 : i32
      %dma_start3A_106 = arith.constant 0 : i32
      %dma_start3A_107 = tpu.memref_slice %arg16[%rem3A_81, %dma_start3A_105, %dma_start3A_106] : memref<4x128x64xf32, #tpu.memory_space<vmem>> -> memref<1x128x64xf32, #tpu.memory_space<vmem>>
      %dma_start3A_108 = tpu.memref_squeeze %dma_start3A_107 : memref<1x128x64xf32, #tpu.memory_space<vmem>> -> memref<128x64xf32, #tpu.memory_space<vmem>>
      %dma_start3A_109 = arith.constant 0 : i32
      %dma_start3A_110 = tpu.memref_slice %arg12[%scan3A_79, %dma_start3A_109] : memref<79x128xi32, #tpu.memory_space<vmem>> -> memref<1x128xi32, #tpu.memory_space<vmem>>
      %dma_start3A_111 = tpu.memref_squeeze %dma_start3A_110 : memref<1x128xi32, #tpu.memory_space<vmem>> -> memref<128xi32, #tpu.memory_space<vmem>>
      %dma_start3A_112 = arith.constant 0 : i32
      %dma_start3A_113 = arith.constant 0 : i32
      %dma_start3A_114 = tpu.memref_slice %arg17[%dma_start3A_112, %dma_start3A_113] : memref<10240x64xf32, #tpu.memory_space<vmem_shared>> -> memref<10240x64xf32, #tpu.memory_space<vmem_shared>>
      %dma_start3A_115 = tpu.memref_slice %arg20[%rem3A_83] : memref<2x!tpu.dma_semaphore, #tpu.memory_space<semaphore_mem>> -> memref<1x!tpu.dma_semaphore, #tpu.memory_space<semaphore_mem>>
      %dma_start3A_116 = tpu.memref_squeeze %dma_start3A_115 : memref<1x!tpu.dma_semaphore, #tpu.memory_space<semaphore_mem>> -> memref<!tpu.dma_semaphore, #tpu.memory_space<semaphore_mem>>
      tpu.enqueue_indirect_dma source(%dma_start3A_108 : memref<128x64xf32, #tpu.memory_space<vmem>>) target(%dma_start3A_114 : memref<10240x64xf32, #tpu.memory_space<vmem_shared>>) offsets(%dma_start3A_111 : memref<128xi32, #tpu.memory_space<vmem>>) semaphore(%dma_start3A_116 : memref<!tpu.dma_semaphore, #tpu.memory_space<semaphore_mem>>) {add = true}
      %dma_start3A_117 = arith.constant 0 : i32
      %dma_start3A_118 = tpu.memref_slice %arg13[%scan3A_79, %dma_start3A_117] : memref<79x128xf32, #tpu.memory_space<vmem>> -> memref<1x128xf32, #tpu.memory_space<vmem>>
      %dma_start3A_119 = tpu.memref_squeeze %dma_start3A_118 : memref<1x128xf32, #tpu.memory_space<vmem>> -> memref<128xf32, #tpu.memory_space<vmem>>
      %dma_start3A_120 = arith.constant 0 : i32
      %dma_start3A_121 = tpu.memref_slice %arg12[%scan3A_79, %dma_start3A_120] : memref<79x128xi32, #tpu.memory_space<vmem>> -> memref<1x128xi32, #tpu.memory_space<vmem>>
      %dma_start3A_122 = tpu.memref_squeeze %dma_start3A_121 : memref<1x128xi32, #tpu.memory_space<vmem>> -> memref<128xi32, #tpu.memory_space<vmem>>
      %dma_start3A_123 = arith.constant 0 : i32
      %dma_start3A_124 = tpu.memref_slice %arg18[%dma_start3A_123] : memref<10240xf32, #tpu.memory_space<vmem_shared>> -> memref<10240xf32, #tpu.memory_space<vmem_shared>>
      %dma_start3A_125 = tpu.memref_slice %arg21[%rem3A_83] : memref<2x!tpu.dma_semaphore, #tpu.memory_space<semaphore_mem>> -> memref<1x!tpu.dma_semaphore, #tpu.memory_space<semaphore_mem>>
      %dma_start3A_126 = tpu.memref_squeeze %dma_start3A_125 : memref<1x!tpu.dma_semaphore, #tpu.memory_space<semaphore_mem>> -> memref<!tpu.dma_semaphore, #tpu.memory_space<semaphore_mem>>
      tpu.enqueue_indirect_dma source(%dma_start3A_119 : memref<128xf32, #tpu.memory_space<vmem>>) target(%dma_start3A_124 : memref<10240xf32, #tpu.memory_space<vmem_shared>>) offsets(%dma_start3A_122 : memref<128xi32, #tpu.memory_space<vmem>>) semaphore(%dma_start3A_126 : memref<!tpu.dma_semaphore, #tpu.memory_space<semaphore_mem>>) {add = true}
      %scan3A_127 = arith.constant 0 : i32
      scf.yield %scan3A_127 : i32
    }
    %scan3A_19 = arith.constant 79 : i32
    %dma_wait3A = arith.constant 1 : i32
    %dma_wait3A_20 = arith.constant 77 : i32
    %dma_wait3A_21 = arith.constant 1 : i32
    %dma_wait3A_22 = arith.constant 0 : i32
    %dma_wait3A_23 = arith.constant 0 : i32
    %dma_wait3A_24 = tpu.memref_slice %arg16[%dma_wait3A, %dma_wait3A_22, %dma_wait3A_23] : memref<4x128x64xf32, #tpu.memory_space<vmem>> -> memref<1x128x64xf32, #tpu.memory_space<vmem>>
    %dma_wait3A_25 = tpu.memref_squeeze %dma_wait3A_24 : memref<1x128x64xf32, #tpu.memory_space<vmem>> -> memref<128x64xf32, #tpu.memory_space<vmem>>
    %dma_wait3A_26 = arith.constant 0 : i32
    %dma_wait3A_27 = tpu.memref_slice %arg12[%dma_wait3A_20, %dma_wait3A_26] : memref<79x128xi32, #tpu.memory_space<vmem>> -> memref<1x128xi32, #tpu.memory_space<vmem>>
    %dma_wait3A_28 = tpu.memref_squeeze %dma_wait3A_27 : memref<1x128xi32, #tpu.memory_space<vmem>> -> memref<128xi32, #tpu.memory_space<vmem>>
    %dma_wait3A_29 = arith.constant 0 : i32
    %dma_wait3A_30 = arith.constant 0 : i32
    %dma_wait3A_31 = tpu.memref_slice %arg17[%dma_wait3A_29, %dma_wait3A_30] : memref<10240x64xf32, #tpu.memory_space<vmem_shared>> -> memref<10240x64xf32, #tpu.memory_space<vmem_shared>>
    %dma_wait3A_32 = tpu.memref_slice %arg20[%dma_wait3A_21] : memref<2x!tpu.dma_semaphore, #tpu.memory_space<semaphore_mem>> -> memref<1x!tpu.dma_semaphore, #tpu.memory_space<semaphore_mem>>
    %dma_wait3A_33 = tpu.memref_squeeze %dma_wait3A_32 : memref<1x!tpu.dma_semaphore, #tpu.memory_space<semaphore_mem>> -> memref<!tpu.dma_semaphore, #tpu.memory_space<semaphore_mem>>
    tpu.wait_indirect_dma semaphore(%dma_wait3A_33 : memref<!tpu.dma_semaphore, #tpu.memory_space<semaphore_mem>>) src(%dma_wait3A_25 : memref<128x64xf32, #tpu.memory_space<vmem>>) dst(%dma_wait3A_31 : memref<10240x64xf32, #tpu.memory_space<vmem_shared>>)
    %dma_wait3A_34 = arith.constant 77 : i32
    %dma_wait3A_35 = arith.constant 77 : i32
    %dma_wait3A_36 = arith.constant 1 : i32
    %dma_wait3A_37 = arith.constant 0 : i32
    %dma_wait3A_38 = tpu.memref_slice %arg13[%dma_wait3A_34, %dma_wait3A_37] : memref<79x128xf32, #tpu.memory_space<vmem>> -> memref<1x128xf32, #tpu.memory_space<vmem>>
    %dma_wait3A_39 = tpu.memref_squeeze %dma_wait3A_38 : memref<1x128xf32, #tpu.memory_space<vmem>> -> memref<128xf32, #tpu.memory_space<vmem>>
    %dma_wait3A_40 = arith.constant 0 : i32
    %dma_wait3A_41 = tpu.memref_slice %arg12[%dma_wait3A_35, %dma_wait3A_40] : memref<79x128xi32, #tpu.memory_space<vmem>> -> memref<1x128xi32, #tpu.memory_space<vmem>>
    %dma_wait3A_42 = tpu.memref_squeeze %dma_wait3A_41 : memref<1x128xi32, #tpu.memory_space<vmem>> -> memref<128xi32, #tpu.memory_space<vmem>>
    %dma_wait3A_43 = arith.constant 0 : i32
    %dma_wait3A_44 = tpu.memref_slice %arg18[%dma_wait3A_43] : memref<10240xf32, #tpu.memory_space<vmem_shared>> -> memref<10240xf32, #tpu.memory_space<vmem_shared>>
    %dma_wait3A_45 = tpu.memref_slice %arg21[%dma_wait3A_36] : memref<2x!tpu.dma_semaphore, #tpu.memory_space<semaphore_mem>> -> memref<1x!tpu.dma_semaphore, #tpu.memory_space<semaphore_mem>>
    %dma_wait3A_46 = tpu.memref_squeeze %dma_wait3A_45 : memref<1x!tpu.dma_semaphore, #tpu.memory_space<semaphore_mem>> -> memref<!tpu.dma_semaphore, #tpu.memory_space<semaphore_mem>>
    tpu.wait_indirect_dma semaphore(%dma_wait3A_46 : memref<!tpu.dma_semaphore, #tpu.memory_space<semaphore_mem>>) src(%dma_wait3A_39 : memref<128xf32, #tpu.memory_space<vmem>>) dst(%dma_wait3A_44 : memref<10240xf32, #tpu.memory_space<vmem_shared>>)
    %dma_wait3A_47 = arith.constant 2 : i32
    %dma_wait3A_48 = arith.constant 78 : i32
    %dma_wait3A_49 = arith.constant 0 : i32
    %dma_wait3A_50 = arith.constant 0 : i32
    %dma_wait3A_51 = arith.constant 0 : i32
    %dma_wait3A_52 = tpu.memref_slice %arg16[%dma_wait3A_47, %dma_wait3A_50, %dma_wait3A_51] : memref<4x128x64xf32, #tpu.memory_space<vmem>> -> memref<1x128x64xf32, #tpu.memory_space<vmem>>
    %dma_wait3A_53 = tpu.memref_squeeze %dma_wait3A_52 : memref<1x128x64xf32, #tpu.memory_space<vmem>> -> memref<128x64xf32, #tpu.memory_space<vmem>>
    %dma_wait3A_54 = arith.constant 0 : i32
    %dma_wait3A_55 = tpu.memref_slice %arg12[%dma_wait3A_48, %dma_wait3A_54] : memref<79x128xi32, #tpu.memory_space<vmem>> -> memref<1x128xi32, #tpu.memory_space<vmem>>
    %dma_wait3A_56 = tpu.memref_squeeze %dma_wait3A_55 : memref<1x128xi32, #tpu.memory_space<vmem>> -> memref<128xi32, #tpu.memory_space<vmem>>
    %dma_wait3A_57 = arith.constant 0 : i32
    %dma_wait3A_58 = arith.constant 0 : i32
    %dma_wait3A_59 = tpu.memref_slice %arg17[%dma_wait3A_57, %dma_wait3A_58] : memref<10240x64xf32, #tpu.memory_space<vmem_shared>> -> memref<10240x64xf32, #tpu.memory_space<vmem_shared>>
    %dma_wait3A_60 = tpu.memref_slice %arg20[%dma_wait3A_49] : memref<2x!tpu.dma_semaphore, #tpu.memory_space<semaphore_mem>> -> memref<1x!tpu.dma_semaphore, #tpu.memory_space<semaphore_mem>>
    %dma_wait3A_61 = tpu.memref_squeeze %dma_wait3A_60 : memref<1x!tpu.dma_semaphore, #tpu.memory_space<semaphore_mem>> -> memref<!tpu.dma_semaphore, #tpu.memory_space<semaphore_mem>>
    tpu.wait_indirect_dma semaphore(%dma_wait3A_61 : memref<!tpu.dma_semaphore, #tpu.memory_space<semaphore_mem>>) src(%dma_wait3A_53 : memref<128x64xf32, #tpu.memory_space<vmem>>) dst(%dma_wait3A_59 : memref<10240x64xf32, #tpu.memory_space<vmem_shared>>)
    %dma_wait3A_62 = arith.constant 78 : i32
    %dma_wait3A_63 = arith.constant 78 : i32
    %dma_wait3A_64 = arith.constant 0 : i32
    %dma_wait3A_65 = arith.constant 0 : i32
    %dma_wait3A_66 = tpu.memref_slice %arg13[%dma_wait3A_62, %dma_wait3A_65] : memref<79x128xf32, #tpu.memory_space<vmem>> -> memref<1x128xf32, #tpu.memory_space<vmem>>
    %dma_wait3A_67 = tpu.memref_squeeze %dma_wait3A_66 : memref<1x128xf32, #tpu.memory_space<vmem>> -> memref<128xf32, #tpu.memory_space<vmem>>
    %dma_wait3A_68 = arith.constant 0 : i32
    %dma_wait3A_69 = tpu.memref_slice %arg12[%dma_wait3A_63, %dma_wait3A_68] : memref<79x128xi32, #tpu.memory_space<vmem>> -> memref<1x128xi32, #tpu.memory_space<vmem>>
    %dma_wait3A_70 = tpu.memref_squeeze %dma_wait3A_69 : memref<1x128xi32, #tpu.memory_space<vmem>> -> memref<128xi32, #tpu.memory_space<vmem>>
    %dma_wait3A_71 = arith.constant 0 : i32
    %dma_wait3A_72 = tpu.memref_slice %arg18[%dma_wait3A_71] : memref<10240xf32, #tpu.memory_space<vmem_shared>> -> memref<10240xf32, #tpu.memory_space<vmem_shared>>
    %dma_wait3A_73 = tpu.memref_slice %arg21[%dma_wait3A_64] : memref<2x!tpu.dma_semaphore, #tpu.memory_space<semaphore_mem>> -> memref<1x!tpu.dma_semaphore, #tpu.memory_space<semaphore_mem>>
    %dma_wait3A_74 = tpu.memref_squeeze %dma_wait3A_73 : memref<1x!tpu.dma_semaphore, #tpu.memory_space<semaphore_mem>> -> memref<!tpu.dma_semaphore, #tpu.memory_space<semaphore_mem>>
    tpu.wait_indirect_dma semaphore(%dma_wait3A_74 : memref<!tpu.dma_semaphore, #tpu.memory_space<semaphore_mem>>) src(%dma_wait3A_67 : memref<128xf32, #tpu.memory_space<vmem>>) dst(%dma_wait3A_72 : memref<10240xf32, #tpu.memory_space<vmem_shared>>)
    %barrier3A_75 = arith.constant 0 : index
    tpu.barrier barrier_id(%barrier3A_75)
    "tpu.region"() ({
      %run_scoped3A = tpu.sem_alloc : memref<!tpu.dma_semaphore, #tpu.memory_space<semaphore_mem>>
      %dma_start3A_79 = arith.constant 0 : i32
      %dma_start3A_80 = tpu.memref_slice %arg9[%arg0, %mul3A_2, %dma_start3A_79] : memref<2x10240x64xf32, #tpu.memory_space<hbm>> -> memref<1x640x64xf32, #tpu.memory_space<hbm>>
      %dma_start3A_81 = tpu.memref_squeeze %dma_start3A_80 : memref<1x640x64xf32, #tpu.memory_space<hbm>> -> memref<640x64xf32, #tpu.memory_space<hbm>>
      %dma_start3A_82 = arith.constant 0 : i32
      %dma_start3A_83 = tpu.memref_slice %arg17[%mul3A_2, %dma_start3A_82] : memref<10240x64xf32, #tpu.memory_space<vmem_shared>> -> memref<640x64xf32, #tpu.memory_space<vmem_shared>>
      tpu.enqueue_dma source(%dma_start3A_83 : memref<640x64xf32, #tpu.memory_space<vmem_shared>>) target(%dma_start3A_81 : memref<640x64xf32, #tpu.memory_space<hbm>>) target_semaphore(%run_scoped3A : memref<!tpu.dma_semaphore, #tpu.memory_space<semaphore_mem>>)
      %dma_wait3A_84 = arith.constant 0 : i32
      %dma_wait3A_85 = tpu.memref_slice %arg9[%arg0, %mul3A_2, %dma_wait3A_84] : memref<2x10240x64xf32, #tpu.memory_space<hbm>> -> memref<1x640x64xf32, #tpu.memory_space<hbm>>
      %dma_wait3A_86 = tpu.memref_squeeze %dma_wait3A_85 : memref<1x640x64xf32, #tpu.memory_space<hbm>> -> memref<640x64xf32, #tpu.memory_space<hbm>>
      %dma_wait3A_87 = arith.constant 0 : i32
      %dma_wait3A_88 = tpu.memref_slice %arg17[%mul3A_2, %dma_wait3A_87] : memref<10240x64xf32, #tpu.memory_space<vmem_shared>> -> memref<640x64xf32, #tpu.memory_space<vmem_shared>>
      tpu.wait_dma2 semaphore(%run_scoped3A : memref<!tpu.dma_semaphore, #tpu.memory_space<semaphore_mem>>) src(%dma_wait3A_88 : memref<640x64xf32, #tpu.memory_space<vmem_shared>>) dst(%dma_wait3A_86 : memref<640x64xf32, #tpu.memory_space<hbm>>)
      tpu.yield
    }) : () -> ()
    %mul3A_76 = arith.constant 10240 : i32
    %mul3A_77 = arith.muli %arg0, %mul3A_76 : i32
    %add3A_78 = arith.addi %mul3A_77, %mul3A_2 : i32
    "tpu.region"() ({
      %run_scoped3A = tpu.sem_alloc : memref<!tpu.dma_semaphore, #tpu.memory_space<semaphore_mem>>
      %dma_start3A_79 = tpu.memref_slice %arg10[%add3A_78] : memref<20480xf32, #tpu.memory_space<hbm>> -> memref<640xf32, #tpu.memory_space<hbm>>
      %dma_start3A_80 = tpu.memref_slice %arg18[%mul3A_2] : memref<10240xf32, #tpu.memory_space<vmem_shared>> -> memref<640xf32, #tpu.memory_space<vmem_shared>>
      tpu.enqueue_dma source(%dma_start3A_80 : memref<640xf32, #tpu.memory_space<vmem_shared>>) target(%dma_start3A_79 : memref<640xf32, #tpu.memory_space<hbm>>) target_semaphore(%run_scoped3A : memref<!tpu.dma_semaphore, #tpu.memory_space<semaphore_mem>>)
      %dma_wait3A_81 = tpu.memref_slice %arg10[%add3A_78] : memref<20480xf32, #tpu.memory_space<hbm>> -> memref<640xf32, #tpu.memory_space<hbm>>
      %dma_wait3A_82 = tpu.memref_slice %arg18[%mul3A_2] : memref<10240xf32, #tpu.memory_space<vmem_shared>> -> memref<640xf32, #tpu.memory_space<vmem_shared>>
      tpu.wait_dma2 semaphore(%run_scoped3A : memref<!tpu.dma_semaphore, #tpu.memory_space<semaphore_mem>>) src(%dma_wait3A_82 : memref<640xf32, #tpu.memory_space<vmem_shared>>) dst(%dma_wait3A_81 : memref<640xf32, #tpu.memory_space<hbm>>)
      tpu.yield
    }) : () -> ()
    return
  }
}

#map = affine_map<(d0, d1) -> (0, 0)>
#map1 = affine_map<(d0, d1) -> (0)>
#map2 = affine_map<(d0, d1) -> (0, 0, 0)>
module attributes {stable_mosaic.version = 14 : i64} {
  func.func @_sc_edge_body(%arg0: i32, %arg1: i32, %arg2: memref<10000x64xf32, #tpu.memory_space<hbm>>, %arg3: memref<10000xf32, #tpu.memory_space<hbm>>, %arg4: memref<10000xf32, #tpu.memory_space<hbm>>, %arg5: memref<32x79x128xi32, #tpu.memory_space<hbm>>, %arg6: memref<32x79x128xi32, #tpu.memory_space<hbm>>, %arg7: memref<10240x64xf32, #tpu.memory_space<hbm>>, %arg8: memref<10240xf32, #tpu.memory_space<hbm>>, %arg9: memref<2x10240x64xf32, #tpu.memory_space<hbm>>, %arg10: memref<20480xf32, #tpu.memory_space<hbm>>, %arg11: memref<79x128xi32, #tpu.memory_space<vmem>>, %arg12: memref<79x128xi32, #tpu.memory_space<vmem>>, %arg13: memref<79x128xf32, #tpu.memory_space<vmem>>, %arg14: memref<10000xf32, #tpu.memory_space<vmem>>, %arg15: memref<10000xf32, #tpu.memory_space<vmem>>, %arg16: memref<4x128x64xf32, #tpu.memory_space<vmem>>, %arg17: memref<10240x64xf32, #tpu.memory_space<vmem_shared>>, %arg18: memref<10240xf32, #tpu.memory_space<vmem_shared>>, %arg19: memref<!tpu.dma_semaphore, #tpu.memory_space<semaphore_mem>>, %arg20: memref<2x!tpu.dma_semaphore, #tpu.memory_space<semaphore_mem>>, %arg21: memref<2x!tpu.dma_semaphore, #tpu.memory_space<semaphore_mem>>) attributes {dimension_semantics = [#tpu.dimension_semantics<core_parallel>, #tpu.dimension_semantics<subcore_parallel>], iteration_bounds = array<i64: 2, 16>, scalar_prefetch = 0 : i64, scratch_operands = 11 : i64, tpu.core_type = #tpu.core_type<sc_vector_subcore>, window_params = [{transform_indices = #map}, {transform_indices = #map1}, {transform_indices = #map1}, {transform_indices = #map2}, {transform_indices = #map2}, {transform_indices = #map}, {transform_indices = #map1}, {transform_indices = #map2}, {transform_indices = #map1}]} {
    %mul3A = arith.constant 2 : i32
    %mul3A_0 = arith.muli %arg1, %mul3A : i32
    %add3A = arith.addi %mul3A_0, %arg0 : i32
    "tpu.region"() ({
      %run_scoped3A = tpu.sem_alloc : memref<!tpu.dma_semaphore, #tpu.memory_space<semaphore_mem>>
      tpu.enqueue_dma source(%arg3 : memref<10000xf32, #tpu.memory_space<hbm>>) target(%arg14 : memref<10000xf32, #tpu.memory_space<vmem>>) target_semaphore(%run_scoped3A : memref<!tpu.dma_semaphore, #tpu.memory_space<semaphore_mem>>)
      tpu.wait_dma2 semaphore(%run_scoped3A : memref<!tpu.dma_semaphore, #tpu.memory_space<semaphore_mem>>) src(%arg3 : memref<10000xf32, #tpu.memory_space<hbm>>) dst(%arg14 : memref<10000xf32, #tpu.memory_space<vmem>>)
      tpu.yield
    }) : () -> ()
    "tpu.region"() ({
      %run_scoped3A = tpu.sem_alloc : memref<!tpu.dma_semaphore, #tpu.memory_space<semaphore_mem>>
      tpu.enqueue_dma source(%arg4 : memref<10000xf32, #tpu.memory_space<hbm>>) target(%arg15 : memref<10000xf32, #tpu.memory_space<vmem>>) target_semaphore(%run_scoped3A : memref<!tpu.dma_semaphore, #tpu.memory_space<semaphore_mem>>)
      tpu.wait_dma2 semaphore(%run_scoped3A : memref<!tpu.dma_semaphore, #tpu.memory_space<semaphore_mem>>) src(%arg4 : memref<10000xf32, #tpu.memory_space<hbm>>) dst(%arg15 : memref<10000xf32, #tpu.memory_space<vmem>>)
      tpu.yield
    }) : () -> ()
    "tpu.region"() ({
      %run_scoped3A = tpu.sem_alloc : memref<!tpu.dma_semaphore, #tpu.memory_space<semaphore_mem>>
      %dma_start3A_79 = arith.constant 0 : i32
      %dma_start3A_80 = arith.constant 0 : i32
      %dma_start3A_81 = tpu.memref_slice %arg5[%add3A, %dma_start3A_79, %dma_start3A_80] : memref<32x79x128xi32, #tpu.memory_space<hbm>> -> memref<1x79x128xi32, #tpu.memory_space<hbm>>
      %dma_start3A_82 = tpu.memref_squeeze %dma_start3A_81 : memref<1x79x128xi32, #tpu.memory_space<hbm>> -> memref<79x128xi32, #tpu.memory_space<hbm>>
      %dma_start3A_83 = arith.constant 0 : i32
      %dma_start3A_84 = arith.constant 0 : i32
      %dma_start3A_85 = tpu.memref_slice %arg5[%add3A, %dma_start3A_83, %dma_start3A_84] : memref<32x79x128xi32, #tpu.memory_space<hbm>> -> memref<1x79x128xi32, #tpu.memory_space<hbm>>
      %dma_start3A_86 = tpu.memref_squeeze %dma_start3A_85 : memref<1x79x128xi32, #tpu.memory_space<hbm>> -> memref<79x128xi32, #tpu.memory_space<hbm>>
      tpu.enqueue_dma source(%dma_start3A_86 : memref<79x128xi32, #tpu.memory_space<hbm>>) target(%arg11 : memref<79x128xi32, #tpu.memory_space<vmem>>) target_semaphore(%run_scoped3A : memref<!tpu.dma_semaphore, #tpu.memory_space<semaphore_mem>>)
      %dma_wait3A_87 = arith.constant 0 : i32
      %dma_wait3A_88 = arith.constant 0 : i32
      %dma_wait3A_89 = tpu.memref_slice %arg5[%add3A, %dma_wait3A_87, %dma_wait3A_88] : memref<32x79x128xi32, #tpu.memory_space<hbm>> -> memref<1x79x128xi32, #tpu.memory_space<hbm>>
      %dma_wait3A_90 = tpu.memref_squeeze %dma_wait3A_89 : memref<1x79x128xi32, #tpu.memory_space<hbm>> -> memref<79x128xi32, #tpu.memory_space<hbm>>
      %dma_wait3A_91 = arith.constant 0 : i32
      %dma_wait3A_92 = arith.constant 0 : i32
      %dma_wait3A_93 = tpu.memref_slice %arg5[%add3A, %dma_wait3A_91, %dma_wait3A_92] : memref<32x79x128xi32, #tpu.memory_space<hbm>> -> memref<1x79x128xi32, #tpu.memory_space<hbm>>
      %dma_wait3A_94 = tpu.memref_squeeze %dma_wait3A_93 : memref<1x79x128xi32, #tpu.memory_space<hbm>> -> memref<79x128xi32, #tpu.memory_space<hbm>>
      tpu.wait_dma2 semaphore(%run_scoped3A : memref<!tpu.dma_semaphore, #tpu.memory_space<semaphore_mem>>) src(%dma_wait3A_94 : memref<79x128xi32, #tpu.memory_space<hbm>>) dst(%arg11 : memref<79x128xi32, #tpu.memory_space<vmem>>)
      tpu.yield
    }) : () -> ()
    "tpu.region"() ({
      %run_scoped3A = tpu.sem_alloc : memref<!tpu.dma_semaphore, #tpu.memory_space<semaphore_mem>>
      %dma_start3A_79 = arith.constant 0 : i32
      %dma_start3A_80 = arith.constant 0 : i32
      %dma_start3A_81 = tpu.memref_slice %arg6[%add3A, %dma_start3A_79, %dma_start3A_80] : memref<32x79x128xi32, #tpu.memory_space<hbm>> -> memref<1x79x128xi32, #tpu.memory_space<hbm>>
      %dma_start3A_82 = tpu.memref_squeeze %dma_start3A_81 : memref<1x79x128xi32, #tpu.memory_space<hbm>> -> memref<79x128xi32, #tpu.memory_space<hbm>>
      %dma_start3A_83 = arith.constant 0 : i32
      %dma_start3A_84 = arith.constant 0 : i32
      %dma_start3A_85 = tpu.memref_slice %arg6[%add3A, %dma_start3A_83, %dma_start3A_84] : memref<32x79x128xi32, #tpu.memory_space<hbm>> -> memref<1x79x128xi32, #tpu.memory_space<hbm>>
      %dma_start3A_86 = tpu.memref_squeeze %dma_start3A_85 : memref<1x79x128xi32, #tpu.memory_space<hbm>> -> memref<79x128xi32, #tpu.memory_space<hbm>>
      tpu.enqueue_dma source(%dma_start3A_86 : memref<79x128xi32, #tpu.memory_space<hbm>>) target(%arg12 : memref<79x128xi32, #tpu.memory_space<vmem>>) target_semaphore(%run_scoped3A : memref<!tpu.dma_semaphore, #tpu.memory_space<semaphore_mem>>)
      %dma_wait3A_87 = arith.constant 0 : i32
      %dma_wait3A_88 = arith.constant 0 : i32
      %dma_wait3A_89 = tpu.memref_slice %arg6[%add3A, %dma_wait3A_87, %dma_wait3A_88] : memref<32x79x128xi32, #tpu.memory_space<hbm>> -> memref<1x79x128xi32, #tpu.memory_space<hbm>>
      %dma_wait3A_90 = tpu.memref_squeeze %dma_wait3A_89 : memref<1x79x128xi32, #tpu.memory_space<hbm>> -> memref<79x128xi32, #tpu.memory_space<hbm>>
      %dma_wait3A_91 = arith.constant 0 : i32
      %dma_wait3A_92 = arith.constant 0 : i32
      %dma_wait3A_93 = tpu.memref_slice %arg6[%add3A, %dma_wait3A_91, %dma_wait3A_92] : memref<32x79x128xi32, #tpu.memory_space<hbm>> -> memref<1x79x128xi32, #tpu.memory_space<hbm>>
      %dma_wait3A_94 = tpu.memref_squeeze %dma_wait3A_93 : memref<1x79x128xi32, #tpu.memory_space<hbm>> -> memref<79x128xi32, #tpu.memory_space<hbm>>
      tpu.wait_dma2 semaphore(%run_scoped3A : memref<!tpu.dma_semaphore, #tpu.memory_space<semaphore_mem>>) src(%dma_wait3A_94 : memref<79x128xi32, #tpu.memory_space<hbm>>) dst(%arg12 : memref<79x128xi32, #tpu.memory_space<vmem>>)
      tpu.yield
    }) : () -> ()
    %mul3A_1 = arith.constant 640 : i32
    %mul3A_2 = arith.muli %arg1, %mul3A_1 : i32
    "tpu.region"() ({
      %run_scoped3A = tpu.sem_alloc : memref<!tpu.dma_semaphore, #tpu.memory_space<semaphore_mem>>
      %dma_start3A_79 = arith.constant 0 : i32
      %dma_start3A_80 = tpu.memref_slice %arg17[%mul3A_2, %dma_start3A_79] : memref<10240x64xf32, #tpu.memory_space<vmem_shared>> -> memref<640x64xf32, #tpu.memory_space<vmem_shared>>
      %dma_start3A_81 = arith.constant 0 : i32
      %dma_start3A_82 = tpu.memref_slice %arg7[%mul3A_2, %dma_start3A_81] : memref<10240x64xf32, #tpu.memory_space<hbm>> -> memref<640x64xf32, #tpu.memory_space<hbm>>
      tpu.enqueue_dma source(%dma_start3A_82 : memref<640x64xf32, #tpu.memory_space<hbm>>) target(%dma_start3A_80 : memref<640x64xf32, #tpu.memory_space<vmem_shared>>) target_semaphore(%run_scoped3A : memref<!tpu.dma_semaphore, #tpu.memory_space<semaphore_mem>>)
      %dma_wait3A_83 = arith.constant 0 : i32
      %dma_wait3A_84 = tpu.memref_slice %arg17[%mul3A_2, %dma_wait3A_83] : memref<10240x64xf32, #tpu.memory_space<vmem_shared>> -> memref<640x64xf32, #tpu.memory_space<vmem_shared>>
      %dma_wait3A_85 = arith.constant 0 : i32
      %dma_wait3A_86 = tpu.memref_slice %arg7[%mul3A_2, %dma_wait3A_85] : memref<10240x64xf32, #tpu.memory_space<hbm>> -> memref<640x64xf32, #tpu.memory_space<hbm>>
      tpu.wait_dma2 semaphore(%run_scoped3A : memref<!tpu.dma_semaphore, #tpu.memory_space<semaphore_mem>>) src(%dma_wait3A_86 : memref<640x64xf32, #tpu.memory_space<hbm>>) dst(%dma_wait3A_84 : memref<640x64xf32, #tpu.memory_space<vmem_shared>>)
      tpu.yield
    }) : () -> ()
    "tpu.region"() ({
      %run_scoped3A = tpu.sem_alloc : memref<!tpu.dma_semaphore, #tpu.memory_space<semaphore_mem>>
      %dma_start3A_79 = tpu.memref_slice %arg18[%mul3A_2] : memref<10240xf32, #tpu.memory_space<vmem_shared>> -> memref<640xf32, #tpu.memory_space<vmem_shared>>
      %dma_start3A_80 = tpu.memref_slice %arg8[%mul3A_2] : memref<10240xf32, #tpu.memory_space<hbm>> -> memref<640xf32, #tpu.memory_space<hbm>>
      tpu.enqueue_dma source(%dma_start3A_80 : memref<640xf32, #tpu.memory_space<hbm>>) target(%dma_start3A_79 : memref<640xf32, #tpu.memory_space<vmem_shared>>) target_semaphore(%run_scoped3A : memref<!tpu.dma_semaphore, #tpu.memory_space<semaphore_mem>>)
      %dma_wait3A_81 = tpu.memref_slice %arg18[%mul3A_2] : memref<10240xf32, #tpu.memory_space<vmem_shared>> -> memref<640xf32, #tpu.memory_space<vmem_shared>>
      %dma_wait3A_82 = tpu.memref_slice %arg8[%mul3A_2] : memref<10240xf32, #tpu.memory_space<hbm>> -> memref<640xf32, #tpu.memory_space<hbm>>
      tpu.wait_dma2 semaphore(%run_scoped3A : memref<!tpu.dma_semaphore, #tpu.memory_space<semaphore_mem>>) src(%dma_wait3A_82 : memref<640xf32, #tpu.memory_space<hbm>>) dst(%dma_wait3A_81 : memref<640xf32, #tpu.memory_space<vmem_shared>>)
      tpu.yield
    }) : () -> ()
    %barrier3A = arith.constant 0 : index
    tpu.barrier barrier_id(%barrier3A)
    %dma_start3A = arith.constant 0 : i32
    %dma_start3A_3 = arith.constant 0 : i32
    %dma_start3A_4 = arith.constant 0 : i32
    %dma_start3A_5 = arith.constant 0 : i32
    %dma_start3A_6 = tpu.memref_slice %arg16[%dma_start3A_3, %dma_start3A_4, %dma_start3A_5] : memref<4x128x64xf32, #tpu.memory_space<vmem>> -> memref<1x128x64xf32, #tpu.memory_space<vmem>>
    %dma_start3A_7 = tpu.memref_squeeze %dma_start3A_6 : memref<1x128x64xf32, #tpu.memory_space<vmem>> -> memref<128x64xf32, #tpu.memory_space<vmem>>
    %dma_start3A_8 = arith.constant 0 : i32
    %dma_start3A_9 = tpu.memref_slice %arg11[%dma_start3A, %dma_start3A_8] : memref<79x128xi32, #tpu.memory_space<vmem>> -> memref<1x128xi32, #tpu.memory_space<vmem>>
    %dma_start3A_10 = tpu.memref_squeeze %dma_start3A_9 : memref<1x128xi32, #tpu.memory_space<vmem>> -> memref<128xi32, #tpu.memory_space<vmem>>
    %dma_start3A_11 = arith.constant 0 : i32
    %dma_start3A_12 = arith.constant 0 : i32
    %dma_start3A_13 = tpu.memref_slice %arg2[%dma_start3A_11, %dma_start3A_12] : memref<10000x64xf32, #tpu.memory_space<hbm>> -> memref<10000x64xf32, #tpu.memory_space<hbm>>
    tpu.enqueue_indirect_dma source(%dma_start3A_13 : memref<10000x64xf32, #tpu.memory_space<hbm>>) target(%dma_start3A_7 : memref<128x64xf32, #tpu.memory_space<vmem>>) offsets(%dma_start3A_10 : memref<128xi32, #tpu.memory_space<vmem>>) semaphore(%arg19 : memref<!tpu.dma_semaphore, #tpu.memory_space<semaphore_mem>>)
    %scan3A = arith.constant 0 : i32
    %scan3A_14 = arith.constant 0 : i32
    %scan3A_15 = arith.constant 79 : i32
    %scan3A_16 = arith.addi %scan3A_14, %scan3A_15 : i32
    %scan3A_17 = arith.constant 1 : i32
    %scan3A_18 = scf.for %scan3A_79 = %scan3A_14 to %scan3A_16 step %scan3A_17 iter_args(%scan3A_80 = %scan3A) -> (i32)  : i32 {
      %rem3A = arith.constant 4 : i32
      %rem3A_81 = arith.remsi %scan3A_79, %rem3A : i32
      %rem3A_82 = arith.constant 2 : i32
      %rem3A_83 = arith.remsi %scan3A_79, %rem3A_82 : i32
      %dma_wait3A_84 = arith.constant 0 : i32
      %dma_wait3A_85 = arith.constant 0 : i32
      %dma_wait3A_86 = tpu.memref_slice %arg16[%rem3A_81, %dma_wait3A_84, %dma_wait3A_85] : memref<4x128x64xf32, #tpu.memory_space<vmem>> -> memref<1x128x64xf32, #tpu.memory_space<vmem>>
      %dma_wait3A_87 = tpu.memref_squeeze %dma_wait3A_86 : memref<1x128x64xf32, #tpu.memory_space<vmem>> -> memref<128x64xf32, #tpu.memory_space<vmem>>
      %dma_wait3A_88 = arith.constant 0 : i32
      %dma_wait3A_89 = tpu.memref_slice %arg11[%scan3A_79, %dma_wait3A_88] : memref<79x128xi32, #tpu.memory_space<vmem>> -> memref<1x128xi32, #tpu.memory_space<vmem>>
      %dma_wait3A_90 = tpu.memref_squeeze %dma_wait3A_89 : memref<1x128xi32, #tpu.memory_space<vmem>> -> memref<128xi32, #tpu.memory_space<vmem>>
      %dma_wait3A_91 = arith.constant 0 : i32
      %dma_wait3A_92 = arith.constant 0 : i32
      %dma_wait3A_93 = tpu.memref_slice %arg2[%dma_wait3A_91, %dma_wait3A_92] : memref<10000x64xf32, #tpu.memory_space<hbm>> -> memref<10000x64xf32, #tpu.memory_space<hbm>>
      tpu.wait_indirect_dma semaphore(%arg19 : memref<!tpu.dma_semaphore, #tpu.memory_space<semaphore_mem>>) src(%dma_wait3A_93 : memref<10000x64xf32, #tpu.memory_space<hbm>>) dst(%dma_wait3A_87 : memref<128x64xf32, #tpu.memory_space<vmem>>)
      %ge3A = arith.constant 2 : i32
      %ge3A_94 = arith.cmpi sge, %scan3A_79, %ge3A : i32
      %convert_element_type3A = arith.extui %ge3A_94 : i1 to i32
      %cond3A = arith.constant 0 : i32
      %cond3A_95 = arith.cmpi ne, %convert_element_type3A, %cond3A : i32
      scf.if %cond3A_95 {
        %add3A_128 = arith.constant 2 : i32
        %add3A_129 = arith.addi %scan3A_79, %add3A_128 : i32
        %rem3A_130 = arith.constant 4 : i32
        %rem3A_131 = arith.remsi %add3A_129, %rem3A_130 : i32
        %dma_wait3A_132 = arith.constant 0 : i32
        %dma_wait3A_133 = arith.constant 0 : i32
        %dma_wait3A_134 = tpu.memref_slice %arg16[%rem3A_131, %dma_wait3A_132, %dma_wait3A_133] : memref<4x128x64xf32, #tpu.memory_space<vmem>> -> memref<1x128x64xf32, #tpu.memory_space<vmem>>
        %dma_wait3A_135 = tpu.memref_squeeze %dma_wait3A_134 : memref<1x128x64xf32, #tpu.memory_space<vmem>> -> memref<128x64xf32, #tpu.memory_space<vmem>>
        %dma_wait3A_136 = arith.constant 0 : i32
        %dma_wait3A_137 = tpu.memref_slice %arg12[%scan3A_79, %dma_wait3A_136] : memref<79x128xi32, #tpu.memory_space<vmem>> -> memref<1x128xi32, #tpu.memory_space<vmem>>
        %dma_wait3A_138 = tpu.memref_squeeze %dma_wait3A_137 : memref<1x128xi32, #tpu.memory_space<vmem>> -> memref<128xi32, #tpu.memory_space<vmem>>
        %dma_wait3A_139 = arith.constant 0 : i32
        %dma_wait3A_140 = arith.constant 0 : i32
        %dma_wait3A_141 = tpu.memref_slice %arg17[%dma_wait3A_139, %dma_wait3A_140] : memref<10240x64xf32, #tpu.memory_space<vmem_shared>> -> memref<10240x64xf32, #tpu.memory_space<vmem_shared>>
        %dma_wait3A_142 = tpu.memref_slice %arg20[%rem3A_83] : memref<2x!tpu.dma_semaphore, #tpu.memory_space<semaphore_mem>> -> memref<1x!tpu.dma_semaphore, #tpu.memory_space<semaphore_mem>>
        %dma_wait3A_143 = tpu.memref_squeeze %dma_wait3A_142 : memref<1x!tpu.dma_semaphore, #tpu.memory_space<semaphore_mem>> -> memref<!tpu.dma_semaphore, #tpu.memory_space<semaphore_mem>>
        tpu.wait_indirect_dma semaphore(%dma_wait3A_143 : memref<!tpu.dma_semaphore, #tpu.memory_space<semaphore_mem>>) src(%dma_wait3A_135 : memref<128x64xf32, #tpu.memory_space<vmem>>) dst(%dma_wait3A_141 : memref<10240x64xf32, #tpu.memory_space<vmem_shared>>)
        %dma_wait3A_144 = arith.constant 0 : i32
        %dma_wait3A_145 = tpu.memref_slice %arg13[%scan3A_79, %dma_wait3A_144] : memref<79x128xf32, #tpu.memory_space<vmem>> -> memref<1x128xf32, #tpu.memory_space<vmem>>
        %dma_wait3A_146 = tpu.memref_squeeze %dma_wait3A_145 : memref<1x128xf32, #tpu.memory_space<vmem>> -> memref<128xf32, #tpu.memory_space<vmem>>
        %dma_wait3A_147 = arith.constant 0 : i32
        %dma_wait3A_148 = tpu.memref_slice %arg12[%scan3A_79, %dma_wait3A_147] : memref<79x128xi32, #tpu.memory_space<vmem>> -> memref<1x128xi32, #tpu.memory_space<vmem>>
        %dma_wait3A_149 = tpu.memref_squeeze %dma_wait3A_148 : memref<1x128xi32, #tpu.memory_space<vmem>> -> memref<128xi32, #tpu.memory_space<vmem>>
        %dma_wait3A_150 = arith.constant 0 : i32
        %dma_wait3A_151 = tpu.memref_slice %arg18[%dma_wait3A_150] : memref<10240xf32, #tpu.memory_space<vmem_shared>> -> memref<10240xf32, #tpu.memory_space<vmem_shared>>
        %dma_wait3A_152 = tpu.memref_slice %arg21[%rem3A_83] : memref<2x!tpu.dma_semaphore, #tpu.memory_space<semaphore_mem>> -> memref<1x!tpu.dma_semaphore, #tpu.memory_space<semaphore_mem>>
        %dma_wait3A_153 = tpu.memref_squeeze %dma_wait3A_152 : memref<1x!tpu.dma_semaphore, #tpu.memory_space<semaphore_mem>> -> memref<!tpu.dma_semaphore, #tpu.memory_space<semaphore_mem>>
        tpu.wait_indirect_dma semaphore(%dma_wait3A_153 : memref<!tpu.dma_semaphore, #tpu.memory_space<semaphore_mem>>) src(%dma_wait3A_146 : memref<128xf32, #tpu.memory_space<vmem>>) dst(%dma_wait3A_151 : memref<10240xf32, #tpu.memory_space<vmem_shared>>)
      } else {
      }
      %add3A_96 = arith.constant 1 : i32
      %add3A_97 = arith.addi %scan3A_79, %add3A_96 : i32
      %lt3A = arith.constant 79 : i32
      %lt3A_98 = arith.cmpi slt, %add3A_97, %lt3A : i32
      %convert_element_type3A_99 = arith.extui %lt3A_98 : i1 to i32
      %cond3A_100 = arith.constant 0 : i32
      %cond3A_101 = arith.cmpi ne, %convert_element_type3A_99, %cond3A_100 : i32
      scf.if %cond3A_101 {
        %add3A_128 = arith.constant 1 : i32
        %add3A_129 = arith.addi %scan3A_79, %add3A_128 : i32
        %rem3A_130 = arith.constant 4 : i32
        %rem3A_131 = arith.remsi %add3A_129, %rem3A_130 : i32
        %add3A_132 = arith.constant 1 : i32
        %add3A_133 = arith.addi %scan3A_79, %add3A_132 : i32
        %dma_start3A_134 = arith.constant 0 : i32
        %dma_start3A_135 = arith.constant 0 : i32
        %dma_start3A_136 = tpu.memref_slice %arg16[%rem3A_131, %dma_start3A_134, %dma_start3A_135] : memref<4x128x64xf32, #tpu.memory_space<vmem>> -> memref<1x128x64xf32, #tpu.memory_space<vmem>>
        %dma_start3A_137 = tpu.memref_squeeze %dma_start3A_136 : memref<1x128x64xf32, #tpu.memory_space<vmem>> -> memref<128x64xf32, #tpu.memory_space<vmem>>
        %dma_start3A_138 = arith.constant 0 : i32
        %dma_start3A_139 = tpu.memref_slice %arg11[%add3A_133, %dma_start3A_138] : memref<79x128xi32, #tpu.memory_space<vmem>> -> memref<1x128xi32, #tpu.memory_space<vmem>>
        %dma_start3A_140 = tpu.memref_squeeze %dma_start3A_139 : memref<1x128xi32, #tpu.memory_space<vmem>> -> memref<128xi32, #tpu.memory_space<vmem>>
        %dma_start3A_141 = arith.constant 0 : i32
        %dma_start3A_142 = arith.constant 0 : i32
        %dma_start3A_143 = tpu.memref_slice %arg2[%dma_start3A_141, %dma_start3A_142] : memref<10000x64xf32, #tpu.memory_space<hbm>> -> memref<10000x64xf32, #tpu.memory_space<hbm>>
        tpu.enqueue_indirect_dma source(%dma_start3A_143 : memref<10000x64xf32, #tpu.memory_space<hbm>>) target(%dma_start3A_137 : memref<128x64xf32, #tpu.memory_space<vmem>>) offsets(%dma_start3A_140 : memref<128xi32, #tpu.memory_space<vmem>>) semaphore(%arg19 : memref<!tpu.dma_semaphore, #tpu.memory_space<semaphore_mem>>)
      } else {
      }
      %parallel_loop3A = arith.constant 0 : i32
      %parallel_loop3A_102 = arith.constant 8 : i32
      %parallel_loop3A_103 = arith.constant 1 : i32
      %parallel_loop3A_104:2 = scf.for %parallel_loop3A_128 = %parallel_loop3A to %parallel_loop3A_102 step %parallel_loop3A_103 iter_args(%parallel_loop3A_129 = %scan3A_79, %parallel_loop3A_130 = %rem3A_81) -> (i32, i32)  : i32 {
        %parallel_loop3A_131 = arith.constant 16 : i32
        %parallel_loop3A_132 = arith.muli %parallel_loop3A_128, %parallel_loop3A_131 : i32
        %parallel_loop3A_133 = arith.index_cast %parallel_loop3A_129 : i32 to index
        %parallel_loop3A_134 = arith.index_cast %parallel_loop3A_132 : i32 to index
        %parallel_loop3A_135 = tpu.vector_load %arg11[%parallel_loop3A_133, %parallel_loop3A_134] {strides = array<i32>} : memref<79x128xi32, #tpu.memory_space<vmem>>, vector<16xi32>,
        %parallel_loop3A_136 = arith.index_cast %parallel_loop3A_129 : i32 to index
        %parallel_loop3A_137 = arith.index_cast %parallel_loop3A_132 : i32 to index
        %parallel_loop3A_138 = tpu.vector_load %arg12[%parallel_loop3A_136, %parallel_loop3A_137] {strides = array<i32>} : memref<79x128xi32, #tpu.memory_space<vmem>>, vector<16xi32>,
        %parallel_loop3A_139 = tpu.vector_load_idx %arg14[%parallel_loop3A_135] : memref<10000xf32, #tpu.memory_space<vmem>>[vector<16xi32>], vector<16xf32>,
        %parallel_loop3A_140 = tpu.vector_load_idx %arg15[%parallel_loop3A_138] : memref<10000xf32, #tpu.memory_space<vmem>>[vector<16xi32>], vector<16xf32>,
        %parallel_loop3A_141 = arith.addf %parallel_loop3A_139, %parallel_loop3A_140 : vector<16xf32>
        %parallel_loop3A_142 = arith.constant 0.000000e+00 : f32
        %parallel_loop3A_143 = vector.broadcast %parallel_loop3A_142 : f32 to vector<16xf32>
        %parallel_loop3A_144 = arith.cmpf oge, %parallel_loop3A_141, %parallel_loop3A_143 : vector<16xf32>
        %parallel_loop3A_145 = arith.constant 2.000000e-01 : f32
        %parallel_loop3A_146 = vector.broadcast %parallel_loop3A_145 : f32 to vector<16xf32>
        %parallel_loop3A_147 = arith.mulf %parallel_loop3A_146, %parallel_loop3A_141 : vector<16xf32>
        %parallel_loop3A_148 = arith.select %parallel_loop3A_144, %parallel_loop3A_141, %parallel_loop3A_147 : vector<16xi1>, vector<16xf32>
        %parallel_loop3A_149 = math.exp %parallel_loop3A_148 : vector<16xf32>
        %parallel_loop3A_150 = arith.index_cast %parallel_loop3A_129 : i32 to index
        %parallel_loop3A_151 = arith.index_cast %parallel_loop3A_132 : i32 to index
        %parallel_loop3A_152 = tpu.vector_load %arg13[%parallel_loop3A_150, %parallel_loop3A_151] {strides = array<i32>} : memref<79x128xf32, #tpu.memory_space<vmem>>, vector<16xf32>,
        tpu.vector_store %arg13[%parallel_loop3A_150, %parallel_loop3A_151], %parallel_loop3A_149 {strides = array<i32>} : memref<79x128xf32, #tpu.memory_space<vmem>>, vector<16xf32>,
        %parallel_loop3A_153 = vector.extract_strided_slice %parallel_loop3A_149 {offsets = [0], sizes = [1], strides = [1]} : vector<16xf32> to vector<1xf32>
        %parallel_loop3A_154 = vector.extract %parallel_loop3A_153[0] : f32 from vector<1xf32>
        %parallel_loop3A_155 = arith.constant 0 : i32
        %parallel_loop3A_156 = arith.addi %parallel_loop3A_132, %parallel_loop3A_155 : i32
        %parallel_loop3A_157 = arith.index_cast %parallel_loop3A_130 : i32 to index
        %parallel_loop3A_158 = arith.index_cast %parallel_loop3A_156 : i32 to index
        %parallel_loop3A_159 = arith.constant 0 : index
        %parallel_loop3A_160 = tpu.vector_load %arg16[%parallel_loop3A_157, %parallel_loop3A_158, %parallel_loop3A_159] {strides = array<i32>} : memref<4x128x64xf32, #tpu.memory_space<vmem>>, vector<16xf32>,
        %parallel_loop3A_161 = vector.broadcast %parallel_loop3A_154 : f32 to vector<16xf32>
        %parallel_loop3A_162 = arith.mulf %parallel_loop3A_160, %parallel_loop3A_161 : vector<16xf32>
        %parallel_loop3A_163 = arith.index_cast %parallel_loop3A_130 : i32 to index
        %parallel_loop3A_164 = arith.index_cast %parallel_loop3A_156 : i32 to index
        %parallel_loop3A_165 = arith.constant 0 : index
        %parallel_loop3A_166 = tpu.vector_load %arg16[%parallel_loop3A_163, %parallel_loop3A_164, %parallel_loop3A_165] {strides = array<i32>} : memref<4x128x64xf32, #tpu.memory_space<vmem>>, vector<16xf32>,
        tpu.vector_store %arg16[%parallel_loop3A_163, %parallel_loop3A_164, %parallel_loop3A_165], %parallel_loop3A_162 {strides = array<i32>} : memref<4x128x64xf32, #tpu.memory_space<vmem>>, vector<16xf32>,
        %parallel_loop3A_167 = arith.index_cast %parallel_loop3A_130 : i32 to index
        %parallel_loop3A_168 = arith.index_cast %parallel_loop3A_156 : i32 to index
        %parallel_loop3A_169 = arith.constant 16 : index
        %parallel_loop3A_170 = tpu.vector_load %arg16[%parallel_loop3A_167, %parallel_loop3A_168, %parallel_loop3A_169] {strides = array<i32>} : memref<4x128x64xf32, #tpu.memory_space<vmem>>, vector<16xf32>,
        %parallel_loop3A_171 = vector.broadcast %parallel_loop3A_154 : f32 to vector<16xf32>
        %parallel_loop3A_172 = arith.mulf %parallel_loop3A_170, %parallel_loop3A_171 : vector<16xf32>
        %parallel_loop3A_173 = arith.index_cast %parallel_loop3A_130 : i32 to index
        %parallel_loop3A_174 = arith.index_cast %parallel_loop3A_156 : i32 to index
        %parallel_loop3A_175 = arith.constant 16 : index
        %parallel_loop3A_176 = tpu.vector_load %arg16[%parallel_loop3A_173, %parallel_loop3A_174, %parallel_loop3A_175] {strides = array<i32>} : memref<4x128x64xf32, #tpu.memory_space<vmem>>, vector<16xf32>,
        tpu.vector_store %arg16[%parallel_loop3A_173, %parallel_loop3A_174, %parallel_loop3A_175], %parallel_loop3A_172 {strides = array<i32>} : memref<4x128x64xf32, #tpu.memory_space<vmem>>, vector<16xf32>,
        %parallel_loop3A_177 = arith.index_cast %parallel_loop3A_130 : i32 to index
        %parallel_loop3A_178 = arith.index_cast %parallel_loop3A_156 : i32 to index
        %parallel_loop3A_179 = arith.constant 32 : index
        %parallel_loop3A_180 = tpu.vector_load %arg16[%parallel_loop3A_177, %parallel_loop3A_178, %parallel_loop3A_179] {strides = array<i32>} : memref<4x128x64xf32, #tpu.memory_space<vmem>>, vector<16xf32>,
        %parallel_loop3A_181 = vector.broadcast %parallel_loop3A_154 : f32 to vector<16xf32>
        %parallel_loop3A_182 = arith.mulf %parallel_loop3A_180, %parallel_loop3A_181 : vector<16xf32>
        %parallel_loop3A_183 = arith.index_cast %parallel_loop3A_130 : i32 to index
        %parallel_loop3A_184 = arith.index_cast %parallel_loop3A_156 : i32 to index
        %parallel_loop3A_185 = arith.constant 32 : index
        %parallel_loop3A_186 = tpu.vector_load %arg16[%parallel_loop3A_183, %parallel_loop3A_184, %parallel_loop3A_185] {strides = array<i32>} : memref<4x128x64xf32, #tpu.memory_space<vmem>>, vector<16xf32>,
        tpu.vector_store %arg16[%parallel_loop3A_183, %parallel_loop3A_184, %parallel_loop3A_185], %parallel_loop3A_182 {strides = array<i32>} : memref<4x128x64xf32, #tpu.memory_space<vmem>>, vector<16xf32>,
        %parallel_loop3A_187 = arith.index_cast %parallel_loop3A_130 : i32 to index
        %parallel_loop3A_188 = arith.index_cast %parallel_loop3A_156 : i32 to index
        %parallel_loop3A_189 = arith.constant 48 : index
        %parallel_loop3A_190 = tpu.vector_load %arg16[%parallel_loop3A_187, %parallel_loop3A_188, %parallel_loop3A_189] {strides = array<i32>} : memref<4x128x64xf32, #tpu.memory_space<vmem>>, vector<16xf32>,
        %parallel_loop3A_191 = vector.broadcast %parallel_loop3A_154 : f32 to vector<16xf32>
        %parallel_loop3A_192 = arith.mulf %parallel_loop3A_190, %parallel_loop3A_191 : vector<16xf32>
        %parallel_loop3A_193 = arith.index_cast %parallel_loop3A_130 : i32 to index
        %parallel_loop3A_194 = arith.index_cast %parallel_loop3A_156 : i32 to index
        %parallel_loop3A_195 = arith.constant 48 : index
        %parallel_loop3A_196 = tpu.vector_load %arg16[%parallel_loop3A_193, %parallel_loop3A_194, %parallel_loop3A_195] {strides = array<i32>} : memref<4x128x64xf32, #tpu.memory_space<vmem>>, vector<16xf32>,
        tpu.vector_store %arg16[%parallel_loop3A_193, %parallel_loop3A_194, %parallel_loop3A_195], %parallel_loop3A_192 {strides = array<i32>} : memref<4x128x64xf32, #tpu.memory_space<vmem>>, vector<16xf32>,
        %parallel_loop3A_197 = vector.extract_strided_slice %parallel_loop3A_149 {offsets = [1], sizes = [1], strides = [1]} : vector<16xf32> to vector<1xf32>
        %parallel_loop3A_198 = vector.extract %parallel_loop3A_197[0] : f32 from vector<1xf32>
        %parallel_loop3A_199 = arith.constant 1 : i32
        %parallel_loop3A_200 = arith.addi %parallel_loop3A_132, %parallel_loop3A_199 : i32
        %parallel_loop3A_201 = arith.index_cast %parallel_loop3A_130 : i32 to index
        %parallel_loop3A_202 = arith.index_cast %parallel_loop3A_200 : i32 to index
        %parallel_loop3A_203 = arith.constant 0 : index
        %parallel_loop3A_204 = tpu.vector_load %arg16[%parallel_loop3A_201, %parallel_loop3A_202, %parallel_loop3A_203] {strides = array<i32>} : memref<4x128x64xf32, #tpu.memory_space<vmem>>, vector<16xf32>,
        %parallel_loop3A_205 = vector.broadcast %parallel_loop3A_198 : f32 to vector<16xf32>
        %parallel_loop3A_206 = arith.mulf %parallel_loop3A_204, %parallel_loop3A_205 : vector<16xf32>
        %parallel_loop3A_207 = arith.index_cast %parallel_loop3A_130 : i32 to index
        %parallel_loop3A_208 = arith.index_cast %parallel_loop3A_200 : i32 to index
        %parallel_loop3A_209 = arith.constant 0 : index
        %parallel_loop3A_210 = tpu.vector_load %arg16[%parallel_loop3A_207, %parallel_loop3A_208, %parallel_loop3A_209] {strides = array<i32>} : memref<4x128x64xf32, #tpu.memory_space<vmem>>, vector<16xf32>,
        tpu.vector_store %arg16[%parallel_loop3A_207, %parallel_loop3A_208, %parallel_loop3A_209], %parallel_loop3A_206 {strides = array<i32>} : memref<4x128x64xf32, #tpu.memory_space<vmem>>, vector<16xf32>,
        %parallel_loop3A_211 = arith.index_cast %parallel_loop3A_130 : i32 to index
        %parallel_loop3A_212 = arith.index_cast %parallel_loop3A_200 : i32 to index
        %parallel_loop3A_213 = arith.constant 16 : index
        %parallel_loop3A_214 = tpu.vector_load %arg16[%parallel_loop3A_211, %parallel_loop3A_212, %parallel_loop3A_213] {strides = array<i32>} : memref<4x128x64xf32, #tpu.memory_space<vmem>>, vector<16xf32>,
        %parallel_loop3A_215 = vector.broadcast %parallel_loop3A_198 : f32 to vector<16xf32>
        %parallel_loop3A_216 = arith.mulf %parallel_loop3A_214, %parallel_loop3A_215 : vector<16xf32>
        %parallel_loop3A_217 = arith.index_cast %parallel_loop3A_130 : i32 to index
        %parallel_loop3A_218 = arith.index_cast %parallel_loop3A_200 : i32 to index
        %parallel_loop3A_219 = arith.constant 16 : index
        %parallel_loop3A_220 = tpu.vector_load %arg16[%parallel_loop3A_217, %parallel_loop3A_218, %parallel_loop3A_219] {strides = array<i32>} : memref<4x128x64xf32, #tpu.memory_space<vmem>>, vector<16xf32>,
        tpu.vector_store %arg16[%parallel_loop3A_217, %parallel_loop3A_218, %parallel_loop3A_219], %parallel_loop3A_216 {strides = array<i32>} : memref<4x128x64xf32, #tpu.memory_space<vmem>>, vector<16xf32>,
        %parallel_loop3A_221 = arith.index_cast %parallel_loop3A_130 : i32 to index
        %parallel_loop3A_222 = arith.index_cast %parallel_loop3A_200 : i32 to index
        %parallel_loop3A_223 = arith.constant 32 : index
        %parallel_loop3A_224 = tpu.vector_load %arg16[%parallel_loop3A_221, %parallel_loop3A_222, %parallel_loop3A_223] {strides = array<i32>} : memref<4x128x64xf32, #tpu.memory_space<vmem>>, vector<16xf32>,
        %parallel_loop3A_225 = vector.broadcast %parallel_loop3A_198 : f32 to vector<16xf32>
        %parallel_loop3A_226 = arith.mulf %parallel_loop3A_224, %parallel_loop3A_225 : vector<16xf32>
        %parallel_loop3A_227 = arith.index_cast %parallel_loop3A_130 : i32 to index
        %parallel_loop3A_228 = arith.index_cast %parallel_loop3A_200 : i32 to index
        %parallel_loop3A_229 = arith.constant 32 : index
        %parallel_loop3A_230 = tpu.vector_load %arg16[%parallel_loop3A_227, %parallel_loop3A_228, %parallel_loop3A_229] {strides = array<i32>} : memref<4x128x64xf32, #tpu.memory_space<vmem>>, vector<16xf32>,
        tpu.vector_store %arg16[%parallel_loop3A_227, %parallel_loop3A_228, %parallel_loop3A_229], %parallel_loop3A_226 {strides = array<i32>} : memref<4x128x64xf32, #tpu.memory_space<vmem>>, vector<16xf32>,
        %parallel_loop3A_231 = arith.index_cast %parallel_loop3A_130 : i32 to index
        %parallel_loop3A_232 = arith.index_cast %parallel_loop3A_200 : i32 to index
        %parallel_loop3A_233 = arith.constant 48 : index
        %parallel_loop3A_234 = tpu.vector_load %arg16[%parallel_loop3A_231, %parallel_loop3A_232, %parallel_loop3A_233] {strides = array<i32>} : memref<4x128x64xf32, #tpu.memory_space<vmem>>, vector<16xf32>,
        %parallel_loop3A_235 = vector.broadcast %parallel_loop3A_198 : f32 to vector<16xf32>
        %parallel_loop3A_236 = arith.mulf %parallel_loop3A_234, %parallel_loop3A_235 : vector<16xf32>
        %parallel_loop3A_237 = arith.index_cast %parallel_loop3A_130 : i32 to index
        %parallel_loop3A_238 = arith.index_cast %parallel_loop3A_200 : i32 to index
        %parallel_loop3A_239 = arith.constant 48 : index
        %parallel_loop3A_240 = tpu.vector_load %arg16[%parallel_loop3A_237, %parallel_loop3A_238, %parallel_loop3A_239] {strides = array<i32>} : memref<4x128x64xf32, #tpu.memory_space<vmem>>, vector<16xf32>,
        tpu.vector_store %arg16[%parallel_loop3A_237, %parallel_loop3A_238, %parallel_loop3A_239], %parallel_loop3A_236 {strides = array<i32>} : memref<4x128x64xf32, #tpu.memory_space<vmem>>, vector<16xf32>,
        %parallel_loop3A_241 = vector.extract_strided_slice %parallel_loop3A_149 {offsets = [2], sizes = [1], strides = [1]} : vector<16xf32> to vector<1xf32>
        %parallel_loop3A_242 = vector.extract %parallel_loop3A_241[0] : f32 from vector<1xf32>
        %parallel_loop3A_243 = arith.constant 2 : i32
        %parallel_loop3A_244 = arith.addi %parallel_loop3A_132, %parallel_loop3A_243 : i32
        %parallel_loop3A_245 = arith.index_cast %parallel_loop3A_130 : i32 to index
        %parallel_loop3A_246 = arith.index_cast %parallel_loop3A_244 : i32 to index
        %parallel_loop3A_247 = arith.constant 0 : index
        %parallel_loop3A_248 = tpu.vector_load %arg16[%parallel_loop3A_245, %parallel_loop3A_246, %parallel_loop3A_247] {strides = array<i32>} : memref<4x128x64xf32, #tpu.memory_space<vmem>>, vector<16xf32>,
        %parallel_loop3A_249 = vector.broadcast %parallel_loop3A_242 : f32 to vector<16xf32>
        %parallel_loop3A_250 = arith.mulf %parallel_loop3A_248, %parallel_loop3A_249 : vector<16xf32>
        %parallel_loop3A_251 = arith.index_cast %parallel_loop3A_130 : i32 to index
        %parallel_loop3A_252 = arith.index_cast %parallel_loop3A_244 : i32 to index
        %parallel_loop3A_253 = arith.constant 0 : index
        %parallel_loop3A_254 = tpu.vector_load %arg16[%parallel_loop3A_251, %parallel_loop3A_252, %parallel_loop3A_253] {strides = array<i32>} : memref<4x128x64xf32, #tpu.memory_space<vmem>>, vector<16xf32>,
        tpu.vector_store %arg16[%parallel_loop3A_251, %parallel_loop3A_252, %parallel_loop3A_253], %parallel_loop3A_250 {strides = array<i32>} : memref<4x128x64xf32, #tpu.memory_space<vmem>>, vector<16xf32>,
        %parallel_loop3A_255 = arith.index_cast %parallel_loop3A_130 : i32 to index
        %parallel_loop3A_256 = arith.index_cast %parallel_loop3A_244 : i32 to index
        %parallel_loop3A_257 = arith.constant 16 : index
        %parallel_loop3A_258 = tpu.vector_load %arg16[%parallel_loop3A_255, %parallel_loop3A_256, %parallel_loop3A_257] {strides = array<i32>} : memref<4x128x64xf32, #tpu.memory_space<vmem>>, vector<16xf32>,
        %parallel_loop3A_259 = vector.broadcast %parallel_loop3A_242 : f32 to vector<16xf32>
        %parallel_loop3A_260 = arith.mulf %parallel_loop3A_258, %parallel_loop3A_259 : vector<16xf32>
        %parallel_loop3A_261 = arith.index_cast %parallel_loop3A_130 : i32 to index
        %parallel_loop3A_262 = arith.index_cast %parallel_loop3A_244 : i32 to index
        %parallel_loop3A_263 = arith.constant 16 : index
        %parallel_loop3A_264 = tpu.vector_load %arg16[%parallel_loop3A_261, %parallel_loop3A_262, %parallel_loop3A_263] {strides = array<i32>} : memref<4x128x64xf32, #tpu.memory_space<vmem>>, vector<16xf32>,
        tpu.vector_store %arg16[%parallel_loop3A_261, %parallel_loop3A_262, %parallel_loop3A_263], %parallel_loop3A_260 {strides = array<i32>} : memref<4x128x64xf32, #tpu.memory_space<vmem>>, vector<16xf32>,
        %parallel_loop3A_265 = arith.index_cast %parallel_loop3A_130 : i32 to index
        %parallel_loop3A_266 = arith.index_cast %parallel_loop3A_244 : i32 to index
        %parallel_loop3A_267 = arith.constant 32 : index
        %parallel_loop3A_268 = tpu.vector_load %arg16[%parallel_loop3A_265, %parallel_loop3A_266, %parallel_loop3A_267] {strides = array<i32>} : memref<4x128x64xf32, #tpu.memory_space<vmem>>, vector<16xf32>,
        %parallel_loop3A_269 = vector.broadcast %parallel_loop3A_242 : f32 to vector<16xf32>
        %parallel_loop3A_270 = arith.mulf %parallel_loop3A_268, %parallel_loop3A_269 : vector<16xf32>
        %parallel_loop3A_271 = arith.index_cast %parallel_loop3A_130 : i32 to index
        %parallel_loop3A_272 = arith.index_cast %parallel_loop3A_244 : i32 to index
        %parallel_loop3A_273 = arith.constant 32 : index
        %parallel_loop3A_274 = tpu.vector_load %arg16[%parallel_loop3A_271, %parallel_loop3A_272, %parallel_loop3A_273] {strides = array<i32>} : memref<4x128x64xf32, #tpu.memory_space<vmem>>, vector<16xf32>,
        tpu.vector_store %arg16[%parallel_loop3A_271, %parallel_loop3A_272, %parallel_loop3A_273], %parallel_loop3A_270 {strides = array<i32>} : memref<4x128x64xf32, #tpu.memory_space<vmem>>, vector<16xf32>,
        %parallel_loop3A_275 = arith.index_cast %parallel_loop3A_130 : i32 to index
        %parallel_loop3A_276 = arith.index_cast %parallel_loop3A_244 : i32 to index
        %parallel_loop3A_277 = arith.constant 48 : index
        %parallel_loop3A_278 = tpu.vector_load %arg16[%parallel_loop3A_275, %parallel_loop3A_276, %parallel_loop3A_277] {strides = array<i32>} : memref<4x128x64xf32, #tpu.memory_space<vmem>>, vector<16xf32>,
        %parallel_loop3A_279 = vector.broadcast %parallel_loop3A_242 : f32 to vector<16xf32>
        %parallel_loop3A_280 = arith.mulf %parallel_loop3A_278, %parallel_loop3A_279 : vector<16xf32>
        %parallel_loop3A_281 = arith.index_cast %parallel_loop3A_130 : i32 to index
        %parallel_loop3A_282 = arith.index_cast %parallel_loop3A_244 : i32 to index
        %parallel_loop3A_283 = arith.constant 48 : index
        %parallel_loop3A_284 = tpu.vector_load %arg16[%parallel_loop3A_281, %parallel_loop3A_282, %parallel_loop3A_283] {strides = array<i32>} : memref<4x128x64xf32, #tpu.memory_space<vmem>>, vector<16xf32>,
        tpu.vector_store %arg16[%parallel_loop3A_281, %parallel_loop3A_282, %parallel_loop3A_283], %parallel_loop3A_280 {strides = array<i32>} : memref<4x128x64xf32, #tpu.memory_space<vmem>>, vector<16xf32>,
        %parallel_loop3A_285 = vector.extract_strided_slice %parallel_loop3A_149 {offsets = [3], sizes = [1], strides = [1]} : vector<16xf32> to vector<1xf32>
        %parallel_loop3A_286 = vector.extract %parallel_loop3A_285[0] : f32 from vector<1xf32>
        %parallel_loop3A_287 = arith.constant 3 : i32
        %parallel_loop3A_288 = arith.addi %parallel_loop3A_132, %parallel_loop3A_287 : i32
        %parallel_loop3A_289 = arith.index_cast %parallel_loop3A_130 : i32 to index
        %parallel_loop3A_290 = arith.index_cast %parallel_loop3A_288 : i32 to index
        %parallel_loop3A_291 = arith.constant 0 : index
        %parallel_loop3A_292 = tpu.vector_load %arg16[%parallel_loop3A_289, %parallel_loop3A_290, %parallel_loop3A_291] {strides = array<i32>} : memref<4x128x64xf32, #tpu.memory_space<vmem>>, vector<16xf32>,
        %parallel_loop3A_293 = vector.broadcast %parallel_loop3A_286 : f32 to vector<16xf32>
        %parallel_loop3A_294 = arith.mulf %parallel_loop3A_292, %parallel_loop3A_293 : vector<16xf32>
        %parallel_loop3A_295 = arith.index_cast %parallel_loop3A_130 : i32 to index
        %parallel_loop3A_296 = arith.index_cast %parallel_loop3A_288 : i32 to index
        %parallel_loop3A_297 = arith.constant 0 : index
        %parallel_loop3A_298 = tpu.vector_load %arg16[%parallel_loop3A_295, %parallel_loop3A_296, %parallel_loop3A_297] {strides = array<i32>} : memref<4x128x64xf32, #tpu.memory_space<vmem>>, vector<16xf32>,
        tpu.vector_store %arg16[%parallel_loop3A_295, %parallel_loop3A_296, %parallel_loop3A_297], %parallel_loop3A_294 {strides = array<i32>} : memref<4x128x64xf32, #tpu.memory_space<vmem>>, vector<16xf32>,
        %parallel_loop3A_299 = arith.index_cast %parallel_loop3A_130 : i32 to index
        %parallel_loop3A_300 = arith.index_cast %parallel_loop3A_288 : i32 to index
        %parallel_loop3A_301 = arith.constant 16 : index
        %parallel_loop3A_302 = tpu.vector_load %arg16[%parallel_loop3A_299, %parallel_loop3A_300, %parallel_loop3A_301] {strides = array<i32>} : memref<4x128x64xf32, #tpu.memory_space<vmem>>, vector<16xf32>,
        %parallel_loop3A_303 = vector.broadcast %parallel_loop3A_286 : f32 to vector<16xf32>
        %parallel_loop3A_304 = arith.mulf %parallel_loop3A_302, %parallel_loop3A_303 : vector<16xf32>
        %parallel_loop3A_305 = arith.index_cast %parallel_loop3A_130 : i32 to index
        %parallel_loop3A_306 = arith.index_cast %parallel_loop3A_288 : i32 to index
        %parallel_loop3A_307 = arith.constant 16 : index
        %parallel_loop3A_308 = tpu.vector_load %arg16[%parallel_loop3A_305, %parallel_loop3A_306, %parallel_loop3A_307] {strides = array<i32>} : memref<4x128x64xf32, #tpu.memory_space<vmem>>, vector<16xf32>,
        tpu.vector_store %arg16[%parallel_loop3A_305, %parallel_loop3A_306, %parallel_loop3A_307], %parallel_loop3A_304 {strides = array<i32>} : memref<4x128x64xf32, #tpu.memory_space<vmem>>, vector<16xf32>,
        %parallel_loop3A_309 = arith.index_cast %parallel_loop3A_130 : i32 to index
        %parallel_loop3A_310 = arith.index_cast %parallel_loop3A_288 : i32 to index
        %parallel_loop3A_311 = arith.constant 32 : index
        %parallel_loop3A_312 = tpu.vector_load %arg16[%parallel_loop3A_309, %parallel_loop3A_310, %parallel_loop3A_311] {strides = array<i32>} : memref<4x128x64xf32, #tpu.memory_space<vmem>>, vector<16xf32>,
        %parallel_loop3A_313 = vector.broadcast %parallel_loop3A_286 : f32 to vector<16xf32>
        %parallel_loop3A_314 = arith.mulf %parallel_loop3A_312, %parallel_loop3A_313 : vector<16xf32>
        %parallel_loop3A_315 = arith.index_cast %parallel_loop3A_130 : i32 to index
        %parallel_loop3A_316 = arith.index_cast %parallel_loop3A_288 : i32 to index
        %parallel_loop3A_317 = arith.constant 32 : index
        %parallel_loop3A_318 = tpu.vector_load %arg16[%parallel_loop3A_315, %parallel_loop3A_316, %parallel_loop3A_317] {strides = array<i32>} : memref<4x128x64xf32, #tpu.memory_space<vmem>>, vector<16xf32>,
        tpu.vector_store %arg16[%parallel_loop3A_315, %parallel_loop3A_316, %parallel_loop3A_317], %parallel_loop3A_314 {strides = array<i32>} : memref<4x128x64xf32, #tpu.memory_space<vmem>>, vector<16xf32>,
        %parallel_loop3A_319 = arith.index_cast %parallel_loop3A_130 : i32 to index
        %parallel_loop3A_320 = arith.index_cast %parallel_loop3A_288 : i32 to index
        %parallel_loop3A_321 = arith.constant 48 : index
        %parallel_loop3A_322 = tpu.vector_load %arg16[%parallel_loop3A_319, %parallel_loop3A_320, %parallel_loop3A_321] {strides = array<i32>} : memref<4x128x64xf32, #tpu.memory_space<vmem>>, vector<16xf32>,
        %parallel_loop3A_323 = vector.broadcast %parallel_loop3A_286 : f32 to vector<16xf32>
        %parallel_loop3A_324 = arith.mulf %parallel_loop3A_322, %parallel_loop3A_323 : vector<16xf32>
        %parallel_loop3A_325 = arith.index_cast %parallel_loop3A_130 : i32 to index
        %parallel_loop3A_326 = arith.index_cast %parallel_loop3A_288 : i32 to index
        %parallel_loop3A_327 = arith.constant 48 : index
        %parallel_loop3A_328 = tpu.vector_load %arg16[%parallel_loop3A_325, %parallel_loop3A_326, %parallel_loop3A_327] {strides = array<i32>} : memref<4x128x64xf32, #tpu.memory_space<vmem>>, vector<16xf32>,
        tpu.vector_store %arg16[%parallel_loop3A_325, %parallel_loop3A_326, %parallel_loop3A_327], %parallel_loop3A_324 {strides = array<i32>} : memref<4x128x64xf32, #tpu.memory_space<vmem>>, vector<16xf32>,
        %parallel_loop3A_329 = vector.extract_strided_slice %parallel_loop3A_149 {offsets = [4], sizes = [1], strides = [1]} : vector<16xf32> to vector<1xf32>
        %parallel_loop3A_330 = vector.extract %parallel_loop3A_329[0] : f32 from vector<1xf32>
        %parallel_loop3A_331 = arith.constant 4 : i32
        %parallel_loop3A_332 = arith.addi %parallel_loop3A_132, %parallel_loop3A_331 : i32
        %parallel_loop3A_333 = arith.index_cast %parallel_loop3A_130 : i32 to index
        %parallel_loop3A_334 = arith.index_cast %parallel_loop3A_332 : i32 to index
        %parallel_loop3A_335 = arith.constant 0 : index
        %parallel_loop3A_336 = tpu.vector_load %arg16[%parallel_loop3A_333, %parallel_loop3A_334, %parallel_loop3A_335] {strides = array<i32>} : memref<4x128x64xf32, #tpu.memory_space<vmem>>, vector<16xf32>,
        %parallel_loop3A_337 = vector.broadcast %parallel_loop3A_330 : f32 to vector<16xf32>
        %parallel_loop3A_338 = arith.mulf %parallel_loop3A_336, %parallel_loop3A_337 : vector<16xf32>
        %parallel_loop3A_339 = arith.index_cast %parallel_loop3A_130 : i32 to index
        %parallel_loop3A_340 = arith.index_cast %parallel_loop3A_332 : i32 to index
        %parallel_loop3A_341 = arith.constant 0 : index
        %parallel_loop3A_342 = tpu.vector_load %arg16[%parallel_loop3A_339, %parallel_loop3A_340, %parallel_loop3A_341] {strides = array<i32>} : memref<4x128x64xf32, #tpu.memory_space<vmem>>, vector<16xf32>,
        tpu.vector_store %arg16[%parallel_loop3A_339, %parallel_loop3A_340, %parallel_loop3A_341], %parallel_loop3A_338 {strides = array<i32>} : memref<4x128x64xf32, #tpu.memory_space<vmem>>, vector<16xf32>,
        %parallel_loop3A_343 = arith.index_cast %parallel_loop3A_130 : i32 to index
        %parallel_loop3A_344 = arith.index_cast %parallel_loop3A_332 : i32 to index
        %parallel_loop3A_345 = arith.constant 16 : index
        %parallel_loop3A_346 = tpu.vector_load %arg16[%parallel_loop3A_343, %parallel_loop3A_344, %parallel_loop3A_345] {strides = array<i32>} : memref<4x128x64xf32, #tpu.memory_space<vmem>>, vector<16xf32>,
        %parallel_loop3A_347 = vector.broadcast %parallel_loop3A_330 : f32 to vector<16xf32>
        %parallel_loop3A_348 = arith.mulf %parallel_loop3A_346, %parallel_loop3A_347 : vector<16xf32>
        %parallel_loop3A_349 = arith.index_cast %parallel_loop3A_130 : i32 to index
        %parallel_loop3A_350 = arith.index_cast %parallel_loop3A_332 : i32 to index
        %parallel_loop3A_351 = arith.constant 16 : index
        %parallel_loop3A_352 = tpu.vector_load %arg16[%parallel_loop3A_349, %parallel_loop3A_350, %parallel_loop3A_351] {strides = array<i32>} : memref<4x128x64xf32, #tpu.memory_space<vmem>>, vector<16xf32>,
        tpu.vector_store %arg16[%parallel_loop3A_349, %parallel_loop3A_350, %parallel_loop3A_351], %parallel_loop3A_348 {strides = array<i32>} : memref<4x128x64xf32, #tpu.memory_space<vmem>>, vector<16xf32>,
        %parallel_loop3A_353 = arith.index_cast %parallel_loop3A_130 : i32 to index
        %parallel_loop3A_354 = arith.index_cast %parallel_loop3A_332 : i32 to index
        %parallel_loop3A_355 = arith.constant 32 : index
        %parallel_loop3A_356 = tpu.vector_load %arg16[%parallel_loop3A_353, %parallel_loop3A_354, %parallel_loop3A_355] {strides = array<i32>} : memref<4x128x64xf32, #tpu.memory_space<vmem>>, vector<16xf32>,
        %parallel_loop3A_357 = vector.broadcast %parallel_loop3A_330 : f32 to vector<16xf32>
        %parallel_loop3A_358 = arith.mulf %parallel_loop3A_356, %parallel_loop3A_357 : vector<16xf32>
        %parallel_loop3A_359 = arith.index_cast %parallel_loop3A_130 : i32 to index
        %parallel_loop3A_360 = arith.index_cast %parallel_loop3A_332 : i32 to index
        %parallel_loop3A_361 = arith.constant 32 : index
        %parallel_loop3A_362 = tpu.vector_load %arg16[%parallel_loop3A_359, %parallel_loop3A_360, %parallel_loop3A_361] {strides = array<i32>} : memref<4x128x64xf32, #tpu.memory_space<vmem>>, vector<16xf32>,
        tpu.vector_store %arg16[%parallel_loop3A_359, %parallel_loop3A_360, %parallel_loop3A_361], %parallel_loop3A_358 {strides = array<i32>} : memref<4x128x64xf32, #tpu.memory_space<vmem>>, vector<16xf32>,
        %parallel_loop3A_363 = arith.index_cast %parallel_loop3A_130 : i32 to index
        %parallel_loop3A_364 = arith.index_cast %parallel_loop3A_332 : i32 to index
        %parallel_loop3A_365 = arith.constant 48 : index
        %parallel_loop3A_366 = tpu.vector_load %arg16[%parallel_loop3A_363, %parallel_loop3A_364, %parallel_loop3A_365] {strides = array<i32>} : memref<4x128x64xf32, #tpu.memory_space<vmem>>, vector<16xf32>,
        %parallel_loop3A_367 = vector.broadcast %parallel_loop3A_330 : f32 to vector<16xf32>
        %parallel_loop3A_368 = arith.mulf %parallel_loop3A_366, %parallel_loop3A_367 : vector<16xf32>
        %parallel_loop3A_369 = arith.index_cast %parallel_loop3A_130 : i32 to index
        %parallel_loop3A_370 = arith.index_cast %parallel_loop3A_332 : i32 to index
        %parallel_loop3A_371 = arith.constant 48 : index
        %parallel_loop3A_372 = tpu.vector_load %arg16[%parallel_loop3A_369, %parallel_loop3A_370, %parallel_loop3A_371] {strides = array<i32>} : memref<4x128x64xf32, #tpu.memory_space<vmem>>, vector<16xf32>,
        tpu.vector_store %arg16[%parallel_loop3A_369, %parallel_loop3A_370, %parallel_loop3A_371], %parallel_loop3A_368 {strides = array<i32>} : memref<4x128x64xf32, #tpu.memory_space<vmem>>, vector<16xf32>,
        %parallel_loop3A_373 = vector.extract_strided_slice %parallel_loop3A_149 {offsets = [5], sizes = [1], strides = [1]} : vector<16xf32> to vector<1xf32>
        %parallel_loop3A_374 = vector.extract %parallel_loop3A_373[0] : f32 from vector<1xf32>
        %parallel_loop3A_375 = arith.constant 5 : i32
        %parallel_loop3A_376 = arith.addi %parallel_loop3A_132, %parallel_loop3A_375 : i32
        %parallel_loop3A_377 = arith.index_cast %parallel_loop3A_130 : i32 to index
        %parallel_loop3A_378 = arith.index_cast %parallel_loop3A_376 : i32 to index
        %parallel_loop3A_379 = arith.constant 0 : index
        %parallel_loop3A_380 = tpu.vector_load %arg16[%parallel_loop3A_377, %parallel_loop3A_378, %parallel_loop3A_379] {strides = array<i32>} : memref<4x128x64xf32, #tpu.memory_space<vmem>>, vector<16xf32>,
        %parallel_loop3A_381 = vector.broadcast %parallel_loop3A_374 : f32 to vector<16xf32>
        %parallel_loop3A_382 = arith.mulf %parallel_loop3A_380, %parallel_loop3A_381 : vector<16xf32>
        %parallel_loop3A_383 = arith.index_cast %parallel_loop3A_130 : i32 to index
        %parallel_loop3A_384 = arith.index_cast %parallel_loop3A_376 : i32 to index
        %parallel_loop3A_385 = arith.constant 0 : index
        %parallel_loop3A_386 = tpu.vector_load %arg16[%parallel_loop3A_383, %parallel_loop3A_384, %parallel_loop3A_385] {strides = array<i32>} : memref<4x128x64xf32, #tpu.memory_space<vmem>>, vector<16xf32>,
        tpu.vector_store %arg16[%parallel_loop3A_383, %parallel_loop3A_384, %parallel_loop3A_385], %parallel_loop3A_382 {strides = array<i32>} : memref<4x128x64xf32, #tpu.memory_space<vmem>>, vector<16xf32>,
        %parallel_loop3A_387 = arith.index_cast %parallel_loop3A_130 : i32 to index
        %parallel_loop3A_388 = arith.index_cast %parallel_loop3A_376 : i32 to index
        %parallel_loop3A_389 = arith.constant 16 : index
        %parallel_loop3A_390 = tpu.vector_load %arg16[%parallel_loop3A_387, %parallel_loop3A_388, %parallel_loop3A_389] {strides = array<i32>} : memref<4x128x64xf32, #tpu.memory_space<vmem>>, vector<16xf32>,
        %parallel_loop3A_391 = vector.broadcast %parallel_loop3A_374 : f32 to vector<16xf32>
        %parallel_loop3A_392 = arith.mulf %parallel_loop3A_390, %parallel_loop3A_391 : vector<16xf32>
        %parallel_loop3A_393 = arith.index_cast %parallel_loop3A_130 : i32 to index
        %parallel_loop3A_394 = arith.index_cast %parallel_loop3A_376 : i32 to index
        %parallel_loop3A_395 = arith.constant 16 : index
        %parallel_loop3A_396 = tpu.vector_load %arg16[%parallel_loop3A_393, %parallel_loop3A_394, %parallel_loop3A_395] {strides = array<i32>} : memref<4x128x64xf32, #tpu.memory_space<vmem>>, vector<16xf32>,
        tpu.vector_store %arg16[%parallel_loop3A_393, %parallel_loop3A_394, %parallel_loop3A_395], %parallel_loop3A_392 {strides = array<i32>} : memref<4x128x64xf32, #tpu.memory_space<vmem>>, vector<16xf32>,
        %parallel_loop3A_397 = arith.index_cast %parallel_loop3A_130 : i32 to index
        %parallel_loop3A_398 = arith.index_cast %parallel_loop3A_376 : i32 to index
        %parallel_loop3A_399 = arith.constant 32 : index
        %parallel_loop3A_400 = tpu.vector_load %arg16[%parallel_loop3A_397, %parallel_loop3A_398, %parallel_loop3A_399] {strides = array<i32>} : memref<4x128x64xf32, #tpu.memory_space<vmem>>, vector<16xf32>,
        %parallel_loop3A_401 = vector.broadcast %parallel_loop3A_374 : f32 to vector<16xf32>
        %parallel_loop3A_402 = arith.mulf %parallel_loop3A_400, %parallel_loop3A_401 : vector<16xf32>
        %parallel_loop3A_403 = arith.index_cast %parallel_loop3A_130 : i32 to index
        %parallel_loop3A_404 = arith.index_cast %parallel_loop3A_376 : i32 to index
        %parallel_loop3A_405 = arith.constant 32 : index
        %parallel_loop3A_406 = tpu.vector_load %arg16[%parallel_loop3A_403, %parallel_loop3A_404, %parallel_loop3A_405] {strides = array<i32>} : memref<4x128x64xf32, #tpu.memory_space<vmem>>, vector<16xf32>,
        tpu.vector_store %arg16[%parallel_loop3A_403, %parallel_loop3A_404, %parallel_loop3A_405], %parallel_loop3A_402 {strides = array<i32>} : memref<4x128x64xf32, #tpu.memory_space<vmem>>, vector<16xf32>,
        %parallel_loop3A_407 = arith.index_cast %parallel_loop3A_130 : i32 to index
        %parallel_loop3A_408 = arith.index_cast %parallel_loop3A_376 : i32 to index
        %parallel_loop3A_409 = arith.constant 48 : index
        %parallel_loop3A_410 = tpu.vector_load %arg16[%parallel_loop3A_407, %parallel_loop3A_408, %parallel_loop3A_409] {strides = array<i32>} : memref<4x128x64xf32, #tpu.memory_space<vmem>>, vector<16xf32>,
        %parallel_loop3A_411 = vector.broadcast %parallel_loop3A_374 : f32 to vector<16xf32>
        %parallel_loop3A_412 = arith.mulf %parallel_loop3A_410, %parallel_loop3A_411 : vector<16xf32>
        %parallel_loop3A_413 = arith.index_cast %parallel_loop3A_130 : i32 to index
        %parallel_loop3A_414 = arith.index_cast %parallel_loop3A_376 : i32 to index
        %parallel_loop3A_415 = arith.constant 48 : index
        %parallel_loop3A_416 = tpu.vector_load %arg16[%parallel_loop3A_413, %parallel_loop3A_414, %parallel_loop3A_415] {strides = array<i32>} : memref<4x128x64xf32, #tpu.memory_space<vmem>>, vector<16xf32>,
        tpu.vector_store %arg16[%parallel_loop3A_413, %parallel_loop3A_414, %parallel_loop3A_415], %parallel_loop3A_412 {strides = array<i32>} : memref<4x128x64xf32, #tpu.memory_space<vmem>>, vector<16xf32>,
        %parallel_loop3A_417 = vector.extract_strided_slice %parallel_loop3A_149 {offsets = [6], sizes = [1], strides = [1]} : vector<16xf32> to vector<1xf32>
        %parallel_loop3A_418 = vector.extract %parallel_loop3A_417[0] : f32 from vector<1xf32>
        %parallel_loop3A_419 = arith.constant 6 : i32
        %parallel_loop3A_420 = arith.addi %parallel_loop3A_132, %parallel_loop3A_419 : i32
        %parallel_loop3A_421 = arith.index_cast %parallel_loop3A_130 : i32 to index
        %parallel_loop3A_422 = arith.index_cast %parallel_loop3A_420 : i32 to index
        %parallel_loop3A_423 = arith.constant 0 : index
        %parallel_loop3A_424 = tpu.vector_load %arg16[%parallel_loop3A_421, %parallel_loop3A_422, %parallel_loop3A_423] {strides = array<i32>} : memref<4x128x64xf32, #tpu.memory_space<vmem>>, vector<16xf32>,
        %parallel_loop3A_425 = vector.broadcast %parallel_loop3A_418 : f32 to vector<16xf32>
        %parallel_loop3A_426 = arith.mulf %parallel_loop3A_424, %parallel_loop3A_425 : vector<16xf32>
        %parallel_loop3A_427 = arith.index_cast %parallel_loop3A_130 : i32 to index
        %parallel_loop3A_428 = arith.index_cast %parallel_loop3A_420 : i32 to index
        %parallel_loop3A_429 = arith.constant 0 : index
        %parallel_loop3A_430 = tpu.vector_load %arg16[%parallel_loop3A_427, %parallel_loop3A_428, %parallel_loop3A_429] {strides = array<i32>} : memref<4x128x64xf32, #tpu.memory_space<vmem>>, vector<16xf32>,
        tpu.vector_store %arg16[%parallel_loop3A_427, %parallel_loop3A_428, %parallel_loop3A_429], %parallel_loop3A_426 {strides = array<i32>} : memref<4x128x64xf32, #tpu.memory_space<vmem>>, vector<16xf32>,
        %parallel_loop3A_431 = arith.index_cast %parallel_loop3A_130 : i32 to index
        %parallel_loop3A_432 = arith.index_cast %parallel_loop3A_420 : i32 to index
        %parallel_loop3A_433 = arith.constant 16 : index
        %parallel_loop3A_434 = tpu.vector_load %arg16[%parallel_loop3A_431, %parallel_loop3A_432, %parallel_loop3A_433] {strides = array<i32>} : memref<4x128x64xf32, #tpu.memory_space<vmem>>, vector<16xf32>,
        %parallel_loop3A_435 = vector.broadcast %parallel_loop3A_418 : f32 to vector<16xf32>
        %parallel_loop3A_436 = arith.mulf %parallel_loop3A_434, %parallel_loop3A_435 : vector<16xf32>
        %parallel_loop3A_437 = arith.index_cast %parallel_loop3A_130 : i32 to index
        %parallel_loop3A_438 = arith.index_cast %parallel_loop3A_420 : i32 to index
        %parallel_loop3A_439 = arith.constant 16 : index
        %parallel_loop3A_440 = tpu.vector_load %arg16[%parallel_loop3A_437, %parallel_loop3A_438, %parallel_loop3A_439] {strides = array<i32>} : memref<4x128x64xf32, #tpu.memory_space<vmem>>, vector<16xf32>,
        tpu.vector_store %arg16[%parallel_loop3A_437, %parallel_loop3A_438, %parallel_loop3A_439], %parallel_loop3A_436 {strides = array<i32>} : memref<4x128x64xf32, #tpu.memory_space<vmem>>, vector<16xf32>,
        %parallel_loop3A_441 = arith.index_cast %parallel_loop3A_130 : i32 to index
        %parallel_loop3A_442 = arith.index_cast %parallel_loop3A_420 : i32 to index
        %parallel_loop3A_443 = arith.constant 32 : index
        %parallel_loop3A_444 = tpu.vector_load %arg16[%parallel_loop3A_441, %parallel_loop3A_442, %parallel_loop3A_443] {strides = array<i32>} : memref<4x128x64xf32, #tpu.memory_space<vmem>>, vector<16xf32>,
        %parallel_loop3A_445 = vector.broadcast %parallel_loop3A_418 : f32 to vector<16xf32>
        %parallel_loop3A_446 = arith.mulf %parallel_loop3A_444, %parallel_loop3A_445 : vector<16xf32>
        %parallel_loop3A_447 = arith.index_cast %parallel_loop3A_130 : i32 to index
        %parallel_loop3A_448 = arith.index_cast %parallel_loop3A_420 : i32 to index
        %parallel_loop3A_449 = arith.constant 32 : index
        %parallel_loop3A_450 = tpu.vector_load %arg16[%parallel_loop3A_447, %parallel_loop3A_448, %parallel_loop3A_449] {strides = array<i32>} : memref<4x128x64xf32, #tpu.memory_space<vmem>>, vector<16xf32>,
        tpu.vector_store %arg16[%parallel_loop3A_447, %parallel_loop3A_448, %parallel_loop3A_449], %parallel_loop3A_446 {strides = array<i32>} : memref<4x128x64xf32, #tpu.memory_space<vmem>>, vector<16xf32>,
        %parallel_loop3A_451 = arith.index_cast %parallel_loop3A_130 : i32 to index
        %parallel_loop3A_452 = arith.index_cast %parallel_loop3A_420 : i32 to index
        %parallel_loop3A_453 = arith.constant 48 : index
        %parallel_loop3A_454 = tpu.vector_load %arg16[%parallel_loop3A_451, %parallel_loop3A_452, %parallel_loop3A_453] {strides = array<i32>} : memref<4x128x64xf32, #tpu.memory_space<vmem>>, vector<16xf32>,
        %parallel_loop3A_455 = vector.broadcast %parallel_loop3A_418 : f32 to vector<16xf32>
        %parallel_loop3A_456 = arith.mulf %parallel_loop3A_454, %parallel_loop3A_455 : vector<16xf32>
        %parallel_loop3A_457 = arith.index_cast %parallel_loop3A_130 : i32 to index
        %parallel_loop3A_458 = arith.index_cast %parallel_loop3A_420 : i32 to index
        %parallel_loop3A_459 = arith.constant 48 : index
        %parallel_loop3A_460 = tpu.vector_load %arg16[%parallel_loop3A_457, %parallel_loop3A_458, %parallel_loop3A_459] {strides = array<i32>} : memref<4x128x64xf32, #tpu.memory_space<vmem>>, vector<16xf32>,
        tpu.vector_store %arg16[%parallel_loop3A_457, %parallel_loop3A_458, %parallel_loop3A_459], %parallel_loop3A_456 {strides = array<i32>} : memref<4x128x64xf32, #tpu.memory_space<vmem>>, vector<16xf32>,
        %parallel_loop3A_461 = vector.extract_strided_slice %parallel_loop3A_149 {offsets = [7], sizes = [1], strides = [1]} : vector<16xf32> to vector<1xf32>
        %parallel_loop3A_462 = vector.extract %parallel_loop3A_461[0] : f32 from vector<1xf32>
        %parallel_loop3A_463 = arith.constant 7 : i32
        %parallel_loop3A_464 = arith.addi %parallel_loop3A_132, %parallel_loop3A_463 : i32
        %parallel_loop3A_465 = arith.index_cast %parallel_loop3A_130 : i32 to index
        %parallel_loop3A_466 = arith.index_cast %parallel_loop3A_464 : i32 to index
        %parallel_loop3A_467 = arith.constant 0 : index
        %parallel_loop3A_468 = tpu.vector_load %arg16[%parallel_loop3A_465, %parallel_loop3A_466, %parallel_loop3A_467] {strides = array<i32>} : memref<4x128x64xf32, #tpu.memory_space<vmem>>, vector<16xf32>,
        %parallel_loop3A_469 = vector.broadcast %parallel_loop3A_462 : f32 to vector<16xf32>
        %parallel_loop3A_470 = arith.mulf %parallel_loop3A_468, %parallel_loop3A_469 : vector<16xf32>
        %parallel_loop3A_471 = arith.index_cast %parallel_loop3A_130 : i32 to index
        %parallel_loop3A_472 = arith.index_cast %parallel_loop3A_464 : i32 to index
        %parallel_loop3A_473 = arith.constant 0 : index
        %parallel_loop3A_474 = tpu.vector_load %arg16[%parallel_loop3A_471, %parallel_loop3A_472, %parallel_loop3A_473] {strides = array<i32>} : memref<4x128x64xf32, #tpu.memory_space<vmem>>, vector<16xf32>,
        tpu.vector_store %arg16[%parallel_loop3A_471, %parallel_loop3A_472, %parallel_loop3A_473], %parallel_loop3A_470 {strides = array<i32>} : memref<4x128x64xf32, #tpu.memory_space<vmem>>, vector<16xf32>,
        %parallel_loop3A_475 = arith.index_cast %parallel_loop3A_130 : i32 to index
        %parallel_loop3A_476 = arith.index_cast %parallel_loop3A_464 : i32 to index
        %parallel_loop3A_477 = arith.constant 16 : index
        %parallel_loop3A_478 = tpu.vector_load %arg16[%parallel_loop3A_475, %parallel_loop3A_476, %parallel_loop3A_477] {strides = array<i32>} : memref<4x128x64xf32, #tpu.memory_space<vmem>>, vector<16xf32>,
        %parallel_loop3A_479 = vector.broadcast %parallel_loop3A_462 : f32 to vector<16xf32>
        %parallel_loop3A_480 = arith.mulf %parallel_loop3A_478, %parallel_loop3A_479 : vector<16xf32>
        %parallel_loop3A_481 = arith.index_cast %parallel_loop3A_130 : i32 to index
        %parallel_loop3A_482 = arith.index_cast %parallel_loop3A_464 : i32 to index
        %parallel_loop3A_483 = arith.constant 16 : index
        %parallel_loop3A_484 = tpu.vector_load %arg16[%parallel_loop3A_481, %parallel_loop3A_482, %parallel_loop3A_483] {strides = array<i32>} : memref<4x128x64xf32, #tpu.memory_space<vmem>>, vector<16xf32>,
        tpu.vector_store %arg16[%parallel_loop3A_481, %parallel_loop3A_482, %parallel_loop3A_483], %parallel_loop3A_480 {strides = array<i32>} : memref<4x128x64xf32, #tpu.memory_space<vmem>>, vector<16xf32>,
        %parallel_loop3A_485 = arith.index_cast %parallel_loop3A_130 : i32 to index
        %parallel_loop3A_486 = arith.index_cast %parallel_loop3A_464 : i32 to index
        %parallel_loop3A_487 = arith.constant 32 : index
        %parallel_loop3A_488 = tpu.vector_load %arg16[%parallel_loop3A_485, %parallel_loop3A_486, %parallel_loop3A_487] {strides = array<i32>} : memref<4x128x64xf32, #tpu.memory_space<vmem>>, vector<16xf32>,
        %parallel_loop3A_489 = vector.broadcast %parallel_loop3A_462 : f32 to vector<16xf32>
        %parallel_loop3A_490 = arith.mulf %parallel_loop3A_488, %parallel_loop3A_489 : vector<16xf32>
        %parallel_loop3A_491 = arith.index_cast %parallel_loop3A_130 : i32 to index
        %parallel_loop3A_492 = arith.index_cast %parallel_loop3A_464 : i32 to index
        %parallel_loop3A_493 = arith.constant 32 : index
        %parallel_loop3A_494 = tpu.vector_load %arg16[%parallel_loop3A_491, %parallel_loop3A_492, %parallel_loop3A_493] {strides = array<i32>} : memref<4x128x64xf32, #tpu.memory_space<vmem>>, vector<16xf32>,
        tpu.vector_store %arg16[%parallel_loop3A_491, %parallel_loop3A_492, %parallel_loop3A_493], %parallel_loop3A_490 {strides = array<i32>} : memref<4x128x64xf32, #tpu.memory_space<vmem>>, vector<16xf32>,
        %parallel_loop3A_495 = arith.index_cast %parallel_loop3A_130 : i32 to index
        %parallel_loop3A_496 = arith.index_cast %parallel_loop3A_464 : i32 to index
        %parallel_loop3A_497 = arith.constant 48 : index
        %parallel_loop3A_498 = tpu.vector_load %arg16[%parallel_loop3A_495, %parallel_loop3A_496, %parallel_loop3A_497] {strides = array<i32>} : memref<4x128x64xf32, #tpu.memory_space<vmem>>, vector<16xf32>,
        %parallel_loop3A_499 = vector.broadcast %parallel_loop3A_462 : f32 to vector<16xf32>
        %parallel_loop3A_500 = arith.mulf %parallel_loop3A_498, %parallel_loop3A_499 : vector<16xf32>
        %parallel_loop3A_501 = arith.index_cast %parallel_loop3A_130 : i32 to index
        %parallel_loop3A_502 = arith.index_cast %parallel_loop3A_464 : i32 to index
        %parallel_loop3A_503 = arith.constant 48 : index
        %parallel_loop3A_504 = tpu.vector_load %arg16[%parallel_loop3A_501, %parallel_loop3A_502, %parallel_loop3A_503] {strides = array<i32>} : memref<4x128x64xf32, #tpu.memory_space<vmem>>, vector<16xf32>,
        tpu.vector_store %arg16[%parallel_loop3A_501, %parallel_loop3A_502, %parallel_loop3A_503], %parallel_loop3A_500 {strides = array<i32>} : memref<4x128x64xf32, #tpu.memory_space<vmem>>, vector<16xf32>,
        %parallel_loop3A_505 = vector.extract_strided_slice %parallel_loop3A_149 {offsets = [8], sizes = [1], strides = [1]} : vector<16xf32> to vector<1xf32>
        %parallel_loop3A_506 = vector.extract %parallel_loop3A_505[0] : f32 from vector<1xf32>
        %parallel_loop3A_507 = arith.constant 8 : i32
        %parallel_loop3A_508 = arith.addi %parallel_loop3A_132, %parallel_loop3A_507 : i32
        %parallel_loop3A_509 = arith.index_cast %parallel_loop3A_130 : i32 to index
        %parallel_loop3A_510 = arith.index_cast %parallel_loop3A_508 : i32 to index
        %parallel_loop3A_511 = arith.constant 0 : index
        %parallel_loop3A_512 = tpu.vector_load %arg16[%parallel_loop3A_509, %parallel_loop3A_510, %parallel_loop3A_511] {strides = array<i32>} : memref<4x128x64xf32, #tpu.memory_space<vmem>>, vector<16xf32>,
        %parallel_loop3A_513 = vector.broadcast %parallel_loop3A_506 : f32 to vector<16xf32>
        %parallel_loop3A_514 = arith.mulf %parallel_loop3A_512, %parallel_loop3A_513 : vector<16xf32>
        %parallel_loop3A_515 = arith.index_cast %parallel_loop3A_130 : i32 to index
        %parallel_loop3A_516 = arith.index_cast %parallel_loop3A_508 : i32 to index
        %parallel_loop3A_517 = arith.constant 0 : index
        %parallel_loop3A_518 = tpu.vector_load %arg16[%parallel_loop3A_515, %parallel_loop3A_516, %parallel_loop3A_517] {strides = array<i32>} : memref<4x128x64xf32, #tpu.memory_space<vmem>>, vector<16xf32>,
        tpu.vector_store %arg16[%parallel_loop3A_515, %parallel_loop3A_516, %parallel_loop3A_517], %parallel_loop3A_514 {strides = array<i32>} : memref<4x128x64xf32, #tpu.memory_space<vmem>>, vector<16xf32>,
        %parallel_loop3A_519 = arith.index_cast %parallel_loop3A_130 : i32 to index
        %parallel_loop3A_520 = arith.index_cast %parallel_loop3A_508 : i32 to index
        %parallel_loop3A_521 = arith.constant 16 : index
        %parallel_loop3A_522 = tpu.vector_load %arg16[%parallel_loop3A_519, %parallel_loop3A_520, %parallel_loop3A_521] {strides = array<i32>} : memref<4x128x64xf32, #tpu.memory_space<vmem>>, vector<16xf32>,
        %parallel_loop3A_523 = vector.broadcast %parallel_loop3A_506 : f32 to vector<16xf32>
        %parallel_loop3A_524 = arith.mulf %parallel_loop3A_522, %parallel_loop3A_523 : vector<16xf32>
        %parallel_loop3A_525 = arith.index_cast %parallel_loop3A_130 : i32 to index
        %parallel_loop3A_526 = arith.index_cast %parallel_loop3A_508 : i32 to index
        %parallel_loop3A_527 = arith.constant 16 : index
        %parallel_loop3A_528 = tpu.vector_load %arg16[%parallel_loop3A_525, %parallel_loop3A_526, %parallel_loop3A_527] {strides = array<i32>} : memref<4x128x64xf32, #tpu.memory_space<vmem>>, vector<16xf32>,
        tpu.vector_store %arg16[%parallel_loop3A_525, %parallel_loop3A_526, %parallel_loop3A_527], %parallel_loop3A_524 {strides = array<i32>} : memref<4x128x64xf32, #tpu.memory_space<vmem>>, vector<16xf32>,
        %parallel_loop3A_529 = arith.index_cast %parallel_loop3A_130 : i32 to index
        %parallel_loop3A_530 = arith.index_cast %parallel_loop3A_508 : i32 to index
        %parallel_loop3A_531 = arith.constant 32 : index
        %parallel_loop3A_532 = tpu.vector_load %arg16[%parallel_loop3A_529, %parallel_loop3A_530, %parallel_loop3A_531] {strides = array<i32>} : memref<4x128x64xf32, #tpu.memory_space<vmem>>, vector<16xf32>,
        %parallel_loop3A_533 = vector.broadcast %parallel_loop3A_506 : f32 to vector<16xf32>
        %parallel_loop3A_534 = arith.mulf %parallel_loop3A_532, %parallel_loop3A_533 : vector<16xf32>
        %parallel_loop3A_535 = arith.index_cast %parallel_loop3A_130 : i32 to index
        %parallel_loop3A_536 = arith.index_cast %parallel_loop3A_508 : i32 to index
        %parallel_loop3A_537 = arith.constant 32 : index
        %parallel_loop3A_538 = tpu.vector_load %arg16[%parallel_loop3A_535, %parallel_loop3A_536, %parallel_loop3A_537] {strides = array<i32>} : memref<4x128x64xf32, #tpu.memory_space<vmem>>, vector<16xf32>,
        tpu.vector_store %arg16[%parallel_loop3A_535, %parallel_loop3A_536, %parallel_loop3A_537], %parallel_loop3A_534 {strides = array<i32>} : memref<4x128x64xf32, #tpu.memory_space<vmem>>, vector<16xf32>,
        %parallel_loop3A_539 = arith.index_cast %parallel_loop3A_130 : i32 to index
        %parallel_loop3A_540 = arith.index_cast %parallel_loop3A_508 : i32 to index
        %parallel_loop3A_541 = arith.constant 48 : index
        %parallel_loop3A_542 = tpu.vector_load %arg16[%parallel_loop3A_539, %parallel_loop3A_540, %parallel_loop3A_541] {strides = array<i32>} : memref<4x128x64xf32, #tpu.memory_space<vmem>>, vector<16xf32>,
        %parallel_loop3A_543 = vector.broadcast %parallel_loop3A_506 : f32 to vector<16xf32>
        %parallel_loop3A_544 = arith.mulf %parallel_loop3A_542, %parallel_loop3A_543 : vector<16xf32>
        %parallel_loop3A_545 = arith.index_cast %parallel_loop3A_130 : i32 to index
        %parallel_loop3A_546 = arith.index_cast %parallel_loop3A_508 : i32 to index
        %parallel_loop3A_547 = arith.constant 48 : index
        %parallel_loop3A_548 = tpu.vector_load %arg16[%parallel_loop3A_545, %parallel_loop3A_546, %parallel_loop3A_547] {strides = array<i32>} : memref<4x128x64xf32, #tpu.memory_space<vmem>>, vector<16xf32>,
        tpu.vector_store %arg16[%parallel_loop3A_545, %parallel_loop3A_546, %parallel_loop3A_547], %parallel_loop3A_544 {strides = array<i32>} : memref<4x128x64xf32, #tpu.memory_space<vmem>>, vector<16xf32>,
        %parallel_loop3A_549 = vector.extract_strided_slice %parallel_loop3A_149 {offsets = [9], sizes = [1], strides = [1]} : vector<16xf32> to vector<1xf32>
        %parallel_loop3A_550 = vector.extract %parallel_loop3A_549[0] : f32 from vector<1xf32>
        %parallel_loop3A_551 = arith.constant 9 : i32
        %parallel_loop3A_552 = arith.addi %parallel_loop3A_132, %parallel_loop3A_551 : i32
        %parallel_loop3A_553 = arith.index_cast %parallel_loop3A_130 : i32 to index
        %parallel_loop3A_554 = arith.index_cast %parallel_loop3A_552 : i32 to index
        %parallel_loop3A_555 = arith.constant 0 : index
        %parallel_loop3A_556 = tpu.vector_load %arg16[%parallel_loop3A_553, %parallel_loop3A_554, %parallel_loop3A_555] {strides = array<i32>} : memref<4x128x64xf32, #tpu.memory_space<vmem>>, vector<16xf32>,
        %parallel_loop3A_557 = vector.broadcast %parallel_loop3A_550 : f32 to vector<16xf32>
        %parallel_loop3A_558 = arith.mulf %parallel_loop3A_556, %parallel_loop3A_557 : vector<16xf32>
        %parallel_loop3A_559 = arith.index_cast %parallel_loop3A_130 : i32 to index
        %parallel_loop3A_560 = arith.index_cast %parallel_loop3A_552 : i32 to index
        %parallel_loop3A_561 = arith.constant 0 : index
        %parallel_loop3A_562 = tpu.vector_load %arg16[%parallel_loop3A_559, %parallel_loop3A_560, %parallel_loop3A_561] {strides = array<i32>} : memref<4x128x64xf32, #tpu.memory_space<vmem>>, vector<16xf32>,
        tpu.vector_store %arg16[%parallel_loop3A_559, %parallel_loop3A_560, %parallel_loop3A_561], %parallel_loop3A_558 {strides = array<i32>} : memref<4x128x64xf32, #tpu.memory_space<vmem>>, vector<16xf32>,
        %parallel_loop3A_563 = arith.index_cast %parallel_loop3A_130 : i32 to index
        %parallel_loop3A_564 = arith.index_cast %parallel_loop3A_552 : i32 to index
        %parallel_loop3A_565 = arith.constant 16 : index
        %parallel_loop3A_566 = tpu.vector_load %arg16[%parallel_loop3A_563, %parallel_loop3A_564, %parallel_loop3A_565] {strides = array<i32>} : memref<4x128x64xf32, #tpu.memory_space<vmem>>, vector<16xf32>,
        %parallel_loop3A_567 = vector.broadcast %parallel_loop3A_550 : f32 to vector<16xf32>
        %parallel_loop3A_568 = arith.mulf %parallel_loop3A_566, %parallel_loop3A_567 : vector<16xf32>
        %parallel_loop3A_569 = arith.index_cast %parallel_loop3A_130 : i32 to index
        %parallel_loop3A_570 = arith.index_cast %parallel_loop3A_552 : i32 to index
        %parallel_loop3A_571 = arith.constant 16 : index
        %parallel_loop3A_572 = tpu.vector_load %arg16[%parallel_loop3A_569, %parallel_loop3A_570, %parallel_loop3A_571] {strides = array<i32>} : memref<4x128x64xf32, #tpu.memory_space<vmem>>, vector<16xf32>,
        tpu.vector_store %arg16[%parallel_loop3A_569, %parallel_loop3A_570, %parallel_loop3A_571], %parallel_loop3A_568 {strides = array<i32>} : memref<4x128x64xf32, #tpu.memory_space<vmem>>, vector<16xf32>,
        %parallel_loop3A_573 = arith.index_cast %parallel_loop3A_130 : i32 to index
        %parallel_loop3A_574 = arith.index_cast %parallel_loop3A_552 : i32 to index
        %parallel_loop3A_575 = arith.constant 32 : index
        %parallel_loop3A_576 = tpu.vector_load %arg16[%parallel_loop3A_573, %parallel_loop3A_574, %parallel_loop3A_575] {strides = array<i32>} : memref<4x128x64xf32, #tpu.memory_space<vmem>>, vector<16xf32>,
        %parallel_loop3A_577 = vector.broadcast %parallel_loop3A_550 : f32 to vector<16xf32>
        %parallel_loop3A_578 = arith.mulf %parallel_loop3A_576, %parallel_loop3A_577 : vector<16xf32>
        %parallel_loop3A_579 = arith.index_cast %parallel_loop3A_130 : i32 to index
        %parallel_loop3A_580 = arith.index_cast %parallel_loop3A_552 : i32 to index
        %parallel_loop3A_581 = arith.constant 32 : index
        %parallel_loop3A_582 = tpu.vector_load %arg16[%parallel_loop3A_579, %parallel_loop3A_580, %parallel_loop3A_581] {strides = array<i32>} : memref<4x128x64xf32, #tpu.memory_space<vmem>>, vector<16xf32>,
        tpu.vector_store %arg16[%parallel_loop3A_579, %parallel_loop3A_580, %parallel_loop3A_581], %parallel_loop3A_578 {strides = array<i32>} : memref<4x128x64xf32, #tpu.memory_space<vmem>>, vector<16xf32>,
        %parallel_loop3A_583 = arith.index_cast %parallel_loop3A_130 : i32 to index
        %parallel_loop3A_584 = arith.index_cast %parallel_loop3A_552 : i32 to index
        %parallel_loop3A_585 = arith.constant 48 : index
        %parallel_loop3A_586 = tpu.vector_load %arg16[%parallel_loop3A_583, %parallel_loop3A_584, %parallel_loop3A_585] {strides = array<i32>} : memref<4x128x64xf32, #tpu.memory_space<vmem>>, vector<16xf32>,
        %parallel_loop3A_587 = vector.broadcast %parallel_loop3A_550 : f32 to vector<16xf32>
        %parallel_loop3A_588 = arith.mulf %parallel_loop3A_586, %parallel_loop3A_587 : vector<16xf32>
        %parallel_loop3A_589 = arith.index_cast %parallel_loop3A_130 : i32 to index
        %parallel_loop3A_590 = arith.index_cast %parallel_loop3A_552 : i32 to index
        %parallel_loop3A_591 = arith.constant 48 : index
        %parallel_loop3A_592 = tpu.vector_load %arg16[%parallel_loop3A_589, %parallel_loop3A_590, %parallel_loop3A_591] {strides = array<i32>} : memref<4x128x64xf32, #tpu.memory_space<vmem>>, vector<16xf32>,
        tpu.vector_store %arg16[%parallel_loop3A_589, %parallel_loop3A_590, %parallel_loop3A_591], %parallel_loop3A_588 {strides = array<i32>} : memref<4x128x64xf32, #tpu.memory_space<vmem>>, vector<16xf32>,
        %parallel_loop3A_593 = vector.extract_strided_slice %parallel_loop3A_149 {offsets = [10], sizes = [1], strides = [1]} : vector<16xf32> to vector<1xf32>
        %parallel_loop3A_594 = vector.extract %parallel_loop3A_593[0] : f32 from vector<1xf32>
        %parallel_loop3A_595 = arith.constant 10 : i32
        %parallel_loop3A_596 = arith.addi %parallel_loop3A_132, %parallel_loop3A_595 : i32
        %parallel_loop3A_597 = arith.index_cast %parallel_loop3A_130 : i32 to index
        %parallel_loop3A_598 = arith.index_cast %parallel_loop3A_596 : i32 to index
        %parallel_loop3A_599 = arith.constant 0 : index
        %parallel_loop3A_600 = tpu.vector_load %arg16[%parallel_loop3A_597, %parallel_loop3A_598, %parallel_loop3A_599] {strides = array<i32>} : memref<4x128x64xf32, #tpu.memory_space<vmem>>, vector<16xf32>,
        %parallel_loop3A_601 = vector.broadcast %parallel_loop3A_594 : f32 to vector<16xf32>
        %parallel_loop3A_602 = arith.mulf %parallel_loop3A_600, %parallel_loop3A_601 : vector<16xf32>
        %parallel_loop3A_603 = arith.index_cast %parallel_loop3A_130 : i32 to index
        %parallel_loop3A_604 = arith.index_cast %parallel_loop3A_596 : i32 to index
        %parallel_loop3A_605 = arith.constant 0 : index
        %parallel_loop3A_606 = tpu.vector_load %arg16[%parallel_loop3A_603, %parallel_loop3A_604, %parallel_loop3A_605] {strides = array<i32>} : memref<4x128x64xf32, #tpu.memory_space<vmem>>, vector<16xf32>,
        tpu.vector_store %arg16[%parallel_loop3A_603, %parallel_loop3A_604, %parallel_loop3A_605], %parallel_loop3A_602 {strides = array<i32>} : memref<4x128x64xf32, #tpu.memory_space<vmem>>, vector<16xf32>,
        %parallel_loop3A_607 = arith.index_cast %parallel_loop3A_130 : i32 to index
        %parallel_loop3A_608 = arith.index_cast %parallel_loop3A_596 : i32 to index
        %parallel_loop3A_609 = arith.constant 16 : index
        %parallel_loop3A_610 = tpu.vector_load %arg16[%parallel_loop3A_607, %parallel_loop3A_608, %parallel_loop3A_609] {strides = array<i32>} : memref<4x128x64xf32, #tpu.memory_space<vmem>>, vector<16xf32>,
        %parallel_loop3A_611 = vector.broadcast %parallel_loop3A_594 : f32 to vector<16xf32>
        %parallel_loop3A_612 = arith.mulf %parallel_loop3A_610, %parallel_loop3A_611 : vector<16xf32>
        %parallel_loop3A_613 = arith.index_cast %parallel_loop3A_130 : i32 to index
        %parallel_loop3A_614 = arith.index_cast %parallel_loop3A_596 : i32 to index
        %parallel_loop3A_615 = arith.constant 16 : index
        %parallel_loop3A_616 = tpu.vector_load %arg16[%parallel_loop3A_613, %parallel_loop3A_614, %parallel_loop3A_615] {strides = array<i32>} : memref<4x128x64xf32, #tpu.memory_space<vmem>>, vector<16xf32>,
        tpu.vector_store %arg16[%parallel_loop3A_613, %parallel_loop3A_614, %parallel_loop3A_615], %parallel_loop3A_612 {strides = array<i32>} : memref<4x128x64xf32, #tpu.memory_space<vmem>>, vector<16xf32>,
        %parallel_loop3A_617 = arith.index_cast %parallel_loop3A_130 : i32 to index
        %parallel_loop3A_618 = arith.index_cast %parallel_loop3A_596 : i32 to index
        %parallel_loop3A_619 = arith.constant 32 : index
        %parallel_loop3A_620 = tpu.vector_load %arg16[%parallel_loop3A_617, %parallel_loop3A_618, %parallel_loop3A_619] {strides = array<i32>} : memref<4x128x64xf32, #tpu.memory_space<vmem>>, vector<16xf32>,
        %parallel_loop3A_621 = vector.broadcast %parallel_loop3A_594 : f32 to vector<16xf32>
        %parallel_loop3A_622 = arith.mulf %parallel_loop3A_620, %parallel_loop3A_621 : vector<16xf32>
        %parallel_loop3A_623 = arith.index_cast %parallel_loop3A_130 : i32 to index
        %parallel_loop3A_624 = arith.index_cast %parallel_loop3A_596 : i32 to index
        %parallel_loop3A_625 = arith.constant 32 : index
        %parallel_loop3A_626 = tpu.vector_load %arg16[%parallel_loop3A_623, %parallel_loop3A_624, %parallel_loop3A_625] {strides = array<i32>} : memref<4x128x64xf32, #tpu.memory_space<vmem>>, vector<16xf32>,
        tpu.vector_store %arg16[%parallel_loop3A_623, %parallel_loop3A_624, %parallel_loop3A_625], %parallel_loop3A_622 {strides = array<i32>} : memref<4x128x64xf32, #tpu.memory_space<vmem>>, vector<16xf32>,
        %parallel_loop3A_627 = arith.index_cast %parallel_loop3A_130 : i32 to index
        %parallel_loop3A_628 = arith.index_cast %parallel_loop3A_596 : i32 to index
        %parallel_loop3A_629 = arith.constant 48 : index
        %parallel_loop3A_630 = tpu.vector_load %arg16[%parallel_loop3A_627, %parallel_loop3A_628, %parallel_loop3A_629] {strides = array<i32>} : memref<4x128x64xf32, #tpu.memory_space<vmem>>, vector<16xf32>,
        %parallel_loop3A_631 = vector.broadcast %parallel_loop3A_594 : f32 to vector<16xf32>
        %parallel_loop3A_632 = arith.mulf %parallel_loop3A_630, %parallel_loop3A_631 : vector<16xf32>
        %parallel_loop3A_633 = arith.index_cast %parallel_loop3A_130 : i32 to index
        %parallel_loop3A_634 = arith.index_cast %parallel_loop3A_596 : i32 to index
        %parallel_loop3A_635 = arith.constant 48 : index
        %parallel_loop3A_636 = tpu.vector_load %arg16[%parallel_loop3A_633, %parallel_loop3A_634, %parallel_loop3A_635] {strides = array<i32>} : memref<4x128x64xf32, #tpu.memory_space<vmem>>, vector<16xf32>,
        tpu.vector_store %arg16[%parallel_loop3A_633, %parallel_loop3A_634, %parallel_loop3A_635], %parallel_loop3A_632 {strides = array<i32>} : memref<4x128x64xf32, #tpu.memory_space<vmem>>, vector<16xf32>,
        %parallel_loop3A_637 = vector.extract_strided_slice %parallel_loop3A_149 {offsets = [11], sizes = [1], strides = [1]} : vector<16xf32> to vector<1xf32>
        %parallel_loop3A_638 = vector.extract %parallel_loop3A_637[0] : f32 from vector<1xf32>
        %parallel_loop3A_639 = arith.constant 11 : i32
        %parallel_loop3A_640 = arith.addi %parallel_loop3A_132, %parallel_loop3A_639 : i32
        %parallel_loop3A_641 = arith.index_cast %parallel_loop3A_130 : i32 to index
        %parallel_loop3A_642 = arith.index_cast %parallel_loop3A_640 : i32 to index
        %parallel_loop3A_643 = arith.constant 0 : index
        %parallel_loop3A_644 = tpu.vector_load %arg16[%parallel_loop3A_641, %parallel_loop3A_642, %parallel_loop3A_643] {strides = array<i32>} : memref<4x128x64xf32, #tpu.memory_space<vmem>>, vector<16xf32>,
        %parallel_loop3A_645 = vector.broadcast %parallel_loop3A_638 : f32 to vector<16xf32>
        %parallel_loop3A_646 = arith.mulf %parallel_loop3A_644, %parallel_loop3A_645 : vector<16xf32>
        %parallel_loop3A_647 = arith.index_cast %parallel_loop3A_130 : i32 to index
        %parallel_loop3A_648 = arith.index_cast %parallel_loop3A_640 : i32 to index
        %parallel_loop3A_649 = arith.constant 0 : index
        %parallel_loop3A_650 = tpu.vector_load %arg16[%parallel_loop3A_647, %parallel_loop3A_648, %parallel_loop3A_649] {strides = array<i32>} : memref<4x128x64xf32, #tpu.memory_space<vmem>>, vector<16xf32>,
        tpu.vector_store %arg16[%parallel_loop3A_647, %parallel_loop3A_648, %parallel_loop3A_649], %parallel_loop3A_646 {strides = array<i32>} : memref<4x128x64xf32, #tpu.memory_space<vmem>>, vector<16xf32>,
        %parallel_loop3A_651 = arith.index_cast %parallel_loop3A_130 : i32 to index
        %parallel_loop3A_652 = arith.index_cast %parallel_loop3A_640 : i32 to index
        %parallel_loop3A_653 = arith.constant 16 : index
        %parallel_loop3A_654 = tpu.vector_load %arg16[%parallel_loop3A_651, %parallel_loop3A_652, %parallel_loop3A_653] {strides = array<i32>} : memref<4x128x64xf32, #tpu.memory_space<vmem>>, vector<16xf32>,
        %parallel_loop3A_655 = vector.broadcast %parallel_loop3A_638 : f32 to vector<16xf32>
        %parallel_loop3A_656 = arith.mulf %parallel_loop3A_654, %parallel_loop3A_655 : vector<16xf32>
        %parallel_loop3A_657 = arith.index_cast %parallel_loop3A_130 : i32 to index
        %parallel_loop3A_658 = arith.index_cast %parallel_loop3A_640 : i32 to index
        %parallel_loop3A_659 = arith.constant 16 : index
        %parallel_loop3A_660 = tpu.vector_load %arg16[%parallel_loop3A_657, %parallel_loop3A_658, %parallel_loop3A_659] {strides = array<i32>} : memref<4x128x64xf32, #tpu.memory_space<vmem>>, vector<16xf32>,
        tpu.vector_store %arg16[%parallel_loop3A_657, %parallel_loop3A_658, %parallel_loop3A_659], %parallel_loop3A_656 {strides = array<i32>} : memref<4x128x64xf32, #tpu.memory_space<vmem>>, vector<16xf32>,
        %parallel_loop3A_661 = arith.index_cast %parallel_loop3A_130 : i32 to index
        %parallel_loop3A_662 = arith.index_cast %parallel_loop3A_640 : i32 to index
        %parallel_loop3A_663 = arith.constant 32 : index
        %parallel_loop3A_664 = tpu.vector_load %arg16[%parallel_loop3A_661, %parallel_loop3A_662, %parallel_loop3A_663] {strides = array<i32>} : memref<4x128x64xf32, #tpu.memory_space<vmem>>, vector<16xf32>,
        %parallel_loop3A_665 = vector.broadcast %parallel_loop3A_638 : f32 to vector<16xf32>
        %parallel_loop3A_666 = arith.mulf %parallel_loop3A_664, %parallel_loop3A_665 : vector<16xf32>
        %parallel_loop3A_667 = arith.index_cast %parallel_loop3A_130 : i32 to index
        %parallel_loop3A_668 = arith.index_cast %parallel_loop3A_640 : i32 to index
        %parallel_loop3A_669 = arith.constant 32 : index
        %parallel_loop3A_670 = tpu.vector_load %arg16[%parallel_loop3A_667, %parallel_loop3A_668, %parallel_loop3A_669] {strides = array<i32>} : memref<4x128x64xf32, #tpu.memory_space<vmem>>, vector<16xf32>,
        tpu.vector_store %arg16[%parallel_loop3A_667, %parallel_loop3A_668, %parallel_loop3A_669], %parallel_loop3A_666 {strides = array<i32>} : memref<4x128x64xf32, #tpu.memory_space<vmem>>, vector<16xf32>,
        %parallel_loop3A_671 = arith.index_cast %parallel_loop3A_130 : i32 to index
        %parallel_loop3A_672 = arith.index_cast %parallel_loop3A_640 : i32 to index
        %parallel_loop3A_673 = arith.constant 48 : index
        %parallel_loop3A_674 = tpu.vector_load %arg16[%parallel_loop3A_671, %parallel_loop3A_672, %parallel_loop3A_673] {strides = array<i32>} : memref<4x128x64xf32, #tpu.memory_space<vmem>>, vector<16xf32>,
        %parallel_loop3A_675 = vector.broadcast %parallel_loop3A_638 : f32 to vector<16xf32>
        %parallel_loop3A_676 = arith.mulf %parallel_loop3A_674, %parallel_loop3A_675 : vector<16xf32>
        %parallel_loop3A_677 = arith.index_cast %parallel_loop3A_130 : i32 to index
        %parallel_loop3A_678 = arith.index_cast %parallel_loop3A_640 : i32 to index
        %parallel_loop3A_679 = arith.constant 48 : index
        %parallel_loop3A_680 = tpu.vector_load %arg16[%parallel_loop3A_677, %parallel_loop3A_678, %parallel_loop3A_679] {strides = array<i32>} : memref<4x128x64xf32, #tpu.memory_space<vmem>>, vector<16xf32>,
        tpu.vector_store %arg16[%parallel_loop3A_677, %parallel_loop3A_678, %parallel_loop3A_679], %parallel_loop3A_676 {strides = array<i32>} : memref<4x128x64xf32, #tpu.memory_space<vmem>>, vector<16xf32>,
        %parallel_loop3A_681 = vector.extract_strided_slice %parallel_loop3A_149 {offsets = [12], sizes = [1], strides = [1]} : vector<16xf32> to vector<1xf32>
        %parallel_loop3A_682 = vector.extract %parallel_loop3A_681[0] : f32 from vector<1xf32>
        %parallel_loop3A_683 = arith.constant 12 : i32
        %parallel_loop3A_684 = arith.addi %parallel_loop3A_132, %parallel_loop3A_683 : i32
        %parallel_loop3A_685 = arith.index_cast %parallel_loop3A_130 : i32 to index
        %parallel_loop3A_686 = arith.index_cast %parallel_loop3A_684 : i32 to index
        %parallel_loop3A_687 = arith.constant 0 : index
        %parallel_loop3A_688 = tpu.vector_load %arg16[%parallel_loop3A_685, %parallel_loop3A_686, %parallel_loop3A_687] {strides = array<i32>} : memref<4x128x64xf32, #tpu.memory_space<vmem>>, vector<16xf32>,
        %parallel_loop3A_689 = vector.broadcast %parallel_loop3A_682 : f32 to vector<16xf32>
        %parallel_loop3A_690 = arith.mulf %parallel_loop3A_688, %parallel_loop3A_689 : vector<16xf32>
        %parallel_loop3A_691 = arith.index_cast %parallel_loop3A_130 : i32 to index
        %parallel_loop3A_692 = arith.index_cast %parallel_loop3A_684 : i32 to index
        %parallel_loop3A_693 = arith.constant 0 : index
        %parallel_loop3A_694 = tpu.vector_load %arg16[%parallel_loop3A_691, %parallel_loop3A_692, %parallel_loop3A_693] {strides = array<i32>} : memref<4x128x64xf32, #tpu.memory_space<vmem>>, vector<16xf32>,
        tpu.vector_store %arg16[%parallel_loop3A_691, %parallel_loop3A_692, %parallel_loop3A_693], %parallel_loop3A_690 {strides = array<i32>} : memref<4x128x64xf32, #tpu.memory_space<vmem>>, vector<16xf32>,
        %parallel_loop3A_695 = arith.index_cast %parallel_loop3A_130 : i32 to index
        %parallel_loop3A_696 = arith.index_cast %parallel_loop3A_684 : i32 to index
        %parallel_loop3A_697 = arith.constant 16 : index
        %parallel_loop3A_698 = tpu.vector_load %arg16[%parallel_loop3A_695, %parallel_loop3A_696, %parallel_loop3A_697] {strides = array<i32>} : memref<4x128x64xf32, #tpu.memory_space<vmem>>, vector<16xf32>,
        %parallel_loop3A_699 = vector.broadcast %parallel_loop3A_682 : f32 to vector<16xf32>
        %parallel_loop3A_700 = arith.mulf %parallel_loop3A_698, %parallel_loop3A_699 : vector<16xf32>
        %parallel_loop3A_701 = arith.index_cast %parallel_loop3A_130 : i32 to index
        %parallel_loop3A_702 = arith.index_cast %parallel_loop3A_684 : i32 to index
        %parallel_loop3A_703 = arith.constant 16 : index
        %parallel_loop3A_704 = tpu.vector_load %arg16[%parallel_loop3A_701, %parallel_loop3A_702, %parallel_loop3A_703] {strides = array<i32>} : memref<4x128x64xf32, #tpu.memory_space<vmem>>, vector<16xf32>,
        tpu.vector_store %arg16[%parallel_loop3A_701, %parallel_loop3A_702, %parallel_loop3A_703], %parallel_loop3A_700 {strides = array<i32>} : memref<4x128x64xf32, #tpu.memory_space<vmem>>, vector<16xf32>,
        %parallel_loop3A_705 = arith.index_cast %parallel_loop3A_130 : i32 to index
        %parallel_loop3A_706 = arith.index_cast %parallel_loop3A_684 : i32 to index
        %parallel_loop3A_707 = arith.constant 32 : index
        %parallel_loop3A_708 = tpu.vector_load %arg16[%parallel_loop3A_705, %parallel_loop3A_706, %parallel_loop3A_707] {strides = array<i32>} : memref<4x128x64xf32, #tpu.memory_space<vmem>>, vector<16xf32>,
        %parallel_loop3A_709 = vector.broadcast %parallel_loop3A_682 : f32 to vector<16xf32>
        %parallel_loop3A_710 = arith.mulf %parallel_loop3A_708, %parallel_loop3A_709 : vector<16xf32>
        %parallel_loop3A_711 = arith.index_cast %parallel_loop3A_130 : i32 to index
        %parallel_loop3A_712 = arith.index_cast %parallel_loop3A_684 : i32 to index
        %parallel_loop3A_713 = arith.constant 32 : index
        %parallel_loop3A_714 = tpu.vector_load %arg16[%parallel_loop3A_711, %parallel_loop3A_712, %parallel_loop3A_713] {strides = array<i32>} : memref<4x128x64xf32, #tpu.memory_space<vmem>>, vector<16xf32>,
        tpu.vector_store %arg16[%parallel_loop3A_711, %parallel_loop3A_712, %parallel_loop3A_713], %parallel_loop3A_710 {strides = array<i32>} : memref<4x128x64xf32, #tpu.memory_space<vmem>>, vector<16xf32>,
        %parallel_loop3A_715 = arith.index_cast %parallel_loop3A_130 : i32 to index
        %parallel_loop3A_716 = arith.index_cast %parallel_loop3A_684 : i32 to index
        %parallel_loop3A_717 = arith.constant 48 : index
        %parallel_loop3A_718 = tpu.vector_load %arg16[%parallel_loop3A_715, %parallel_loop3A_716, %parallel_loop3A_717] {strides = array<i32>} : memref<4x128x64xf32, #tpu.memory_space<vmem>>, vector<16xf32>,
        %parallel_loop3A_719 = vector.broadcast %parallel_loop3A_682 : f32 to vector<16xf32>
        %parallel_loop3A_720 = arith.mulf %parallel_loop3A_718, %parallel_loop3A_719 : vector<16xf32>
        %parallel_loop3A_721 = arith.index_cast %parallel_loop3A_130 : i32 to index
        %parallel_loop3A_722 = arith.index_cast %parallel_loop3A_684 : i32 to index
        %parallel_loop3A_723 = arith.constant 48 : index
        %parallel_loop3A_724 = tpu.vector_load %arg16[%parallel_loop3A_721, %parallel_loop3A_722, %parallel_loop3A_723] {strides = array<i32>} : memref<4x128x64xf32, #tpu.memory_space<vmem>>, vector<16xf32>,
        tpu.vector_store %arg16[%parallel_loop3A_721, %parallel_loop3A_722, %parallel_loop3A_723], %parallel_loop3A_720 {strides = array<i32>} : memref<4x128x64xf32, #tpu.memory_space<vmem>>, vector<16xf32>,
        %parallel_loop3A_725 = vector.extract_strided_slice %parallel_loop3A_149 {offsets = [13], sizes = [1], strides = [1]} : vector<16xf32> to vector<1xf32>
        %parallel_loop3A_726 = vector.extract %parallel_loop3A_725[0] : f32 from vector<1xf32>
        %parallel_loop3A_727 = arith.constant 13 : i32
        %parallel_loop3A_728 = arith.addi %parallel_loop3A_132, %parallel_loop3A_727 : i32
        %parallel_loop3A_729 = arith.index_cast %parallel_loop3A_130 : i32 to index
        %parallel_loop3A_730 = arith.index_cast %parallel_loop3A_728 : i32 to index
        %parallel_loop3A_731 = arith.constant 0 : index
        %parallel_loop3A_732 = tpu.vector_load %arg16[%parallel_loop3A_729, %parallel_loop3A_730, %parallel_loop3A_731] {strides = array<i32>} : memref<4x128x64xf32, #tpu.memory_space<vmem>>, vector<16xf32>,
        %parallel_loop3A_733 = vector.broadcast %parallel_loop3A_726 : f32 to vector<16xf32>
        %parallel_loop3A_734 = arith.mulf %parallel_loop3A_732, %parallel_loop3A_733 : vector<16xf32>
        %parallel_loop3A_735 = arith.index_cast %parallel_loop3A_130 : i32 to index
        %parallel_loop3A_736 = arith.index_cast %parallel_loop3A_728 : i32 to index
        %parallel_loop3A_737 = arith.constant 0 : index
        %parallel_loop3A_738 = tpu.vector_load %arg16[%parallel_loop3A_735, %parallel_loop3A_736, %parallel_loop3A_737] {strides = array<i32>} : memref<4x128x64xf32, #tpu.memory_space<vmem>>, vector<16xf32>,
        tpu.vector_store %arg16[%parallel_loop3A_735, %parallel_loop3A_736, %parallel_loop3A_737], %parallel_loop3A_734 {strides = array<i32>} : memref<4x128x64xf32, #tpu.memory_space<vmem>>, vector<16xf32>,
        %parallel_loop3A_739 = arith.index_cast %parallel_loop3A_130 : i32 to index
        %parallel_loop3A_740 = arith.index_cast %parallel_loop3A_728 : i32 to index
        %parallel_loop3A_741 = arith.constant 16 : index
        %parallel_loop3A_742 = tpu.vector_load %arg16[%parallel_loop3A_739, %parallel_loop3A_740, %parallel_loop3A_741] {strides = array<i32>} : memref<4x128x64xf32, #tpu.memory_space<vmem>>, vector<16xf32>,
        %parallel_loop3A_743 = vector.broadcast %parallel_loop3A_726 : f32 to vector<16xf32>
        %parallel_loop3A_744 = arith.mulf %parallel_loop3A_742, %parallel_loop3A_743 : vector<16xf32>
        %parallel_loop3A_745 = arith.index_cast %parallel_loop3A_130 : i32 to index
        %parallel_loop3A_746 = arith.index_cast %parallel_loop3A_728 : i32 to index
        %parallel_loop3A_747 = arith.constant 16 : index
        %parallel_loop3A_748 = tpu.vector_load %arg16[%parallel_loop3A_745, %parallel_loop3A_746, %parallel_loop3A_747] {strides = array<i32>} : memref<4x128x64xf32, #tpu.memory_space<vmem>>, vector<16xf32>,
        tpu.vector_store %arg16[%parallel_loop3A_745, %parallel_loop3A_746, %parallel_loop3A_747], %parallel_loop3A_744 {strides = array<i32>} : memref<4x128x64xf32, #tpu.memory_space<vmem>>, vector<16xf32>,
        %parallel_loop3A_749 = arith.index_cast %parallel_loop3A_130 : i32 to index
        %parallel_loop3A_750 = arith.index_cast %parallel_loop3A_728 : i32 to index
        %parallel_loop3A_751 = arith.constant 32 : index
        %parallel_loop3A_752 = tpu.vector_load %arg16[%parallel_loop3A_749, %parallel_loop3A_750, %parallel_loop3A_751] {strides = array<i32>} : memref<4x128x64xf32, #tpu.memory_space<vmem>>, vector<16xf32>,
        %parallel_loop3A_753 = vector.broadcast %parallel_loop3A_726 : f32 to vector<16xf32>
        %parallel_loop3A_754 = arith.mulf %parallel_loop3A_752, %parallel_loop3A_753 : vector<16xf32>
        %parallel_loop3A_755 = arith.index_cast %parallel_loop3A_130 : i32 to index
        %parallel_loop3A_756 = arith.index_cast %parallel_loop3A_728 : i32 to index
        %parallel_loop3A_757 = arith.constant 32 : index
        %parallel_loop3A_758 = tpu.vector_load %arg16[%parallel_loop3A_755, %parallel_loop3A_756, %parallel_loop3A_757] {strides = array<i32>} : memref<4x128x64xf32, #tpu.memory_space<vmem>>, vector<16xf32>,
        tpu.vector_store %arg16[%parallel_loop3A_755, %parallel_loop3A_756, %parallel_loop3A_757], %parallel_loop3A_754 {strides = array<i32>} : memref<4x128x64xf32, #tpu.memory_space<vmem>>, vector<16xf32>,
        %parallel_loop3A_759 = arith.index_cast %parallel_loop3A_130 : i32 to index
        %parallel_loop3A_760 = arith.index_cast %parallel_loop3A_728 : i32 to index
        %parallel_loop3A_761 = arith.constant 48 : index
        %parallel_loop3A_762 = tpu.vector_load %arg16[%parallel_loop3A_759, %parallel_loop3A_760, %parallel_loop3A_761] {strides = array<i32>} : memref<4x128x64xf32, #tpu.memory_space<vmem>>, vector<16xf32>,
        %parallel_loop3A_763 = vector.broadcast %parallel_loop3A_726 : f32 to vector<16xf32>
        %parallel_loop3A_764 = arith.mulf %parallel_loop3A_762, %parallel_loop3A_763 : vector<16xf32>
        %parallel_loop3A_765 = arith.index_cast %parallel_loop3A_130 : i32 to index
        %parallel_loop3A_766 = arith.index_cast %parallel_loop3A_728 : i32 to index
        %parallel_loop3A_767 = arith.constant 48 : index
        %parallel_loop3A_768 = tpu.vector_load %arg16[%parallel_loop3A_765, %parallel_loop3A_766, %parallel_loop3A_767] {strides = array<i32>} : memref<4x128x64xf32, #tpu.memory_space<vmem>>, vector<16xf32>,
        tpu.vector_store %arg16[%parallel_loop3A_765, %parallel_loop3A_766, %parallel_loop3A_767], %parallel_loop3A_764 {strides = array<i32>} : memref<4x128x64xf32, #tpu.memory_space<vmem>>, vector<16xf32>,
        %parallel_loop3A_769 = vector.extract_strided_slice %parallel_loop3A_149 {offsets = [14], sizes = [1], strides = [1]} : vector<16xf32> to vector<1xf32>
        %parallel_loop3A_770 = vector.extract %parallel_loop3A_769[0] : f32 from vector<1xf32>
        %parallel_loop3A_771 = arith.constant 14 : i32
        %parallel_loop3A_772 = arith.addi %parallel_loop3A_132, %parallel_loop3A_771 : i32
        %parallel_loop3A_773 = arith.index_cast %parallel_loop3A_130 : i32 to index
        %parallel_loop3A_774 = arith.index_cast %parallel_loop3A_772 : i32 to index
        %parallel_loop3A_775 = arith.constant 0 : index
        %parallel_loop3A_776 = tpu.vector_load %arg16[%parallel_loop3A_773, %parallel_loop3A_774, %parallel_loop3A_775] {strides = array<i32>} : memref<4x128x64xf32, #tpu.memory_space<vmem>>, vector<16xf32>,
        %parallel_loop3A_777 = vector.broadcast %parallel_loop3A_770 : f32 to vector<16xf32>
        %parallel_loop3A_778 = arith.mulf %parallel_loop3A_776, %parallel_loop3A_777 : vector<16xf32>
        %parallel_loop3A_779 = arith.index_cast %parallel_loop3A_130 : i32 to index
        %parallel_loop3A_780 = arith.index_cast %parallel_loop3A_772 : i32 to index
        %parallel_loop3A_781 = arith.constant 0 : index
        %parallel_loop3A_782 = tpu.vector_load %arg16[%parallel_loop3A_779, %parallel_loop3A_780, %parallel_loop3A_781] {strides = array<i32>} : memref<4x128x64xf32, #tpu.memory_space<vmem>>, vector<16xf32>,
        tpu.vector_store %arg16[%parallel_loop3A_779, %parallel_loop3A_780, %parallel_loop3A_781], %parallel_loop3A_778 {strides = array<i32>} : memref<4x128x64xf32, #tpu.memory_space<vmem>>, vector<16xf32>,
        %parallel_loop3A_783 = arith.index_cast %parallel_loop3A_130 : i32 to index
        %parallel_loop3A_784 = arith.index_cast %parallel_loop3A_772 : i32 to index
        %parallel_loop3A_785 = arith.constant 16 : index
        %parallel_loop3A_786 = tpu.vector_load %arg16[%parallel_loop3A_783, %parallel_loop3A_784, %parallel_loop3A_785] {strides = array<i32>} : memref<4x128x64xf32, #tpu.memory_space<vmem>>, vector<16xf32>,
        %parallel_loop3A_787 = vector.broadcast %parallel_loop3A_770 : f32 to vector<16xf32>
        %parallel_loop3A_788 = arith.mulf %parallel_loop3A_786, %parallel_loop3A_787 : vector<16xf32>
        %parallel_loop3A_789 = arith.index_cast %parallel_loop3A_130 : i32 to index
        %parallel_loop3A_790 = arith.index_cast %parallel_loop3A_772 : i32 to index
        %parallel_loop3A_791 = arith.constant 16 : index
        %parallel_loop3A_792 = tpu.vector_load %arg16[%parallel_loop3A_789, %parallel_loop3A_790, %parallel_loop3A_791] {strides = array<i32>} : memref<4x128x64xf32, #tpu.memory_space<vmem>>, vector<16xf32>,
        tpu.vector_store %arg16[%parallel_loop3A_789, %parallel_loop3A_790, %parallel_loop3A_791], %parallel_loop3A_788 {strides = array<i32>} : memref<4x128x64xf32, #tpu.memory_space<vmem>>, vector<16xf32>,
        %parallel_loop3A_793 = arith.index_cast %parallel_loop3A_130 : i32 to index
        %parallel_loop3A_794 = arith.index_cast %parallel_loop3A_772 : i32 to index
        %parallel_loop3A_795 = arith.constant 32 : index
        %parallel_loop3A_796 = tpu.vector_load %arg16[%parallel_loop3A_793, %parallel_loop3A_794, %parallel_loop3A_795] {strides = array<i32>} : memref<4x128x64xf32, #tpu.memory_space<vmem>>, vector<16xf32>,
        %parallel_loop3A_797 = vector.broadcast %parallel_loop3A_770 : f32 to vector<16xf32>
        %parallel_loop3A_798 = arith.mulf %parallel_loop3A_796, %parallel_loop3A_797 : vector<16xf32>
        %parallel_loop3A_799 = arith.index_cast %parallel_loop3A_130 : i32 to index
        %parallel_loop3A_800 = arith.index_cast %parallel_loop3A_772 : i32 to index
        %parallel_loop3A_801 = arith.constant 32 : index
        %parallel_loop3A_802 = tpu.vector_load %arg16[%parallel_loop3A_799, %parallel_loop3A_800, %parallel_loop3A_801] {strides = array<i32>} : memref<4x128x64xf32, #tpu.memory_space<vmem>>, vector<16xf32>,
        tpu.vector_store %arg16[%parallel_loop3A_799, %parallel_loop3A_800, %parallel_loop3A_801], %parallel_loop3A_798 {strides = array<i32>} : memref<4x128x64xf32, #tpu.memory_space<vmem>>, vector<16xf32>,
        %parallel_loop3A_803 = arith.index_cast %parallel_loop3A_130 : i32 to index
        %parallel_loop3A_804 = arith.index_cast %parallel_loop3A_772 : i32 to index
        %parallel_loop3A_805 = arith.constant 48 : index
        %parallel_loop3A_806 = tpu.vector_load %arg16[%parallel_loop3A_803, %parallel_loop3A_804, %parallel_loop3A_805] {strides = array<i32>} : memref<4x128x64xf32, #tpu.memory_space<vmem>>, vector<16xf32>,
        %parallel_loop3A_807 = vector.broadcast %parallel_loop3A_770 : f32 to vector<16xf32>
        %parallel_loop3A_808 = arith.mulf %parallel_loop3A_806, %parallel_loop3A_807 : vector<16xf32>
        %parallel_loop3A_809 = arith.index_cast %parallel_loop3A_130 : i32 to index
        %parallel_loop3A_810 = arith.index_cast %parallel_loop3A_772 : i32 to index
        %parallel_loop3A_811 = arith.constant 48 : index
        %parallel_loop3A_812 = tpu.vector_load %arg16[%parallel_loop3A_809, %parallel_loop3A_810, %parallel_loop3A_811] {strides = array<i32>} : memref<4x128x64xf32, #tpu.memory_space<vmem>>, vector<16xf32>,
        tpu.vector_store %arg16[%parallel_loop3A_809, %parallel_loop3A_810, %parallel_loop3A_811], %parallel_loop3A_808 {strides = array<i32>} : memref<4x128x64xf32, #tpu.memory_space<vmem>>, vector<16xf32>,
        %parallel_loop3A_813 = vector.extract_strided_slice %parallel_loop3A_149 {offsets = [15], sizes = [1], strides = [1]} : vector<16xf32> to vector<1xf32>
        %parallel_loop3A_814 = vector.extract %parallel_loop3A_813[0] : f32 from vector<1xf32>
        %parallel_loop3A_815 = arith.constant 15 : i32
        %parallel_loop3A_816 = arith.addi %parallel_loop3A_132, %parallel_loop3A_815 : i32
        %parallel_loop3A_817 = arith.index_cast %parallel_loop3A_130 : i32 to index
        %parallel_loop3A_818 = arith.index_cast %parallel_loop3A_816 : i32 to index
        %parallel_loop3A_819 = arith.constant 0 : index
        %parallel_loop3A_820 = tpu.vector_load %arg16[%parallel_loop3A_817, %parallel_loop3A_818, %parallel_loop3A_819] {strides = array<i32>} : memref<4x128x64xf32, #tpu.memory_space<vmem>>, vector<16xf32>,
        %parallel_loop3A_821 = vector.broadcast %parallel_loop3A_814 : f32 to vector<16xf32>
        %parallel_loop3A_822 = arith.mulf %parallel_loop3A_820, %parallel_loop3A_821 : vector<16xf32>
        %parallel_loop3A_823 = arith.index_cast %parallel_loop3A_130 : i32 to index
        %parallel_loop3A_824 = arith.index_cast %parallel_loop3A_816 : i32 to index
        %parallel_loop3A_825 = arith.constant 0 : index
        %parallel_loop3A_826 = tpu.vector_load %arg16[%parallel_loop3A_823, %parallel_loop3A_824, %parallel_loop3A_825] {strides = array<i32>} : memref<4x128x64xf32, #tpu.memory_space<vmem>>, vector<16xf32>,
        tpu.vector_store %arg16[%parallel_loop3A_823, %parallel_loop3A_824, %parallel_loop3A_825], %parallel_loop3A_822 {strides = array<i32>} : memref<4x128x64xf32, #tpu.memory_space<vmem>>, vector<16xf32>,
        %parallel_loop3A_827 = arith.index_cast %parallel_loop3A_130 : i32 to index
        %parallel_loop3A_828 = arith.index_cast %parallel_loop3A_816 : i32 to index
        %parallel_loop3A_829 = arith.constant 16 : index
        %parallel_loop3A_830 = tpu.vector_load %arg16[%parallel_loop3A_827, %parallel_loop3A_828, %parallel_loop3A_829] {strides = array<i32>} : memref<4x128x64xf32, #tpu.memory_space<vmem>>, vector<16xf32>,
        %parallel_loop3A_831 = vector.broadcast %parallel_loop3A_814 : f32 to vector<16xf32>
        %parallel_loop3A_832 = arith.mulf %parallel_loop3A_830, %parallel_loop3A_831 : vector<16xf32>
        %parallel_loop3A_833 = arith.index_cast %parallel_loop3A_130 : i32 to index
        %parallel_loop3A_834 = arith.index_cast %parallel_loop3A_816 : i32 to index
        %parallel_loop3A_835 = arith.constant 16 : index
        %parallel_loop3A_836 = tpu.vector_load %arg16[%parallel_loop3A_833, %parallel_loop3A_834, %parallel_loop3A_835] {strides = array<i32>} : memref<4x128x64xf32, #tpu.memory_space<vmem>>, vector<16xf32>,
        tpu.vector_store %arg16[%parallel_loop3A_833, %parallel_loop3A_834, %parallel_loop3A_835], %parallel_loop3A_832 {strides = array<i32>} : memref<4x128x64xf32, #tpu.memory_space<vmem>>, vector<16xf32>,
        %parallel_loop3A_837 = arith.index_cast %parallel_loop3A_130 : i32 to index
        %parallel_loop3A_838 = arith.index_cast %parallel_loop3A_816 : i32 to index
        %parallel_loop3A_839 = arith.constant 32 : index
        %parallel_loop3A_840 = tpu.vector_load %arg16[%parallel_loop3A_837, %parallel_loop3A_838, %parallel_loop3A_839] {strides = array<i32>} : memref<4x128x64xf32, #tpu.memory_space<vmem>>, vector<16xf32>,
        %parallel_loop3A_841 = vector.broadcast %parallel_loop3A_814 : f32 to vector<16xf32>
        %parallel_loop3A_842 = arith.mulf %parallel_loop3A_840, %parallel_loop3A_841 : vector<16xf32>
        %parallel_loop3A_843 = arith.index_cast %parallel_loop3A_130 : i32 to index
        %parallel_loop3A_844 = arith.index_cast %parallel_loop3A_816 : i32 to index
        %parallel_loop3A_845 = arith.constant 32 : index
        %parallel_loop3A_846 = tpu.vector_load %arg16[%parallel_loop3A_843, %parallel_loop3A_844, %parallel_loop3A_845] {strides = array<i32>} : memref<4x128x64xf32, #tpu.memory_space<vmem>>, vector<16xf32>,
        tpu.vector_store %arg16[%parallel_loop3A_843, %parallel_loop3A_844, %parallel_loop3A_845], %parallel_loop3A_842 {strides = array<i32>} : memref<4x128x64xf32, #tpu.memory_space<vmem>>, vector<16xf32>,
        %parallel_loop3A_847 = arith.index_cast %parallel_loop3A_130 : i32 to index
        %parallel_loop3A_848 = arith.index_cast %parallel_loop3A_816 : i32 to index
        %parallel_loop3A_849 = arith.constant 48 : index
        %parallel_loop3A_850 = tpu.vector_load %arg16[%parallel_loop3A_847, %parallel_loop3A_848, %parallel_loop3A_849] {strides = array<i32>} : memref<4x128x64xf32, #tpu.memory_space<vmem>>, vector<16xf32>,
        %parallel_loop3A_851 = vector.broadcast %parallel_loop3A_814 : f32 to vector<16xf32>
        %parallel_loop3A_852 = arith.mulf %parallel_loop3A_850, %parallel_loop3A_851 : vector<16xf32>
        %parallel_loop3A_853 = arith.index_cast %parallel_loop3A_130 : i32 to index
        %parallel_loop3A_854 = arith.index_cast %parallel_loop3A_816 : i32 to index
        %parallel_loop3A_855 = arith.constant 48 : index
        %parallel_loop3A_856 = tpu.vector_load %arg16[%parallel_loop3A_853, %parallel_loop3A_854, %parallel_loop3A_855] {strides = array<i32>} : memref<4x128x64xf32, #tpu.memory_space<vmem>>, vector<16xf32>,
        tpu.vector_store %arg16[%parallel_loop3A_853, %parallel_loop3A_854, %parallel_loop3A_855], %parallel_loop3A_852 {strides = array<i32>} : memref<4x128x64xf32, #tpu.memory_space<vmem>>, vector<16xf32>,
        scf.yield %parallel_loop3A_129, %parallel_loop3A_130 : i32, i32
      } {sc.loop_unroll_factor = 1 : i64, sc.parallel_access}
      %dma_start3A_105 = arith.constant 0 : i32
      %dma_start3A_106 = arith.constant 0 : i32
      %dma_start3A_107 = tpu.memref_slice %arg16[%rem3A_81, %dma_start3A_105, %dma_start3A_106] : memref<4x128x64xf32, #tpu.memory_space<vmem>> -> memref<1x128x64xf32, #tpu.memory_space<vmem>>
      %dma_start3A_108 = tpu.memref_squeeze %dma_start3A_107 : memref<1x128x64xf32, #tpu.memory_space<vmem>> -> memref<128x64xf32, #tpu.memory_space<vmem>>
      %dma_start3A_109 = arith.constant 0 : i32
      %dma_start3A_110 = tpu.memref_slice %arg12[%scan3A_79, %dma_start3A_109] : memref<79x128xi32, #tpu.memory_space<vmem>> -> memref<1x128xi32, #tpu.memory_space<vmem>>
      %dma_start3A_111 = tpu.memref_squeeze %dma_start3A_110 : memref<1x128xi32, #tpu.memory_space<vmem>> -> memref<128xi32, #tpu.memory_space<vmem>>
      %dma_start3A_112 = arith.constant 0 : i32
      %dma_start3A_113 = arith.constant 0 : i32
      %dma_start3A_114 = tpu.memref_slice %arg17[%dma_start3A_112, %dma_start3A_113] : memref<10240x64xf32, #tpu.memory_space<vmem_shared>> -> memref<10240x64xf32, #tpu.memory_space<vmem_shared>>
      %dma_start3A_115 = tpu.memref_slice %arg20[%rem3A_83] : memref<2x!tpu.dma_semaphore, #tpu.memory_space<semaphore_mem>> -> memref<1x!tpu.dma_semaphore, #tpu.memory_space<semaphore_mem>>
      %dma_start3A_116 = tpu.memref_squeeze %dma_start3A_115 : memref<1x!tpu.dma_semaphore, #tpu.memory_space<semaphore_mem>> -> memref<!tpu.dma_semaphore, #tpu.memory_space<semaphore_mem>>
      tpu.enqueue_indirect_dma source(%dma_start3A_108 : memref<128x64xf32, #tpu.memory_space<vmem>>) target(%dma_start3A_114 : memref<10240x64xf32, #tpu.memory_space<vmem_shared>>) offsets(%dma_start3A_111 : memref<128xi32, #tpu.memory_space<vmem>>) semaphore(%dma_start3A_116 : memref<!tpu.dma_semaphore, #tpu.memory_space<semaphore_mem>>) {add = true}
      %dma_start3A_117 = arith.constant 0 : i32
      %dma_start3A_118 = tpu.memref_slice %arg13[%scan3A_79, %dma_start3A_117] : memref<79x128xf32, #tpu.memory_space<vmem>> -> memref<1x128xf32, #tpu.memory_space<vmem>>
      %dma_start3A_119 = tpu.memref_squeeze %dma_start3A_118 : memref<1x128xf32, #tpu.memory_space<vmem>> -> memref<128xf32, #tpu.memory_space<vmem>>
      %dma_start3A_120 = arith.constant 0 : i32
      %dma_start3A_121 = tpu.memref_slice %arg12[%scan3A_79, %dma_start3A_120] : memref<79x128xi32, #tpu.memory_space<vmem>> -> memref<1x128xi32, #tpu.memory_space<vmem>>
      %dma_start3A_122 = tpu.memref_squeeze %dma_start3A_121 : memref<1x128xi32, #tpu.memory_space<vmem>> -> memref<128xi32, #tpu.memory_space<vmem>>
      %dma_start3A_123 = arith.constant 0 : i32
      %dma_start3A_124 = tpu.memref_slice %arg18[%dma_start3A_123] : memref<10240xf32, #tpu.memory_space<vmem_shared>> -> memref<10240xf32, #tpu.memory_space<vmem_shared>>
      %dma_start3A_125 = tpu.memref_slice %arg21[%rem3A_83] : memref<2x!tpu.dma_semaphore, #tpu.memory_space<semaphore_mem>> -> memref<1x!tpu.dma_semaphore, #tpu.memory_space<semaphore_mem>>
      %dma_start3A_126 = tpu.memref_squeeze %dma_start3A_125 : memref<1x!tpu.dma_semaphore, #tpu.memory_space<semaphore_mem>> -> memref<!tpu.dma_semaphore, #tpu.memory_space<semaphore_mem>>
      tpu.enqueue_indirect_dma source(%dma_start3A_119 : memref<128xf32, #tpu.memory_space<vmem>>) target(%dma_start3A_124 : memref<10240xf32, #tpu.memory_space<vmem_shared>>) offsets(%dma_start3A_122 : memref<128xi32, #tpu.memory_space<vmem>>) semaphore(%dma_start3A_126 : memref<!tpu.dma_semaphore, #tpu.memory_space<semaphore_mem>>) {add = true}
      %scan3A_127 = arith.constant 0 : i32
      scf.yield %scan3A_127 : i32
    }
    %scan3A_19 = arith.constant 79 : i32
    %dma_wait3A = arith.constant 1 : i32
    %dma_wait3A_20 = arith.constant 77 : i32
    %dma_wait3A_21 = arith.constant 1 : i32
    %dma_wait3A_22 = arith.constant 0 : i32
    %dma_wait3A_23 = arith.constant 0 : i32
    %dma_wait3A_24 = tpu.memref_slice %arg16[%dma_wait3A, %dma_wait3A_22, %dma_wait3A_23] : memref<4x128x64xf32, #tpu.memory_space<vmem>> -> memref<1x128x64xf32, #tpu.memory_space<vmem>>
    %dma_wait3A_25 = tpu.memref_squeeze %dma_wait3A_24 : memref<1x128x64xf32, #tpu.memory_space<vmem>> -> memref<128x64xf32, #tpu.memory_space<vmem>>
    %dma_wait3A_26 = arith.constant 0 : i32
    %dma_wait3A_27 = tpu.memref_slice %arg12[%dma_wait3A_20, %dma_wait3A_26] : memref<79x128xi32, #tpu.memory_space<vmem>> -> memref<1x128xi32, #tpu.memory_space<vmem>>
    %dma_wait3A_28 = tpu.memref_squeeze %dma_wait3A_27 : memref<1x128xi32, #tpu.memory_space<vmem>> -> memref<128xi32, #tpu.memory_space<vmem>>
    %dma_wait3A_29 = arith.constant 0 : i32
    %dma_wait3A_30 = arith.constant 0 : i32
    %dma_wait3A_31 = tpu.memref_slice %arg17[%dma_wait3A_29, %dma_wait3A_30] : memref<10240x64xf32, #tpu.memory_space<vmem_shared>> -> memref<10240x64xf32, #tpu.memory_space<vmem_shared>>
    %dma_wait3A_32 = tpu.memref_slice %arg20[%dma_wait3A_21] : memref<2x!tpu.dma_semaphore, #tpu.memory_space<semaphore_mem>> -> memref<1x!tpu.dma_semaphore, #tpu.memory_space<semaphore_mem>>
    %dma_wait3A_33 = tpu.memref_squeeze %dma_wait3A_32 : memref<1x!tpu.dma_semaphore, #tpu.memory_space<semaphore_mem>> -> memref<!tpu.dma_semaphore, #tpu.memory_space<semaphore_mem>>
    tpu.wait_indirect_dma semaphore(%dma_wait3A_33 : memref<!tpu.dma_semaphore, #tpu.memory_space<semaphore_mem>>) src(%dma_wait3A_25 : memref<128x64xf32, #tpu.memory_space<vmem>>) dst(%dma_wait3A_31 : memref<10240x64xf32, #tpu.memory_space<vmem_shared>>)
    %dma_wait3A_34 = arith.constant 77 : i32
    %dma_wait3A_35 = arith.constant 77 : i32
    %dma_wait3A_36 = arith.constant 1 : i32
    %dma_wait3A_37 = arith.constant 0 : i32
    %dma_wait3A_38 = tpu.memref_slice %arg13[%dma_wait3A_34, %dma_wait3A_37] : memref<79x128xf32, #tpu.memory_space<vmem>> -> memref<1x128xf32, #tpu.memory_space<vmem>>
    %dma_wait3A_39 = tpu.memref_squeeze %dma_wait3A_38 : memref<1x128xf32, #tpu.memory_space<vmem>> -> memref<128xf32, #tpu.memory_space<vmem>>
    %dma_wait3A_40 = arith.constant 0 : i32
    %dma_wait3A_41 = tpu.memref_slice %arg12[%dma_wait3A_35, %dma_wait3A_40] : memref<79x128xi32, #tpu.memory_space<vmem>> -> memref<1x128xi32, #tpu.memory_space<vmem>>
    %dma_wait3A_42 = tpu.memref_squeeze %dma_wait3A_41 : memref<1x128xi32, #tpu.memory_space<vmem>> -> memref<128xi32, #tpu.memory_space<vmem>>
    %dma_wait3A_43 = arith.constant 0 : i32
    %dma_wait3A_44 = tpu.memref_slice %arg18[%dma_wait3A_43] : memref<10240xf32, #tpu.memory_space<vmem_shared>> -> memref<10240xf32, #tpu.memory_space<vmem_shared>>
    %dma_wait3A_45 = tpu.memref_slice %arg21[%dma_wait3A_36] : memref<2x!tpu.dma_semaphore, #tpu.memory_space<semaphore_mem>> -> memref<1x!tpu.dma_semaphore, #tpu.memory_space<semaphore_mem>>
    %dma_wait3A_46 = tpu.memref_squeeze %dma_wait3A_45 : memref<1x!tpu.dma_semaphore, #tpu.memory_space<semaphore_mem>> -> memref<!tpu.dma_semaphore, #tpu.memory_space<semaphore_mem>>
    tpu.wait_indirect_dma semaphore(%dma_wait3A_46 : memref<!tpu.dma_semaphore, #tpu.memory_space<semaphore_mem>>) src(%dma_wait3A_39 : memref<128xf32, #tpu.memory_space<vmem>>) dst(%dma_wait3A_44 : memref<10240xf32, #tpu.memory_space<vmem_shared>>)
    %dma_wait3A_47 = arith.constant 2 : i32
    %dma_wait3A_48 = arith.constant 78 : i32
    %dma_wait3A_49 = arith.constant 0 : i32
    %dma_wait3A_50 = arith.constant 0 : i32
    %dma_wait3A_51 = arith.constant 0 : i32
    %dma_wait3A_52 = tpu.memref_slice %arg16[%dma_wait3A_47, %dma_wait3A_50, %dma_wait3A_51] : memref<4x128x64xf32, #tpu.memory_space<vmem>> -> memref<1x128x64xf32, #tpu.memory_space<vmem>>
    %dma_wait3A_53 = tpu.memref_squeeze %dma_wait3A_52 : memref<1x128x64xf32, #tpu.memory_space<vmem>> -> memref<128x64xf32, #tpu.memory_space<vmem>>
    %dma_wait3A_54 = arith.constant 0 : i32
    %dma_wait3A_55 = tpu.memref_slice %arg12[%dma_wait3A_48, %dma_wait3A_54] : memref<79x128xi32, #tpu.memory_space<vmem>> -> memref<1x128xi32, #tpu.memory_space<vmem>>
    %dma_wait3A_56 = tpu.memref_squeeze %dma_wait3A_55 : memref<1x128xi32, #tpu.memory_space<vmem>> -> memref<128xi32, #tpu.memory_space<vmem>>
    %dma_wait3A_57 = arith.constant 0 : i32
    %dma_wait3A_58 = arith.constant 0 : i32
    %dma_wait3A_59 = tpu.memref_slice %arg17[%dma_wait3A_57, %dma_wait3A_58] : memref<10240x64xf32, #tpu.memory_space<vmem_shared>> -> memref<10240x64xf32, #tpu.memory_space<vmem_shared>>
    %dma_wait3A_60 = tpu.memref_slice %arg20[%dma_wait3A_49] : memref<2x!tpu.dma_semaphore, #tpu.memory_space<semaphore_mem>> -> memref<1x!tpu.dma_semaphore, #tpu.memory_space<semaphore_mem>>
    %dma_wait3A_61 = tpu.memref_squeeze %dma_wait3A_60 : memref<1x!tpu.dma_semaphore, #tpu.memory_space<semaphore_mem>> -> memref<!tpu.dma_semaphore, #tpu.memory_space<semaphore_mem>>
    tpu.wait_indirect_dma semaphore(%dma_wait3A_61 : memref<!tpu.dma_semaphore, #tpu.memory_space<semaphore_mem>>) src(%dma_wait3A_53 : memref<128x64xf32, #tpu.memory_space<vmem>>) dst(%dma_wait3A_59 : memref<10240x64xf32, #tpu.memory_space<vmem_shared>>)
    %dma_wait3A_62 = arith.constant 78 : i32
    %dma_wait3A_63 = arith.constant 78 : i32
    %dma_wait3A_64 = arith.constant 0 : i32
    %dma_wait3A_65 = arith.constant 0 : i32
    %dma_wait3A_66 = tpu.memref_slice %arg13[%dma_wait3A_62, %dma_wait3A_65] : memref<79x128xf32, #tpu.memory_space<vmem>> -> memref<1x128xf32, #tpu.memory_space<vmem>>
    %dma_wait3A_67 = tpu.memref_squeeze %dma_wait3A_66 : memref<1x128xf32, #tpu.memory_space<vmem>> -> memref<128xf32, #tpu.memory_space<vmem>>
    %dma_wait3A_68 = arith.constant 0 : i32
    %dma_wait3A_69 = tpu.memref_slice %arg12[%dma_wait3A_63, %dma_wait3A_68] : memref<79x128xi32, #tpu.memory_space<vmem>> -> memref<1x128xi32, #tpu.memory_space<vmem>>
    %dma_wait3A_70 = tpu.memref_squeeze %dma_wait3A_69 : memref<1x128xi32, #tpu.memory_space<vmem>> -> memref<128xi32, #tpu.memory_space<vmem>>
    %dma_wait3A_71 = arith.constant 0 : i32
    %dma_wait3A_72 = tpu.memref_slice %arg18[%dma_wait3A_71] : memref<10240xf32, #tpu.memory_space<vmem_shared>> -> memref<10240xf32, #tpu.memory_space<vmem_shared>>
    %dma_wait3A_73 = tpu.memref_slice %arg21[%dma_wait3A_64] : memref<2x!tpu.dma_semaphore, #tpu.memory_space<semaphore_mem>> -> memref<1x!tpu.dma_semaphore, #tpu.memory_space<semaphore_mem>>
    %dma_wait3A_74 = tpu.memref_squeeze %dma_wait3A_73 : memref<1x!tpu.dma_semaphore, #tpu.memory_space<semaphore_mem>> -> memref<!tpu.dma_semaphore, #tpu.memory_space<semaphore_mem>>
    tpu.wait_indirect_dma semaphore(%dma_wait3A_74 : memref<!tpu.dma_semaphore, #tpu.memory_space<semaphore_mem>>) src(%dma_wait3A_67 : memref<128xf32, #tpu.memory_space<vmem>>) dst(%dma_wait3A_72 : memref<10240xf32, #tpu.memory_space<vmem_shared>>)
    %barrier3A_75 = arith.constant 0 : index
    tpu.barrier barrier_id(%barrier3A_75)
    "tpu.region"() ({
      %run_scoped3A = tpu.sem_alloc : memref<!tpu.dma_semaphore, #tpu.memory_space<semaphore_mem>>
      %dma_start3A_79 = arith.constant 0 : i32
      %dma_start3A_80 = tpu.memref_slice %arg9[%arg0, %mul3A_2, %dma_start3A_79] : memref<2x10240x64xf32, #tpu.memory_space<hbm>> -> memref<1x640x64xf32, #tpu.memory_space<hbm>>
      %dma_start3A_81 = tpu.memref_squeeze %dma_start3A_80 : memref<1x640x64xf32, #tpu.memory_space<hbm>> -> memref<640x64xf32, #tpu.memory_space<hbm>>
      %dma_start3A_82 = arith.constant 0 : i32
      %dma_start3A_83 = tpu.memref_slice %arg17[%mul3A_2, %dma_start3A_82] : memref<10240x64xf32, #tpu.memory_space<vmem_shared>> -> memref<640x64xf32, #tpu.memory_space<vmem_shared>>
      tpu.enqueue_dma source(%dma_start3A_83 : memref<640x64xf32, #tpu.memory_space<vmem_shared>>) target(%dma_start3A_81 : memref<640x64xf32, #tpu.memory_space<hbm>>) target_semaphore(%run_scoped3A : memref<!tpu.dma_semaphore, #tpu.memory_space<semaphore_mem>>)
      %dma_wait3A_84 = arith.constant 0 : i32
      %dma_wait3A_85 = tpu.memref_slice %arg9[%arg0, %mul3A_2, %dma_wait3A_84] : memref<2x10240x64xf32, #tpu.memory_space<hbm>> -> memref<1x640x64xf32, #tpu.memory_space<hbm>>
      %dma_wait3A_86 = tpu.memref_squeeze %dma_wait3A_85 : memref<1x640x64xf32, #tpu.memory_space<hbm>> -> memref<640x64xf32, #tpu.memory_space<hbm>>
      %dma_wait3A_87 = arith.constant 0 : i32
      %dma_wait3A_88 = tpu.memref_slice %arg17[%mul3A_2, %dma_wait3A_87] : memref<10240x64xf32, #tpu.memory_space<vmem_shared>> -> memref<640x64xf32, #tpu.memory_space<vmem_shared>>
      tpu.wait_dma2 semaphore(%run_scoped3A : memref<!tpu.dma_semaphore, #tpu.memory_space<semaphore_mem>>) src(%dma_wait3A_88 : memref<640x64xf32, #tpu.memory_space<vmem_shared>>) dst(%dma_wait3A_86 : memref<640x64xf32, #tpu.memory_space<hbm>>)
      tpu.yield
    }) : () -> ()
    %mul3A_76 = arith.constant 10240 : i32
    %mul3A_77 = arith.muli %arg0, %mul3A_76 : i32
    %add3A_78 = arith.addi %mul3A_77, %mul3A_2 : i32
    "tpu.region"() ({
      %run_scoped3A = tpu.sem_alloc : memref<!tpu.dma_semaphore, #tpu.memory_space<semaphore_mem>>
      %dma_start3A_79 = tpu.memref_slice %arg10[%add3A_78] : memref<20480xf32, #tpu.memory_space<hbm>> -> memref<640xf32, #tpu.memory_space<hbm>>
      %dma_start3A_80 = tpu.memref_slice %arg18[%mul3A_2] : memref<10240xf32, #tpu.memory_space<vmem_shared>> -> memref<640xf32, #tpu.memory_space<vmem_shared>>
      tpu.enqueue_dma source(%dma_start3A_80 : memref<640xf32, #tpu.memory_space<vmem_shared>>) target(%dma_start3A_79 : memref<640xf32, #tpu.memory_space<hbm>>) target_semaphore(%run_scoped3A : memref<!tpu.dma_semaphore, #tpu.memory_space<semaphore_mem>>)
      %dma_wait3A_81 = tpu.memref_slice %arg10[%add3A_78] : memref<20480xf32, #tpu.memory_space<hbm>> -> memref<640xf32, #tpu.memory_space<hbm>>
      %dma_wait3A_82 = tpu.memref_slice %arg18[%mul3A_2] : memref<10240xf32, #tpu.memory_space<vmem_shared>> -> memref<640xf32, #tpu.memory_space<vmem_shared>>
      tpu.wait_dma2 semaphore(%run_scoped3A : memref<!tpu.dma_semaphore, #tpu.memory_space<semaphore_mem>>) src(%dma_wait3A_82 : memref<640xf32, #tpu.memory_space<vmem_shared>>) dst(%dma_wait3A_81 : memref<640xf32, #tpu.memory_space<hbm>>)
      tpu.yield
    }) : () -> ()
    return
  }
}

module attributes {stable_mosaic.version = 14 : i64} {
  func.func @_ka_body(%arg0: memref<10000x128xf32, #tpu.memory_space<vmem>>, %arg1: memref<1x64xf32, #tpu.memory_space<vmem>>, %arg2: memref<1x64xf32, #tpu.memory_space<vmem>>, %arg3: memref<128x64xf32, #tpu.memory_space<vmem>>, %arg4: memref<10000x64xf32, #tpu.memory_space<vmem>>, %arg5: memref<10000x1xf32, #tpu.memory_space<vmem>>, %arg6: memref<10000x1xf32, #tpu.memory_space<vmem>>, %arg7: memref<10000x64xf32, #tpu.memory_space<vmem>>, %arg8: memref<10000x1xf32, #tpu.memory_space<vmem>>) attributes {dimension_semantics = [], scalar_prefetch = 0 : i64, scratch_operands = 0 : i64, tpu.core_type = #tpu.core_type<tc>} {
    %get3A = arith.constant 0 : index
    %get3A_0 = arith.constant 0 : index
    %get3A_1 = vector.load %arg0[%get3A, %get3A_0] : memref<10000x128xf32, #tpu.memory_space<vmem>>, vector<10000x128xf32>
    %get3A_2 = arith.constant 0 : index
    %get3A_3 = arith.constant 0 : index
    %get3A_4 = vector.load %arg3[%get3A_2, %get3A_3] : memref<128x64xf32, #tpu.memory_space<vmem>>, vector<128x64xf32>
    %dot_general3A = arith.constant dense<0.000000e+00> : vector<10000x64xf32>
    %dot_general3A_5 = tpu.matmul %get3A_1, %get3A_4, %dot_general3A {dimension_numbers = #tpu.dot_dimension_numbers<[1], [0], [0], [1], [0, 0, 1, 1], [], []>, transpose_lhs_hint = false} : vector<10000x128xf32>, vector<128x64xf32>, vector<10000x64xf32> -> vector<10000x64xf32>
    %swap3A = arith.constant 0 : index
    %swap3A_6 = arith.constant 0 : index
    %swap3A_7 = vector.load %arg4[%swap3A, %swap3A_6] : memref<10000x64xf32, #tpu.memory_space<vmem>>, vector<10000x64xf32>
    tpu.vector_store %arg4[%swap3A, %swap3A_6], %dot_general3A_5 {strides = array<i32>} : memref<10000x64xf32, #tpu.memory_space<vmem>>, vector<10000x64xf32>,
    %get3A_8 = arith.constant 0 : index
    %get3A_9 = arith.constant 0 : index
    %get3A_10 = vector.load %arg1[%get3A_8, %get3A_9] : memref<1x64xf32, #tpu.memory_space<vmem>>, vector<1x64xf32>
    %mul3A = vector.broadcast %get3A_10 : vector<1x64xf32> to vector<10000x64xf32>
    %mul3A_11 = arith.mulf %dot_general3A_5, %mul3A : vector<10000x64xf32>
    %reduce_sum3A = arith.constant dense<0.000000e+00> : vector<10000xf32>
    %reduce_sum3A_12 = vector.multi_reduction <add>, %mul3A_11, %reduce_sum3A [1] : vector<10000x64xf32> to vector<10000xf32>
    %broadcast_in_dim3A = vector.shape_cast %reduce_sum3A_12 : vector<10000xf32> to vector<10000x1xf32>
    %get3A_13 = arith.constant 0 : index
    %get3A_14 = arith.constant 0 : index
    %get3A_15 = vector.load %arg2[%get3A_13, %get3A_14] : memref<1x64xf32, #tpu.memory_space<vmem>>, vector<1x64xf32>
    %mul3A_16 = vector.broadcast %get3A_15 : vector<1x64xf32> to vector<10000x64xf32>
    %mul3A_17 = arith.mulf %dot_general3A_5, %mul3A_16 : vector<10000x64xf32>
    %reduce_sum3A_18 = arith.constant dense<0.000000e+00> : vector<10000xf32>
    %reduce_sum3A_19 = vector.multi_reduction <add>, %mul3A_17, %reduce_sum3A_18 [1] : vector<10000x64xf32> to vector<10000xf32>
    %broadcast_in_dim3A_20 = vector.shape_cast %reduce_sum3A_19 : vector<10000xf32> to vector<10000x1xf32>
    %swap3A_21 = arith.constant 0 : index
    %swap3A_22 = arith.constant 0 : index
    %swap3A_23 = vector.load %arg5[%swap3A_21, %swap3A_22] : memref<10000x1xf32, #tpu.memory_space<vmem>>, vector<10000x1xf32>
    tpu.vector_store %arg5[%swap3A_21, %swap3A_22], %broadcast_in_dim3A {strides = array<i32>} : memref<10000x1xf32, #tpu.memory_space<vmem>>, vector<10000x1xf32>,
    %swap3A_24 = arith.constant 0 : index
    %swap3A_25 = arith.constant 0 : index
    %swap3A_26 = vector.load %arg6[%swap3A_24, %swap3A_25] : memref<10000x1xf32, #tpu.memory_space<vmem>>, vector<10000x1xf32>
    tpu.vector_store %arg6[%swap3A_24, %swap3A_25], %broadcast_in_dim3A_20 {strides = array<i32>} : memref<10000x1xf32, #tpu.memory_space<vmem>>, vector<10000x1xf32>,
    %add3A = arith.addf %broadcast_in_dim3A, %broadcast_in_dim3A_20 : vector<10000x1xf32>
    %ge3A = arith.constant 0.000000e+00 : f32
    %ge3A_27 = vector.broadcast %ge3A : f32 to vector<10000x1xf32>
    %ge3A_28 = arith.cmpf oge, %add3A, %ge3A_27 : vector<10000x1xf32>
    %mul3A_29 = arith.constant 2.000000e-01 : f32
    %mul3A_30 = vector.broadcast %mul3A_29 : f32 to vector<10000x1xf32>
    %mul3A_31 = arith.mulf %mul3A_30, %add3A : vector<10000x1xf32>
    %select_n3A = arith.select %ge3A_28, %add3A, %mul3A_31 : vector<10000x1xi1>, vector<10000x1xf32>
    %exp3A = math.exp %select_n3A : vector<10000x1xf32>
    %mul3A_32 = vector.broadcast %exp3A : vector<10000x1xf32> to vector<10000x64xf32>
    %mul3A_33 = arith.mulf %dot_general3A_5, %mul3A_32 : vector<10000x64xf32>
    %swap3A_34 = arith.constant 0 : index
    %swap3A_35 = arith.constant 0 : index
    %swap3A_36 = vector.load %arg7[%swap3A_34, %swap3A_35] : memref<10000x64xf32, #tpu.memory_space<vmem>>, vector<10000x64xf32>
    tpu.vector_store %arg7[%swap3A_34, %swap3A_35], %mul3A_33 {strides = array<i32>} : memref<10000x64xf32, #tpu.memory_space<vmem>>, vector<10000x64xf32>,
    %swap3A_37 = arith.constant 0 : index
    %swap3A_38 = arith.constant 0 : index
    %swap3A_39 = vector.load %arg8[%swap3A_37, %swap3A_38] : memref<10000x1xf32, #tpu.memory_space<vmem>>, vector<10000x1xf32>
    tpu.vector_store %arg8[%swap3A_37, %swap3A_38], %exp3A {strides = array<i32>} : memref<10000x1xf32, #tpu.memory_space<vmem>>, vector<10000x1xf32>,
    return
  }
}

module attributes {stable_mosaic.version = 14 : i64} {
  func.func @_kb_body(%arg0: memref<10000x64xf32, #tpu.memory_space<vmem>>, %arg1: memref<10000x1xf32, #tpu.memory_space<vmem>>, %arg2: memref<2x10240x64xf32, #tpu.memory_space<vmem>>, %arg3: memref<20480xf32, #tpu.memory_space<vmem>>, %arg4: memref<1x64xf32, #tpu.memory_space<vmem>>, %arg5: memref<1x64xf32, #tpu.memory_space<vmem>>, %arg6: memref<1x64xf32, #tpu.memory_space<vmem>>, %arg7: memref<10000x64xf32, #tpu.memory_space<vmem>>) attributes {dimension_semantics = [], scalar_prefetch = 0 : i64, scratch_operands = 0 : i64, tpu.core_type = #tpu.core_type<tc>} {
    %get3A = arith.constant 0 : index
    %get3A_0 = arith.constant 0 : index
    %get3A_1 = vector.load %arg0[%get3A, %get3A_0] : memref<10000x64xf32, #tpu.memory_space<vmem>>, vector<10000x64xf32>
    %get3A_2 = arith.constant 0 : index
    %get3A_3 = arith.constant 0 : index
    %get3A_4 = arith.constant 0 : index
    %get3A_5 = vector.load %arg2[%get3A_2, %get3A_3, %get3A_4] : memref<2x10240x64xf32, #tpu.memory_space<vmem>>, vector<1x10000x64xf32>
    %get3A_6 = vector.shape_cast %get3A_5 : vector<1x10000x64xf32> to vector<10000x64xf32>
    %add3A = arith.addf %get3A_1, %get3A_6 : vector<10000x64xf32>
    %get3A_7 = arith.constant 1 : index
    %get3A_8 = arith.constant 0 : index
    %get3A_9 = arith.constant 0 : index
    %get3A_10 = vector.load %arg2[%get3A_7, %get3A_8, %get3A_9] : memref<2x10240x64xf32, #tpu.memory_space<vmem>>, vector<1x10000x64xf32>
    %get3A_11 = vector.shape_cast %get3A_10 : vector<1x10000x64xf32> to vector<10000x64xf32>
    %add3A_12 = arith.addf %add3A, %get3A_11 : vector<10000x64xf32>
    %get3A_13 = arith.constant 0 : index
    %get3A_14 = arith.constant 0 : index
    %get3A_15 = vector.load %arg1[%get3A_13, %get3A_14] : memref<10000x1xf32, #tpu.memory_space<vmem>>, vector<10000x1xf32>
    %get3A_16 = arith.constant 0 : index
    %get3A_17 = vector.load %arg3[%get3A_16] : memref<20480xf32, #tpu.memory_space<vmem>>, vector<10000xf32>
    %get3A_18 = arith.constant 10240 : index
    %get3A_19 = vector.load %arg3[%get3A_18] : memref<20480xf32, #tpu.memory_space<vmem>>, vector<10000xf32>
    %add3A_20 = arith.addf %get3A_17, %get3A_19 : vector<10000xf32>
    %reshape3A = vector.shape_cast %add3A_20 : vector<10000xf32> to vector<10000x1xf32>
    %add3A_21 = arith.addf %get3A_15, %reshape3A : vector<10000x1xf32>
    %add3A_22 = arith.constant 1.000000e-16 : f32
    %add3A_23 = vector.broadcast %add3A_22 : f32 to vector<10000x1xf32>
    %add3A_24 = arith.addf %add3A_21, %add3A_23 : vector<10000x1xf32>
    %div3A = vector.broadcast %add3A_24 : vector<10000x1xf32> to vector<10000x64xf32>
    %div3A_25 = arith.divf %add3A_12, %div3A : vector<10000x64xf32>
    %get3A_26 = arith.constant 0 : index
    %get3A_27 = arith.constant 0 : index
    %get3A_28 = vector.load %arg4[%get3A_26, %get3A_27] : memref<1x64xf32, #tpu.memory_space<vmem>>, vector<1x64xf32>
    %add3A_29 = vector.broadcast %get3A_28 : vector<1x64xf32> to vector<10000x64xf32>
    %add3A_30 = arith.addf %div3A_25, %add3A_29 : vector<10000x64xf32>
    %max3A = arith.constant 0.000000e+00 : f32
    %max3A_31 = vector.broadcast %max3A : f32 to vector<10000x64xf32>
    %max3A_32 = arith.maximumf %add3A_30, %max3A_31 : vector<10000x64xf32>
    %reduce_sum3A = arith.constant dense<0.000000e+00> : vector<64xf32>
    %reduce_sum3A_33 = vector.multi_reduction <add>, %max3A_32, %reduce_sum3A [0] : vector<10000x64xf32> to vector<64xf32>
    %broadcast_in_dim3A = vector.shape_cast %reduce_sum3A_33 : vector<64xf32> to vector<1x64xf32>
    %div3A_34 = arith.constant 1.000000e+04 : f32
    %div3A_35 = vector.broadcast %div3A_34 : f32 to vector<1x64xf32>
    %div3A_36 = arith.divf %broadcast_in_dim3A, %div3A_35 : vector<1x64xf32>
    %sub3A = vector.broadcast %div3A_36 : vector<1x64xf32> to vector<10000x64xf32>
    %sub3A_37 = arith.subf %max3A_32, %sub3A : vector<10000x64xf32>
    %integer_pow3A = arith.mulf %sub3A_37, %sub3A_37 : vector<10000x64xf32>
    %reduce_sum3A_38 = arith.constant dense<0.000000e+00> : vector<64xf32>
    %reduce_sum3A_39 = vector.multi_reduction <add>, %integer_pow3A, %reduce_sum3A_38 [0] : vector<10000x64xf32> to vector<64xf32>
    %broadcast_in_dim3A_40 = vector.shape_cast %reduce_sum3A_39 : vector<64xf32> to vector<1x64xf32>
    %div3A_41 = arith.constant 1.000000e+04 : f32
    %div3A_42 = vector.broadcast %div3A_41 : f32 to vector<1x64xf32>
    %div3A_43 = arith.divf %broadcast_in_dim3A_40, %div3A_42 : vector<1x64xf32>
    %get3A_44 = arith.constant 0 : index
    %get3A_45 = arith.constant 0 : index
    %get3A_46 = vector.load %arg5[%get3A_44, %get3A_45] : memref<1x64xf32, #tpu.memory_space<vmem>>, vector<1x64xf32>
    %sub3A_47 = vector.broadcast %div3A_36 : vector<1x64xf32> to vector<10000x64xf32>
    %sub3A_48 = arith.subf %max3A_32, %sub3A_47 : vector<10000x64xf32>
    %mul3A = vector.broadcast %get3A_46 : vector<1x64xf32> to vector<10000x64xf32>
    %mul3A_49 = arith.mulf %mul3A, %sub3A_48 : vector<10000x64xf32>
    %add3A_50 = arith.constant 9.99999974E-6 : f32
    %add3A_51 = vector.broadcast %add3A_50 : f32 to vector<1x64xf32>
    %add3A_52 = arith.addf %div3A_43, %add3A_51 : vector<1x64xf32>
    %sqrt3A = math.sqrt %add3A_52 : vector<1x64xf32>
    %div3A_53 = vector.broadcast %sqrt3A : vector<1x64xf32> to vector<10000x64xf32>
    %div3A_54 = arith.divf %mul3A_49, %div3A_53 : vector<10000x64xf32>
    %get3A_55 = arith.constant 0 : index
    %get3A_56 = arith.constant 0 : index
    %get3A_57 = vector.load %arg6[%get3A_55, %get3A_56] : memref<1x64xf32, #tpu.memory_space<vmem>>, vector<1x64xf32>
    %add3A_58 = vector.broadcast %get3A_57 : vector<1x64xf32> to vector<10000x64xf32>
    %add3A_59 = arith.addf %div3A_54, %add3A_58 : vector<10000x64xf32>
    %swap3A = arith.constant 0 : index
    %swap3A_60 = arith.constant 0 : index
    %swap3A_61 = vector.load %arg7[%swap3A, %swap3A_60] : memref<10000x64xf32, #tpu.memory_space<vmem>>, vector<10000x64xf32>
    tpu.vector_store %arg7[%swap3A, %swap3A_60], %add3A_59 {strides = array<i32>} : memref<10000x64xf32, #tpu.memory_space<vmem>>, vector<10000x64xf32>,
    return
  }
}

module attributes {stable_mosaic.version = 14 : i64} {
  func.func @_ka_body(%arg0: memref<10000x64xf32, #tpu.memory_space<vmem>>, %arg1: memref<1x64xf32, #tpu.memory_space<vmem>>, %arg2: memref<1x64xf32, #tpu.memory_space<vmem>>, %arg3: memref<64x64xf32, #tpu.memory_space<vmem>>, %arg4: memref<10000x64xf32, #tpu.memory_space<vmem>>, %arg5: memref<10000x1xf32, #tpu.memory_space<vmem>>, %arg6: memref<10000x1xf32, #tpu.memory_space<vmem>>, %arg7: memref<10000x64xf32, #tpu.memory_space<vmem>>, %arg8: memref<10000x1xf32, #tpu.memory_space<vmem>>) attributes {dimension_semantics = [], scalar_prefetch = 0 : i64, scratch_operands = 0 : i64, tpu.core_type = #tpu.core_type<tc>} {
    %get3A = arith.constant 0 : index
    %get3A_0 = arith.constant 0 : index
    %get3A_1 = vector.load %arg0[%get3A, %get3A_0] : memref<10000x64xf32, #tpu.memory_space<vmem>>, vector<10000x64xf32>
    %get3A_2 = arith.constant 0 : index
    %get3A_3 = arith.constant 0 : index
    %get3A_4 = vector.load %arg3[%get3A_2, %get3A_3] : memref<64x64xf32, #tpu.memory_space<vmem>>, vector<64x64xf32>
    %dot_general3A = arith.constant dense<0.000000e+00> : vector<10000x64xf32>
    %dot_general3A_5 = tpu.matmul %get3A_1, %get3A_4, %dot_general3A {dimension_numbers = #tpu.dot_dimension_numbers<[1], [0], [0], [1], [0, 0, 1, 1], [], []>, transpose_lhs_hint = false} : vector<10000x64xf32>, vector<64x64xf32>, vector<10000x64xf32> -> vector<10000x64xf32>
    %swap3A = arith.constant 0 : index
    %swap3A_6 = arith.constant 0 : index
    %swap3A_7 = vector.load %arg4[%swap3A, %swap3A_6] : memref<10000x64xf32, #tpu.memory_space<vmem>>, vector<10000x64xf32>
    tpu.vector_store %arg4[%swap3A, %swap3A_6], %dot_general3A_5 {strides = array<i32>} : memref<10000x64xf32, #tpu.memory_space<vmem>>, vector<10000x64xf32>,
    %get3A_8 = arith.constant 0 : index
    %get3A_9 = arith.constant 0 : index
    %get3A_10 = vector.load %arg1[%get3A_8, %get3A_9] : memref<1x64xf32, #tpu.memory_space<vmem>>, vector<1x64xf32>
    %mul3A = vector.broadcast %get3A_10 : vector<1x64xf32> to vector<10000x64xf32>
    %mul3A_11 = arith.mulf %dot_general3A_5, %mul3A : vector<10000x64xf32>
    %reduce_sum3A = arith.constant dense<0.000000e+00> : vector<10000xf32>
    %reduce_sum3A_12 = vector.multi_reduction <add>, %mul3A_11, %reduce_sum3A [1] : vector<10000x64xf32> to vector<10000xf32>
    %broadcast_in_dim3A = vector.shape_cast %reduce_sum3A_12 : vector<10000xf32> to vector<10000x1xf32>
    %get3A_13 = arith.constant 0 : index
    %get3A_14 = arith.constant 0 : index
    %get3A_15 = vector.load %arg2[%get3A_13, %get3A_14] : memref<1x64xf32, #tpu.memory_space<vmem>>, vector<1x64xf32>
    %mul3A_16 = vector.broadcast %get3A_15 : vector<1x64xf32> to vector<10000x64xf32>
    %mul3A_17 = arith.mulf %dot_general3A_5, %mul3A_16 : vector<10000x64xf32>
    %reduce_sum3A_18 = arith.constant dense<0.000000e+00> : vector<10000xf32>
    %reduce_sum3A_19 = vector.multi_reduction <add>, %mul3A_17, %reduce_sum3A_18 [1] : vector<10000x64xf32> to vector<10000xf32>
    %broadcast_in_dim3A_20 = vector.shape_cast %reduce_sum3A_19 : vector<10000xf32> to vector<10000x1xf32>
    %swap3A_21 = arith.constant 0 : index
    %swap3A_22 = arith.constant 0 : index
    %swap3A_23 = vector.load %arg5[%swap3A_21, %swap3A_22] : memref<10000x1xf32, #tpu.memory_space<vmem>>, vector<10000x1xf32>
    tpu.vector_store %arg5[%swap3A_21, %swap3A_22], %broadcast_in_dim3A {strides = array<i32>} : memref<10000x1xf32, #tpu.memory_space<vmem>>, vector<10000x1xf32>,
    %swap3A_24 = arith.constant 0 : index
    %swap3A_25 = arith.constant 0 : index
    %swap3A_26 = vector.load %arg6[%swap3A_24, %swap3A_25] : memref<10000x1xf32, #tpu.memory_space<vmem>>, vector<10000x1xf32>
    tpu.vector_store %arg6[%swap3A_24, %swap3A_25], %broadcast_in_dim3A_20 {strides = array<i32>} : memref<10000x1xf32, #tpu.memory_space<vmem>>, vector<10000x1xf32>,
    %add3A = arith.addf %broadcast_in_dim3A, %broadcast_in_dim3A_20 : vector<10000x1xf32>
    %ge3A = arith.constant 0.000000e+00 : f32
    %ge3A_27 = vector.broadcast %ge3A : f32 to vector<10000x1xf32>
    %ge3A_28 = arith.cmpf oge, %add3A, %ge3A_27 : vector<10000x1xf32>
    %mul3A_29 = arith.constant 2.000000e-01 : f32
    %mul3A_30 = vector.broadcast %mul3A_29 : f32 to vector<10000x1xf32>
    %mul3A_31 = arith.mulf %mul3A_30, %add3A : vector<10000x1xf32>
    %select_n3A = arith.select %ge3A_28, %add3A, %mul3A_31 : vector<10000x1xi1>, vector<10000x1xf32>
    %exp3A = math.exp %select_n3A : vector<10000x1xf32>
    %mul3A_32 = vector.broadcast %exp3A : vector<10000x1xf32> to vector<10000x64xf32>
    %mul3A_33 = arith.mulf %dot_general3A_5, %mul3A_32 : vector<10000x64xf32>
    %swap3A_34 = arith.constant 0 : index
    %swap3A_35 = arith.constant 0 : index
    %swap3A_36 = vector.load %arg7[%swap3A_34, %swap3A_35] : memref<10000x64xf32, #tpu.memory_space<vmem>>, vector<10000x64xf32>
    tpu.vector_store %arg7[%swap3A_34, %swap3A_35], %mul3A_33 {strides = array<i32>} : memref<10000x64xf32, #tpu.memory_space<vmem>>, vector<10000x64xf32>,
    %swap3A_37 = arith.constant 0 : index
    %swap3A_38 = arith.constant 0 : index
    %swap3A_39 = vector.load %arg8[%swap3A_37, %swap3A_38] : memref<10000x1xf32, #tpu.memory_space<vmem>>, vector<10000x1xf32>
    tpu.vector_store %arg8[%swap3A_37, %swap3A_38], %exp3A {strides = array<i32>} : memref<10000x1xf32, #tpu.memory_space<vmem>>, vector<10000x1xf32>,
    return
  }
}

module attributes {stable_mosaic.version = 14 : i64} {
  func.func @_kc_body(%arg0: memref<10000x64xf32, #tpu.memory_space<vmem>>, %arg1: memref<10000x1xi32, #tpu.memory_space<vmem>>, %arg2: memref<64x64xf32, #tpu.memory_space<vmem>>, %arg3: memref<1x64xf32, #tpu.memory_space<vmem>>, %arg4: memref<64x64xf32, #tpu.memory_space<vmem>>, %arg5: memref<1x64xf32, #tpu.memory_space<vmem>>, %arg6: memref<64x64xf32, #tpu.memory_space<vmem>>, %arg7: memref<1x64xf32, #tpu.memory_space<vmem>>, %arg8: memref<64x1xf32, #tpu.memory_space<vmem>>, %arg9: memref<1x1xf32, #tpu.memory_space<vmem>>, %arg10: memref<64x1xf32, #tpu.memory_space<vmem>>) attributes {dimension_semantics = [], scalar_prefetch = 0 : i64, scratch_operands = 0 : i64, tpu.core_type = #tpu.core_type<tc>} {
    %iota3A = tpu.iota {dimensions = array<i32: 1>} : vector<10000x64xi32>
    %get3A = arith.constant 0 : index
    %get3A_0 = arith.constant 0 : index
    %get3A_1 = vector.load %arg1[%get3A, %get3A_0] : memref<10000x1xi32, #tpu.memory_space<vmem>>, vector<10000x1xi32>
    %eq3A = vector.broadcast %get3A_1 : vector<10000x1xi32> to vector<10000x64xi32>
    %eq3A_2 = arith.cmpi eq, %eq3A, %iota3A : vector<10000x64xi32>
    %convert_element_type3A = arith.extui %eq3A_2 : vector<10000x64xi1> to vector<10000x64xi32>
    %convert_element_type3A_3 = arith.sitofp %convert_element_type3A : vector<10000x64xi32> to vector<10000x64xf32>
    %get3A_4 = arith.constant 0 : index
    %get3A_5 = arith.constant 0 : index
    %get3A_6 = vector.load %arg0[%get3A_4, %get3A_5] : memref<10000x64xf32, #tpu.memory_space<vmem>>, vector<10000x64xf32>
    %dot_general3A = arith.constant dense<0.000000e+00> : vector<64x64xf32>
    %dot_general3A_7 = tpu.matmul %convert_element_type3A_3, %get3A_6, %dot_general3A {dimension_numbers = #tpu.dot_dimension_numbers<[0], [0], [1], [1], [0, 1, 1, 1], [], []>, precision = #tpu.contract_precision<fp32>, transpose_lhs_hint = false} : vector<10000x64xf32>, vector<10000x64xf32>, vector<64x64xf32> -> vector<64x64xf32>
    %get3A_8 = arith.constant 0 : index
    %get3A_9 = arith.constant 0 : index
    %get3A_10 = vector.load %arg2[%get3A_8, %get3A_9] : memref<64x64xf32, #tpu.memory_space<vmem>>, vector<64x64xf32>
    %dot_general3A_11 = arith.constant dense<0.000000e+00> : vector<64x64xf32>
    %dot_general3A_12 = tpu.matmul %dot_general3A_7, %get3A_10, %dot_general3A_11 {dimension_numbers = #tpu.dot_dimension_numbers<[1], [0], [0], [1], [0, 0, 1, 1], [], []>, transpose_lhs_hint = false} : vector<64x64xf32>, vector<64x64xf32>, vector<64x64xf32> -> vector<64x64xf32>
    %get3A_13 = arith.constant 0 : index
    %get3A_14 = arith.constant 0 : index
    %get3A_15 = vector.load %arg3[%get3A_13, %get3A_14] : memref<1x64xf32, #tpu.memory_space<vmem>>, vector<1x64xf32>
    %add3A = vector.broadcast %get3A_15 : vector<1x64xf32> to vector<64x64xf32>
    %add3A_16 = arith.addf %dot_general3A_12, %add3A : vector<64x64xf32>
    %get3A_17 = arith.constant 0 : index
    %get3A_18 = arith.constant 0 : index
    %get3A_19 = vector.load %arg4[%get3A_17, %get3A_18] : memref<64x64xf32, #tpu.memory_space<vmem>>, vector<64x64xf32>
    %dot_general3A_20 = arith.constant dense<0.000000e+00> : vector<64x64xf32>
    %dot_general3A_21 = tpu.matmul %add3A_16, %get3A_19, %dot_general3A_20 {dimension_numbers = #tpu.dot_dimension_numbers<[1], [0], [0], [1], [0, 0, 1, 1], [], []>, transpose_lhs_hint = false} : vector<64x64xf32>, vector<64x64xf32>, vector<64x64xf32> -> vector<64x64xf32>
    %get3A_22 = arith.constant 0 : index
    %get3A_23 = arith.constant 0 : index
    %get3A_24 = vector.load %arg5[%get3A_22, %get3A_23] : memref<1x64xf32, #tpu.memory_space<vmem>>, vector<1x64xf32>
    %add3A_25 = vector.broadcast %get3A_24 : vector<1x64xf32> to vector<64x64xf32>
    %add3A_26 = arith.addf %dot_general3A_21, %add3A_25 : vector<64x64xf32>
    %get3A_27 = arith.constant 0 : index
    %get3A_28 = arith.constant 0 : index
    %get3A_29 = vector.load %arg6[%get3A_27, %get3A_28] : memref<64x64xf32, #tpu.memory_space<vmem>>, vector<64x64xf32>
    %dot_general3A_30 = arith.constant dense<0.000000e+00> : vector<64x64xf32>
    %dot_general3A_31 = tpu.matmul %add3A_26, %get3A_29, %dot_general3A_30 {dimension_numbers = #tpu.dot_dimension_numbers<[1], [0], [0], [1], [0, 0, 1, 1], [], []>, transpose_lhs_hint = false} : vector<64x64xf32>, vector<64x64xf32>, vector<64x64xf32> -> vector<64x64xf32>
    %get3A_32 = arith.constant 0 : index
    %get3A_33 = arith.constant 0 : index
    %get3A_34 = vector.load %arg7[%get3A_32, %get3A_33] : memref<1x64xf32, #tpu.memory_space<vmem>>, vector<1x64xf32>
    %add3A_35 = vector.broadcast %get3A_34 : vector<1x64xf32> to vector<64x64xf32>
    %add3A_36 = arith.addf %dot_general3A_31, %add3A_35 : vector<64x64xf32>
    %get3A_37 = arith.constant 0 : index
    %get3A_38 = arith.constant 0 : index
    %get3A_39 = vector.load %arg8[%get3A_37, %get3A_38] : memref<64x1xf32, #tpu.memory_space<vmem>>, vector<64x1xf32>
    %dot_general3A_40 = arith.constant dense<0.000000e+00> : vector<64x1xf32>
    %dot_general3A_41 = tpu.matmul %add3A_36, %get3A_39, %dot_general3A_40 {dimension_numbers = #tpu.dot_dimension_numbers<[1], [0], [0], [1], [0, 0, 1, 1], [], []>, transpose_lhs_hint = false} : vector<64x64xf32>, vector<64x1xf32>, vector<64x1xf32> -> vector<64x1xf32>
    %get3A_42 = arith.constant 0 : index
    %get3A_43 = arith.constant 0 : index
    %get3A_44 = vector.load %arg9[%get3A_42, %get3A_43] : memref<1x1xf32, #tpu.memory_space<vmem>>, vector<1x1xf32>
    %add3A_45 = vector.broadcast %get3A_44 : vector<1x1xf32> to vector<64x1xf32>
    %add3A_46 = arith.addf %dot_general3A_41, %add3A_45 : vector<64x1xf32>
    %swap3A = arith.constant 0 : index
    %swap3A_47 = arith.constant 0 : index
    %swap3A_48 = vector.load %arg10[%swap3A, %swap3A_47] : memref<64x1xf32, #tpu.memory_space<vmem>>, vector<64x1xf32>
    tpu.vector_store %arg10[%swap3A, %swap3A_47], %add3A_46 {strides = array<i32>} : memref<64x1xf32, #tpu.memory_space<vmem>>, vector<64x1xf32>,
    return
  }
}

</mosaic_0001>

<sc_bundles>
// kernel: kernel.12.cloned.1.call-start
scs
__scs_entry_jumppad:
0x0: {  	(pc) =	sbr.rel $0x88, $3  }
0x1: {  	(tag) =	ssettag $0x0;
	lr =	simm.s32 $0x1  }
0x2: {  	[smem:$0x3F8A] =	sst lr;
	_ =	strace $0xD0000000  }
0x3: {  	_ = 	snop  }
0x4: {  	_ = 	snop  }
0x5: {  	_ = 	snop  }
0x6: {  	_ = 	snop  }
0x7: {  	_ = 	snop  }
__scs_overlays_trampoline_lowered:
0x8: {  	[smem:$0x3F99] =	sst s0  }
0x9: {  	[smem:$0x3F9A] =	sst s1  }
0xa: {  	[smem:$0x3F9B] =	sst s2  }
0xb: {  	[smem:$0x3F9C] =	sst s3  }
0xc: {  	[smem:$0x3F9D] =	sst s4  }
0xd: {  	[smem:$0x3F9E] =	sst s5  }
0xe: {  	[smem:$0x3F9F] =	sst s6  }
0xf: {  	[smem:$0x3FA0] =	sst s7  }
0x10: {  	[smem:$0x3FA1] =	sst s8  }
0x11: {  	[smem:$0x3FA2] =	sst s9;
	s0 =	simm.s32 @!p0 $0x0  }
0x12: {  	s1 =	sld [smem:$0x3F88];
	s0 =	simm.s32 @p0 $0x1  }
0x13: {  	[smem:$0x3FA3] =	sst s0;
	s0 =	simm.s32 @!p1 $0x0  }
0x14: {  	s2 =	sld [smem:$0x3F87];
	s0 =	simm.s32 @p1 $0x1  }
0x15: {  	[smem:$0x3FA4] =	sst s0;
	s0 =	simm.s32 @!p2 $0x0  }
0x16: {  	s3 =	sld [smem:$0x3FDB];
	s0 =	simm.s32 @p2 $0x1  }
0x17: {  	s4 =	simm.s32 $0x1BF5;
	[smem:$0x3FA6] =	sst s0  }
0x18: {  	s0 =	sld [smem:$0x3F89];
	_ =	swait.ge [sflag:s4], $0x0  }
0x19: {  	s7 =	sld [smem:$0x3F8A]  }
0x1a: {  	s8 =	sadd.s32 $0xFFFFE003, lr  }
0x1b: {  	s9 =	sadd.s32 $0xFFFFFEF7, lr;
	s5 =	simm.s32 $0xFFFFFFFF;
	p2 =	slt.u32 s8, $0xFFFFF086  }
0x1c: {  	p1 =	slt.u32 s9, $0xF7A;
	s5 =	simm.s32 @!p2 $0x0  }
0x1d: {  	s5 =	simm.s32 @p1 $0x1;
	p0 =	seq.s32 s7, s2  }
0x1e: {  	s7 =	smul.u32 @!p0 $0xF7A, s2;
	p2 =	seq.s32 @!p0 s5, $0x0  }
0x1f: {  	s9 =	smul.u32 $0xF7A, s1;
	s8 =	simm.s32 @!p0 $0x1BF5;
	p2 =	por !p2, p0  }
0x20: {  	[sflag:s8] =	ssyncset.s32 @!p0 $0xFFFFF086;
	s6 =	sadd.s32 @!p0 s3, s7;
	s7 =	simm.s32 @!p0 $0x108  }
0x21: {  	s3 =	sadd.s32 s3, s9;
	s6 =	sadd.s32 @!p0 $0x88, s6;
	s7 =	simm.s32 @p2 $0x1082  }
0x22: {  	[simem:s7], [sflag:s8] =	dma.local @!p0 [hbm:s6], $0xF7A  }
0x23: {  	s9 =	sor.u32 $0xD0000000, s2;
	s6 =	simm.s32 $0x108;
	_ =	swait.ge @!p0 [sflag:s8], $0x0  }
0x24: {  	s3 =	sadd.s32 $0x88, s3;
	s6 =	simm.s32 @!p1 $0x1082;
	[sflag:s4] =	ssyncset.s32 $0xFFFFF086  }
0x25: {  	[simem:s6], [sflag:s4] =	dma.local [hbm:s3], $0xF7A  }
0x26: {  	[smem:$0x3F8A] =	sst s1;
	(tag) =	ssettag s2;
	_ =	strace s9  }
0x27: {  	s1 =	sld [smem:$0x3F9A]  }
0x28: {  	s2 =	sld [smem:$0x3F9B]  }
0x29: {  	s4 =	sld [smem:$0x3F9D]  }
0x2a: {  	p0 =	seq.s32 s5, $0x0;
	s5 =	sld [smem:$0x3F9E]  }
0x2b: {  	s6 =	sld [smem:$0x3F9F]  }
0x2c: {  	s7 =	sld [smem:$0x3FA0]  }
0x2d: {  	s3 =	simm.s32 $0x108;
	s8 =	sld [smem:$0x3FA1]  }
0x2e: {  	s3 =	simm.s32 @!p0 $0x1082;
	s9 =	sld [smem:$0x3FA2]  }
0x2f: {  	lr =	sadd.s32 s0, s3;
	s0 =	sld [smem:$0x3F99]  }
0x30: {  	s3 =	sld [smem:$0x3F9C]  }
0x31: {  	[smem:$0x3FA5] =	sst s10  }
0x32: {  	s10 =	sld [smem:$0x3FA3];
	_ =	sdelay $0x3  }
0x33: {  	p0 =	seq.s32 s10, $0x1;
	s10 =	sld [smem:$0x3FA5];
	_ =	sdelay $0x3  }
0x34: {  	[smem:$0x3FA5] =	sst s10  }
0x35: {  	s10 =	sld [smem:$0x3FA4];
	_ =	sdelay $0x3  }
0x36: {  	p1 =	seq.s32 s10, $0x1;
	s10 =	sld [smem:$0x3FA5];
	_ =	sdelay $0x3  }
0x37: {  	[smem:$0x3FA5] =	sst s10  }
0x38: {  	s10 =	sld [smem:$0x3FA6]  }
0x39: {  	_ = 	snop;
	(pc) =	sbr.ind lr, $3  }
0x3a: {  	_ = 	snop  }
0x3b: {  	_ = 	snop  }
0x3c: {  	p2 =	seq.s32 s10, $0x1;
	s10 =	sld [smem:$0x3FA5]  }
0x3d: {  	_ =	shalt  }
0x3e: {  	_ =	shalt  }
0x3f: {  	_ =	shalt  }
0x40: {  	_ =	shalt  }
0x41: {  	_ =	shalt  }
0x42: {  	_ =	shalt  }
0x43: {  	_ =	shalt  }
0x44: {  	_ =	shalt  }
0x45: {  	_ =	shalt  }
0x46: {  	_ =	shalt  }
0x47: {  	_ =	shalt  }
0x48: {  	_ =	shalt  }
0x49: {  	_ =	shalt  }
0x4a: {  	_ =	shalt  }
0x4b: {  	_ =	shalt  }
0x4c: {  	_ =	shalt  }
0x4d: {  	_ =	shalt  }
0x4e: {  	_ =	shalt  }
0x4f: {  	_ =	shalt  }
0x50: {  	_ =	shalt  }
0x51: {  	_ =	shalt  }
0x52: {  	_ =	shalt  }
0x53: {  	_ =	shalt  }
0x54: {  	_ =	shalt  }
0x55: {  	_ =	shalt  }
0x56: {  	_ =	shalt  }
0x57: {  	_ =	shalt  }
0x58: {  	_ =	shalt  }
0x59: {  	_ =	shalt  }
0x5a: {  	_ =	shalt  }
0x5b: {  	_ =	shalt  }
0x5c: {  	_ =	shalt  }
0x5d: {  	_ =	shalt  }
0x5e: {  	_ =	shalt  }
0x5f: {  	_ =	shalt  }
0x60: {  	_ =	shalt  }
0x61: {  	_ =	shalt  }
0x62: {  	_ =	shalt  }
0x63: {  	_ =	shalt  }
0x64: {  	_ =	shalt  }
0x65: {  	_ =	shalt  }
0x66: {  	_ =	shalt  }
0x67: {  	_ =	shalt  }
0x68: {  	_ =	shalt  }
0x69: {  	_ =	shalt  }
0x6a: {  	_ =	shalt  }
0x6b: {  	_ =	shalt  }
0x6c: {  	_ =	shalt  }
0x6d: {  	_ =	shalt  }
0x6e: {  	_ =	shalt  }
0x6f: {  	_ =	shalt  }
0x70: {  	_ =	shalt  }
0x71: {  	_ =	shalt  }
0x72: {  	_ =	shalt  }
0x73: {  	_ =	shalt  }
0x74: {  	_ =	shalt  }
0x75: {  	_ =	shalt  }
0x76: {  	_ =	shalt  }
0x77: {  	_ =	shalt  }
0x78: {  	_ =	shalt  }
0x79: {  	_ =	shalt  }
0x7a: {  	_ =	shalt  }
0x7b: {  	_ =	shalt  }
0x7c: {  	_ =	shalt  }
0x7d: {  	_ =	shalt  }
0x7e: {  	_ =	shalt  }
0x7f: {  	_ =	shalt  }
0x80: {  	_ =	shalt  }
0x81: {  	_ =	shalt  }
0x82: {  	_ =	shalt  }
0x83: {  	_ =	shalt  }
0x84: {  	_ =	shalt  }
0x85: {  	_ =	shalt  }
0x86: {  	_ =	shalt  }
0x87: {  	_ =	shalt  }
.Lfunc_end0:
.L_simem_size_0:
called_computation.1_lowered:
.L_overlay_start_0:
0x88: {  	s2 =	sld [smem:$0x3FD9]  }
0x89: {  	s3 =	sld [smem:$0x3FFE];
	_ =	sdelay $0x1  }
0x8a: {  	s1 =	srdreg.scid  }
0x8b: {  	s0 =	sand.u32 $0x1, s1  }
0x8c: {  	s16 =	sshll.u32 s0, $0xA;
	s2 =	sadd.s32 s3, s2  }
0x8d: {  	s2 =	sadd.s32 s2, s16  }
0x8e: {  	[smem:$0x3FB1] =	sst s2  }
0x8f: {  	_ = 	snop  }
0x90: {  	(tm) =	ssettm $0x1  }
0x91: {  	s17 =	sld [smem:$0x3FFB];
	_ =	sdelay $0x3  }
0x92: {  	_ =	strace s17  }
0x93: {  	s2 =	sld [smem:$0x3FFC];
	_ =	sdelay $0x3  }
0x94: {  	_ =	strace s2  }
0x95: {  	s2 =	sld [smem:$0x3FFD];
	_ =	sdelay $0x3  }
0x96: {  	_ =	strace s2  }
0x97: {  	_ =	strace $0x8FFFFFFF  }
0x98: {  	s18 =	sld [smem:$0x3FDB];
	_ =	sdelay $0x1  }
0x99: {  	s19 =	simm.s32 $_scs_section_size  }
0x9a: {  	s4 =	simm.s32 $_size__tile_overlayer_lowered;
	s5 =	simm.s32 $_tile_overlayer_lowered  }
0x9b: {  	s22 =	simm.s32 $0x1BFF;
	s21 =	sshll.u32 s5, $0x1;
	s2 =	sadd.s32 s19, s18  }
0x9c: {  	s6 =	simm.s32 $0x0;
	s20 =	sshll.u32 s4, $0x1;
	s4 =	sadd.s32 s21, s2  }
0x9d: {  	[timem:s6], [sflag:s22] =	dma.local [hbm:s4], s20  }
0x9e: {  	_ =	swait.ge [sflag:s22], s20  }
0x9f: {  	s3 =	ssub.s32 $0x0, s20;
	[sflag:s22] =	ssyncset.done $0x0  }
0xa0: {  	[sflag:s22] =	ssyncadd.s32 s3;
	_ =	sdelay $0x1  }
0xa1: {  	s23 =	simm.s32 $0x1B8B  }
0xa2: {  	_ =	swait.ge [sflag:s23], $0x1  }
0xa3: {  	[sflag:s23] =	ssyncset.done $0x0  }
0xa4: {  	s25 =	simm.s32 $0x1B8E;
	s24 =	sld [smem:$0x3FFE];
	[sflag:s23] =	ssyncadd.s32 $0xFFFFFFFF  }
0xa5: {  	s26 =	simm.s32 $execute0_lowered;
	[smem:$0x3FD2] =	sst s25  }
0xa6: {  	s4 =	sshll.u32 s26, $0x1;
	_ =	strace $0x80000049;
	[dreg:$0x1] =	wrdreg $0xFFFFFFFF  }
0xa7: {  	s28 =	simm.s32 $_size_execute0_lowered;
	s2 =	sadd.s32 s2, s4;
	[dreg:$0x0] =	wrdreg $0x0  }
0xa8: {  	s4 =	sshll.u32 s28, $0x1;
	[dreg:$0x2] =	wrdreg s2  }
0xa9: {  	[dreg:$0x3] =	wrdreg s4  }
0xaa: {  	[dreg:$0x4] =	wrdreg $0xC0  }
0xab: {  	_ =	task [dreg:s6], $0x5FFFF  }
0xac: {  	[dreg:$0x1] =	wrdreg $0xFFFFFFFF  }
0xad: {  	[dreg:$0x0] =	wrdreg $0x60  }
0xae: {  	[dreg:$0x2] =	wrdreg s24  }
0xaf: {  	[dreg:$0x3] =	wrdreg $0x144A00  }
0xb0: {  	[dreg:$0x4] =	wrdreg $0x1E4A00  }
0xb1: {  	[dreg:$0x5] =	wrdreg $0x9  }
0xb2: {  	_ =	task.clear_ibuf [dreg:s6], $0x6FFFF;
	_ =	strace $0x90000049  }
0xb3: {  	s29 =	simm.s32 $0x9;
	_ =	strace $0x8000004B  }
0xb4: {  	_ =	swait.ge [sflag:s29], $0x1  }
0xb5: {  	[sflag:s29] =	ssyncadd.s32 $0xFFFFFFFF  }
0xb6: {  	_ =	strace $0x9000004B  }
0xb7: {  	_ =	sfence  }
0xb8: {  	s30 =	sld [smem:$0x0];
	_ =	sdelay $0x2  }
0xb9: {  	s31 =	sshll.u32 s1, $0xD;
	s1 =	sshrl.u32 s1, $0x2  }
0xba: {  	s3 =	sand.u32 $0x4000, s31;
	s1 =	sadd.s32 s1, s30  }
0xbb: {  	s0 =	sor.u32 s3, s0;
	s1 =	sshll.u32 s1, $0x11  }
0xbc: {  	s0 =	sor.u32 s1, s0  }
0xbd: {  	s0 =	sadd.s32 $0x8F2B, s0  }
0xbe: {  	[sflag:s0] =	ssyncadd.remote.s32 $0x1  }
0xbf: {  	_ =	sfence.sel $0xFFFF  }
0xc0: {  	[dreg:$0x0] =	wrdreg $0xFFFFFFFF;
	(pc) =	sbr.abs _section_cstart, $3  }
0xc1: {  	[dreg:$0x1] =	wrdreg $0xFFFFFFFF  }
0xc2: {  	_ =	task.clear_ibuf [dreg:s6], $0x2FFFF;
	_ =	strace $0x9FFFFFFF  }
0xc3: {  	(tm) =	ssettm $0x7FFFFFFF  }
tec
execute0_lowered:
.L_overlay_start_1:
0x0: {  	(tag) =	ssettag $0x1  }
0x1: {  	s0 =	rddreg [dreg:$0x0]  }
0x2: {  	s2 =	rddreg [dreg:$0x1];
	s1 =	srdreg.scid  }
0x3: {  	s18 =	stileid.u32;
	s3 =	rddreg [dreg:$0x2];
	s4 =	simm.s32 $0x0  }
0x4: {  	s15 =	simm.s32 $0x7680;
	s16 =	simm.s32 $0x6;
	s17 =	simm.s32 $0x9D90  }
0x5: {  	s28 =	simm.s32 $0x2;
	s29 =	simm.s32 $0x4;
	s30 =	simm.s32 $0x0  }
0x6: {  	s1 =	sand.u32 $0x1, s1;
	s5 =	sshll.u32 s18, $0x1;
	s7 =	smul.u32 $0xA000, s18  }
0x7: {  	[smem:$0x7FF] =	sst s4;
	s8 =	sadd.s32 $0x17200, s0;
	s22 =	smul.u32 $0x280, s18  }
0x8: {  	s9 =	sadd.s32 $0x16C00, s0;
	s31 =	sshll.u32 s18, $0x6;
	s5 =	sor.u32 s1, s5  }
0x9: {  	_ =	strace $0x8000004A;
	[dreg:$0x4] =	wrdreg s8;
	s23 =	smul.u32 $0xA0000, s1  }
0xa: {  	[dreg:$0x5] =	wrdreg s9;
	s12 =	smul.u32 $0x2800, s1;
	s1 =	ssub.s32 $0x2, s1  }
0xb: {  	s19 =	sor.u32 $0x1C06, s31;
	s6 =	smul.u32 $0x4F0, s5;
	s5 =	sadd.s32 $0x3200, s0  }
0xc: {  	s10 =	sshrl.u32 s7, $0x3;
	s11 =	sshrl.u32 s22, $0x3;
	s13 =	sshrl.u32 s1, $0x1  }
0xd: {  	s25 =	sadd.s32 s7, s2;
	s26 =	sadd.s32 s22, s3;
	s10 =	sadd.s32 s10, s0  }
0xe: {  	s11 =	sadd.s32 s11, s0;
	s9 =	sadd.s32 s7, s23;
	s12 =	sadd.s32 s22, s12  }
0xf: {  	s1 =	ssub.s32 s1, s13;
	s20 =	sshrl.u32 s25, $0x3;
	s21 =	sshrl.u32 s26, $0x3  }
0x10: {  	s22 =	simm.s32 $0x80;
	s25 =	simm.s32 $0x3;
	s26 =	simm.s32 $0x5  }
0x11: {  	s6 =	sadd.s32 s6, s0;
	s9 =	sshrl.u32 s9, $0x3;
	s12 =	sshrl.u32 s12, $0x3  }
0x12: {  	s10 =	sadd.s32 $0x52600, s10;
	s11 =	sadd.s32 $0x66600, s11;
	s24 =	sadd.s32 $0x48800, s6  }
0x13: {  	s14 =	smax.u32 s1, $0x1;
	s6 =	sadd.s32 $0x3EA00, s6;
	[dreg:$0x6] =	wrdreg s24  }
0x14: {  	s9 =	sadd.s32 s9, s0;
	s0 =	sadd.s32 s12, s0;
	[dreg:$0x7] =	wrdreg s6  }
0x15: {  	s12 =	sadd.s32 $0x8DE00, s9;
	s13 =	sadd.s32 $0x17800, s0;
	s24 =	simm.s32 $0x1  }
.LBB2_1:
0x16: {  	s0 =	rddreg [dreg:$0x4]  }
0x17: {  	[tilespmem:s15], [sflag:$0x6] =	stream.linear.gather [hbm4b:s0+s4], $0x2710, $0x38;
	[tilespmem:$0x1E720] =	vst v63  }
0x18: {  	_ =	swait.ge [sflag:s16], $0x2710  }
0x19: {  	[sflag:s16] =	ssyncset.done $0x0  }
0x1a: {  	s9 =	rddreg [dreg:$0x5];
	[sflag:s16] =	ssyncadd.s32 $0xFFFFD8F0  }
0x1b: {  	[tilespmem:s17], [sflag:$0x6] =	stream.linear.gather [hbm4b:s9+s4], $0x2710, $0x38;
	[tilespmem:$0x1E720] =	vst v63  }
0x1c: {  	_ =	swait.ge [sflag:s16], $0x2710  }
0x1d: {  	[sflag:s16] =	ssyncset.done $0x0  }
0x1e: {  	s18 =	rddreg [dreg:$0x6];
	[sflag:s16] =	ssyncadd.s32 $0xFFFFD8F0  }
0x1f: {  	[tilespmem:s4], [sflag:$0x6] =	stream.linear.gather [hbm4b:s18+s4], $0x2780, $0x38;
	[tilespmem:$0x1E720] =	vst v63  }
0x20: {  	_ =	swait.ge [sflag:s16], $0x2780  }
0x21: {  	[sflag:s16] =	ssyncset.done $0x0  }
0x22: {  	s1 =	simm.s32 $0x2780;
	s23 =	rddreg [dreg:$0x7];
	[sflag:s16] =	ssyncadd.s32 $0xFFFFD880  }
0x23: {  	[tilespmem:s1], [sflag:$0x6] =	stream.linear.gather [hbm4b:s23+s4], $0x2780, $0x38;
	[tilespmem:$0x1E720] =	vst v63  }
0x24: {  	_ =	swait.ge [sflag:s16], $0x2780  }
0x25: {  	[sflag:s16] =	ssyncset.done $0x0  }
0x26: {  	[sflag:s16] =	ssyncadd.s32 $0xFFFFD880  }
0x27: {  	[spmem:s20], [sflag:s19] =	dma.local [hbm:s10], $0x1400  }
0x28: {  	_ =	swait.ge [sflag:s16], $0x1400  }
0x29: {  	[sflag:s16] =	ssyncset.done $0x0  }
0x2a: {  	[sflag:s16] =	ssyncadd.s32 $0xFFFFEC00  }
0x2b: {  	[spmem:s21], [sflag:s19] =	dma.local [hbm:s11], $0x50  }
0x2c: {  	_ =	swait.ge [sflag:s16], $0x50  }
0x2d: {  	[sflag:s16] =	ssyncset.done $0x0  }
0x2e: {  	[sflag:s16] =	ssyncadd.s32 $0xFFFFFFB0  }
0x2f: {  	s31 =	simm.s32 $0xC4A0;
	s6 =	simm.s32 $0x0;
	[bflag:$0x0] =	sbarrier.arrive $0xFFFF  }
0x30: {  	[tilespmem:s31], [sflag:$0x1] =	stream.indirect.gather [hbm4b:s5+s22], $0x40, s4, s22, $0xb8;
	[tilespmem:$0x1E720] =	vst v63  }
.LBB2_2:
0x31: {  	_ =	swait.ge [sflag:s24], $0x2000  }
0x32: {  	s31 =	sand.u32 $0x1, s6;
	p0 =	slt.u32 s6, $0x2;
	[sflag:s24] =	ssyncset.done $0x0  }
0x33: {  	s0 =	sor.u32 @!p0 $0x2, s31;
	[sflag:s24] =	ssyncadd.s32 $0xFFFFE000  }
0x34: {  	_ =	swait.ge @!p0 [sflag:s0], $0x2000  }
0x35: {  	[sflag:s0] =	ssyncset.done @!p0 $0x0  }
0x36: {  	p1 =	seq.s32 @!p0 s6, $0x4E;
	[sflag:s0] =	ssyncadd.s32 @!p0 $0xFFFFE000;
	s0 =	sor.u32 @!p0 $0x4, s31  }
0x37: {  	s1 =	simm.s32 @!p0 $0x4F;
	p1 =	por p0, !p1;
	_ =	swait.ge @!p0 [sflag:s0], $0x80  }
0x38: {  	s1 =	sadd.s32 @p1 $0x1, s6;
	[sflag:s0] =	ssyncset.done @!p0 $0x0  }
0x39: {  	[sflag:s0] =	ssyncadd.s32 @!p0 $0xFFFFFF80;
	s0 =	sshll.u32 @p1 s1, $0xD  }
0x3a: {  	s7 =	sshll.u32 @p1 s1, $0x7;
	s0 =	sand.u32 @p1 $0x6000, s0  }
0x3b: {  	s7 =	sand.u32 @p1 $0x3FFFFF80, s7;
	s0 =	sadd.s32 @p1 $0xC4A0, s0  }
0x3c: {  	[tilespmem:s0], [sflag:$0x1] =	stream.indirect.gather @p1 [hbm4b:s5+s22], $0x40, s7, s22, $0xb8;
	[tilespmem:$0x1E720] =	vst v63  }
0x3d: {  	s0 =	sshll.u32 s6, $0x7  }
0x3e: {  	s23 =	sand.u32 $0x3FFFFF80, s0  }
0x3f: {  	s8 =	sadd.s32 $0x2780, s23;
	v3 =	vmov s23  }
0x40: {  	v2 =	vmov s8;
	_ =	sdelay $0x2  }
0x41: {  	s9 =	simm.s32 $0x0  }
0x42: {  	v0 =	vld.idx.msk [tilespmem:v3+s9+$0x0 ss:$0x1], $0xffff  }
0x43: {  	v1 =	vld.idx.msk [tilespmem:v2+s9+$0x0 ss:$0x1], $0xffff;
	_ =	sdelay $0x6  }
0x44: {  	v0 =	vld.idx.msk [tilespmem:v0+s15+$0x0], $0xffff  }
0x45: {  	v1 =	vld.idx.msk [tilespmem:v1+s17+$0x0], $0xffff;
	_ =	sdelay $0x4  }
0x46: {  	v0 =	vadd.f32 v1, v0;
	_ =	sdelay $0x1  }
0x47: {  	v1 =	vmul.f32 $2.000000030e-01, v0  }
0x48: {  	vm0 =	vge.f32 v0, $0.0e+00  }
0x49: {  	v0 =	vsel vm0, v0, v1  }
0x4a: {  	v0 =	vmul.f32 $1.442695020e+00, v0;
	_ =	sdelay $0x1  }
0x4b: {  	(erf) = vpow2.f32 v0;
	_ =	sdelay $0x3  }
0x4c: {  	s7 =	sadd.s32 $0x4F00, s23  }
0x4d: {  	v1 =	vmov s7;
	_ =	sdelay $0x2  }
0x4e: {  	s18 =	sshll.u32 s6, $0xD  }
0x4f: {  	s7 =	sand.u32 $0x6000, s18;
	v4 =	vpop (erf)  }
0x50: {  	s18 =	sadd.s32 $0xC6A0, s7;
	[tilespmem:v1+s9+$0x0 ss:$0x1] =	vst.idx.msk $0xffff, v4  }
0x51: {  	v0 =	vld [tilespmem:s18+$0x1F0]  }
0x52: {  	v5 =	vld [tilespmem:s18+$0xFFFFFE00]  }
0x53: {  	v6 =	vld [tilespmem:s18+$0xFFFFFE10]  }
0x54: {  	v7 =	vld [tilespmem:s18+$0xFFFFFE20]  }
0x55: {  	v8 =	vbroadcast v4, $0xF;
	v9 =	vld [tilespmem:s18+$0xFFFFFE30]  }
0x56: {  	v11 =	vbroadcast v4, $0x0;
	v10 =	vld [tilespmem:s18+$0xFFFFFE40]  }
0x57: {  	v12 =	vld [tilespmem:s18+$0xFFFFFE50];
	v0 =	vmul.f32 v0, v8  }
0x58: {  	v13 =	vld [tilespmem:s18+$0xFFFFFE60];
	v5 =	vmul.f32 v11, v5  }
0x59: {  	v14 =	vbroadcast v4, $0x1;
	v6 =	vmul.f32 v11, v6;
	[tilespmem:s18+$0x1F0] =	vst v0;
	v0 =	vld [tilespmem:s18+$0xFFFFFE70]  }
0x5a: {  	v7 =	vmul.f32 v11, v7;
	[tilespmem:s18+$0xFFFFFE00] =	vst v5;
	v5 =	vld [tilespmem:s18+$0xFFFFFE80]  }
0x5b: {  	v10 =	vmul.f32 v10, v14;
	[tilespmem:s18+$0xFFFFFE10] =	vst v6;
	v6 =	vld [tilespmem:s18+$0xFFFFFE90]  }
0x5c: {  	v9 =	vmul.f32 v9, v11;
	v11 =	vmul.f32 v12, v14;
	[tilespmem:s18+$0xFFFFFE20] =	vst v7;
	v7 =	vld [tilespmem:s18+$0xFFFFFEA0]  }
0x5d: {  	v12 =	vmul.f32 v13, v14;
	[tilespmem:s18+$0xFFFFFE40] =	vst v10;
	v10 =	vld [tilespmem:s18+$0xFFFFFEC0]  }
0x5e: {  	[tilespmem:s18+$0xFFFFFE50] =	vst v11;
	v11 =	vld [tilespmem:s18+$0xFFFFFED0];
	v0 =	vmul.f32 v0, v14  }
0x5f: {  	[tilespmem:s18+$0xFFFFFE60] =	vst v12;
	v12 =	vld [tilespmem:s18+$0xFFFFFEE0]  }
0x60: {  	v13 =	vbroadcast v4, $0x2;
	[tilespmem:s18+$0xFFFFFE70] =	vst v0;
	v0 =	vld [tilespmem:s18+$0xFFFFFEF0]  }
0x61: {  	[tilespmem:s18+$0xFFFFFE30] =	vst v9;
	v9 =	vld [tilespmem:s18+$0xFFFFFEB0]  }
0x62: {  	s23 =	simm.s32 $0x10;
	v5 =	vmul.f32 v5, v13;
	v14 =	vbroadcast v4, $0x3  }
0x63: {  	v15 =	vld.idx.msk [tilespmem:v2+s23+$0x0 ss:$0x1], $0xffff;
	v6 =	vmul.f32 v6, v13;
	v7 =	vmul.f32 v7, v13  }
0x64: {  	[tilespmem:s18+$0xFFFFFE80] =	vst v5;
	v5 =	vld [tilespmem:s18+$0xFFFFFF00];
	v10 =	vmul.f32 v10, v14;
	v11 =	vmul.f32 v11, v14  }
0x65: {  	v12 =	vmul.f32 v12, v14;
	v0 =	vmul.f32 v0, v14;
	v14 =	vld.idx.msk [tilespmem:v3+s23+$0x0 ss:$0x1], $0xffff  }
0x66: {  	v9 =	vmul.f32 v9, v13;
	[tilespmem:s18+$0xFFFFFE90] =	vst v6;
	v6 =	vld [tilespmem:s18+$0xFFFFFF10]  }
0x67: {  	[tilespmem:s18+$0xFFFFFEA0] =	vst v7;
	v7 =	vld [tilespmem:s18+$0xFFFFFF20]  }
0x68: {  	v13 =	vbroadcast v4, $0x4;
	[tilespmem:s18+$0xFFFFFEB0] =	vst v9;
	v9 =	vld [tilespmem:s18+$0xFFFFFF30];
	_ =	sdelay $0x1  }
0x69: {  	v5 =	vmul.f32 v5, v13  }
0x6a: {  	[tilespmem:s18+$0xFFFFFEF0] =	vst v0;
	v0 =	vld [tilespmem:s18+$0xFFFFFF70]  }
0x6b: {  	v6 =	vmul.f32 v6, v13;
	[tilespmem:s18+$0xFFFFFF00] =	vst v5;
	v5 =	vld [tilespmem:s18+$0xFFFFFF80]  }
0x6c: {  	v7 =	vmul.f32 v7, v13;
	v9 =	vmul.f32 v9, v13;
	v13 =	vld.idx.msk [tilespmem:v14+s15+$0x0], $0xffff  }
0x6d: {  	v14 =	vld.idx.msk [tilespmem:v15+s17+$0x0], $0xffff  }
0x6e: {  	v16 =	vbroadcast v4, $0x5;
	[tilespmem:s18+$0xFFFFFEC0] =	vst v10;
	v10 =	vld [tilespmem:s18+$0xFFFFFF40];
	_ =	sdelay $0x1  }
0x6f: {  	[tilespmem:s18+$0xFFFFFEE0] =	vst v12;
	v12 =	vld [tilespmem:s18+$0xFFFFFF60];
	v0 =	vmul.f32 v0, v16;
	v15 =	vbroadcast v4, $0x6  }
0x70: {  	v22 =	vld [tilespmem:s18+$0x70];
	[tilespmem:s18+$0xFFFFFED0] =	vst v11  }
0x71: {  	v11 =	vld [tilespmem:s18+$0xFFFFFF50];
	[tilespmem:s18+$0xFFFFFF70] =	vst v0;
	v5 =	vmul.f32 v5, v15;
	v0 =	vadd.f32 v14, v13  }
0x72: {  	[tilespmem:s18+$0xFFFFFF10] =	vst v6;
	v6 =	vld [tilespmem:s18+$0xFFFFFF90];
	v10 =	vmul.f32 v10, v16  }
0x73: {  	v25 =	vld [tilespmem:s18+$0x1A0];
	[tilespmem:s18+$0xFFFFFF80] =	vst v5;
	v5 =	vmul.f32 $2.000000030e-01, v0  }
0x74: {  	v12 =	vmul.f32 v12, v16;
	[tilespmem:s18+$0xFFFFFF40] =	vst v10;
	v10 =	vld [tilespmem:s18+$0xFFFFFFC0];
	vm15 =	vge.f32 v0, $0.0e+00  }
0x75: {  	[tilespmem:s18+$0xFFFFFF20] =	vst v7;
	v7 =	vld [tilespmem:s18+$0xFFFFFFA0];
	v0 =	vsel vm15, v0, v5  }
0x76: {  	v11 =	vmul.f32 v11, v16;
	[tilespmem:s18+$0xFFFFFF60] =	vst v12;
	v12 =	vld [tilespmem:s18+$0xFFFFFFE0];
	v0 =	vmul.f32 $1.442695020e+00, v0  }
0x77: {  	v27 =	vld [tilespmem:s18+$0x1B0];
	v16 =	vbroadcast v4, $0x7;
	v6 =	vmul.f32 v6, v15  }
0x78: {  	[tilespmem:s18+$0xFFFFFF30] =	vst v9;
	v14 =	vld [tilespmem:s18+$0x0];
	(erf) = vpow2.f32 v0  }
0x79: {  	v9 =	vld [tilespmem:s18+$0xFFFFFFB0];
	[tilespmem:s18+$0xFFFFFF90] =	vst v6;
	v6 =	vmul.f32 v10, v16  }
0x7a: {  	v31 =	vld [tilespmem:s18+$0x1C0];
	[tilespmem:s18+$0xFFFFFF50] =	vst v11;
	v7 =	vmul.f32 v7, v15  }
0x7b: {  	v33 =	vld [tilespmem:s18+$0x1D0];
	v10 =	vbroadcast v4, $0x8;
	[tilespmem:s18+$0xFFFFFFC0] =	vst v6;
	v6 =	vmul.f32 v12, v16  }
0x7c: {  	v11 =	vld [tilespmem:s18+$0xFFFFFFD0];
	[tilespmem:s18+$0xFFFFFFA0] =	vst v7  }
0x7d: {  	v7 =	vld [tilespmem:s18+$0x30];
	[tilespmem:s18+$0xFFFFFFE0] =	vst v6;
	v6 =	vmul.f32 v14, v10  }
0x7e: {  	v13 =	vld [tilespmem:s18+$0xFFFFFFF0];
	v5 =	vmul.f32 v9, v15  }
0x7f: {  	v12 =	vld [tilespmem:s18+$0x50]  }
0x80: {  	v9 =	vld [tilespmem:s18+$0x10];
	[tilespmem:s18+$0xFFFFFFB0] =	vst v5  }
0x81: {  	v5 =	vld [tilespmem:s18+$0x20];
	[tilespmem:s18+$0x0] =	vst v6;
	v6 =	vpop (erf)  }
0x82: {  	s6 =	sadd.s32 $0x400, s18;
	v0 =	vmul.f32 v11, v16;
	v11 =	vld [tilespmem:s18+$0x40];
	[tilespmem:v1+s23+$0x0 ss:$0x1] =	vst.idx.msk $0xffff, v6  }
0x83: {  	v14 =	vld [tilespmem:s6+$0x1F0]  }
0x84: {  	[tilespmem:s18+$0xFFFFFFD0] =	vst v0;
	v0 =	vmul.f32 v13, v16;
	v15 =	vld [tilespmem:s6+$0xFFFFFE00]  }
0x85: {  	v7 =	vmul.f32 v7, v10;
	v16 =	vld [tilespmem:s6+$0xFFFFFE10]  }
0x86: {  	v9 =	vmul.f32 v9, v10;
	[tilespmem:s18+$0xFFFFFFF0] =	vst v0;
	v0 =	vbroadcast v6, $0xF;
	v17 =	vld [tilespmem:s6+$0xFFFFFE20]  }
0x87: {  	[tilespmem:s18+$0x30] =	vst v7;
	v5 =	vmul.f32 v5, v10;
	v20 =	vbroadcast v6, $0x0;
	v18 =	vld [tilespmem:s6+$0xFFFFFE30]  }
0x88: {  	[tilespmem:s18+$0x10] =	vst v9;
	v7 =	vld [tilespmem:s6+$0xFFFFFE80];
	v14 =	vmul.f32 v14, v0  }
0x89: {  	[tilespmem:s18+$0x20] =	vst v5;
	v19 =	vld [tilespmem:s6+$0xFFFFFE40];
	v15 =	vmul.f32 v20, v15  }
0x8a: {  	v21 =	vld [tilespmem:s6+$0xFFFFFE50];
	v10 =	vmul.f32 v20, v16;
	[tilespmem:s6+$0x1F0] =	vst v14  }
0x8b: {  	v23 =	vbroadcast v6, $0x2;
	v9 =	vld [tilespmem:s6+$0xFFFFFE60];
	v16 =	vmul.f32 v20, v17;
	[tilespmem:s6+$0xFFFFFE00] =	vst v15  }
0x8c: {  	v5 =	vld [tilespmem:s6+$0xFFFFFE70];
	v17 =	vbroadcast v6, $0x1;
	v18 =	vmul.f32 v18, v20;
	[tilespmem:s6+$0xFFFFFE10] =	vst v10  }
0x8d: {  	v13 =	vld [tilespmem:s18+$0x60];
	v7 =	vmul.f32 v7, v23;
	[tilespmem:s6+$0xFFFFFE20] =	vst v16  }
0x8e: {  	v15 =	vld [tilespmem:s18+$0x80];
	v19 =	vmul.f32 v19, v17;
	[tilespmem:s6+$0xFFFFFE30] =	vst v18  }
0x8f: {  	v16 =	vld [tilespmem:s18+$0xA0];
	v20 =	vmul.f32 v21, v17;
	[tilespmem:s6+$0xFFFFFE80] =	vst v7  }
0x90: {  	v14 =	vbroadcast v4, $0x9;
	v18 =	vld [tilespmem:s18+$0xB0];
	v9 =	vmul.f32 v9, v17;
	[tilespmem:s6+$0xFFFFFE40] =	vst v19  }
0x91: {  	v21 =	vld [tilespmem:s6+$0xFFFFFED0];
	v5 =	vmul.f32 v5, v17;
	[tilespmem:s6+$0xFFFFFE50] =	vst v20  }
0x92: {  	v17 =	vld [tilespmem:s18+$0xE0];
	v11 =	vmul.f32 v11, v14;
	[tilespmem:s6+$0xFFFFFE60] =	vst v9  }
0x93: {  	v10 =	vmul.f32 v12, v14;
	v12 =	vld [tilespmem:s18+$0x90];
	[tilespmem:s6+$0xFFFFFE70] =	vst v5  }
0x94: {  	v13 =	vmul.f32 v13, v14;
	v19 =	vld [tilespmem:s18+$0xC0];
	v20 =	vbroadcast v4, $0xA;
	[tilespmem:s18+$0x40] =	vst v11  }
0x95: {  	v14 =	vmul.f32 v22, v14;
	v22 =	vld [tilespmem:s18+$0xD0];
	[tilespmem:s18+$0x50] =	vst v10  }
0x96: {  	v11 =	vld [tilespmem:s6+$0xFFFFFE90];
	[tilespmem:s18+$0x60] =	vst v13;
	v9 =	vmul.f32 v15, v20  }
0x97: {  	v24 =	vbroadcast v6, $0x3;
	v10 =	vld [tilespmem:s6+$0xFFFFFEA0];
	[tilespmem:s18+$0x70] =	vst v14;
	v7 =	vmul.f32 v16, v20  }
0x98: {  	v13 =	vld [tilespmem:s6+$0xFFFFFEB0];
	v18 =	vmul.f32 v18, v20;
	[tilespmem:s18+$0x80] =	vst v9  }
0x99: {  	v14 =	vld [tilespmem:s6+$0xFFFFFEC0];
	v21 =	vmul.f32 v21, v24;
	[tilespmem:s18+$0xA0] =	vst v7  }
0x9a: {  	v15 =	vld [tilespmem:s6+$0xFFFFFEE0];
	v5 =	vmul.f32 v12, v20;
	[tilespmem:s18+$0xB0] =	vst v18  }
0x9b: {  	v9 =	vld [tilespmem:s6+$0xFFFFFEF0];
	[tilespmem:s6+$0xFFFFFED0] =	vst v21;
	v11 =	vmul.f32 v11, v23  }
0x9c: {  	v16 =	vld [tilespmem:s18+$0x100];
	[tilespmem:s18+$0x90] =	vst v5;
	v10 =	vmul.f32 v10, v23  }
0x9d: {  	v7 =	vld [tilespmem:s6+$0xFFFFFF10];
	v13 =	vmul.f32 v13, v23;
	[tilespmem:s6+$0xFFFFFE90] =	vst v11  }
0x9e: {  	v18 =	vld [tilespmem:s6+$0xFFFFFF20];
	v14 =	vmul.f32 v14, v24;
	[tilespmem:s6+$0xFFFFFEA0] =	vst v10  }
0x9f: {  	v12 =	vld [tilespmem:s18+$0xF0];
	v21 =	vbroadcast v4, $0xC;
	v15 =	vmul.f32 v15, v24;
	[tilespmem:s6+$0xFFFFFEB0] =	vst v13  }
0xa0: {  	v20 =	vld [tilespmem:s18+$0x110];
	v23 =	vbroadcast v6, $0x4;
	[tilespmem:s6+$0xFFFFFEC0] =	vst v14;
	v9 =	vmul.f32 v9, v24  }
0xa1: {  	v5 =	vld [tilespmem:s6+$0xFFFFFF00];
	v11 =	vbroadcast v4, $0xB;
	[tilespmem:s6+$0xFFFFFEE0] =	vst v15;
	v15 =	vmul.f32 v16, v21  }
0xa2: {  	v16 =	vld [tilespmem:s18+$0x160];
	v7 =	vmul.f32 v7, v23;
	[tilespmem:s6+$0xFFFFFEF0] =	vst v9  }
0xa3: {  	v18 =	vmul.f32 v18, v23;
	v10 =	vmul.f32 v19, v11;
	v19 =	vld [tilespmem:s18+$0x120];
	[tilespmem:s18+$0x100] =	vst v15  }
0xa4: {  	v13 =	vmul.f32 v22, v11;
	v22 =	vld [tilespmem:s18+$0x130];
	[tilespmem:s6+$0xFFFFFF10] =	vst v7  }
0xa5: {  	v14 =	vmul.f32 v17, v11;
	v17 =	vld [tilespmem:s18+$0x140];
	[tilespmem:s6+$0xFFFFFF20] =	vst v18  }
0xa6: {  	v11 =	vmul.f32 v12, v11;
	v12 =	vld [tilespmem:s6+$0xFFFFFF50];
	[tilespmem:s18+$0xC0] =	vst v10  }
0xa7: {  	v5 =	vmul.f32 v5, v23;
	v10 =	vld [tilespmem:s6+$0xFFFFFF30];
	[tilespmem:s18+$0xD0] =	vst v13  }
0xa8: {  	v9 =	vmul.f32 v20, v21;
	v13 =	vld [tilespmem:s6+$0xFFFFFF40];
	[tilespmem:s18+$0xE0] =	vst v14  }
0xa9: {  	v7 =	vbroadcast v4, $0xD;
	v14 =	vld [tilespmem:s18+$0x150];
	[tilespmem:s6+$0xFFFFFF00] =	vst v5;
	v5 =	vmul.f32 v19, v21  }
0xaa: {  	v29 =	vbroadcast v6, $0x6;
	v15 =	vld [tilespmem:s18+$0x170];
	[tilespmem:s18+$0x110] =	vst v9;
	v19 =	vmul.f32 v22, v21  }
0xab: {  	v9 =	vld [tilespmem:s18+$0x180];
	v17 =	vmul.f32 v17, v7;
	[tilespmem:s18+$0x120] =	vst v5;
	v5 =	vbroadcast v6, $0x5  }
0xac: {  	[tilespmem:s18+$0xF0] =	vst v11;
	v21 =	vld [tilespmem:s6+$0xFFFFFF90];
	v10 =	vmul.f32 v10, v23;
	v23 =	vbroadcast v4, $0xE  }
0xad: {  	v22 =	vld [tilespmem:s18+$0x190];
	[tilespmem:s18+$0x140] =	vst v17;
	v17 =	vbroadcast v6, $0x7;
	v4 =	vmul.f32 v13, v5  }
0xae: {  	v11 =	vld [tilespmem:s6+$0xFFFFFF60];
	[tilespmem:s6+$0xFFFFFF30] =	vst v10;
	v10 =	vmul.f32 v14, v7;
	v13 =	vmul.f32 v16, v7  }
0xaf: {  	v20 =	vld [tilespmem:s6+$0xFFFFFF70];
	[tilespmem:s18+$0x130] =	vst v19;
	v7 =	vmul.f32 v15, v7;
	v12 =	vmul.f32 v12, v5  }
0xb0: {  	v24 =	vld [tilespmem:s6+$0xFFFFFF80];
	v28 =	vmul.f32 v9, v23;
	v16 =	vbroadcast v6, $0x8;
	[tilespmem:s6+$0xFFFFFF40] =	vst v4  }
0xb1: {  	v30 =	vld [tilespmem:s6+$0xFFFFFFC0];
	v15 =	vbroadcast v6, $0x9;
	v9 =	vbroadcast v6, $0xC;
	[tilespmem:s18+$0x150] =	vst v10  }
0xb2: {  	v34 =	vld [tilespmem:s18+$0x1E0];
	v14 =	vmul.f32 v22, v23;
	v22 =	vmul.f32 v21, v29;
	[tilespmem:s6+$0xFFFFFF50] =	vst v12  }
0xb3: {  	v18 =	vld [tilespmem:s6+$0xFFFFFFA0];
	v4 =	vmul.f32 v11, v5;
	[tilespmem:s18+$0x160] =	vst v13;
	v11 =	vbroadcast v6, $0xA  }
0xb4: {  	v26 =	vld [tilespmem:s6+$0xFFFFFFB0];
	v12 =	vmul.f32 v20, v5;
	v10 =	vbroadcast v6, $0xB;
	[tilespmem:s18+$0x170] =	vst v7  }
0xb5: {  	v32 =	vld [tilespmem:s6+$0xFFFFFFD0];
	v5 =	vbroadcast v6, $0xD;
	v13 =	vmul.f32 v24, v29;
	[tilespmem:s18+$0x180] =	vst v28  }
0xb6: {  	v19 =	vld [tilespmem:s6+$0xFFFFFFE0];
	v7 =	vmul.f32 v33, v8;
	v24 =	vmul.f32 v30, v17;
	[tilespmem:s6+$0xFFFFFF60] =	vst v4  }
0xb7: {  	v20 =	vld [tilespmem:s6+$0xFFFFFFF0];
	[tilespmem:s6+$0xFFFFFF70] =	vst v12;
	v4 =	vbroadcast v6, $0xE;
	v12 =	vmul.f32 v25, v23  }
0xb8: {  	v21 =	vld [tilespmem:s6+$0x0];
	[tilespmem:s6+$0xFFFFFF80] =	vst v13;
	v13 =	vmul.f32 v27, v23;
	v25 =	vmul.f32 v18, v29  }
0xb9: {  	s9 =	simm.s32 $0x20;
	[tilespmem:s6+$0xFFFFFF90] =	vst v22;
	v22 =	vld [tilespmem:s6+$0x10];
	v6 =	vmul.f32 v31, v8;
	v23 =	vmul.f32 v26, v29  }
0xba: {  	s8 =	simm.s32 $0xC0;
	s23 =	sadd.s32 $0xC4A0, s7;
	s7 =	smov.u32 s6;
	v8 =	vmul.f32 v34, v8;
	v18 =	vld.idx.msk [tilespmem:v3+s9+$0x0 ss:$0x1], $0xffff;
	[tilespmem:s6+$0xFFFFFFA0] =	vst v25;
	v25 =	vmul.f32 v32, v17  }
.LBB2_3:
0xbb: {  	p0 =	sne.s32 s8, $0x1C0;
	v26 =	vld.idx.msk [tilespmem:v2+s9+$0x0 ss:$0x1], $0xffff;
	[tilespmem:s6+$0xFFFFFFB0] =	vst v23;
	v19 =	vmul.f32 v19, v17  }
0xbc: {  	[tilespmem:s6+$0xFFFFFFC0] =	vst v24;
	v17 =	vmul.f32 v20, v17;
	v20 =	vld [tilespmem:s6+$0x20]  }
0xbd: {  	[tilespmem:s6+$0xFFFFFFD0] =	vst v25;
	v21 =	vmul.f32 v21, v16;
	v23 =	vld [tilespmem:s6+$0x30]  }
0xbe: {  	[tilespmem:s6+$0xFFFFFFE0] =	vst v19;
	v19 =	vmul.f32 v22, v16;
	v22 =	vld [tilespmem:s6+$0x40]  }
0xbf: {  	[tilespmem:s6+$0xFFFFFFF0] =	vst v17;
	v17 =	vld [tilespmem:s6+$0x50]  }
0xc0: {  	[tilespmem:s6+$0x0] =	vst v21;
	v21 =	vld [tilespmem:s6+$0x60]  }
0xc1: {  	[tilespmem:s6+$0x10] =	vst v19;
	v19 =	vmul.f32 v20, v16;
	v20 =	vld [tilespmem:s6+$0x70]  }
0xc2: {  	v18 =	vld.idx.msk [tilespmem:v18+s15+$0x0], $0xffff;
	v16 =	vmul.f32 v23, v16;
	[tilespmem:s18+$0x190] =	vst v14  }
0xc3: {  	v14 =	vld.idx.msk [tilespmem:v26+s17+$0x0], $0xffff;
	[tilespmem:s6+$0x20] =	vst v19;
	v19 =	vmul.f32 v22, v15  }
0xc4: {  	[tilespmem:s6+$0x30] =	vst v16;
	v16 =	vmul.f32 v17, v15;
	v17 =	vld [tilespmem:s6+$0x80]  }
0xc5: {  	[tilespmem:s6+$0x40] =	vst v19;
	v19 =	vmul.f32 v21, v15;
	v21 =	vld [tilespmem:s6+$0x90]  }
0xc6: {  	[tilespmem:s6+$0x50] =	vst v16;
	v15 =	vmul.f32 v20, v15;
	v16 =	vld [tilespmem:s6+$0xA0]  }
0xc7: {  	[tilespmem:s6+$0x60] =	vst v19;
	v19 =	vld [tilespmem:s6+$0xB0]  }
0xc8: {  	[tilespmem:s6+$0x70] =	vst v15;
	v15 =	vld [tilespmem:s6+$0xC0]  }
0xc9: {  	v14 =	vadd.f32 v14, v18;
	v17 =	vmul.f32 v17, v11;
	v18 =	vld [tilespmem:s6+$0xD0];
	[tilespmem:s18+$0x1A0] =	vst v12  }
0xca: {  	v12 =	vmul.f32 v21, v11;
	v20 =	vld [tilespmem:s6+$0xE0];
	[tilespmem:s18+$0x1B0] =	vst v13  }
0xcb: {  	v13 =	vmul.f32 $2.000000030e-01, v14;
	[tilespmem:s6+$0x80] =	vst v17;
	v16 =	vmul.f32 v16, v11;
	v17 =	vld [tilespmem:s6+$0xF0]  }
0xcc: {  	vm0 =	vge.f32 v14, $0.0e+00;
	[tilespmem:s6+$0x90] =	vst v12;
	v11 =	vmul.f32 v19, v11;
	v12 =	vld [tilespmem:s6+$0x100]  }
0xcd: {  	v13 =	vsel vm0, v14, v13;
	[tilespmem:s6+$0xA0] =	vst v16;
	v14 =	vmul.f32 v15, v10;
	v15 =	vld [tilespmem:s6+$0x110]  }
0xce: {  	v13 =	vmul.f32 $1.442695020e+00, v13;
	[tilespmem:s6+$0xB0] =	vst v11;
	v11 =	vmul.f32 v18, v10;
	v16 =	vld [tilespmem:s6+$0x120]  }
0xcf: {  	[tilespmem:s6+$0xC0] =	vst v14;
	v14 =	vmul.f32 v20, v10;
	v18 =	vld [tilespmem:s6+$0x130]  }
0xd0: {  	(erf) = vpow2.f32 v13;
	[tilespmem:s6+$0xD0] =	vst v11;
	v10 =	vmul.f32 v17, v10;
	v11 =	vld [tilespmem:s6+$0x140]  }
0xd1: {  	[tilespmem:s6+$0xE0] =	vst v14;
	v12 =	vmul.f32 v12, v9;
	v13 =	vld [tilespmem:s6+$0x150]  }
0xd2: {  	[tilespmem:s6+$0xF0] =	vst v10;
	v10 =	vmul.f32 v15, v9;
	v14 =	vld [tilespmem:s6+$0x160]  }
0xd3: {  	[tilespmem:s6+$0x100] =	vst v12;
	v12 =	vmul.f32 v16, v9;
	v15 =	vld [tilespmem:s6+$0x170]  }
0xd4: {  	[tilespmem:s6+$0x110] =	vst v10;
	v9 =	vmul.f32 v18, v9;
	v10 =	vld [tilespmem:s6+$0x180]  }
0xd5: {  	[tilespmem:s6+$0x120] =	vst v12;
	v11 =	vmul.f32 v11, v5;
	v12 =	vld [tilespmem:s6+$0x190]  }
0xd6: {  	[tilespmem:s6+$0x130] =	vst v9;
	v9 =	vmul.f32 v13, v5;
	v13 =	vld [tilespmem:s6+$0x1A0]  }
0xd7: {  	[tilespmem:s6+$0x140] =	vst v11;
	v11 =	vmul.f32 v14, v5;
	v19 =	vld [tilespmem:s6+$0x1B0]  }
0xd8: {  	[tilespmem:s6+$0x150] =	vst v9;
	v5 =	vmul.f32 v15, v5;
	v20 =	vld [tilespmem:s6+$0x1C0]  }
0xd9: {  	v14 =	vpop (erf);
	[tilespmem:s6+$0x160] =	vst v11;
	v9 =	vmul.f32 v10, v4;
	v21 =	vld [tilespmem:s6+$0x1D0]  }
0xda: {  	s6 =	sadd.s32 $0x400, s6;
	[tilespmem:v1+s9+$0x0 ss:$0x1] =	vst.idx.msk $0xffff, v14;
	v22 =	vbroadcast v14, $0x0;
	v23 =	vbroadcast v14, $0x1;
	v24 =	vld [tilespmem:s7+$0x1E0]  }
0xdb: {  	v25 =	vbroadcast v14, $0x2;
	v26 =	vbroadcast v14, $0x3;
	v27 =	vld [tilespmem:s6+$0x1F0];
	[tilespmem:s7+$0x170] =	vst v5  }
0xdc: {  	v29 =	vbroadcast v14, $0x4;
	v30 =	vbroadcast v14, $0x5;
	v28 =	vld [tilespmem:s6+$0xFFFFFE00];
	[tilespmem:s7+$0x180] =	vst v9  }
0xdd: {  	v18 =	vbroadcast v14, $0x6;
	v17 =	vbroadcast v14, $0x7;
	v31 =	vld [tilespmem:s6+$0xFFFFFE10];
	[tilespmem:s18+$0x1C0] =	vst v6  }
0xde: {  	v16 =	vbroadcast v14, $0x8;
	v32 =	vbroadcast v14, $0xF;
	v6 =	vld [tilespmem:s6+$0xFFFFFE20];
	[tilespmem:s18+$0x1D0] =	vst v7  }
0xdf: {  	v15 =	vbroadcast v14, $0x9;
	v11 =	vbroadcast v14, $0xA;
	v7 =	vld [tilespmem:s6+$0xFFFFFE30];
	[tilespmem:s18+$0x1E0] =	vst v8;
	s18 =	smov.u32 s7;
	s7 =	smov.u32 s6  }
0xe0: {  	v10 =	vbroadcast v14, $0xB;
	v8 =	vld [tilespmem:s6+$0xFFFFFE40];
	v27 =	vmul.f32 v27, v32  }
0xe1: {  	v5 =	vbroadcast v14, $0xD;
	v9 =	vbroadcast v14, $0xC;
	v33 =	vld [tilespmem:s6+$0xFFFFFE50]  }
0xe2: {  	v35 =	vbroadcast v14, $0xE;
	v28 =	vmul.f32 v22, v28;
	v34 =	vld [tilespmem:s6+$0xFFFFFE60];
	[tilespmem:s6+$0x1F0] =	vst v27  }
0xe3: {  	v27 =	vmul.f32 v22, v31;
	v6 =	vmul.f32 v22, v6;
	v31 =	vld [tilespmem:s6+$0xFFFFFE70]  }
0xe4: {  	v14 =	vmul.f32 v12, v4;
	[tilespmem:s6+$0xFFFFFE00] =	vst v28;
	v7 =	vmul.f32 v7, v22;
	v22 =	vld [tilespmem:s6+$0xFFFFFE80]  }
0xe5: {  	v12 =	vmul.f32 v13, v4;
	[tilespmem:s6+$0xFFFFFE10] =	vst v27;
	v8 =	vmul.f32 v8, v23;
	v27 =	vld [tilespmem:s6+$0xFFFFFE90]  }
0xe6: {  	v13 =	vmul.f32 v19, v4;
	v4 =	vmov v35;
	[tilespmem:s6+$0xFFFFFE20] =	vst v6;
	v28 =	vmul.f32 v33, v23;
	v33 =	vld [tilespmem:s6+$0xFFFFFEA0]  }
0xe7: {  	v6 =	vmul.f32 v20, v0;
	[tilespmem:s6+$0xFFFFFE30] =	vst v7;
	v19 =	vmul.f32 v34, v23;
	v34 =	vld [tilespmem:s6+$0xFFFFFEB0]  }
0xe8: {  	v7 =	vmul.f32 v21, v0;
	[tilespmem:s6+$0xFFFFFE40] =	vst v8;
	v20 =	vmul.f32 v31, v23;
	v23 =	vld [tilespmem:s6+$0xFFFFFEC0]  }
0xe9: {  	v8 =	vmul.f32 v24, v0;
	v0 =	vmov v32;
	[tilespmem:s6+$0xFFFFFE50] =	vst v28;
	v21 =	vmul.f32 v22, v25;
	v22 =	vld [tilespmem:s6+$0xFFFFFED0]  }
0xea: {  	[tilespmem:s6+$0xFFFFFE60] =	vst v19;
	v19 =	vmul.f32 v27, v25;
	v24 =	vld [tilespmem:s6+$0xFFFFFEE0]  }
0xeb: {  	[tilespmem:s6+$0xFFFFFE70] =	vst v20;
	v20 =	vmul.f32 v33, v25;
	v27 =	vld [tilespmem:s6+$0xFFFFFEF0]  }
0xec: {  	[tilespmem:s6+$0xFFFFFE80] =	vst v21;
	v21 =	vmul.f32 v34, v25;
	v25 =	vld [tilespmem:s6+$0xFFFFFF00]  }
0xed: {  	[tilespmem:s6+$0xFFFFFE90] =	vst v19;
	v19 =	vmul.f32 v23, v26;
	v23 =	vld [tilespmem:s6+$0xFFFFFF10]  }
0xee: {  	[tilespmem:s6+$0xFFFFFEA0] =	vst v20;
	v20 =	vmul.f32 v22, v26;
	v22 =	vld [tilespmem:s6+$0xFFFFFF20]  }
0xef: {  	[tilespmem:s6+$0xFFFFFEB0] =	vst v21;
	v21 =	vmul.f32 v24, v26;
	v24 =	vld [tilespmem:s6+$0xFFFFFF30]  }
0xf0: {  	[tilespmem:s6+$0xFFFFFEC0] =	vst v19;
	v19 =	vmul.f32 v27, v26;
	v26 =	vld [tilespmem:s6+$0xFFFFFF40]  }
0xf1: {  	[tilespmem:s6+$0xFFFFFED0] =	vst v20;
	v20 =	vmul.f32 v25, v29;
	v25 =	vld [tilespmem:s6+$0xFFFFFF50]  }
0xf2: {  	[tilespmem:s6+$0xFFFFFEE0] =	vst v21;
	v21 =	vmul.f32 v23, v29;
	v23 =	vld [tilespmem:s6+$0xFFFFFF60]  }
0xf3: {  	[tilespmem:s6+$0xFFFFFEF0] =	vst v19;
	v19 =	vmul.f32 v22, v29;
	v22 =	vld [tilespmem:s6+$0xFFFFFF70]  }
0xf4: {  	[tilespmem:s6+$0xFFFFFF00] =	vst v20;
	v20 =	vmul.f32 v24, v29;
	v24 =	vld [tilespmem:s6+$0xFFFFFF80]  }
0xf5: {  	[tilespmem:s6+$0xFFFFFF10] =	vst v21;
	v21 =	vmul.f32 v26, v30;
	v26 =	vld [tilespmem:s6+$0xFFFFFF90]  }
0xf6: {  	[tilespmem:s6+$0xFFFFFF20] =	vst v19;
	v19 =	vmul.f32 v25, v30;
	v25 =	vld [tilespmem:s6+$0xFFFFFFA0]  }
0xf7: {  	[tilespmem:s6+$0xFFFFFF30] =	vst v20;
	v20 =	vmul.f32 v23, v30;
	v23 =	vld [tilespmem:s6+$0xFFFFFFB0]  }
0xf8: {  	[tilespmem:s6+$0xFFFFFF40] =	vst v21;
	v21 =	vmul.f32 v22, v30;
	v22 =	vld [tilespmem:s6+$0xFFFFFFC0]  }
0xf9: {  	[tilespmem:s6+$0xFFFFFF50] =	vst v19;
	v24 =	vmul.f32 v24, v18;
	v27 =	vld [tilespmem:s6+$0xFFFFFFD0]  }
.Ltmp0:
0xfa: {  	[tilespmem:s6+$0xFFFFFF60] =	vst v20;
	v26 =	vmul.f32 v26, v18;
	v19 =	vld [tilespmem:s6+$0xFFFFFFE0];
	(pc) =	sbr.rel @p0 .LBB2_3-.Ltmp0, $4  }
0xfb: {  	[tilespmem:s6+$0xFFFFFF70] =	vst v21;
	v25 =	vmul.f32 v25, v18;
	v20 =	vld [tilespmem:s6+$0xFFFFFFF0]  }
0xfc: {  	[tilespmem:s6+$0xFFFFFF80] =	vst v24;
	v23 =	vmul.f32 v23, v18;
	v21 =	vld [tilespmem:s6+$0x0]  }
0xfd: {  	s9 =	sshra.s32 s8, $0x2;
	[tilespmem:s6+$0xFFFFFF90] =	vst v26;
	v24 =	vmul.f32 v22, v17;
	v22 =	vld [tilespmem:s6+$0x10]  }
0xfe: {  	s8 =	sadd.s32 $0x40, s8;
	v18 =	vld.idx.msk [tilespmem:v3+s9+$0x0 ss:$0x1], $0xffff;
	[tilespmem:s6+$0xFFFFFFA0] =	vst v25;
	v25 =	vmul.f32 v27, v17  }
0xff: {  	_ =	sdelay $0x1  }
0x100: {  	[tilespmem:s6+$0xFFFFFFB0] =	vst v23  }
0x101: {  	[tilespmem:s6+$0xFFFFFFC0] =	vst v24  }
0x102: {  	v2 =	vld.idx.msk [tilespmem:v2+s9+$0x0 ss:$0x1], $0xffff;
	[tilespmem:s18+$0x190] =	vst v14  }
0x103: {  	v3 =	vld [tilespmem:s6+$0x20];
	[tilespmem:s18+$0x1A0] =	vst v12  }
0x104: {  	v43 =	vld [tilespmem:s6+$0x30];
	[tilespmem:s18+$0x1B0] =	vst v13  }
0x105: {  	v45 =	vld [tilespmem:s6+$0x40];
	[tilespmem:s18+$0x1C0] =	vst v6  }
0x106: {  	v47 =	vld [tilespmem:s6+$0x50];
	[tilespmem:s18+$0x1D0] =	vst v7  }
0x107: {  	v19 =	vmul.f32 v19, v17;
	v49 =	vld [tilespmem:s6+$0x60];
	[tilespmem:s18+$0x1E0] =	vst v8  }
0x108: {  	v50 =	vld [tilespmem:s6+$0x70];
	[tilespmem:s6+$0xFFFFFFD0] =	vst v25;
	v44 =	vmul.f32 v20, v17  }
0x109: {  	[tilespmem:s6+$0xFFFFFFE0] =	vst v19;
	v46 =	vmul.f32 v21, v16;
	v18 =	vld.idx.msk [tilespmem:v18+s15+$0x0], $0xffff  }
0x10a: {  	[tilespmem:s6+$0xFFFFFFF0] =	vst v44;
	v48 =	vmul.f32 v22, v16;
	v2 =	vld.idx.msk [tilespmem:v2+s17+$0x0], $0xffff  }
0x10b: {  	v53 =	vld [tilespmem:s6+$0x80];
	[tilespmem:s6+$0x0] =	vst v46;
	v3 =	vmul.f32 v3, v16  }
0x10c: {  	v54 =	vld [tilespmem:s6+$0x90];
	[tilespmem:s6+$0x10] =	vst v48;
	v51 =	vmul.f32 v43, v16  }
0x10d: {  	v58 =	vld [tilespmem:s6+$0xB0];
	v52 =	vmul.f32 v45, v15;
	[tilespmem:s6+$0x20] =	vst v3  }
0x10e: {  	v59 =	vld [tilespmem:s6+$0xC0];
	v17 =	vmul.f32 v47, v15;
	[tilespmem:s6+$0x30] =	vst v51  }
0x10f: {  	v60 =	vld [tilespmem:s6+$0xD0];
	v55 =	vmul.f32 v49, v15;
	[tilespmem:s6+$0x40] =	vst v52;
	v2 =	vadd.f32 v2, v18  }
0x110: {  	v61 =	vld [tilespmem:s6+$0xE0];
	v57 =	vmul.f32 v50, v15;
	[tilespmem:s6+$0x50] =	vst v17  }
0x111: {  	v62 =	vld [tilespmem:s6+$0xF0];
	v16 =	vmul.f32 v53, v11;
	[tilespmem:s6+$0x60] =	vst v55;
	v33 =	vmul.f32 $2.000000030e-01, v2  }
0x112: {  	v26 =	vld [tilespmem:s6+$0x120];
	v24 =	vmul.f32 v58, v11;
	[tilespmem:s6+$0x70] =	vst v57;
	vm0 =	vge.f32 v2, $0.0e+00  }
0x113: {  	v28 =	vld [tilespmem:s6+$0x130];
	v15 =	vmul.f32 v59, v10;
	[tilespmem:s6+$0x80] =	vst v16;
	v2 =	vsel vm0, v2, v33  }
0x114: {  	v30 =	vld [tilespmem:s6+$0x140];
	v27 =	vmul.f32 v60, v10;
	[tilespmem:s6+$0xB0] =	vst v24;
	v2 =	vmul.f32 $1.442695020e+00, v2  }
0x115: {  	v32 =	vld [tilespmem:s6+$0x150];
	v29 =	vmul.f32 v61, v10;
	[tilespmem:s6+$0xC0] =	vst v15  }
0x116: {  	v34 =	vld [tilespmem:s6+$0x160];
	v31 =	vmul.f32 v62, v10;
	[tilespmem:s6+$0xD0] =	vst v27;
	(erf) = vpow2.f32 v2  }
0x117: {  	v25 =	vld [tilespmem:s6+$0x110];
	v37 =	vmul.f32 v26, v9;
	[tilespmem:s6+$0xE0] =	vst v29  }
0x118: {  	v56 =	vld [tilespmem:s6+$0xA0];
	v39 =	vmul.f32 v28, v9;
	[tilespmem:s6+$0xF0] =	vst v31  }
0x119: {  	v63 =	vld [tilespmem:s6+$0x100];
	v40 =	vmul.f32 v30, v5;
	[tilespmem:s6+$0x120] =	vst v37  }
0x11a: {  	v36 =	vld [tilespmem:s6+$0x170];
	v41 =	vmul.f32 v32, v5;
	[tilespmem:s6+$0x130] =	vst v39  }
0x11b: {  	v38 =	vld [tilespmem:s6+$0x180];
	v42 =	vmul.f32 v34, v5;
	[tilespmem:s6+$0x140] =	vst v40  }
0x11c: {  	v35 =	vmul.f32 v25, v9;
	v16 =	vld [tilespmem:s6+$0x190];
	[tilespmem:s6+$0x150] =	vst v41  }
0x11d: {  	v3 =	vmul.f32 v54, v11;
	v17 =	vmul.f32 v56, v11;
	v11 =	vld [tilespmem:s6+$0x1A0];
	[tilespmem:s6+$0x160] =	vst v42  }
0x11e: {  	v15 =	vld [tilespmem:s6+$0x1B0];
	[tilespmem:s6+$0x110] =	vst v35  }
0x11f: {  	[tilespmem:s6+$0x90] =	vst v3;
	v3 =	vmul.f32 v63, v9;
	v9 =	vld [tilespmem:s6+$0x1D0];
	v10 =	vpop (erf)  }
0x120: {  	s8 =	sadd.s32 $0x400, s6;
	v2 =	vld [tilespmem:s6+$0x1C0];
	[tilespmem:v1+s9+$0x0 ss:$0x1] =	vst.idx.msk $0xffff, v10  }
0x121: {  	v43 =	vmul.f32 v36, v5;
	[tilespmem:s6+$0xA0] =	vst v17;
	v44 =	vld [tilespmem:s8+$0x1F0]  }
0x122: {  	v45 =	vmul.f32 v38, v4;
	[tilespmem:s6+$0x100] =	vst v3;
	v46 =	vld [tilespmem:s8+$0xFFFFFE00]  }
0x123: {  	v16 =	vmul.f32 v16, v4;
	[tilespmem:s7+$0x170] =	vst v43;
	v47 =	vld [tilespmem:s8+$0xFFFFFE10]  }
0x124: {  	v11 =	vmul.f32 v11, v4;
	[tilespmem:s7+$0x180] =	vst v45;
	v1 =	vbroadcast v10, $0xF;
	v48 =	vld [tilespmem:s8+$0xFFFFFE20]  }
0x125: {  	[tilespmem:s7+$0x190] =	vst v16;
	v2 =	vmul.f32 v2, v0;
	v49 =	vbroadcast v10, $0x0;
	v50 =	vld [tilespmem:s8+$0xFFFFFE30]  }
0x126: {  	[tilespmem:s7+$0x1A0] =	vst v11;
	v51 =	vld [tilespmem:s8+$0xFFFFFE40];
	v5 =	vmul.f32 v44, v1  }
0x127: {  	[tilespmem:s7+$0x1C0] =	vst v2;
	v52 =	vld [tilespmem:s8+$0xFFFFFE50];
	v13 =	vmul.f32 v49, v46  }
0x128: {  	v53 =	vld [tilespmem:s8+$0xFFFFFE60];
	v54 =	vmul.f32 v49, v47;
	[tilespmem:s8+$0x1F0] =	vst v5  }
0x129: {  	v55 =	vbroadcast v10, $0x1;
	v56 =	vld [tilespmem:s8+$0xFFFFFE70];
	v12 =	vmul.f32 v49, v48;
	[tilespmem:s8+$0xFFFFFE00] =	vst v13  }
0x12a: {  	v57 =	vld [tilespmem:s8+$0xFFFFFE80];
	v6 =	vmul.f32 v50, v49;
	[tilespmem:s8+$0xFFFFFE10] =	vst v54  }
0x12b: {  	v59 =	vld [tilespmem:s8+$0xFFFFFE90];
	v58 =	vmul.f32 v51, v55;
	[tilespmem:s8+$0xFFFFFE20] =	vst v12  }
0x12c: {  	v22 =	vld [tilespmem:s8+$0xFFFFFEC0];
	v8 =	vmul.f32 v52, v55;
	[tilespmem:s8+$0xFFFFFE30] =	vst v6  }
0x12d: {  	v61 =	vbroadcast v10, $0x2;
	v24 =	vld [tilespmem:s8+$0xFFFFFED0];
	v62 =	vmul.f32 v53, v55;
	[tilespmem:s8+$0xFFFFFE40] =	vst v58  }
0x12e: {  	v25 =	vld [tilespmem:s8+$0xFFFFFEE0];
	v21 =	vmul.f32 v56, v55;
	[tilespmem:s8+$0xFFFFFE50] =	vst v8  }
0x12f: {  	v26 =	vbroadcast v10, $0x3;
	v30 =	vld [tilespmem:s8+$0xFFFFFF10];
	v23 =	vmul.f32 v57, v61;
	[tilespmem:s8+$0xFFFFFE60] =	vst v62  }
0x130: {  	v60 =	vld [tilespmem:s8+$0xFFFFFEA0];
	v7 =	vmul.f32 v59, v61;
	[tilespmem:s8+$0xFFFFFE70] =	vst v21  }
0x131: {  	v63 =	vld [tilespmem:s8+$0xFFFFFEB0];
	v29 =	vmul.f32 v22, v26;
	[tilespmem:s8+$0xFFFFFE80] =	vst v23  }
0x132: {  	v33 =	vbroadcast v10, $0x4;
	v27 =	vld [tilespmem:s8+$0xFFFFFEF0];
	v31 =	vmul.f32 v24, v26;
	[tilespmem:s8+$0xFFFFFE90] =	vst v7  }
0x133: {  	v28 =	vld [tilespmem:s8+$0xFFFFFF00];
	v17 =	vmul.f32 v25, v26;
	[tilespmem:s8+$0xFFFFFEC0] =	vst v29  }
0x134: {  	v32 =	vld [tilespmem:s8+$0xFFFFFF20];
	v14 =	vmul.f32 v30, v33;
	[tilespmem:s8+$0xFFFFFED0] =	vst v31  }
0x135: {  	v35 =	vld [tilespmem:s8+$0xFFFFFF40];
	v12 =	vmul.f32 v60, v61;
	[tilespmem:s8+$0xFFFFFEE0] =	vst v17  }
0x136: {  	v37 =	vld [tilespmem:s8+$0xFFFFFF60];
	v6 =	vmul.f32 v63, v61;
	[tilespmem:s8+$0xFFFFFF10] =	vst v14  }
0x137: {  	v41 =	vld [tilespmem:s8+$0xFFFFFF90];
	v5 =	vmul.f32 v27, v26;
	[tilespmem:s8+$0xFFFFFEA0] =	vst v12  }
0x138: {  	v38 =	vbroadcast v10, $0x5;
	v8 =	vmul.f32 v28, v33;
	[tilespmem:s8+$0xFFFFFEB0] =	vst v6  }
0x139: {  	v18 =	vld [tilespmem:s8+$0xA0];
	v13 =	vmul.f32 v32, v33;
	[tilespmem:s8+$0xFFFFFEF0] =	vst v5  }
0x13a: {  	v43 =	vbroadcast v10, $0x6;
	v34 =	vld [tilespmem:s8+$0xFFFFFF30];
	v7 =	vmul.f32 v35, v38;
	[tilespmem:s8+$0xFFFFFF00] =	vst v8  }
0x13b: {  	v36 =	vld [tilespmem:s8+$0xFFFFFF50];
	v17 =	vmul.f32 v37, v38;
	[tilespmem:s8+$0xFFFFFF20] =	vst v13  }
0x13c: {  	v19 =	vbroadcast v10, $0xA;
	v39 =	vld [tilespmem:s8+$0xFFFFFF70];
	v14 =	vmul.f32 v41, v43;
	[tilespmem:s8+$0xFFFFFF40] =	vst v7  }
0x13d: {  	v40 =	vld [tilespmem:s8+$0xFFFFFF80];
	v21 =	vmul.f32 v15, v4;
	[tilespmem:s8+$0xFFFFFF60] =	vst v17  }
0x13e: {  	v42 =	vld [tilespmem:s8+$0xFFFFFFA0];
	v26 =	vmul.f32 v18, v19;
	[tilespmem:s8+$0xFFFFFF90] =	vst v14  }
0x13f: {  	v45 =	vld [tilespmem:s8+$0xFFFFFFC0];
	v6 =	vmul.f32 v34, v33;
	[tilespmem:s7+$0x1B0] =	vst v21  }
0x140: {  	v47 =	vld [tilespmem:s8+$0xFFFFFFE0];
	v12 =	vmul.f32 v36, v38;
	[tilespmem:s8+$0xA0] =	vst v26  }
0x141: {  	v51 =	vld [tilespmem:s8+$0x10];
	v5 =	vmul.f32 v39, v38;
	[tilespmem:s8+$0xFFFFFF30] =	vst v6  }
0x142: {  	v48 =	vbroadcast v10, $0x7;
	v56 =	vld [tilespmem:s8+$0x40];
	v8 =	vmul.f32 v40, v43;
	[tilespmem:s8+$0xFFFFFF50] =	vst v12  }
0x143: {  	v24 =	vld [tilespmem:s8+$0xE0];
	v13 =	vmul.f32 v42, v43;
	[tilespmem:s8+$0xFFFFFF70] =	vst v5  }
0x144: {  	v3 =	vld [tilespmem:s7+$0x1E0];
	v52 =	vbroadcast v10, $0x8;
	v7 =	vmul.f32 v45, v48;
	[tilespmem:s8+$0xFFFFFF80] =	vst v8  }
0x145: {  	v44 =	vld [tilespmem:s8+$0xFFFFFFB0];
	v59 =	vbroadcast v10, $0x9;
	v53 =	vmul.f32 v47, v48;
	[tilespmem:s8+$0xFFFFFFA0] =	vst v13  }
0x146: {  	v46 =	vld [tilespmem:s8+$0xFFFFFFD0];
	v25 =	vbroadcast v10, $0xB;
	v14 =	vmul.f32 v51, v52;
	[tilespmem:s8+$0xFFFFFFC0] =	vst v7  }
0x147: {  	v49 =	vld [tilespmem:s8+$0xFFFFFFF0];
	v61 =	vmul.f32 v56, v59;
	[tilespmem:s8+$0xFFFFFFE0] =	vst v53  }
0x148: {  	v50 =	vld [tilespmem:s8+$0x0];
	v33 =	vmul.f32 v24, v25;
	[tilespmem:s8+$0x10] =	vst v14  }
0x149: {  	v54 =	vld [tilespmem:s8+$0x20];
	v56 =	vmul.f32 v3, v0;
	[tilespmem:s8+$0x40] =	vst v61  }
0x14a: {  	v58 =	vld [tilespmem:s8+$0x60];
	v6 =	vmul.f32 v44, v43;
	[tilespmem:s8+$0xE0] =	vst v33  }
0x14b: {  	v60 =	vld [tilespmem:s8+$0x70];
	v12 =	vmul.f32 v46, v48;
	[tilespmem:s7+$0x1E0] =	vst v56  }
0x14c: {  	v23 =	vld [tilespmem:s8+$0xD0];
	v5 =	vmul.f32 v49, v48;
	[tilespmem:s8+$0xFFFFFFB0] =	vst v6  }
0x14d: {  	v27 =	vld [tilespmem:s8+$0xF0];
	v8 =	vmul.f32 v50, v52;
	[tilespmem:s8+$0xFFFFFFD0] =	vst v12  }
0x14e: {  	v28 =	vld [tilespmem:s8+$0x100];
	v7 =	vmul.f32 v54, v52;
	[tilespmem:s8+$0xFFFFFFF0] =	vst v5  }
0x14f: {  	v29 =	vld [tilespmem:s8+$0x110];
	v63 =	vmul.f32 v58, v59;
	[tilespmem:s8+$0x0] =	vst v8  }
0x150: {  	v31 =	vld [tilespmem:s8+$0x120];
	v17 =	vmul.f32 v60, v59;
	[tilespmem:s8+$0x20] =	vst v7  }
0x151: {  	v32 =	vbroadcast v10, $0xC;
	v35 =	vld [tilespmem:s8+$0x140];
	v30 =	vmul.f32 v23, v25;
	[tilespmem:s8+$0x60] =	vst v63  }
0x152: {  	v37 =	vld [tilespmem:s8+$0x150];
	v4 =	vmul.f32 v27, v25;
	[tilespmem:s8+$0x70] =	vst v17  }
0x153: {  	v36 =	vmul.f32 v28, v32;
	[tilespmem:s8+$0xD0] =	vst v30  }
0x154: {  	v55 =	vld [tilespmem:s8+$0x30];
	v40 =	vbroadcast v10, $0xD;
	v38 =	vmul.f32 v29, v32;
	[tilespmem:s8+$0xF0] =	vst v4  }
0x155: {  	v57 =	vld [tilespmem:s8+$0x50];
	v41 =	vmul.f32 v31, v32;
	[tilespmem:s8+$0x100] =	vst v36  }
0x156: {  	v16 =	vld [tilespmem:s8+$0x90];
	v45 =	vmul.f32 v35, v40;
	[tilespmem:s8+$0x110] =	vst v38  }
0x157: {  	v20 =	vld [tilespmem:s8+$0xB0];
	v46 =	vmul.f32 v37, v40;
	[tilespmem:s8+$0x120] =	vst v41  }
0x158: {  	v34 =	vld [tilespmem:s8+$0x130];
	v54 =	vmul.f32 v9, v0;
	[tilespmem:s8+$0x140] =	vst v45  }
0x159: {  	v39 =	vld [tilespmem:s8+$0x160];
	v6 =	vmul.f32 v55, v52;
	[tilespmem:s8+$0x150] =	vst v46  }
0x15a: {  	v42 =	vld [tilespmem:s8+$0x170];
	v5 =	vmul.f32 v57, v59;
	[tilespmem:s7+$0x1D0] =	vst v54  }
0x15b: {  	v62 =	vld [tilespmem:s8+$0x80];
	v8 =	vmul.f32 v16, v19;
	[tilespmem:s8+$0x30] =	vst v6  }
0x15c: {  	v22 =	vld [tilespmem:s8+$0xC0];
	v7 =	vmul.f32 v20, v19;
	[tilespmem:s8+$0x50] =	vst v5  }
0x15d: {  	v51 =	vld [tilespmem:s8+$0x1A0];
	v43 =	vmul.f32 v34, v32;
	[tilespmem:s8+$0x90] =	vst v8  }
0x15e: {  	v44 =	vld [tilespmem:s8+$0x180];
	v48 =	vmul.f32 v39, v40;
	[tilespmem:s8+$0xB0] =	vst v7  }
0x15f: {  	v49 =	vld [tilespmem:s8+$0x190];
	v50 =	vmul.f32 v42, v40;
	[tilespmem:s8+$0x130] =	vst v43  }
0x160: {  	v47 =	vbroadcast v10, $0xE;
	v53 =	vld [tilespmem:s8+$0x1B0];
	v6 =	vmul.f32 v62, v19;
	[tilespmem:s8+$0x160] =	vst v48  }
0x161: {  	v55 =	vld [tilespmem:s8+$0x1C0];
	v5 =	vmul.f32 v22, v25;
	[tilespmem:s8+$0x170] =	vst v50  }
0x162: {  	v57 =	vld [tilespmem:s8+$0x1D0];
	v60 =	vmul.f32 v51, v47;
	[tilespmem:s8+$0x80] =	vst v6  }
0x163: {  	v58 =	vld [tilespmem:s8+$0x1E0];
	v52 =	vmul.f32 v44, v47;
	[tilespmem:s8+$0xC0] =	vst v5  }
0x164: {  	v59 =	vmul.f32 v49, v47;
	[tilespmem:s8+$0x1A0] =	vst v60  }
0x165: {  	v61 =	vmul.f32 v53, v47;
	[tilespmem:s8+$0x180] =	vst v52  }
0x166: {  	[tilespmem:s8+$0x190] =	vst v59;
	v62 =	vmul.f32 v55, v1  }
0x167: {  	v63 =	vmul.f32 v57, v1;
	[tilespmem:s8+$0x1B0] =	vst v61  }
0x168: {  	p0 =	slt.u32 s1, $0x4F;
	v1 =	vmul.f32 v58, v1;
	[tilespmem:s8+$0x1C0] =	vst v62  }
.Ltmp1:
0x169: {  	[tilespmem:s8+$0x1D0] =	vst v63;
	(pc) =	sbr.rel @p0 .LBB2_2-.Ltmp1, $4  }
0x16a: {  	s18 =	sor.u32 $0x2, s31;
	s9 =	sadd.s32 $0x2780, s0;
	[tilespmem:s8+$0x1E0] =	vst v1  }
0x16b: {  	[spmem:s2] =	stream.indirect.scatter.add.f32 [tilespmem:s23], [sflag:s18], $0x40, s9, s22, $0xb8;
	[tilespmem:$0x1E720] =	vst v63  }
0x16c: {  	s31 =	sor.u32 $0x4, s31;
	s6 =	smov.u32 s1;
	s23 =	sadd.s32 $0x4F00, s0  }
0x16d: {  	[spmem:s3] =	stream.indirect.scatter.add.f32 [tilespmem:s23], [sflag:s31], $0x1, s9, s22, $0xb8;
	[tilespmem:$0x1E720] =	vst v63  }
0x16e: {  	_ =	swait.ge [sflag:s25], $0x2000  }
0x16f: {  	[sflag:s25] =	ssyncset.done $0x0  }
0x170: {  	[sflag:s25] =	ssyncadd.s32 $0xFFFFE000  }
0x171: {  	_ =	swait.ge [sflag:s26], $0x80  }
0x172: {  	[sflag:s26] =	ssyncset.done $0x0  }
0x173: {  	[sflag:s26] =	ssyncadd.s32 $0xFFFFFF80  }
0x174: {  	_ =	swait.ge [sflag:s28], $0x2000  }
0x175: {  	[sflag:s28] =	ssyncset.done $0x0  }
0x176: {  	[sflag:s28] =	ssyncadd.s32 $0xFFFFE000  }
0x177: {  	_ =	swait.ge [sflag:s29], $0x80  }
0x178: {  	[sflag:s29] =	ssyncset.done $0x0  }
0x179: {  	[sflag:s29] =	ssyncadd.s32 $0xFFFFFF80  }
0x17a: {  	[bflag:$0x0] =	sbarrier.arrive $0xFFFF  }
0x17b: {  	[hbm:s12], [sflag:s19] =	dma.local [spmem:s20], $0x1400  }
0x17c: {  	s30 =	sadd.s32 $0x1, s30;
	_ =	swait.ge [sflag:s16], $0x1400  }
0x17d: {  	p0 =	sne.s32 s30, s14;
	[sflag:s16] =	ssyncset.done $0x0  }
.Ltmp2:
0x17e: {  	[sflag:s16] =	ssyncadd.s32 $0xFFFFEC00;
	(pc) =	sbr.rel @p0 .LBB2_1-.Ltmp2, $4  }
0x17f: {  	[hbm:s13], [sflag:s19] =	dma.local [spmem:s21], $0x50  }
0x180: {  	_ =	swait.ge [sflag:s16], $0x50  }
0x181: {  	[sflag:s16] =	ssyncset.done $0x0  }
0x182: {  	[sflag:s16] =	ssyncadd.s32 $0xFFFFFFB0  }
0x183: {  	_ =	sfence.sel $0x180000  }
0x184: {  	[bflag:$0x0] =	sbarrier.arrive $0xFFFF  }
0x185: {  	_ =	strace $0x9000004A  }
0x186: {  	s0 =	stileid.u32;
	[bflag:$0x2] =	sbarrier.arrive $0xFFFF  }
0x187: {  	p0 =	sne.s32 s0, $0x0;
	s0 =	rddreg [dreg:$0x3]  }
0x188: {  	s0 =	sadd.s32 @!p0 $0x100000, s0  }
0x189: {  	[sflag:s0] =	ssyncadd.tile.s32 @!p0 $0x1;
	_ =	shalt  }
.Lfunc_end2:
_tile_overlayer_lowered:
.L_overlay_start_2:
0x18a: {  	(tag) =	ssettag $0x2  }
0x18b: {  	s0 =	rddreg [dreg:$0x0];
	s2 =	stileid.u32  }
0x18c: {  	s1 =	rddreg [dreg:$0x1];
	p0 =	sne.s32 s2, $0x0  }
0x18d: {  	s3 =	rddreg [dreg:$0x2];
	[bflag:$0x3] =	sbarrier.arrive $0xFFFF;
	s2 =	simm.s32 @!p0 $0x1C06  }
0x18e: {  	[timem:s3], [sflag:s2] =	dma.local @!p0 [hbm:s0], s1  }
0x18f: {  	s0 =	simm.s32 @!p0 $0x6  }
0x190: {  	_ =	swait.ge @!p0 [sflag:s0], s1  }
0x191: {  	s1 =	ssub.s32 @!p0 $0x0, s1;
	[sflag:s0] =	ssyncset.done @!p0 $0x0  }
0x192: {  	[sflag:s0] =	ssyncadd.s32 @!p0 s1  }
0x193: {  	[bflag:$0x3] =	sbarrier.arrive $0xFFFF  }
0x194: {  	_ =	shalt  }

// kernel: kernel.9.cloned.1.call-start
scs
__scs_entry_jumppad:
0x0: {  	(pc) =	sbr.rel $0x88, $3  }
0x1: {  	(tag) =	ssettag $0x0;
	lr =	simm.s32 $0x1  }
0x2: {  	[smem:$0x3F8A] =	sst lr;
	_ =	strace $0xD0000000  }
0x3: {  	_ = 	snop  }
0x4: {  	_ = 	snop  }
0x5: {  	_ = 	snop  }
0x6: {  	_ = 	snop  }
0x7: {  	_ = 	snop  }
__scs_overlays_trampoline_lowered:
0x8: {  	[smem:$0x3F99] =	sst s0  }
0x9: {  	[smem:$0x3F9A] =	sst s1  }
0xa: {  	[smem:$0x3F9B] =	sst s2  }
0xb: {  	[smem:$0x3F9C] =	sst s3  }
0xc: {  	[smem:$0x3F9D] =	sst s4  }
0xd: {  	[smem:$0x3F9E] =	sst s5  }
0xe: {  	[smem:$0x3F9F] =	sst s6  }
0xf: {  	[smem:$0x3FA0] =	sst s7  }
0x10: {  	[smem:$0x3FA1] =	sst s8  }
0x11: {  	[smem:$0x3FA2] =	sst s9;
	s0 =	simm.s32 @!p0 $0x0  }
0x12: {  	s1 =	sld [smem:$0x3F88];
	s0 =	simm.s32 @p0 $0x1  }
0x13: {  	[smem:$0x3FA3] =	sst s0;
	s0 =	simm.s32 @!p1 $0x0  }
0x14: {  	s2 =	sld [smem:$0x3F87];
	s0 =	simm.s32 @p1 $0x1  }
0x15: {  	[smem:$0x3FA4] =	sst s0;
	s0 =	simm.s32 @!p2 $0x0  }
0x16: {  	s3 =	sld [smem:$0x3FDB];
	s0 =	simm.s32 @p2 $0x1  }
0x17: {  	s4 =	simm.s32 $0x1BF5;
	[smem:$0x3FA6] =	sst s0  }
0x18: {  	s0 =	sld [smem:$0x3F89];
	_ =	swait.ge [sflag:s4], $0x0  }
0x19: {  	s7 =	sld [smem:$0x3F8A]  }
0x1a: {  	s8 =	sadd.s32 $0xFFFFE003, lr  }
0x1b: {  	s9 =	sadd.s32 $0xFFFFFEF7, lr;
	s5 =	simm.s32 $0xFFFFFFFF;
	p2 =	slt.u32 s8, $0xFFFFF086  }
0x1c: {  	p1 =	slt.u32 s9, $0xF7A;
	s5 =	simm.s32 @!p2 $0x0  }
0x1d: {  	s5 =	simm.s32 @p1 $0x1;
	p0 =	seq.s32 s7, s2  }
0x1e: {  	s7 =	smul.u32 @!p0 $0xF7A, s2;
	p2 =	seq.s32 @!p0 s5, $0x0  }
0x1f: {  	s9 =	smul.u32 $0xF7A, s1;
	s8 =	simm.s32 @!p0 $0x1BF5;
	p2 =	por !p2, p0  }
0x20: {  	[sflag:s8] =	ssyncset.s32 @!p0 $0xFFFFF086;
	s6 =	sadd.s32 @!p0 s3, s7;
	s7 =	simm.s32 @!p0 $0x108  }
0x21: {  	s3 =	sadd.s32 s3, s9;
	s6 =	sadd.s32 @!p0 $0x88, s6;
	s7 =	simm.s32 @p2 $0x1082  }
0x22: {  	[simem:s7], [sflag:s8] =	dma.local @!p0 [hbm:s6], $0xF7A  }
0x23: {  	s9 =	sor.u32 $0xD0000000, s2;
	s6 =	simm.s32 $0x108;
	_ =	swait.ge @!p0 [sflag:s8], $0x0  }
0x24: {  	s3 =	sadd.s32 $0x88, s3;
	s6 =	simm.s32 @!p1 $0x1082;
	[sflag:s4] =	ssyncset.s32 $0xFFFFF086  }
0x25: {  	[simem:s6], [sflag:s4] =	dma.local [hbm:s3], $0xF7A  }
0x26: {  	[smem:$0x3F8A] =	sst s1;
	(tag) =	ssettag s2;
	_ =	strace s9  }
0x27: {  	s1 =	sld [smem:$0x3F9A]  }
0x28: {  	s2 =	sld [smem:$0x3F9B]  }
0x29: {  	s4 =	sld [smem:$0x3F9D]  }
0x2a: {  	p0 =	seq.s32 s5, $0x0;
	s5 =	sld [smem:$0x3F9E]  }
0x2b: {  	s6 =	sld [smem:$0x3F9F]  }
0x2c: {  	s7 =	sld [smem:$0x3FA0]  }
0x2d: {  	s3 =	simm.s32 $0x108;
	s8 =	sld [smem:$0x3FA1]  }
0x2e: {  	s3 =	simm.s32 @!p0 $0x1082;
	s9 =	sld [smem:$0x3FA2]  }
0x2f: {  	lr =	sadd.s32 s0, s3;
	s0 =	sld [smem:$0x3F99]  }
0x30: {  	s3 =	sld [smem:$0x3F9C]  }
0x31: {  	[smem:$0x3FA5] =	sst s10  }
0x32: {  	s10 =	sld [smem:$0x3FA3];
	_ =	sdelay $0x3  }
0x33: {  	p0 =	seq.s32 s10, $0x1;
	s10 =	sld [smem:$0x3FA5];
	_ =	sdelay $0x3  }
0x34: {  	[smem:$0x3FA5] =	sst s10  }
0x35: {  	s10 =	sld [smem:$0x3FA4];
	_ =	sdelay $0x3  }
0x36: {  	p1 =	seq.s32 s10, $0x1;
	s10 =	sld [smem:$0x3FA5];
	_ =	sdelay $0x3  }
0x37: {  	[smem:$0x3FA5] =	sst s10  }
0x38: {  	s10 =	sld [smem:$0x3FA6]  }
0x39: {  	_ = 	snop;
	(pc) =	sbr.ind lr, $3  }
0x3a: {  	_ = 	snop  }
0x3b: {  	_ = 	snop  }
0x3c: {  	p2 =	seq.s32 s10, $0x1;
	s10 =	sld [smem:$0x3FA5]  }
0x3d: {  	_ =	shalt  }
0x3e: {  	_ =	shalt  }
0x3f: {  	_ =	shalt  }
0x40: {  	_ =	shalt  }
0x41: {  	_ =	shalt  }
0x42: {  	_ =	shalt  }
0x43: {  	_ =	shalt  }
0x44: {  	_ =	shalt  }
0x45: {  	_ =	shalt  }
0x46: {  	_ =	shalt  }
0x47: {  	_ =	shalt  }
0x48: {  	_ =	shalt  }
0x49: {  	_ =	shalt  }
0x4a: {  	_ =	shalt  }
0x4b: {  	_ =	shalt  }
0x4c: {  	_ =	shalt  }
0x4d: {  	_ =	shalt  }
0x4e: {  	_ =	shalt  }
0x4f: {  	_ =	shalt  }
0x50: {  	_ =	shalt  }
0x51: {  	_ =	shalt  }
0x52: {  	_ =	shalt  }
0x53: {  	_ =	shalt  }
0x54: {  	_ =	shalt  }
0x55: {  	_ =	shalt  }
0x56: {  	_ =	shalt  }
0x57: {  	_ =	shalt  }
0x58: {  	_ =	shalt  }
0x59: {  	_ =	shalt  }
0x5a: {  	_ =	shalt  }
0x5b: {  	_ =	shalt  }
0x5c: {  	_ =	shalt  }
0x5d: {  	_ =	shalt  }
0x5e: {  	_ =	shalt  }
0x5f: {  	_ =	shalt  }
0x60: {  	_ =	shalt  }
0x61: {  	_ =	shalt  }
0x62: {  	_ =	shalt  }
0x63: {  	_ =	shalt  }
0x64: {  	_ =	shalt  }
0x65: {  	_ =	shalt  }
0x66: {  	_ =	shalt  }
0x67: {  	_ =	shalt  }
0x68: {  	_ =	shalt  }
0x69: {  	_ =	shalt  }
0x6a: {  	_ =	shalt  }
0x6b: {  	_ =	shalt  }
0x6c: {  	_ =	shalt  }
0x6d: {  	_ =	shalt  }
0x6e: {  	_ =	shalt  }
0x6f: {  	_ =	shalt  }
0x70: {  	_ =	shalt  }
0x71: {  	_ =	shalt  }
0x72: {  	_ =	shalt  }
0x73: {  	_ =	shalt  }
0x74: {  	_ =	shalt  }
0x75: {  	_ =	shalt  }
0x76: {  	_ =	shalt  }
0x77: {  	_ =	shalt  }
0x78: {  	_ =	shalt  }
0x79: {  	_ =	shalt  }
0x7a: {  	_ =	shalt  }
0x7b: {  	_ =	shalt  }
0x7c: {  	_ =	shalt  }
0x7d: {  	_ =	shalt  }
0x7e: {  	_ =	shalt  }
0x7f: {  	_ =	shalt  }
0x80: {  	_ =	shalt  }
0x81: {  	_ =	shalt  }
0x82: {  	_ =	shalt  }
0x83: {  	_ =	shalt  }
0x84: {  	_ =	shalt  }
0x85: {  	_ =	shalt  }
0x86: {  	_ =	shalt  }
0x87: {  	_ =	shalt  }
.Lfunc_end0:
.L_simem_size_0:
called_computation_lowered:
.L_overlay_start_0:
0x88: {  	s2 =	sld [smem:$0x3FD9]  }
0x89: {  	s3 =	sld [smem:$0x3FFE];
	_ =	sdelay $0x1  }
0x8a: {  	s1 =	srdreg.scid  }
0x8b: {  	s0 =	sand.u32 $0x1, s1  }
0x8c: {  	s16 =	sshll.u32 s0, $0xA;
	s2 =	sadd.s32 s3, s2  }
0x8d: {  	s2 =	sadd.s32 s2, s16  }
0x8e: {  	[smem:$0x3FB1] =	sst s2  }
0x8f: {  	_ = 	snop  }
0x90: {  	(tm) =	ssettm $0x1  }
0x91: {  	s17 =	sld [smem:$0x3FFB];
	_ =	sdelay $0x3  }
0x92: {  	_ =	strace s17  }
0x93: {  	s2 =	sld [smem:$0x3FFC];
	_ =	sdelay $0x3  }
0x94: {  	_ =	strace s2  }
0x95: {  	s2 =	sld [smem:$0x3FFD];
	_ =	sdelay $0x3  }
0x96: {  	_ =	strace s2  }
0x97: {  	_ =	strace $0x8FFFFFFF  }
0x98: {  	s18 =	sld [smem:$0x3FDB];
	_ =	sdelay $0x1  }
0x99: {  	s19 =	simm.s32 $_scs_section_size  }
0x9a: {  	s4 =	simm.s32 $_size__tile_overlayer_lowered;
	s5 =	simm.s32 $_tile_overlayer_lowered  }
0x9b: {  	s22 =	simm.s32 $0x1BFF;
	s21 =	sshll.u32 s5, $0x1;
	s2 =	sadd.s32 s19, s18  }
0x9c: {  	s6 =	simm.s32 $0x0;
	s20 =	sshll.u32 s4, $0x1;
	s4 =	sadd.s32 s21, s2  }
0x9d: {  	[timem:s6], [sflag:s22] =	dma.local [hbm:s4], s20  }
0x9e: {  	_ =	swait.ge [sflag:s22], s20  }
0x9f: {  	s3 =	ssub.s32 $0x0, s20;
	[sflag:s22] =	ssyncset.done $0x0  }
0xa0: {  	[sflag:s22] =	ssyncadd.s32 s3;
	_ =	sdelay $0x1  }
0xa1: {  	s23 =	simm.s32 $0x1B8B  }
0xa2: {  	_ =	swait.ge [sflag:s23], $0x1  }
0xa3: {  	[sflag:s23] =	ssyncset.done $0x0  }
0xa4: {  	s25 =	simm.s32 $0x1B8E;
	s24 =	sld [smem:$0x3FFE];
	[sflag:s23] =	ssyncadd.s32 $0xFFFFFFFF  }
0xa5: {  	s26 =	simm.s32 $execute0_lowered;
	[smem:$0x3FD2] =	sst s25  }
0xa6: {  	s4 =	sshll.u32 s26, $0x1;
	_ =	strace $0x80000046;
	[dreg:$0x1] =	wrdreg $0xFFFFFFFF  }
0xa7: {  	s28 =	simm.s32 $_size_execute0_lowered;
	s2 =	sadd.s32 s2, s4;
	[dreg:$0x0] =	wrdreg $0x0  }
0xa8: {  	s4 =	sshll.u32 s28, $0x1;
	[dreg:$0x2] =	wrdreg s2  }
0xa9: {  	[dreg:$0x3] =	wrdreg s4  }
0xaa: {  	[dreg:$0x4] =	wrdreg $0xC0  }
0xab: {  	_ =	task [dreg:s6], $0x5FFFF  }
0xac: {  	[dreg:$0x1] =	wrdreg $0xFFFFFFFF  }
0xad: {  	[dreg:$0x0] =	wrdreg $0x60  }
0xae: {  	[dreg:$0x2] =	wrdreg s24  }
0xaf: {  	[dreg:$0x3] =	wrdreg $0x144A00  }
0xb0: {  	[dreg:$0x4] =	wrdreg $0x1E4A00  }
0xb1: {  	[dreg:$0x5] =	wrdreg $0x9  }
0xb2: {  	_ =	task.clear_ibuf [dreg:s6], $0x6FFFF;
	_ =	strace $0x90000046  }
0xb3: {  	s29 =	simm.s32 $0x9;
	_ =	strace $0x80000048  }
0xb4: {  	_ =	swait.ge [sflag:s29], $0x1  }
0xb5: {  	[sflag:s29] =	ssyncadd.s32 $0xFFFFFFFF  }
0xb6: {  	_ =	strace $0x90000048  }
0xb7: {  	_ =	sfence  }
0xb8: {  	s30 =	sld [smem:$0x0];
	_ =	sdelay $0x2  }
0xb9: {  	s31 =	sshll.u32 s1, $0xD;
	s1 =	sshrl.u32 s1, $0x2  }
0xba: {  	s3 =	sand.u32 $0x4000, s31;
	s1 =	sadd.s32 s1, s30  }
0xbb: {  	s0 =	sor.u32 s3, s0;
	s1 =	sshll.u32 s1, $0x11  }
0xbc: {  	s0 =	sor.u32 s1, s0  }
0xbd: {  	s0 =	sadd.s32 $0x8F2B, s0  }
0xbe: {  	[sflag:s0] =	ssyncadd.remote.s32 $0x1  }
0xbf: {  	_ =	sfence.sel $0xFFFF  }
0xc0: {  	[dreg:$0x0] =	wrdreg $0xFFFFFFFF;
	(pc) =	sbr.abs _section_cstart, $3  }
0xc1: {  	[dreg:$0x1] =	wrdreg $0xFFFFFFFF  }
0xc2: {  	_ =	task.clear_ibuf [dreg:s6], $0x2FFFF;
	_ =	strace $0x9FFFFFFF  }
0xc3: {  	(tm) =	ssettm $0x7FFFFFFF  }
tec
execute0_lowered:
.L_overlay_start_1:
0x0: {  	(tag) =	ssettag $0x1  }
0x1: {  	s0 =	rddreg [dreg:$0x0]  }
0x2: {  	s2 =	rddreg [dreg:$0x1];
	s1 =	srdreg.scid  }
0x3: {  	s18 =	stileid.u32;
	s3 =	rddreg [dreg:$0x2];
	s4 =	simm.s32 $0x0  }
0x4: {  	s15 =	simm.s32 $0x7680;
	s16 =	simm.s32 $0x6;
	s17 =	simm.s32 $0x9D90  }
0x5: {  	s28 =	simm.s32 $0x2;
	s29 =	simm.s32 $0x4;
	s30 =	simm.s32 $0x0  }
0x6: {  	s1 =	sand.u32 $0x1, s1;
	s5 =	sshll.u32 s18, $0x1;
	s7 =	smul.u32 $0xA000, s18  }
0x7: {  	[smem:$0x7FF] =	sst s4;
	s8 =	sadd.s32 $0x3E400, s0;
	s22 =	smul.u32 $0x280, s18  }
0x8: {  	s9 =	sadd.s32 $0x3DE00, s0;
	s31 =	sshll.u32 s18, $0x6;
	s5 =	sor.u32 s1, s5  }
0x9: {  	_ =	strace $0x80000047;
	[dreg:$0x4] =	wrdreg s8;
	s23 =	smul.u32 $0xA0000, s1  }
0xa: {  	[dreg:$0x5] =	wrdreg s9;
	s12 =	smul.u32 $0x2800, s1;
	s1 =	ssub.s32 $0x2, s1  }
0xb: {  	s19 =	sor.u32 $0x1C06, s31;
	s6 =	smul.u32 $0x4F0, s5;
	s5 =	sadd.s32 $0x2A400, s0  }
0xc: {  	s10 =	sshrl.u32 s7, $0x3;
	s11 =	sshrl.u32 s22, $0x3;
	s13 =	sshrl.u32 s1, $0x1  }
0xd: {  	s25 =	sadd.s32 s7, s2;
	s26 =	sadd.s32 s22, s3;
	s10 =	sadd.s32 s10, s0  }
0xe: {  	s11 =	sadd.s32 s11, s0;
	s9 =	sadd.s32 s7, s23;
	s12 =	sadd.s32 s22, s12  }
0xf: {  	s1 =	ssub.s32 s1, s13;
	s20 =	sshrl.u32 s25, $0x3;
	s21 =	sshrl.u32 s26, $0x3  }
0x10: {  	s22 =	simm.s32 $0x80;
	s25 =	simm.s32 $0x3;
	s26 =	simm.s32 $0x5  }
0x11: {  	s6 =	sadd.s32 s6, s0;
	s9 =	sshrl.u32 s9, $0x3;
	s12 =	sshrl.u32 s12, $0x3  }
0x12: {  	s10 =	sadd.s32 $0x52600, s10;
	s11 =	sadd.s32 $0x66600, s11;
	s24 =	sadd.s32 $0x48800, s6  }
0x13: {  	s14 =	smax.u32 s1, $0x1;
	s6 =	sadd.s32 $0x3EA00, s6;
	[dreg:$0x6] =	wrdreg s24  }
0x14: {  	s9 =	sadd.s32 s9, s0;
	s0 =	sadd.s32 s12, s0;
	[dreg:$0x7] =	wrdreg s6  }
0x15: {  	s12 =	sadd.s32 $0x66C00, s9;
	s13 =	sadd.s32 $0x8EC00, s0;
	s24 =	simm.s32 $0x1  }
.LBB2_1:
0x16: {  	s0 =	rddreg [dreg:$0x4]  }
0x17: {  	[tilespmem:s15], [sflag:$0x6] =	stream.linear.gather [hbm4b:s0+s4], $0x2710, $0x38;
	[tilespmem:$0x1E720] =	vst v63  }
0x18: {  	_ =	swait.ge [sflag:s16], $0x2710  }
0x19: {  	[sflag:s16] =	ssyncset.done $0x0  }
0x1a: {  	s9 =	rddreg [dreg:$0x5];
	[sflag:s16] =	ssyncadd.s32 $0xFFFFD8F0  }
0x1b: {  	[tilespmem:s17], [sflag:$0x6] =	stream.linear.gather [hbm4b:s9+s4], $0x2710, $0x38;
	[tilespmem:$0x1E720] =	vst v63  }
0x1c: {  	_ =	swait.ge [sflag:s16], $0x2710  }
0x1d: {  	[sflag:s16] =	ssyncset.done $0x0  }
0x1e: {  	s18 =	rddreg [dreg:$0x6];
	[sflag:s16] =	ssyncadd.s32 $0xFFFFD8F0  }
0x1f: {  	[tilespmem:s4], [sflag:$0x6] =	stream.linear.gather [hbm4b:s18+s4], $0x2780, $0x38;
	[tilespmem:$0x1E720] =	vst v63  }
0x20: {  	_ =	swait.ge [sflag:s16], $0x2780  }
0x21: {  	[sflag:s16] =	ssyncset.done $0x0  }
0x22: {  	s1 =	simm.s32 $0x2780;
	s23 =	rddreg [dreg:$0x7];
	[sflag:s16] =	ssyncadd.s32 $0xFFFFD880  }
0x23: {  	[tilespmem:s1], [sflag:$0x6] =	stream.linear.gather [hbm4b:s23+s4], $0x2780, $0x38;
	[tilespmem:$0x1E720] =	vst v63  }
0x24: {  	_ =	swait.ge [sflag:s16], $0x2780  }
0x25: {  	[sflag:s16] =	ssyncset.done $0x0  }
0x26: {  	[sflag:s16] =	ssyncadd.s32 $0xFFFFD880  }
0x27: {  	[spmem:s20], [sflag:s19] =	dma.local [hbm:s10], $0x1400  }
0x28: {  	_ =	swait.ge [sflag:s16], $0x1400  }
0x29: {  	[sflag:s16] =	ssyncset.done $0x0  }
0x2a: {  	[sflag:s16] =	ssyncadd.s32 $0xFFFFEC00  }
0x2b: {  	[spmem:s21], [sflag:s19] =	dma.local [hbm:s11], $0x50  }
0x2c: {  	_ =	swait.ge [sflag:s16], $0x50  }
0x2d: {  	[sflag:s16] =	ssyncset.done $0x0  }
0x2e: {  	[sflag:s16] =	ssyncadd.s32 $0xFFFFFFB0  }
0x2f: {  	s31 =	simm.s32 $0xC4A0;
	s6 =	simm.s32 $0x0;
	[bflag:$0x0] =	sbarrier.arrive $0xFFFF  }
0x30: {  	[tilespmem:s31], [sflag:$0x1] =	stream.indirect.gather [hbm4b:s5+s22], $0x40, s4, s22, $0xb8;
	[tilespmem:$0x1E720] =	vst v63  }
.LBB2_2:
0x31: {  	_ =	swait.ge [sflag:s24], $0x2000  }
0x32: {  	s31 =	sand.u32 $0x1, s6;
	p0 =	slt.u32 s6, $0x2;
	[sflag:s24] =	ssyncset.done $0x0  }
0x33: {  	s0 =	sor.u32 @!p0 $0x2, s31;
	[sflag:s24] =	ssyncadd.s32 $0xFFFFE000  }
0x34: {  	_ =	swait.ge @!p0 [sflag:s0], $0x2000  }
0x35: {  	[sflag:s0] =	ssyncset.done @!p0 $0x0  }
0x36: {  	p1 =	seq.s32 @!p0 s6, $0x4E;
	[sflag:s0] =	ssyncadd.s32 @!p0 $0xFFFFE000;
	s0 =	sor.u32 @!p0 $0x4, s31  }
0x37: {  	s1 =	simm.s32 @!p0 $0x4F;
	p1 =	por p0, !p1;
	_ =	swait.ge @!p0 [sflag:s0], $0x80  }
0x38: {  	s1 =	sadd.s32 @p1 $0x1, s6;
	[sflag:s0] =	ssyncset.done @!p0 $0x0  }
0x39: {  	[sflag:s0] =	ssyncadd.s32 @!p0 $0xFFFFFF80;
	s0 =	sshll.u32 @p1 s1, $0xD  }
0x3a: {  	s7 =	sshll.u32 @p1 s1, $0x7;
	s0 =	sand.u32 @p1 $0x6000, s0  }
0x3b: {  	s7 =	sand.u32 @p1 $0x3FFFFF80, s7;
	s0 =	sadd.s32 @p1 $0xC4A0, s0  }
0x3c: {  	[tilespmem:s0], [sflag:$0x1] =	stream.indirect.gather @p1 [hbm4b:s5+s22], $0x40, s7, s22, $0xb8;
	[tilespmem:$0x1E720] =	vst v63  }
0x3d: {  	s0 =	sshll.u32 s6, $0x7  }
0x3e: {  	s23 =	sand.u32 $0x3FFFFF80, s0  }
0x3f: {  	s8 =	sadd.s32 $0x2780, s23;
	v3 =	vmov s23  }
0x40: {  	v2 =	vmov s8;
	_ =	sdelay $0x2  }
0x41: {  	s9 =	simm.s32 $0x0  }
0x42: {  	v0 =	vld.idx.msk [tilespmem:v3+s9+$0x0 ss:$0x1], $0xffff  }
0x43: {  	v1 =	vld.idx.msk [tilespmem:v2+s9+$0x0 ss:$0x1], $0xffff;
	_ =	sdelay $0x6  }
0x44: {  	v0 =	vld.idx.msk [tilespmem:v0+s15+$0x0], $0xffff  }
0x45: {  	v1 =	vld.idx.msk [tilespmem:v1+s17+$0x0], $0xffff;
	_ =	sdelay $0x4  }
0x46: {  	v0 =	vadd.f32 v1, v0;
	_ =	sdelay $0x1  }
0x47: {  	v1 =	vmul.f32 $2.000000030e-01, v0  }
0x48: {  	vm0 =	vge.f32 v0, $0.0e+00  }
0x49: {  	v0 =	vsel vm0, v0, v1  }
0x4a: {  	v0 =	vmul.f32 $1.442695020e+00, v0;
	_ =	sdelay $0x1  }
0x4b: {  	(erf) = vpow2.f32 v0;
	_ =	sdelay $0x3  }
0x4c: {  	s7 =	sadd.s32 $0x4F00, s23  }
0x4d: {  	v1 =	vmov s7;
	_ =	sdelay $0x2  }
0x4e: {  	s18 =	sshll.u32 s6, $0xD  }
0x4f: {  	s7 =	sand.u32 $0x6000, s18;
	v4 =	vpop (erf)  }
0x50: {  	s18 =	sadd.s32 $0xC6A0, s7;
	[tilespmem:v1+s9+$0x0 ss:$0x1] =	vst.idx.msk $0xffff, v4  }
0x51: {  	v0 =	vld [tilespmem:s18+$0x1F0]  }
0x52: {  	v5 =	vld [tilespmem:s18+$0xFFFFFE00]  }
0x53: {  	v6 =	vld [tilespmem:s18+$0xFFFFFE10]  }
0x54: {  	v7 =	vld [tilespmem:s18+$0xFFFFFE20]  }
0x55: {  	v8 =	vbroadcast v4, $0xF;
	v9 =	vld [tilespmem:s18+$0xFFFFFE30]  }
0x56: {  	v11 =	vbroadcast v4, $0x0;
	v10 =	vld [tilespmem:s18+$0xFFFFFE40]  }
0x57: {  	v12 =	vld [tilespmem:s18+$0xFFFFFE50];
	v0 =	vmul.f32 v0, v8  }
0x58: {  	v13 =	vld [tilespmem:s18+$0xFFFFFE60];
	v5 =	vmul.f32 v11, v5  }
0x59: {  	v14 =	vbroadcast v4, $0x1;
	v6 =	vmul.f32 v11, v6;
	[tilespmem:s18+$0x1F0] =	vst v0;
	v0 =	vld [tilespmem:s18+$0xFFFFFE70]  }
0x5a: {  	v7 =	vmul.f32 v11, v7;
	[tilespmem:s18+$0xFFFFFE00] =	vst v5;
	v5 =	vld [tilespmem:s18+$0xFFFFFE80]  }
0x5b: {  	v10 =	vmul.f32 v10, v14;
	[tilespmem:s18+$0xFFFFFE10] =	vst v6;
	v6 =	vld [tilespmem:s18+$0xFFFFFE90]  }
0x5c: {  	v9 =	vmul.f32 v9, v11;
	v11 =	vmul.f32 v12, v14;
	[tilespmem:s18+$0xFFFFFE20] =	vst v7;
	v7 =	vld [tilespmem:s18+$0xFFFFFEA0]  }
0x5d: {  	v12 =	vmul.f32 v13, v14;
	[tilespmem:s18+$0xFFFFFE40] =	vst v10;
	v10 =	vld [tilespmem:s18+$0xFFFFFEC0]  }
0x5e: {  	[tilespmem:s18+$0xFFFFFE50] =	vst v11;
	v11 =	vld [tilespmem:s18+$0xFFFFFED0];
	v0 =	vmul.f32 v0, v14  }
0x5f: {  	[tilespmem:s18+$0xFFFFFE60] =	vst v12;
	v12 =	vld [tilespmem:s18+$0xFFFFFEE0]  }
0x60: {  	v13 =	vbroadcast v4, $0x2;
	[tilespmem:s18+$0xFFFFFE70] =	vst v0;
	v0 =	vld [tilespmem:s18+$0xFFFFFEF0]  }
0x61: {  	[tilespmem:s18+$0xFFFFFE30] =	vst v9;
	v9 =	vld [tilespmem:s18+$0xFFFFFEB0]  }
0x62: {  	s23 =	simm.s32 $0x10;
	v5 =	vmul.f32 v5, v13;
	v14 =	vbroadcast v4, $0x3  }
0x63: {  	v15 =	vld.idx.msk [tilespmem:v2+s23+$0x0 ss:$0x1], $0xffff;
	v6 =	vmul.f32 v6, v13;
	v7 =	vmul.f32 v7, v13  }
0x64: {  	[tilespmem:s18+$0xFFFFFE80] =	vst v5;
	v5 =	vld [tilespmem:s18+$0xFFFFFF00];
	v10 =	vmul.f32 v10, v14;
	v11 =	vmul.f32 v11, v14  }
0x65: {  	v12 =	vmul.f32 v12, v14;
	v0 =	vmul.f32 v0, v14;
	v14 =	vld.idx.msk [tilespmem:v3+s23+$0x0 ss:$0x1], $0xffff  }
0x66: {  	v9 =	vmul.f32 v9, v13;
	[tilespmem:s18+$0xFFFFFE90] =	vst v6;
	v6 =	vld [tilespmem:s18+$0xFFFFFF10]  }
0x67: {  	[tilespmem:s18+$0xFFFFFEA0] =	vst v7;
	v7 =	vld [tilespmem:s18+$0xFFFFFF20]  }
0x68: {  	v13 =	vbroadcast v4, $0x4;
	[tilespmem:s18+$0xFFFFFEB0] =	vst v9;
	v9 =	vld [tilespmem:s18+$0xFFFFFF30];
	_ =	sdelay $0x1  }
0x69: {  	v5 =	vmul.f32 v5, v13  }
0x6a: {  	[tilespmem:s18+$0xFFFFFEF0] =	vst v0;
	v0 =	vld [tilespmem:s18+$0xFFFFFF70]  }
0x6b: {  	v6 =	vmul.f32 v6, v13;
	[tilespmem:s18+$0xFFFFFF00] =	vst v5;
	v5 =	vld [tilespmem:s18+$0xFFFFFF80]  }
0x6c: {  	v7 =	vmul.f32 v7, v13;
	v9 =	vmul.f32 v9, v13;
	v13 =	vld.idx.msk [tilespmem:v14+s15+$0x0], $0xffff  }
0x6d: {  	v14 =	vld.idx.msk [tilespmem:v15+s17+$0x0], $0xffff  }
0x6e: {  	v16 =	vbroadcast v4, $0x5;
	[tilespmem:s18+$0xFFFFFEC0] =	vst v10;
	v10 =	vld [tilespmem:s18+$0xFFFFFF40];
	_ =	sdelay $0x1  }
0x6f: {  	[tilespmem:s18+$0xFFFFFEE0] =	vst v12;
	v12 =	vld [tilespmem:s18+$0xFFFFFF60];
	v0 =	vmul.f32 v0, v16;
	v15 =	vbroadcast v4, $0x6  }
0x70: {  	v22 =	vld [tilespmem:s18+$0x70];
	[tilespmem:s18+$0xFFFFFED0] =	vst v11  }
0x71: {  	v11 =	vld [tilespmem:s18+$0xFFFFFF50];
	[tilespmem:s18+$0xFFFFFF70] =	vst v0;
	v5 =	vmul.f32 v5, v15;
	v0 =	vadd.f32 v14, v13  }
0x72: {  	[tilespmem:s18+$0xFFFFFF10] =	vst v6;
	v6 =	vld [tilespmem:s18+$0xFFFFFF90];
	v10 =	vmul.f32 v10, v16  }
0x73: {  	v25 =	vld [tilespmem:s18+$0x1A0];
	[tilespmem:s18+$0xFFFFFF80] =	vst v5;
	v5 =	vmul.f32 $2.000000030e-01, v0  }
0x74: {  	v12 =	vmul.f32 v12, v16;
	[tilespmem:s18+$0xFFFFFF40] =	vst v10;
	v10 =	vld [tilespmem:s18+$0xFFFFFFC0];
	vm15 =	vge.f32 v0, $0.0e+00  }
0x75: {  	[tilespmem:s18+$0xFFFFFF20] =	vst v7;
	v7 =	vld [tilespmem:s18+$0xFFFFFFA0];
	v0 =	vsel vm15, v0, v5  }
0x76: {  	v11 =	vmul.f32 v11, v16;
	[tilespmem:s18+$0xFFFFFF60] =	vst v12;
	v12 =	vld [tilespmem:s18+$0xFFFFFFE0];
	v0 =	vmul.f32 $1.442695020e+00, v0  }
0x77: {  	v27 =	vld [tilespmem:s18+$0x1B0];
	v16 =	vbroadcast v4, $0x7;
	v6 =	vmul.f32 v6, v15  }
0x78: {  	[tilespmem:s18+$0xFFFFFF30] =	vst v9;
	v14 =	vld [tilespmem:s18+$0x0];
	(erf) = vpow2.f32 v0  }
0x79: {  	v9 =	vld [tilespmem:s18+$0xFFFFFFB0];
	[tilespmem:s18+$0xFFFFFF90] =	vst v6;
	v6 =	vmul.f32 v10, v16  }
0x7a: {  	v31 =	vld [tilespmem:s18+$0x1C0];
	[tilespmem:s18+$0xFFFFFF50] =	vst v11;
	v7 =	vmul.f32 v7, v15  }
0x7b: {  	v33 =	vld [tilespmem:s18+$0x1D0];
	v10 =	vbroadcast v4, $0x8;
	[tilespmem:s18+$0xFFFFFFC0] =	vst v6;
	v6 =	vmul.f32 v12, v16  }
0x7c: {  	v11 =	vld [tilespmem:s18+$0xFFFFFFD0];
	[tilespmem:s18+$0xFFFFFFA0] =	vst v7  }
0x7d: {  	v7 =	vld [tilespmem:s18+$0x30];
	[tilespmem:s18+$0xFFFFFFE0] =	vst v6;
	v6 =	vmul.f32 v14, v10  }
0x7e: {  	v13 =	vld [tilespmem:s18+$0xFFFFFFF0];
	v5 =	vmul.f32 v9, v15  }
0x7f: {  	v12 =	vld [tilespmem:s18+$0x50]  }
0x80: {  	v9 =	vld [tilespmem:s18+$0x10];
	[tilespmem:s18+$0xFFFFFFB0] =	vst v5  }
0x81: {  	v5 =	vld [tilespmem:s18+$0x20];
	[tilespmem:s18+$0x0] =	vst v6;
	v6 =	vpop (erf)  }
0x82: {  	s6 =	sadd.s32 $0x400, s18;
	v0 =	vmul.f32 v11, v16;
	v11 =	vld [tilespmem:s18+$0x40];
	[tilespmem:v1+s23+$0x0 ss:$0x1] =	vst.idx.msk $0xffff, v6  }
0x83: {  	v14 =	vld [tilespmem:s6+$0x1F0]  }
0x84: {  	[tilespmem:s18+$0xFFFFFFD0] =	vst v0;
	v0 =	vmul.f32 v13, v16;
	v15 =	vld [tilespmem:s6+$0xFFFFFE00]  }
0x85: {  	v7 =	vmul.f32 v7, v10;
	v16 =	vld [tilespmem:s6+$0xFFFFFE10]  }
0x86: {  	v9 =	vmul.f32 v9, v10;
	[tilespmem:s18+$0xFFFFFFF0] =	vst v0;
	v0 =	vbroadcast v6, $0xF;
	v17 =	vld [tilespmem:s6+$0xFFFFFE20]  }
0x87: {  	[tilespmem:s18+$0x30] =	vst v7;
	v5 =	vmul.f32 v5, v10;
	v20 =	vbroadcast v6, $0x0;
	v18 =	vld [tilespmem:s6+$0xFFFFFE30]  }
0x88: {  	[tilespmem:s18+$0x10] =	vst v9;
	v7 =	vld [tilespmem:s6+$0xFFFFFE80];
	v14 =	vmul.f32 v14, v0  }
0x89: {  	[tilespmem:s18+$0x20] =	vst v5;
	v19 =	vld [tilespmem:s6+$0xFFFFFE40];
	v15 =	vmul.f32 v20, v15  }
0x8a: {  	v21 =	vld [tilespmem:s6+$0xFFFFFE50];
	v10 =	vmul.f32 v20, v16;
	[tilespmem:s6+$0x1F0] =	vst v14  }
0x8b: {  	v23 =	vbroadcast v6, $0x2;
	v9 =	vld [tilespmem:s6+$0xFFFFFE60];
	v16 =	vmul.f32 v20, v17;
	[tilespmem:s6+$0xFFFFFE00] =	vst v15  }
0x8c: {  	v5 =	vld [tilespmem:s6+$0xFFFFFE70];
	v17 =	vbroadcast v6, $0x1;
	v18 =	vmul.f32 v18, v20;
	[tilespmem:s6+$0xFFFFFE10] =	vst v10  }
0x8d: {  	v13 =	vld [tilespmem:s18+$0x60];
	v7 =	vmul.f32 v7, v23;
	[tilespmem:s6+$0xFFFFFE20] =	vst v16  }
0x8e: {  	v15 =	vld [tilespmem:s18+$0x80];
	v19 =	vmul.f32 v19, v17;
	[tilespmem:s6+$0xFFFFFE30] =	vst v18  }
0x8f: {  	v16 =	vld [tilespmem:s18+$0xA0];
	v20 =	vmul.f32 v21, v17;
	[tilespmem:s6+$0xFFFFFE80] =	vst v7  }
0x90: {  	v14 =	vbroadcast v4, $0x9;
	v18 =	vld [tilespmem:s18+$0xB0];
	v9 =	vmul.f32 v9, v17;
	[tilespmem:s6+$0xFFFFFE40] =	vst v19  }
0x91: {  	v21 =	vld [tilespmem:s6+$0xFFFFFED0];
	v5 =	vmul.f32 v5, v17;
	[tilespmem:s6+$0xFFFFFE50] =	vst v20  }
0x92: {  	v17 =	vld [tilespmem:s18+$0xE0];
	v11 =	vmul.f32 v11, v14;
	[tilespmem:s6+$0xFFFFFE60] =	vst v9  }
0x93: {  	v10 =	vmul.f32 v12, v14;
	v12 =	vld [tilespmem:s18+$0x90];
	[tilespmem:s6+$0xFFFFFE70] =	vst v5  }
0x94: {  	v13 =	vmul.f32 v13, v14;
	v19 =	vld [tilespmem:s18+$0xC0];
	v20 =	vbroadcast v4, $0xA;
	[tilespmem:s18+$0x40] =	vst v11  }
0x95: {  	v14 =	vmul.f32 v22, v14;
	v22 =	vld [tilespmem:s18+$0xD0];
	[tilespmem:s18+$0x50] =	vst v10  }
0x96: {  	v11 =	vld [tilespmem:s6+$0xFFFFFE90];
	[tilespmem:s18+$0x60] =	vst v13;
	v9 =	vmul.f32 v15, v20  }
0x97: {  	v24 =	vbroadcast v6, $0x3;
	v10 =	vld [tilespmem:s6+$0xFFFFFEA0];
	[tilespmem:s18+$0x70] =	vst v14;
	v7 =	vmul.f32 v16, v20  }
0x98: {  	v13 =	vld [tilespmem:s6+$0xFFFFFEB0];
	v18 =	vmul.f32 v18, v20;
	[tilespmem:s18+$0x80] =	vst v9  }
0x99: {  	v14 =	vld [tilespmem:s6+$0xFFFFFEC0];
	v21 =	vmul.f32 v21, v24;
	[tilespmem:s18+$0xA0] =	vst v7  }
0x9a: {  	v15 =	vld [tilespmem:s6+$0xFFFFFEE0];
	v5 =	vmul.f32 v12, v20;
	[tilespmem:s18+$0xB0] =	vst v18  }
0x9b: {  	v9 =	vld [tilespmem:s6+$0xFFFFFEF0];
	[tilespmem:s6+$0xFFFFFED0] =	vst v21;
	v11 =	vmul.f32 v11, v23  }
0x9c: {  	v16 =	vld [tilespmem:s18+$0x100];
	[tilespmem:s18+$0x90] =	vst v5;
	v10 =	vmul.f32 v10, v23  }
0x9d: {  	v7 =	vld [tilespmem:s6+$0xFFFFFF10];
	v13 =	vmul.f32 v13, v23;
	[tilespmem:s6+$0xFFFFFE90] =	vst v11  }
0x9e: {  	v18 =	vld [tilespmem:s6+$0xFFFFFF20];
	v14 =	vmul.f32 v14, v24;
	[tilespmem:s6+$0xFFFFFEA0] =	vst v10  }
0x9f: {  	v12 =	vld [tilespmem:s18+$0xF0];
	v21 =	vbroadcast v4, $0xC;
	v15 =	vmul.f32 v15, v24;
	[tilespmem:s6+$0xFFFFFEB0] =	vst v13  }
0xa0: {  	v20 =	vld [tilespmem:s18+$0x110];
	v23 =	vbroadcast v6, $0x4;
	[tilespmem:s6+$0xFFFFFEC0] =	vst v14;
	v9 =	vmul.f32 v9, v24  }
0xa1: {  	v5 =	vld [tilespmem:s6+$0xFFFFFF00];
	v11 =	vbroadcast v4, $0xB;
	[tilespmem:s6+$0xFFFFFEE0] =	vst v15;
	v15 =	vmul.f32 v16, v21  }
0xa2: {  	v16 =	vld [tilespmem:s18+$0x160];
	v7 =	vmul.f32 v7, v23;
	[tilespmem:s6+$0xFFFFFEF0] =	vst v9  }
0xa3: {  	v18 =	vmul.f32 v18, v23;
	v10 =	vmul.f32 v19, v11;
	v19 =	vld [tilespmem:s18+$0x120];
	[tilespmem:s18+$0x100] =	vst v15  }
0xa4: {  	v13 =	vmul.f32 v22, v11;
	v22 =	vld [tilespmem:s18+$0x130];
	[tilespmem:s6+$0xFFFFFF10] =	vst v7  }
0xa5: {  	v14 =	vmul.f32 v17, v11;
	v17 =	vld [tilespmem:s18+$0x140];
	[tilespmem:s6+$0xFFFFFF20] =	vst v18  }
0xa6: {  	v11 =	vmul.f32 v12, v11;
	v12 =	vld [tilespmem:s6+$0xFFFFFF50];
	[tilespmem:s18+$0xC0] =	vst v10  }
0xa7: {  	v5 =	vmul.f32 v5, v23;
	v10 =	vld [tilespmem:s6+$0xFFFFFF30];
	[tilespmem:s18+$0xD0] =	vst v13  }
0xa8: {  	v9 =	vmul.f32 v20, v21;
	v13 =	vld [tilespmem:s6+$0xFFFFFF40];
	[tilespmem:s18+$0xE0] =	vst v14  }
0xa9: {  	v7 =	vbroadcast v4, $0xD;
	v14 =	vld [tilespmem:s18+$0x150];
	[tilespmem:s6+$0xFFFFFF00] =	vst v5;
	v5 =	vmul.f32 v19, v21  }
0xaa: {  	v29 =	vbroadcast v6, $0x6;
	v15 =	vld [tilespmem:s18+$0x170];
	[tilespmem:s18+$0x110] =	vst v9;
	v19 =	vmul.f32 v22, v21  }
0xab: {  	v9 =	vld [tilespmem:s18+$0x180];
	v17 =	vmul.f32 v17, v7;
	[tilespmem:s18+$0x120] =	vst v5;
	v5 =	vbroadcast v6, $0x5  }
0xac: {  	[tilespmem:s18+$0xF0] =	vst v11;
	v21 =	vld [tilespmem:s6+$0xFFFFFF90];
	v10 =	vmul.f32 v10, v23;
	v23 =	vbroadcast v4, $0xE  }
0xad: {  	v22 =	vld [tilespmem:s18+$0x190];
	[tilespmem:s18+$0x140] =	vst v17;
	v17 =	vbroadcast v6, $0x7;
	v4 =	vmul.f32 v13, v5  }
0xae: {  	v11 =	vld [tilespmem:s6+$0xFFFFFF60];
	[tilespmem:s6+$0xFFFFFF30] =	vst v10;
	v10 =	vmul.f32 v14, v7;
	v13 =	vmul.f32 v16, v7  }
0xaf: {  	v20 =	vld [tilespmem:s6+$0xFFFFFF70];
	[tilespmem:s18+$0x130] =	vst v19;
	v7 =	vmul.f32 v15, v7;
	v12 =	vmul.f32 v12, v5  }
0xb0: {  	v24 =	vld [tilespmem:s6+$0xFFFFFF80];
	v28 =	vmul.f32 v9, v23;
	v16 =	vbroadcast v6, $0x8;
	[tilespmem:s6+$0xFFFFFF40] =	vst v4  }
0xb1: {  	v30 =	vld [tilespmem:s6+$0xFFFFFFC0];
	v15 =	vbroadcast v6, $0x9;
	v9 =	vbroadcast v6, $0xC;
	[tilespmem:s18+$0x150] =	vst v10  }
0xb2: {  	v34 =	vld [tilespmem:s18+$0x1E0];
	v14 =	vmul.f32 v22, v23;
	v22 =	vmul.f32 v21, v29;
	[tilespmem:s6+$0xFFFFFF50] =	vst v12  }
0xb3: {  	v18 =	vld [tilespmem:s6+$0xFFFFFFA0];
	v4 =	vmul.f32 v11, v5;
	[tilespmem:s18+$0x160] =	vst v13;
	v11 =	vbroadcast v6, $0xA  }
0xb4: {  	v26 =	vld [tilespmem:s6+$0xFFFFFFB0];
	v12 =	vmul.f32 v20, v5;
	v10 =	vbroadcast v6, $0xB;
	[tilespmem:s18+$0x170] =	vst v7  }
0xb5: {  	v32 =	vld [tilespmem:s6+$0xFFFFFFD0];
	v5 =	vbroadcast v6, $0xD;
	v13 =	vmul.f32 v24, v29;
	[tilespmem:s18+$0x180] =	vst v28  }
0xb6: {  	v19 =	vld [tilespmem:s6+$0xFFFFFFE0];
	v7 =	vmul.f32 v33, v8;
	v24 =	vmul.f32 v30, v17;
	[tilespmem:s6+$0xFFFFFF60] =	vst v4  }
0xb7: {  	v20 =	vld [tilespmem:s6+$0xFFFFFFF0];
	[tilespmem:s6+$0xFFFFFF70] =	vst v12;
	v4 =	vbroadcast v6, $0xE;
	v12 =	vmul.f32 v25, v23  }
0xb8: {  	v21 =	vld [tilespmem:s6+$0x0];
	[tilespmem:s6+$0xFFFFFF80] =	vst v13;
	v13 =	vmul.f32 v27, v23;
	v25 =	vmul.f32 v18, v29  }
0xb9: {  	s9 =	simm.s32 $0x20;
	[tilespmem:s6+$0xFFFFFF90] =	vst v22;
	v22 =	vld [tilespmem:s6+$0x10];
	v6 =	vmul.f32 v31, v8;
	v23 =	vmul.f32 v26, v29  }
0xba: {  	s8 =	simm.s32 $0xC0;
	s23 =	sadd.s32 $0xC4A0, s7;
	s7 =	smov.u32 s6;
	v8 =	vmul.f32 v34, v8;
	v18 =	vld.idx.msk [tilespmem:v3+s9+$0x0 ss:$0x1], $0xffff;
	[tilespmem:s6+$0xFFFFFFA0] =	vst v25;
	v25 =	vmul.f32 v32, v17  }
.LBB2_3:
0xbb: {  	p0 =	sne.s32 s8, $0x1C0;
	v26 =	vld.idx.msk [tilespmem:v2+s9+$0x0 ss:$0x1], $0xffff;
	[tilespmem:s6+$0xFFFFFFB0] =	vst v23;
	v19 =	vmul.f32 v19, v17  }
0xbc: {  	[tilespmem:s6+$0xFFFFFFC0] =	vst v24;
	v17 =	vmul.f32 v20, v17;
	v20 =	vld [tilespmem:s6+$0x20]  }
0xbd: {  	[tilespmem:s6+$0xFFFFFFD0] =	vst v25;
	v21 =	vmul.f32 v21, v16;
	v23 =	vld [tilespmem:s6+$0x30]  }
0xbe: {  	[tilespmem:s6+$0xFFFFFFE0] =	vst v19;
	v19 =	vmul.f32 v22, v16;
	v22 =	vld [tilespmem:s6+$0x40]  }
0xbf: {  	[tilespmem:s6+$0xFFFFFFF0] =	vst v17;
	v17 =	vld [tilespmem:s6+$0x50]  }
0xc0: {  	[tilespmem:s6+$0x0] =	vst v21;
	v21 =	vld [tilespmem:s6+$0x60]  }
0xc1: {  	[tilespmem:s6+$0x10] =	vst v19;
	v19 =	vmul.f32 v20, v16;
	v20 =	vld [tilespmem:s6+$0x70]  }
0xc2: {  	v18 =	vld.idx.msk [tilespmem:v18+s15+$0x0], $0xffff;
	v16 =	vmul.f32 v23, v16;
	[tilespmem:s18+$0x190] =	vst v14  }
0xc3: {  	v14 =	vld.idx.msk [tilespmem:v26+s17+$0x0], $0xffff;
	[tilespmem:s6+$0x20] =	vst v19;
	v19 =	vmul.f32 v22, v15  }
0xc4: {  	[tilespmem:s6+$0x30] =	vst v16;
	v16 =	vmul.f32 v17, v15;
	v17 =	vld [tilespmem:s6+$0x80]  }
0xc5: {  	[tilespmem:s6+$0x40] =	vst v19;
	v19 =	vmul.f32 v21, v15;
	v21 =	vld [tilespmem:s6+$0x90]  }
0xc6: {  	[tilespmem:s6+$0x50] =	vst v16;
	v15 =	vmul.f32 v20, v15;
	v16 =	vld [tilespmem:s6+$0xA0]  }
0xc7: {  	[tilespmem:s6+$0x60] =	vst v19;
	v19 =	vld [tilespmem:s6+$0xB0]  }
0xc8: {  	[tilespmem:s6+$0x70] =	vst v15;
	v15 =	vld [tilespmem:s6+$0xC0]  }
0xc9: {  	v14 =	vadd.f32 v14, v18;
	v17 =	vmul.f32 v17, v11;
	v18 =	vld [tilespmem:s6+$0xD0];
	[tilespmem:s18+$0x1A0] =	vst v12  }
0xca: {  	v12 =	vmul.f32 v21, v11;
	v20 =	vld [tilespmem:s6+$0xE0];
	[tilespmem:s18+$0x1B0] =	vst v13  }
0xcb: {  	v13 =	vmul.f32 $2.000000030e-01, v14;
	[tilespmem:s6+$0x80] =	vst v17;
	v16 =	vmul.f32 v16, v11;
	v17 =	vld [tilespmem:s6+$0xF0]  }
0xcc: {  	vm0 =	vge.f32 v14, $0.0e+00;
	[tilespmem:s6+$0x90] =	vst v12;
	v11 =	vmul.f32 v19, v11;
	v12 =	vld [tilespmem:s6+$0x100]  }
0xcd: {  	v13 =	vsel vm0, v14, v13;
	[tilespmem:s6+$0xA0] =	vst v16;
	v14 =	vmul.f32 v15, v10;
	v15 =	vld [tilespmem:s6+$0x110]  }
0xce: {  	v13 =	vmul.f32 $1.442695020e+00, v13;
	[tilespmem:s6+$0xB0] =	vst v11;
	v11 =	vmul.f32 v18, v10;
	v16 =	vld [tilespmem:s6+$0x120]  }
0xcf: {  	[tilespmem:s6+$0xC0] =	vst v14;
	v14 =	vmul.f32 v20, v10;
	v18 =	vld [tilespmem:s6+$0x130]  }
0xd0: {  	(erf) = vpow2.f32 v13;
	[tilespmem:s6+$0xD0] =	vst v11;
	v10 =	vmul.f32 v17, v10;
	v11 =	vld [tilespmem:s6+$0x140]  }
0xd1: {  	[tilespmem:s6+$0xE0] =	vst v14;
	v12 =	vmul.f32 v12, v9;
	v13 =	vld [tilespmem:s6+$0x150]  }
0xd2: {  	[tilespmem:s6+$0xF0] =	vst v10;
	v10 =	vmul.f32 v15, v9;
	v14 =	vld [tilespmem:s6+$0x160]  }
0xd3: {  	[tilespmem:s6+$0x100] =	vst v12;
	v12 =	vmul.f32 v16, v9;
	v15 =	vld [tilespmem:s6+$0x170]  }
0xd4: {  	[tilespmem:s6+$0x110] =	vst v10;
	v9 =	vmul.f32 v18, v9;
	v10 =	vld [tilespmem:s6+$0x180]  }
0xd5: {  	[tilespmem:s6+$0x120] =	vst v12;
	v11 =	vmul.f32 v11, v5;
	v12 =	vld [tilespmem:s6+$0x190]  }
0xd6: {  	[tilespmem:s6+$0x130] =	vst v9;
	v9 =	vmul.f32 v13, v5;
	v13 =	vld [tilespmem:s6+$0x1A0]  }
0xd7: {  	[tilespmem:s6+$0x140] =	vst v11;
	v11 =	vmul.f32 v14, v5;
	v19 =	vld [tilespmem:s6+$0x1B0]  }
0xd8: {  	[tilespmem:s6+$0x150] =	vst v9;
	v5 =	vmul.f32 v15, v5;
	v20 =	vld [tilespmem:s6+$0x1C0]  }
0xd9: {  	v14 =	vpop (erf);
	[tilespmem:s6+$0x160] =	vst v11;
	v9 =	vmul.f32 v10, v4;
	v21 =	vld [tilespmem:s6+$0x1D0]  }
0xda: {  	s6 =	sadd.s32 $0x400, s6;
	[tilespmem:v1+s9+$0x0 ss:$0x1] =	vst.idx.msk $0xffff, v14;
	v22 =	vbroadcast v14, $0x0;
	v23 =	vbroadcast v14, $0x1;
	v24 =	vld [tilespmem:s7+$0x1E0]  }
0xdb: {  	v25 =	vbroadcast v14, $0x2;
	v26 =	vbroadcast v14, $0x3;
	v27 =	vld [tilespmem:s6+$0x1F0];
	[tilespmem:s7+$0x170] =	vst v5  }
0xdc: {  	v29 =	vbroadcast v14, $0x4;
	v30 =	vbroadcast v14, $0x5;
	v28 =	vld [tilespmem:s6+$0xFFFFFE00];
	[tilespmem:s7+$0x180] =	vst v9  }
0xdd: {  	v18 =	vbroadcast v14, $0x6;
	v17 =	vbroadcast v14, $0x7;
	v31 =	vld [tilespmem:s6+$0xFFFFFE10];
	[tilespmem:s18+$0x1C0] =	vst v6  }
0xde: {  	v16 =	vbroadcast v14, $0x8;
	v32 =	vbroadcast v14, $0xF;
	v6 =	vld [tilespmem:s6+$0xFFFFFE20];
	[tilespmem:s18+$0x1D0] =	vst v7  }
0xdf: {  	v15 =	vbroadcast v14, $0x9;
	v11 =	vbroadcast v14, $0xA;
	v7 =	vld [tilespmem:s6+$0xFFFFFE30];
	[tilespmem:s18+$0x1E0] =	vst v8;
	s18 =	smov.u32 s7;
	s7 =	smov.u32 s6  }
0xe0: {  	v10 =	vbroadcast v14, $0xB;
	v8 =	vld [tilespmem:s6+$0xFFFFFE40];
	v27 =	vmul.f32 v27, v32  }
0xe1: {  	v5 =	vbroadcast v14, $0xD;
	v9 =	vbroadcast v14, $0xC;
	v33 =	vld [tilespmem:s6+$0xFFFFFE50]  }
0xe2: {  	v35 =	vbroadcast v14, $0xE;
	v28 =	vmul.f32 v22, v28;
	v34 =	vld [tilespmem:s6+$0xFFFFFE60];
	[tilespmem:s6+$0x1F0] =	vst v27  }
0xe3: {  	v27 =	vmul.f32 v22, v31;
	v6 =	vmul.f32 v22, v6;
	v31 =	vld [tilespmem:s6+$0xFFFFFE70]  }
0xe4: {  	v14 =	vmul.f32 v12, v4;
	[tilespmem:s6+$0xFFFFFE00] =	vst v28;
	v7 =	vmul.f32 v7, v22;
	v22 =	vld [tilespmem:s6+$0xFFFFFE80]  }
0xe5: {  	v12 =	vmul.f32 v13, v4;
	[tilespmem:s6+$0xFFFFFE10] =	vst v27;
	v8 =	vmul.f32 v8, v23;
	v27 =	vld [tilespmem:s6+$0xFFFFFE90]  }
0xe6: {  	v13 =	vmul.f32 v19, v4;
	v4 =	vmov v35;
	[tilespmem:s6+$0xFFFFFE20] =	vst v6;
	v28 =	vmul.f32 v33, v23;
	v33 =	vld [tilespmem:s6+$0xFFFFFEA0]  }
0xe7: {  	v6 =	vmul.f32 v20, v0;
	[tilespmem:s6+$0xFFFFFE30] =	vst v7;
	v19 =	vmul.f32 v34, v23;
	v34 =	vld [tilespmem:s6+$0xFFFFFEB0]  }
0xe8: {  	v7 =	vmul.f32 v21, v0;
	[tilespmem:s6+$0xFFFFFE40] =	vst v8;
	v20 =	vmul.f32 v31, v23;
	v23 =	vld [tilespmem:s6+$0xFFFFFEC0]  }
0xe9: {  	v8 =	vmul.f32 v24, v0;
	v0 =	vmov v32;
	[tilespmem:s6+$0xFFFFFE50] =	vst v28;
	v21 =	vmul.f32 v22, v25;
	v22 =	vld [tilespmem:s6+$0xFFFFFED0]  }
0xea: {  	[tilespmem:s6+$0xFFFFFE60] =	vst v19;
	v19 =	vmul.f32 v27, v25;
	v24 =	vld [tilespmem:s6+$0xFFFFFEE0]  }
0xeb: {  	[tilespmem:s6+$0xFFFFFE70] =	vst v20;
	v20 =	vmul.f32 v33, v25;
	v27 =	vld [tilespmem:s6+$0xFFFFFEF0]  }
0xec: {  	[tilespmem:s6+$0xFFFFFE80] =	vst v21;
	v21 =	vmul.f32 v34, v25;
	v25 =	vld [tilespmem:s6+$0xFFFFFF00]  }
0xed: {  	[tilespmem:s6+$0xFFFFFE90] =	vst v19;
	v19 =	vmul.f32 v23, v26;
	v23 =	vld [tilespmem:s6+$0xFFFFFF10]  }
0xee: {  	[tilespmem:s6+$0xFFFFFEA0] =	vst v20;
	v20 =	vmul.f32 v22, v26;
	v22 =	vld [tilespmem:s6+$0xFFFFFF20]  }
0xef: {  	[tilespmem:s6+$0xFFFFFEB0] =	vst v21;
	v21 =	vmul.f32 v24, v26;
	v24 =	vld [tilespmem:s6+$0xFFFFFF30]  }
0xf0: {  	[tilespmem:s6+$0xFFFFFEC0] =	vst v19;
	v19 =	vmul.f32 v27, v26;
	v26 =	vld [tilespmem:s6+$0xFFFFFF40]  }
0xf1: {  	[tilespmem:s6+$0xFFFFFED0] =	vst v20;
	v20 =	vmul.f32 v25, v29;
	v25 =	vld [tilespmem:s6+$0xFFFFFF50]  }
0xf2: {  	[tilespmem:s6+$0xFFFFFEE0] =	vst v21;
	v21 =	vmul.f32 v23, v29;
	v23 =	vld [tilespmem:s6+$0xFFFFFF60]  }
0xf3: {  	[tilespmem:s6+$0xFFFFFEF0] =	vst v19;
	v19 =	vmul.f32 v22, v29;
	v22 =	vld [tilespmem:s6+$0xFFFFFF70]  }
0xf4: {  	[tilespmem:s6+$0xFFFFFF00] =	vst v20;
	v20 =	vmul.f32 v24, v29;
	v24 =	vld [tilespmem:s6+$0xFFFFFF80]  }
0xf5: {  	[tilespmem:s6+$0xFFFFFF10] =	vst v21;
	v21 =	vmul.f32 v26, v30;
	v26 =	vld [tilespmem:s6+$0xFFFFFF90]  }
0xf6: {  	[tilespmem:s6+$0xFFFFFF20] =	vst v19;
	v19 =	vmul.f32 v25, v30;
	v25 =	vld [tilespmem:s6+$0xFFFFFFA0]  }
0xf7: {  	[tilespmem:s6+$0xFFFFFF30] =	vst v20;
	v20 =	vmul.f32 v23, v30;
	v23 =	vld [tilespmem:s6+$0xFFFFFFB0]  }
0xf8: {  	[tilespmem:s6+$0xFFFFFF40] =	vst v21;
	v21 =	vmul.f32 v22, v30;
	v22 =	vld [tilespmem:s6+$0xFFFFFFC0]  }
0xf9: {  	[tilespmem:s6+$0xFFFFFF50] =	vst v19;
	v24 =	vmul.f32 v24, v18;
	v27 =	vld [tilespmem:s6+$0xFFFFFFD0]  }
.Ltmp0:
0xfa: {  	[tilespmem:s6+$0xFFFFFF60] =	vst v20;
	v26 =	vmul.f32 v26, v18;
	v19 =	vld [tilespmem:s6+$0xFFFFFFE0];
	(pc) =	sbr.rel @p0 .LBB2_3-.Ltmp0, $4  }
0xfb: {  	[tilespmem:s6+$0xFFFFFF70] =	vst v21;
	v25 =	vmul.f32 v25, v18;
	v20 =	vld [tilespmem:s6+$0xFFFFFFF0]  }
0xfc: {  	[tilespmem:s6+$0xFFFFFF80] =	vst v24;
	v23 =	vmul.f32 v23, v18;
	v21 =	vld [tilespmem:s6+$0x0]  }
0xfd: {  	s9 =	sshra.s32 s8, $0x2;
	[tilespmem:s6+$0xFFFFFF90] =	vst v26;
	v24 =	vmul.f32 v22, v17;
	v22 =	vld [tilespmem:s6+$0x10]  }
0xfe: {  	s8 =	sadd.s32 $0x40, s8;
	v18 =	vld.idx.msk [tilespmem:v3+s9+$0x0 ss:$0x1], $0xffff;
	[tilespmem:s6+$0xFFFFFFA0] =	vst v25;
	v25 =	vmul.f32 v27, v17  }
0xff: {  	_ =	sdelay $0x1  }
0x100: {  	[tilespmem:s6+$0xFFFFFFB0] =	vst v23  }
0x101: {  	[tilespmem:s6+$0xFFFFFFC0] =	vst v24  }
0x102: {  	v2 =	vld.idx.msk [tilespmem:v2+s9+$0x0 ss:$0x1], $0xffff;
	[tilespmem:s18+$0x190] =	vst v14  }
0x103: {  	v3 =	vld [tilespmem:s6+$0x20];
	[tilespmem:s18+$0x1A0] =	vst v12  }
0x104: {  	v43 =	vld [tilespmem:s6+$0x30];
	[tilespmem:s18+$0x1B0] =	vst v13  }
0x105: {  	v45 =	vld [tilespmem:s6+$0x40];
	[tilespmem:s18+$0x1C0] =	vst v6  }
0x106: {  	v47 =	vld [tilespmem:s6+$0x50];
	[tilespmem:s18+$0x1D0] =	vst v7  }
0x107: {  	v19 =	vmul.f32 v19, v17;
	v49 =	vld [tilespmem:s6+$0x60];
	[tilespmem:s18+$0x1E0] =	vst v8  }
0x108: {  	v50 =	vld [tilespmem:s6+$0x70];
	[tilespmem:s6+$0xFFFFFFD0] =	vst v25;
	v44 =	vmul.f32 v20, v17  }
0x109: {  	[tilespmem:s6+$0xFFFFFFE0] =	vst v19;
	v46 =	vmul.f32 v21, v16;
	v18 =	vld.idx.msk [tilespmem:v18+s15+$0x0], $0xffff  }
0x10a: {  	[tilespmem:s6+$0xFFFFFFF0] =	vst v44;
	v48 =	vmul.f32 v22, v16;
	v2 =	vld.idx.msk [tilespmem:v2+s17+$0x0], $0xffff  }
0x10b: {  	v53 =	vld [tilespmem:s6+$0x80];
	[tilespmem:s6+$0x0] =	vst v46;
	v3 =	vmul.f32 v3, v16  }
0x10c: {  	v54 =	vld [tilespmem:s6+$0x90];
	[tilespmem:s6+$0x10] =	vst v48;
	v51 =	vmul.f32 v43, v16  }
0x10d: {  	v58 =	vld [tilespmem:s6+$0xB0];
	v52 =	vmul.f32 v45, v15;
	[tilespmem:s6+$0x20] =	vst v3  }
0x10e: {  	v59 =	vld [tilespmem:s6+$0xC0];
	v17 =	vmul.f32 v47, v15;
	[tilespmem:s6+$0x30] =	vst v51  }
0x10f: {  	v60 =	vld [tilespmem:s6+$0xD0];
	v55 =	vmul.f32 v49, v15;
	[tilespmem:s6+$0x40] =	vst v52;
	v2 =	vadd.f32 v2, v18  }
0x110: {  	v61 =	vld [tilespmem:s6+$0xE0];
	v57 =	vmul.f32 v50, v15;
	[tilespmem:s6+$0x50] =	vst v17  }
0x111: {  	v62 =	vld [tilespmem:s6+$0xF0];
	v16 =	vmul.f32 v53, v11;
	[tilespmem:s6+$0x60] =	vst v55;
	v33 =	vmul.f32 $2.000000030e-01, v2  }
0x112: {  	v26 =	vld [tilespmem:s6+$0x120];
	v24 =	vmul.f32 v58, v11;
	[tilespmem:s6+$0x70] =	vst v57;
	vm0 =	vge.f32 v2, $0.0e+00  }
0x113: {  	v28 =	vld [tilespmem:s6+$0x130];
	v15 =	vmul.f32 v59, v10;
	[tilespmem:s6+$0x80] =	vst v16;
	v2 =	vsel vm0, v2, v33  }
0x114: {  	v30 =	vld [tilespmem:s6+$0x140];
	v27 =	vmul.f32 v60, v10;
	[tilespmem:s6+$0xB0] =	vst v24;
	v2 =	vmul.f32 $1.442695020e+00, v2  }
0x115: {  	v32 =	vld [tilespmem:s6+$0x150];
	v29 =	vmul.f32 v61, v10;
	[tilespmem:s6+$0xC0] =	vst v15  }
0x116: {  	v34 =	vld [tilespmem:s6+$0x160];
	v31 =	vmul.f32 v62, v10;
	[tilespmem:s6+$0xD0] =	vst v27;
	(erf) = vpow2.f32 v2  }
0x117: {  	v25 =	vld [tilespmem:s6+$0x110];
	v37 =	vmul.f32 v26, v9;
	[tilespmem:s6+$0xE0] =	vst v29  }
0x118: {  	v56 =	vld [tilespmem:s6+$0xA0];
	v39 =	vmul.f32 v28, v9;
	[tilespmem:s6+$0xF0] =	vst v31  }
0x119: {  	v63 =	vld [tilespmem:s6+$0x100];
	v40 =	vmul.f32 v30, v5;
	[tilespmem:s6+$0x120] =	vst v37  }
0x11a: {  	v36 =	vld [tilespmem:s6+$0x170];
	v41 =	vmul.f32 v32, v5;
	[tilespmem:s6+$0x130] =	vst v39  }
0x11b: {  	v38 =	vld [tilespmem:s6+$0x180];
	v42 =	vmul.f32 v34, v5;
	[tilespmem:s6+$0x140] =	vst v40  }
0x11c: {  	v35 =	vmul.f32 v25, v9;
	v16 =	vld [tilespmem:s6+$0x190];
	[tilespmem:s6+$0x150] =	vst v41  }
0x11d: {  	v3 =	vmul.f32 v54, v11;
	v17 =	vmul.f32 v56, v11;
	v11 =	vld [tilespmem:s6+$0x1A0];
	[tilespmem:s6+$0x160] =	vst v42  }
0x11e: {  	v15 =	vld [tilespmem:s6+$0x1B0];
	[tilespmem:s6+$0x110] =	vst v35  }
0x11f: {  	[tilespmem:s6+$0x90] =	vst v3;
	v3 =	vmul.f32 v63, v9;
	v9 =	vld [tilespmem:s6+$0x1D0];
	v10 =	vpop (erf)  }
0x120: {  	s8 =	sadd.s32 $0x400, s6;
	v2 =	vld [tilespmem:s6+$0x1C0];
	[tilespmem:v1+s9+$0x0 ss:$0x1] =	vst.idx.msk $0xffff, v10  }
0x121: {  	v43 =	vmul.f32 v36, v5;
	[tilespmem:s6+$0xA0] =	vst v17;
	v44 =	vld [tilespmem:s8+$0x1F0]  }
0x122: {  	v45 =	vmul.f32 v38, v4;
	[tilespmem:s6+$0x100] =	vst v3;
	v46 =	vld [tilespmem:s8+$0xFFFFFE00]  }
0x123: {  	v16 =	vmul.f32 v16, v4;
	[tilespmem:s7+$0x170] =	vst v43;
	v47 =	vld [tilespmem:s8+$0xFFFFFE10]  }
0x124: {  	v11 =	vmul.f32 v11, v4;
	[tilespmem:s7+$0x180] =	vst v45;
	v1 =	vbroadcast v10, $0xF;
	v48 =	vld [tilespmem:s8+$0xFFFFFE20]  }
0x125: {  	[tilespmem:s7+$0x190] =	vst v16;
	v2 =	vmul.f32 v2, v0;
	v49 =	vbroadcast v10, $0x0;
	v50 =	vld [tilespmem:s8+$0xFFFFFE30]  }
0x126: {  	[tilespmem:s7+$0x1A0] =	vst v11;
	v51 =	vld [tilespmem:s8+$0xFFFFFE40];
	v5 =	vmul.f32 v44, v1  }
0x127: {  	[tilespmem:s7+$0x1C0] =	vst v2;
	v52 =	vld [tilespmem:s8+$0xFFFFFE50];
	v13 =	vmul.f32 v49, v46  }
0x128: {  	v53 =	vld [tilespmem:s8+$0xFFFFFE60];
	v54 =	vmul.f32 v49, v47;
	[tilespmem:s8+$0x1F0] =	vst v5  }
0x129: {  	v55 =	vbroadcast v10, $0x1;
	v56 =	vld [tilespmem:s8+$0xFFFFFE70];
	v12 =	vmul.f32 v49, v48;
	[tilespmem:s8+$0xFFFFFE00] =	vst v13  }
0x12a: {  	v57 =	vld [tilespmem:s8+$0xFFFFFE80];
	v6 =	vmul.f32 v50, v49;
	[tilespmem:s8+$0xFFFFFE10] =	vst v54  }
0x12b: {  	v59 =	vld [tilespmem:s8+$0xFFFFFE90];
	v58 =	vmul.f32 v51, v55;
	[tilespmem:s8+$0xFFFFFE20] =	vst v12  }
0x12c: {  	v22 =	vld [tilespmem:s8+$0xFFFFFEC0];
	v8 =	vmul.f32 v52, v55;
	[tilespmem:s8+$0xFFFFFE30] =	vst v6  }
0x12d: {  	v61 =	vbroadcast v10, $0x2;
	v24 =	vld [tilespmem:s8+$0xFFFFFED0];
	v62 =	vmul.f32 v53, v55;
	[tilespmem:s8+$0xFFFFFE40] =	vst v58  }
0x12e: {  	v25 =	vld [tilespmem:s8+$0xFFFFFEE0];
	v21 =	vmul.f32 v56, v55;
	[tilespmem:s8+$0xFFFFFE50] =	vst v8  }
0x12f: {  	v26 =	vbroadcast v10, $0x3;
	v30 =	vld [tilespmem:s8+$0xFFFFFF10];
	v23 =	vmul.f32 v57, v61;
	[tilespmem:s8+$0xFFFFFE60] =	vst v62  }
0x130: {  	v60 =	vld [tilespmem:s8+$0xFFFFFEA0];
	v7 =	vmul.f32 v59, v61;
	[tilespmem:s8+$0xFFFFFE70] =	vst v21  }
0x131: {  	v63 =	vld [tilespmem:s8+$0xFFFFFEB0];
	v29 =	vmul.f32 v22, v26;
	[tilespmem:s8+$0xFFFFFE80] =	vst v23  }
0x132: {  	v33 =	vbroadcast v10, $0x4;
	v27 =	vld [tilespmem:s8+$0xFFFFFEF0];
	v31 =	vmul.f32 v24, v26;
	[tilespmem:s8+$0xFFFFFE90] =	vst v7  }
0x133: {  	v28 =	vld [tilespmem:s8+$0xFFFFFF00];
	v17 =	vmul.f32 v25, v26;
	[tilespmem:s8+$0xFFFFFEC0] =	vst v29  }
0x134: {  	v32 =	vld [tilespmem:s8+$0xFFFFFF20];
	v14 =	vmul.f32 v30, v33;
	[tilespmem:s8+$0xFFFFFED0] =	vst v31  }
0x135: {  	v35 =	vld [tilespmem:s8+$0xFFFFFF40];
	v12 =	vmul.f32 v60, v61;
	[tilespmem:s8+$0xFFFFFEE0] =	vst v17  }
0x136: {  	v37 =	vld [tilespmem:s8+$0xFFFFFF60];
	v6 =	vmul.f32 v63, v61;
	[tilespmem:s8+$0xFFFFFF10] =	vst v14  }
0x137: {  	v41 =	vld [tilespmem:s8+$0xFFFFFF90];
	v5 =	vmul.f32 v27, v26;
	[tilespmem:s8+$0xFFFFFEA0] =	vst v12  }
0x138: {  	v38 =	vbroadcast v10, $0x5;
	v8 =	vmul.f32 v28, v33;
	[tilespmem:s8+$0xFFFFFEB0] =	vst v6  }
0x139: {  	v18 =	vld [tilespmem:s8+$0xA0];
	v13 =	vmul.f32 v32, v33;
	[tilespmem:s8+$0xFFFFFEF0] =	vst v5  }
0x13a: {  	v43 =	vbroadcast v10, $0x6;
	v34 =	vld [tilespmem:s8+$0xFFFFFF30];
	v7 =	vmul.f32 v35, v38;
	[tilespmem:s8+$0xFFFFFF00] =	vst v8  }
0x13b: {  	v36 =	vld [tilespmem:s8+$0xFFFFFF50];
	v17 =	vmul.f32 v37, v38;
	[tilespmem:s8+$0xFFFFFF20] =	vst v13  }
0x13c: {  	v19 =	vbroadcast v10, $0xA;
	v39 =	vld [tilespmem:s8+$0xFFFFFF70];
	v14 =	vmul.f32 v41, v43;
	[tilespmem:s8+$0xFFFFFF40] =	vst v7  }
0x13d: {  	v40 =	vld [tilespmem:s8+$0xFFFFFF80];
	v21 =	vmul.f32 v15, v4;
	[tilespmem:s8+$0xFFFFFF60] =	vst v17  }
0x13e: {  	v42 =	vld [tilespmem:s8+$0xFFFFFFA0];
	v26 =	vmul.f32 v18, v19;
	[tilespmem:s8+$0xFFFFFF90] =	vst v14  }
0x13f: {  	v45 =	vld [tilespmem:s8+$0xFFFFFFC0];
	v6 =	vmul.f32 v34, v33;
	[tilespmem:s7+$0x1B0] =	vst v21  }
0x140: {  	v47 =	vld [tilespmem:s8+$0xFFFFFFE0];
	v12 =	vmul.f32 v36, v38;
	[tilespmem:s8+$0xA0] =	vst v26  }
0x141: {  	v51 =	vld [tilespmem:s8+$0x10];
	v5 =	vmul.f32 v39, v38;
	[tilespmem:s8+$0xFFFFFF30] =	vst v6  }
0x142: {  	v48 =	vbroadcast v10, $0x7;
	v56 =	vld [tilespmem:s8+$0x40];
	v8 =	vmul.f32 v40, v43;
	[tilespmem:s8+$0xFFFFFF50] =	vst v12  }
0x143: {  	v24 =	vld [tilespmem:s8+$0xE0];
	v13 =	vmul.f32 v42, v43;
	[tilespmem:s8+$0xFFFFFF70] =	vst v5  }
0x144: {  	v3 =	vld [tilespmem:s7+$0x1E0];
	v52 =	vbroadcast v10, $0x8;
	v7 =	vmul.f32 v45, v48;
	[tilespmem:s8+$0xFFFFFF80] =	vst v8  }
0x145: {  	v44 =	vld [tilespmem:s8+$0xFFFFFFB0];
	v59 =	vbroadcast v10, $0x9;
	v53 =	vmul.f32 v47, v48;
	[tilespmem:s8+$0xFFFFFFA0] =	vst v13  }
0x146: {  	v46 =	vld [tilespmem:s8+$0xFFFFFFD0];
	v25 =	vbroadcast v10, $0xB;
	v14 =	vmul.f32 v51, v52;
	[tilespmem:s8+$0xFFFFFFC0] =	vst v7  }
0x147: {  	v49 =	vld [tilespmem:s8+$0xFFFFFFF0];
	v61 =	vmul.f32 v56, v59;
	[tilespmem:s8+$0xFFFFFFE0] =	vst v53  }
0x148: {  	v50 =	vld [tilespmem:s8+$0x0];
	v33 =	vmul.f32 v24, v25;
	[tilespmem:s8+$0x10] =	vst v14  }
0x149: {  	v54 =	vld [tilespmem:s8+$0x20];
	v56 =	vmul.f32 v3, v0;
	[tilespmem:s8+$0x40] =	vst v61  }
0x14a: {  	v58 =	vld [tilespmem:s8+$0x60];
	v6 =	vmul.f32 v44, v43;
	[tilespmem:s8+$0xE0] =	vst v33  }
0x14b: {  	v60 =	vld [tilespmem:s8+$0x70];
	v12 =	vmul.f32 v46, v48;
	[tilespmem:s7+$0x1E0] =	vst v56  }
0x14c: {  	v23 =	vld [tilespmem:s8+$0xD0];
	v5 =	vmul.f32 v49, v48;
	[tilespmem:s8+$0xFFFFFFB0] =	vst v6  }
0x14d: {  	v27 =	vld [tilespmem:s8+$0xF0];
	v8 =	vmul.f32 v50, v52;
	[tilespmem:s8+$0xFFFFFFD0] =	vst v12  }
0x14e: {  	v28 =	vld [tilespmem:s8+$0x100];
	v7 =	vmul.f32 v54, v52;
	[tilespmem:s8+$0xFFFFFFF0] =	vst v5  }
0x14f: {  	v29 =	vld [tilespmem:s8+$0x110];
	v63 =	vmul.f32 v58, v59;
	[tilespmem:s8+$0x0] =	vst v8  }
0x150: {  	v31 =	vld [tilespmem:s8+$0x120];
	v17 =	vmul.f32 v60, v59;
	[tilespmem:s8+$0x20] =	vst v7  }
0x151: {  	v32 =	vbroadcast v10, $0xC;
	v35 =	vld [tilespmem:s8+$0x140];
	v30 =	vmul.f32 v23, v25;
	[tilespmem:s8+$0x60] =	vst v63  }
0x152: {  	v37 =	vld [tilespmem:s8+$0x150];
	v4 =	vmul.f32 v27, v25;
	[tilespmem:s8+$0x70] =	vst v17  }
0x153: {  	v36 =	vmul.f32 v28, v32;
	[tilespmem:s8+$0xD0] =	vst v30  }
0x154: {  	v55 =	vld [tilespmem:s8+$0x30];
	v40 =	vbroadcast v10, $0xD;
	v38 =	vmul.f32 v29, v32;
	[tilespmem:s8+$0xF0] =	vst v4  }
0x155: {  	v57 =	vld [tilespmem:s8+$0x50];
	v41 =	vmul.f32 v31, v32;
	[tilespmem:s8+$0x100] =	vst v36  }
0x156: {  	v16 =	vld [tilespmem:s8+$0x90];
	v45 =	vmul.f32 v35, v40;
	[tilespmem:s8+$0x110] =	vst v38  }
0x157: {  	v20 =	vld [tilespmem:s8+$0xB0];
	v46 =	vmul.f32 v37, v40;
	[tilespmem:s8+$0x120] =	vst v41  }
0x158: {  	v34 =	vld [tilespmem:s8+$0x130];
	v54 =	vmul.f32 v9, v0;
	[tilespmem:s8+$0x140] =	vst v45  }
0x159: {  	v39 =	vld [tilespmem:s8+$0x160];
	v6 =	vmul.f32 v55, v52;
	[tilespmem:s8+$0x150] =	vst v46  }
0x15a: {  	v42 =	vld [tilespmem:s8+$0x170];
	v5 =	vmul.f32 v57, v59;
	[tilespmem:s7+$0x1D0] =	vst v54  }
0x15b: {  	v62 =	vld [tilespmem:s8+$0x80];
	v8 =	vmul.f32 v16, v19;
	[tilespmem:s8+$0x30] =	vst v6  }
0x15c: {  	v22 =	vld [tilespmem:s8+$0xC0];
	v7 =	vmul.f32 v20, v19;
	[tilespmem:s8+$0x50] =	vst v5  }
0x15d: {  	v51 =	vld [tilespmem:s8+$0x1A0];
	v43 =	vmul.f32 v34, v32;
	[tilespmem:s8+$0x90] =	vst v8  }
0x15e: {  	v44 =	vld [tilespmem:s8+$0x180];
	v48 =	vmul.f32 v39, v40;
	[tilespmem:s8+$0xB0] =	vst v7  }
0x15f: {  	v49 =	vld [tilespmem:s8+$0x190];
	v50 =	vmul.f32 v42, v40;
	[tilespmem:s8+$0x130] =	vst v43  }
0x160: {  	v47 =	vbroadcast v10, $0xE;
	v53 =	vld [tilespmem:s8+$0x1B0];
	v6 =	vmul.f32 v62, v19;
	[tilespmem:s8+$0x160] =	vst v48  }
0x161: {  	v55 =	vld [tilespmem:s8+$0x1C0];
	v5 =	vmul.f32 v22, v25;
	[tilespmem:s8+$0x170] =	vst v50  }
0x162: {  	v57 =	vld [tilespmem:s8+$0x1D0];
	v60 =	vmul.f32 v51, v47;
	[tilespmem:s8+$0x80] =	vst v6  }
0x163: {  	v58 =	vld [tilespmem:s8+$0x1E0];
	v52 =	vmul.f32 v44, v47;
	[tilespmem:s8+$0xC0] =	vst v5  }
0x164: {  	v59 =	vmul.f32 v49, v47;
	[tilespmem:s8+$0x1A0] =	vst v60  }
0x165: {  	v61 =	vmul.f32 v53, v47;
	[tilespmem:s8+$0x180] =	vst v52  }
0x166: {  	[tilespmem:s8+$0x190] =	vst v59;
	v62 =	vmul.f32 v55, v1  }
0x167: {  	v63 =	vmul.f32 v57, v1;
	[tilespmem:s8+$0x1B0] =	vst v61  }
0x168: {  	p0 =	slt.u32 s1, $0x4F;
	v1 =	vmul.f32 v58, v1;
	[tilespmem:s8+$0x1C0] =	vst v62  }
.Ltmp1:
0x169: {  	[tilespmem:s8+$0x1D0] =	vst v63;
	(pc) =	sbr.rel @p0 .LBB2_2-.Ltmp1, $4  }
0x16a: {  	s18 =	sor.u32 $0x2, s31;
	s9 =	sadd.s32 $0x2780, s0;
	[tilespmem:s8+$0x1E0] =	vst v1  }
0x16b: {  	[spmem:s2] =	stream.indirect.scatter.add.f32 [tilespmem:s23], [sflag:s18], $0x40, s9, s22, $0xb8;
	[tilespmem:$0x1E720] =	vst v63  }
0x16c: {  	s31 =	sor.u32 $0x4, s31;
	s6 =	smov.u32 s1;
	s23 =	sadd.s32 $0x4F00, s0  }
0x16d: {  	[spmem:s3] =	stream.indirect.scatter.add.f32 [tilespmem:s23], [sflag:s31], $0x1, s9, s22, $0xb8;
	[tilespmem:$0x1E720] =	vst v63  }
0x16e: {  	_ =	swait.ge [sflag:s25], $0x2000  }
0x16f: {  	[sflag:s25] =	ssyncset.done $0x0  }
0x170: {  	[sflag:s25] =	ssyncadd.s32 $0xFFFFE000  }
0x171: {  	_ =	swait.ge [sflag:s26], $0x80  }
0x172: {  	[sflag:s26] =	ssyncset.done $0x0  }
0x173: {  	[sflag:s26] =	ssyncadd.s32 $0xFFFFFF80  }
0x174: {  	_ =	swait.ge [sflag:s28], $0x2000  }
0x175: {  	[sflag:s28] =	ssyncset.done $0x0  }
0x176: {  	[sflag:s28] =	ssyncadd.s32 $0xFFFFE000  }
0x177: {  	_ =	swait.ge [sflag:s29], $0x80  }
0x178: {  	[sflag:s29] =	ssyncset.done $0x0  }
0x179: {  	[sflag:s29] =	ssyncadd.s32 $0xFFFFFF80  }
0x17a: {  	[bflag:$0x0] =	sbarrier.arrive $0xFFFF  }
0x17b: {  	[hbm:s12], [sflag:s19] =	dma.local [spmem:s20], $0x1400  }
0x17c: {  	s30 =	sadd.s32 $0x1, s30;
	_ =	swait.ge [sflag:s16], $0x1400  }
0x17d: {  	p0 =	sne.s32 s30, s14;
	[sflag:s16] =	ssyncset.done $0x0  }
.Ltmp2:
0x17e: {  	[sflag:s16] =	ssyncadd.s32 $0xFFFFEC00;
	(pc) =	sbr.rel @p0 .LBB2_1-.Ltmp2, $4  }
0x17f: {  	[hbm:s13], [sflag:s19] =	dma.local [spmem:s21], $0x50  }
0x180: {  	_ =	swait.ge [sflag:s16], $0x50  }
0x181: {  	[sflag:s16] =	ssyncset.done $0x0  }
0x182: {  	[sflag:s16] =	ssyncadd.s32 $0xFFFFFFB0  }
0x183: {  	_ =	sfence.sel $0x180000  }
0x184: {  	[bflag:$0x0] =	sbarrier.arrive $0xFFFF  }
0x185: {  	_ =	strace $0x90000047  }
0x186: {  	s0 =	stileid.u32;
	[bflag:$0x2] =	sbarrier.arrive $0xFFFF  }
0x187: {  	p0 =	sne.s32 s0, $0x0;
	s0 =	rddreg [dreg:$0x3]  }
0x188: {  	s0 =	sadd.s32 @!p0 $0x100000, s0  }
0x189: {  	[sflag:s0] =	ssyncadd.tile.s32 @!p0 $0x1;
	_ =	shalt  }
.Lfunc_end2:
_tile_overlayer_lowered:
.L_overlay_start_2:
0x18a: {  	(tag) =	ssettag $0x2  }
0x18b: {  	s0 =	rddreg [dreg:$0x0];
	s2 =	stileid.u32  }
0x18c: {  	s1 =	rddreg [dreg:$0x1];
	p0 =	sne.s32 s2, $0x0  }
0x18d: {  	s3 =	rddreg [dreg:$0x2];
	[bflag:$0x3] =	sbarrier.arrive $0xFFFF;
	s2 =	simm.s32 @!p0 $0x1C06  }
0x18e: {  	[timem:s3], [sflag:s2] =	dma.local @!p0 [hbm:s0], s1  }
0x18f: {  	s0 =	simm.s32 @!p0 $0x6  }
0x190: {  	_ =	swait.ge @!p0 [sflag:s0], s1  }
0x191: {  	s1 =	ssub.s32 @!p0 $0x0, s1;
	[sflag:s0] =	ssyncset.done @!p0 $0x0  }
0x192: {  	[sflag:s0] =	ssyncadd.s32 @!p0 s1  }
0x193: {  	[bflag:$0x3] =	sbarrier.arrive $0xFFFF  }
0x194: {  	_ =	shalt  }

</sc_bundles>
